<compile_context>
chip_gen: v7x
topology: tpu7x:2x2x1
jax: 0.10.2.dev20260603
libtpu: 0.0.44.dev20260713+nightly
codegen_flags: <defaults>
</compile_context>

<pallas_src>
import functools

import jax
import jax.numpy as jnp
from jax import lax
from jax.experimental import pallas as pl
from jax.experimental.pallas import tpu as pltpu
from jax.experimental.pallas import tpu_sc as plsc

N = 10000
E = 320000
NPAD = 10240
GSZ = 128
EP = 327680
GP = EP // GSZ
NTILES = 16
ROWS_PER_TILE = NPAD // NTILES

f32 = jnp.float32
i32 = jnp.int32


def _fill_zero_rows(ref, nrows):
    zv = jnp.zeros((16,), f32)

    def body(i, _):
        for u in range(8):
            ref[0, i, pl.ds(u * 16, 16)] = zv
        return 0

    lax.fori_loop(0, nrows, body, 0)


IB = 16


def _make_scatter_kernel(g_tile, row_gstride, col_gstride):
    mesh = plsc.VectorSubcoreMesh(core_axis_name="c", subcore_axis_name="s")

    @functools.partial(
        pl.kernel,
        mesh=mesh,
        out_type=jax.ShapeDtypeStruct((2, NPAD, 128), f32),
        scratch_types=[
            pltpu.VMEM((2, IB, 128), i32),
            pltpu.VMEM((2, IB, 128), i32),
            pltpu.VMEM((2, 128, 128), f32),
            pltpu.VMEM_SHARED((NPAD, 128), f32),
            pltpu.SemaphoreType.DMA((2,)),
            pltpu.SemaphoreType.DMA((2,)),
            pltpu.SemaphoreType.DMA((2,)),
        ],
    )
    def scatter_kernel(rows2d, cols2d, ytab, out, rbuf, cbuf, gbuf, acc, sem,
                       ssem, isem):
        c = lax.axis_index("c")
        t = lax.axis_index("s")

        _fill_zero_rows(gbuf, 128)
        for jj in range(ROWS_PER_TILE // 128):
            pltpu.sync_copy(gbuf.at[0],
                            acc.at[pl.ds(t * ROWS_PER_TILE + jj * 128, 128)])
        plsc.subcore_barrier()

        rbase = c * row_gstride + t * g_tile
        cbase = c * col_gstride + t * g_tile
        nblk = g_tile // IB

        def idx_start(blk, slot):
            pltpu.async_copy(rows2d.at[pl.ds(rbase + blk * IB, IB)],
                             rbuf.at[slot], isem.at[slot])
            pltpu.async_copy(cols2d.at[pl.ds(cbase + blk * IB, IB)],
                             cbuf.at[slot], isem.at[slot])

        def idx_wait(slot):
            pltpu.make_async_copy(rows2d.at[pl.ds(rbase, IB)],
                                  rbuf.at[slot], isem.at[slot]).wait()
            pltpu.make_async_copy(cols2d.at[pl.ds(cbase, IB)],
                                  cbuf.at[slot], isem.at[slot]).wait()

        def gat_start(g):
            pltpu.async_copy(
                ytab.at[rbuf.at[lax.rem(g // IB, 2), lax.rem(g, IB)]],
                gbuf.at[lax.rem(g, 2)], sem.at[lax.rem(g, 2)])

        idx_start(0, 0)
        idx_wait(0)
        gat_start(0)

        def body(g, _):
            par = lax.rem(g, 2)
            blk = g // IB

            @pl.when((lax.rem(g, IB) == 1) & (blk + 1 < nblk))
            def _():
                idx_start(blk + 1, lax.rem(blk + 1, 2))

            @pl.when(g >= 1)
            def _():
                pltpu.make_async_copy(gbuf.at[1 - par],
                                      acc.at[cbuf.at[0, 0]],
                                      ssem.at[1 - par]).wait()

            @pl.when(g + 1 < g_tile)
            def _():
                @pl.when(lax.rem(g + 1, IB) == 0)
                def _():
                    idx_wait(lax.rem(blk + 1, 2))

                gat_start(g + 1)

            pltpu.make_async_copy(ytab.at[rbuf.at[0, 0]], gbuf.at[par],
                                  sem.at[par]).wait()
            pltpu.async_copy(
                gbuf.at[par],
                acc.at[cbuf.at[lax.rem(blk, 2), lax.rem(g, IB)]],
                ssem.at[par], add=True)
            return 0

        lax.fori_loop(0, g_tile, body, 0)

        pltpu.make_async_copy(gbuf.at[lax.rem(g_tile - 1, 2)],
                              acc.at[cbuf.at[0, 0]],
                              ssem.at[lax.rem(g_tile - 1, 2)]).wait()
        plsc.subcore_barrier()

        pltpu.sync_copy(acc.at[pl.ds(t * ROWS_PER_TILE, ROWS_PER_TILE)],
                        out.at[c, pl.ds(t * ROWS_PER_TILE, ROWS_PER_TILE)])

    return scatter_kernel


_scatter_full = _make_scatter_kernel(
    g_tile=GP // NTILES, row_gstride=GP, col_gstride=0)
_scatter_half = _make_scatter_kernel(
    g_tile=GP // 2 // NTILES, row_gstride=GP // 2, col_gstride=GP // 2)


def _make_deg_kernel():
    mesh = plsc.VectorSubcoreMesh(core_axis_name="c", subcore_axis_name="s")
    g_tile = GP // 2 // NTILES

    @functools.partial(
        pl.kernel,
        mesh=mesh,
        out_type=jax.ShapeDtypeStruct((2 * NPAD,), f32),
        scratch_types=[
            pltpu.VMEM((g_tile, 128), i32),
            pltpu.VMEM((1, 128), f32),
            pltpu.VMEM((ROWS_PER_TILE,), f32),
            pltpu.VMEM_SHARED((NPAD,), f32),
        ],
    )
    def deg_kernel(cols2d, out, cbuf, ones, zd, acc):
        c = lax.axis_index("c")
        t = lax.axis_index("s")

        zv = jnp.zeros((16,), f32)
        ov = jnp.ones((16,), f32)
        for u in range(ROWS_PER_TILE // 16):
            zd[pl.ds(u * 16, 16)] = zv
        for u in range(8):
            ones[0, pl.ds(u * 16, 16)] = ov
        pltpu.sync_copy(zd, acc.at[pl.ds(t * ROWS_PER_TILE, ROWS_PER_TILE)])
        plsc.subcore_barrier()

        pltpu.sync_copy(cols2d.at[pl.ds(c * (GP // 2) + t * g_tile, g_tile)],
                        cbuf)

        def body(j, _):
            pltpu.sync_copy(ones.at[0], acc.at[cbuf.at[j]], add=True)
            return 0

        lax.fori_loop(0, g_tile, body, 0)
        plsc.subcore_barrier()

        pltpu.sync_copy(acc.at[pl.ds(t * ROWS_PER_TILE, ROWS_PER_TILE)],
                        out.at[pl.ds(c * NPAD + t * ROWS_PER_TILE,
                                     ROWS_PER_TILE)])

    return deg_kernel


_deg_kernel = _make_deg_kernel()


BR = 1024
GRID = NPAD // BR


def _tc0_body(degt_ref, x_ref, w_ref, xw_out, ys_out, dinv_out):
    deg = degt_ref[:, 0:1] + degt_ref[:, 1:2] + 1.0
    dinv = lax.rsqrt(deg)
    xw = jnp.dot(x_ref[...], w_ref[...], preferred_element_type=f32)
    y = dinv * xw
    xw_out[...] = xw
    ys_out[0] = y[:, :128]
    ys_out[1] = y[:, 128:]
    dinv_out[...] = jnp.broadcast_to(dinv, (BR, 128))


def _tc0(degt, x_pad, w1):
    return pl.pallas_call(
        _tc0_body,
        grid=(GRID,),
        in_specs=[
            pl.BlockSpec((BR, 2), lambda i: (i, 0)),
            pl.BlockSpec((BR, 128), lambda i: (i, 0)),
            pl.BlockSpec((128, 256), lambda i: (0, 0)),
        ],
        out_specs=[
            pl.BlockSpec((BR, 256), lambda i: (i, 0)),
            pl.BlockSpec((2, BR, 128), lambda i: (0, i, 0)),
            pl.BlockSpec((BR, 128), lambda i: (i, 0)),
        ],
        out_shape=[
            jax.ShapeDtypeStruct((NPAD, 256), f32),
            jax.ShapeDtypeStruct((2, NPAD, 128), f32),
            jax.ShapeDtypeStruct((NPAD, 128), f32),
        ],
    )(degt, x_pad, w1)


def _mid_body(split_y, accs_ref, xw_ref, dinv_ref, b_ref, w_ref,
              xw_out, ys_out):
    dinv = dinv_ref[:, 0:1]
    acc = jnp.concatenate([accs_ref[0], accs_ref[1]], axis=-1)
    h = dinv * acc + (dinv * dinv) * xw_ref[...] + b_ref[...]
    h = jnp.maximum(h, 0.0)
    xwn = jnp.dot(h, w_ref[...], preferred_element_type=f32)
    xw_out[...] = xwn
    if split_y:
        y = dinv * xwn
        ys_out[0] = y[:, :128]
        ys_out[1] = y[:, 128:]
    else:
        ys_out[...] = dinv * xwn


def _tc_mid(accs, xw, dinvb, b_row, w_next, d_in, d_out, split_y):
    if split_y:
        ys_spec = pl.BlockSpec((2, BR, d_out // 2), lambda i: (0, i, 0))
        ys_shape = jax.ShapeDtypeStruct((2, NPAD, d_out // 2), f32)
    else:
        ys_spec = pl.BlockSpec((BR, d_out), lambda i: (i, 0))
        ys_shape = jax.ShapeDtypeStruct((NPAD, d_out), f32)
    return pl.pallas_call(
        functools.partial(_mid_body, split_y),
        grid=(GRID,),
        in_specs=[
            pl.BlockSpec((2, BR, 128), lambda i: (0, i, 0)),
            pl.BlockSpec((BR, d_in), lambda i: (i, 0)),
            pl.BlockSpec((BR, 128), lambda i: (i, 0)),
            pl.BlockSpec((1, d_in), lambda i: (0, 0)),
            pl.BlockSpec((d_in, d_out), lambda i: (0, 0)),
        ],
        out_specs=[
            pl.BlockSpec((BR, d_out), lambda i: (i, 0)),
            ys_spec,
        ],
        out_shape=[
            jax.ShapeDtypeStruct((NPAD, d_out), f32),
            ys_shape,
        ],
    )(accs, xw, dinvb, b_row, w_next)


def _tc3_body(accs_ref, xw_ref, dinv_ref, b_ref, out_ref):
    dinv = dinv_ref[:, 0:1]
    acc = accs_ref[0] + accs_ref[1]
    out_ref[...] = dinv * acc + (dinv * dinv) * xw_ref[...] + b_ref[...]


def _tc3(accs, xw, dinvb, b_row):
    return pl.pallas_call(
        _tc3_body,
        grid=(GRID,),
        in_specs=[
            pl.BlockSpec((2, BR, 128), lambda i: (0, i, 0)),
            pl.BlockSpec((BR, 128), lambda i: (i, 0)),
            pl.BlockSpec((BR, 128), lambda i: (i, 0)),
            pl.BlockSpec((1, 128), lambda i: (0, 0)),
        ],
        out_specs=pl.BlockSpec((BR, 128), lambda i: (i, 0)),
        out_shape=jax.ShapeDtypeStruct((NPAD, 128), f32),
    )(accs, xw, dinvb, b_row)


def kernel(x, edge_index, W1, b1, W2, b2, W3, b3):
    row = edge_index[0]
    col = edge_index[1]

    pad_n = EP - E
    pio = jnp.arange(pad_n, dtype=i32)
    row_p = jnp.concatenate([row, pio % N])
    col_p = jnp.concatenate([col, N + pio % (NPAD - N)])

    rows2d = jnp.concatenate([row_p, row_p + NPAD]).reshape(2 * GP, GSZ)
    cols2d = col_p.reshape(GP, GSZ)

    x_pad = jnp.pad(x, ((0, NPAD - N), (0, 0)))

    deg_p = _deg_kernel(cols2d)
    degt = deg_p.reshape(2, NPAD).T

    xw1, ys1, dinvb = _tc0(degt, x_pad, W1)
    acc1 = _scatter_full(rows2d, cols2d, ys1.reshape(2 * NPAD, 128))
    xw2, ys2 = _tc_mid(acc1, xw1, dinvb, b1.reshape(1, 256), W2,
                       d_in=256, d_out=256, split_y=True)
    acc2 = _scatter_full(rows2d, cols2d, ys2.reshape(2 * NPAD, 128))
    xw3, y3 = _tc_mid(acc2, xw2, dinvb, b2.reshape(1, 256), W3,
                      d_in=256, d_out=128, split_y=False)
    acc3 = _scatter_half(rows2d, cols2d, y3)
    logits = _tc3(acc3, xw3, dinvb, b3.reshape(1, 128))
    return logits[:N]

# --- scband reference (transcript-rebuilt; emitter-appended) ---
"""Pipeline reference for scband-server-gcnv2-57286273794677 (READ-ONLY COPY).

The authoritative reference and input builder live on the scoring server;
editing this copy changes nothing except your own understanding.
"""

import jax, jax.numpy as jnp
import numpy as np

N_NODES = 10000
N_EDGES = 320000
DIMS = [128, 256, 256, 128]

def glorot(key, shape):
    limit = float(np.sqrt(6.0 / (shape[0] + shape[1])))
    return jax.random.uniform(key, shape, dtype=jnp.float32, minval=-limit, maxval=limit)

def setup_inputs(seed: int = 0) -> dict:
    key = jax.random.key(seed)
    ks = jax.random.split(key, 8)
    x = jax.random.normal(ks[0], (N_NODES, DIMS[0]), dtype=jnp.float32)
    edge_index = jax.random.randint(ks[1], (2, N_EDGES), 0, N_NODES, dtype=jnp.int64 if jax.config.jax_enable_x64 else jnp.int32).astype(jnp.int32)
    W1 = glorot(ks[2], (DIMS[0], DIMS[1])); b1 = jnp.zeros((DIMS[1],), jnp.float32)
    W2 = glorot(ks[3], (DIMS[1], DIMS[2])); b2 = jnp.zeros((DIMS[2],), jnp.float32)
    W3 = glorot(ks[4], (DIMS[2], DIMS[3])); b3 = jnp.zeros((DIMS[3],), jnp.float32)
    return {"x": x, "edge_index": edge_index, "W1": W1, "b1": b1, "W2": W2, "b2": b2, "W3": W3, "b3": b3}

def gcn_conv(x, W, b, row, col, n):
    # PyG GCNConv: x' = D^-1/2 (A + I) D^-1/2 (x W) + b
    loop = jnp.arange(n, dtype=row.dtype)
    r = jnp.concatenate([row, loop])
    c = jnp.concatenate([col, loop])
    deg = jnp.zeros((n,), jnp.float32).at[c].add(1.0)
    dinv = jnp.where(deg > 0, deg ** -0.5, 0.0)
    norm = dinv[r] * dinv[c]
    xw = x @ W
    msg = xw[r] * norm[:, None]
    out = jax.ops.segment_sum(msg, c, num_segments=n)
    return out + b

def reference(x, edge_index, W1, b1, W2, b2, W3, b3):
    n = x.shape[0]
    row, col = edge_index[0], edge_index[1]
    h = jax.nn.relu(gcn_conv(x, W1, b1, row, col, n))
    h = jax.nn.relu(gcn_conv(h, W2, b2, row, col, n))
    logits = gcn_conv(h, W3, b3, row, col, n)
    return logits

if __name__ == "__main__":
    import jax
    _d = setup_inputs()
    print(jax.jit(kernel)(*tuple(_d.values())))

</pallas_src>

<mosaic_0001>
#map = affine_map<(d0, d1) -> (0, 0)>
#map1 = affine_map<(d0, d1) -> (0, 0, 0)>
module attributes {stable_mosaic.version = 14 : i64} {
  func.func @scatter_kernel(%arg0: i32, %arg1: i32, %arg2: memref<5120x128xi32, #tpu.memory_space<hbm>>, %arg3: memref<2560x128xi32, #tpu.memory_space<hbm>>, %arg4: memref<10240x128xf32, #tpu.memory_space<hbm>>, %arg5: memref<2x10240x128xf32, #tpu.memory_space<hbm>>, %arg6: memref<2x16x128xi32, #tpu.memory_space<vmem>>, %arg7: memref<2x16x128xi32, #tpu.memory_space<vmem>>, %arg8: memref<2x128x128xf32, #tpu.memory_space<vmem>>, %arg9: memref<10240x128xf32, #tpu.memory_space<vmem_shared>>, %arg10: memref<2x!tpu.dma_semaphore, #tpu.memory_space<semaphore_mem>>, %arg11: memref<2x!tpu.dma_semaphore, #tpu.memory_space<semaphore_mem>>, %arg12: memref<2x!tpu.dma_semaphore, #tpu.memory_space<semaphore_mem>>) attributes {dimension_semantics = [#tpu.dimension_semantics<core_parallel>, #tpu.dimension_semantics<subcore_parallel>], iteration_bounds = array<i64: 2, 16>, scalar_prefetch = 0 : i64, scratch_operands = 7 : i64, tpu.core_type = #tpu.core_type<sc_vector_subcore>, window_params = [{transform_indices = #map}, {transform_indices = #map}, {transform_indices = #map}, {transform_indices = #map1}]} {
    %broadcast_in_dim3A = arith.constant 0.000000e+00 : f32
    %broadcast_in_dim3A_0 = vector.broadcast %broadcast_in_dim3A : f32 to vector<16xf32>
    %scan3A = arith.constant 0 : i32
    %scan3A_1 = arith.constant 0 : i32
    %scan3A_2 = arith.constant 128 : i32
    %scan3A_3 = arith.addi %scan3A_1, %scan3A_2 : i32
    %scan3A_4 = arith.constant 1 : i32
    %scan3A_5 = scf.for %scan3A_160 = %scan3A_1 to %scan3A_3 step %scan3A_4 iter_args(%scan3A_161 = %scan3A) -> (i32)  : i32 {
      %swap3A = arith.constant 0 : i32
      %swap3A_162 = arith.index_cast %swap3A : i32 to index
      %swap3A_163 = arith.index_cast %scan3A_160 : i32 to index
      %swap3A_164 = arith.constant 0 : index
      %swap3A_165 = tpu.vector_load %arg8[%swap3A_162, %swap3A_163, %swap3A_164] {strides = array<i32>} : memref<2x128x128xf32, #tpu.memory_space<vmem>>, vector<1x1x16xf32>,
      %swap3A_166 = vector.shape_cast %swap3A_165 : vector<1x1x16xf32> to vector<16xf32>
      %swap3A_167 = vector.shape_cast %broadcast_in_dim3A_0 : vector<16xf32> to vector<1x1x16xf32>
      tpu.vector_store %arg8[%swap3A_162, %swap3A_163, %swap3A_164], %swap3A_167 {strides = array<i32>} : memref<2x128x128xf32, #tpu.memory_space<vmem>>, vector<1x1x16xf32>,
      %swap3A_168 = arith.constant 0 : i32
      %swap3A_169 = arith.index_cast %swap3A_168 : i32 to index
      %swap3A_170 = arith.index_cast %scan3A_160 : i32 to index
      %swap3A_171 = arith.constant 16 : index
      %swap3A_172 = tpu.vector_load %arg8[%swap3A_169, %swap3A_170, %swap3A_171] {strides = array<i32>} : memref<2x128x128xf32, #tpu.memory_space<vmem>>, vector<1x1x16xf32>,
      %swap3A_173 = vector.shape_cast %swap3A_172 : vector<1x1x16xf32> to vector<16xf32>
      %swap3A_174 = vector.shape_cast %broadcast_in_dim3A_0 : vector<16xf32> to vector<1x1x16xf32>
      tpu.vector_store %arg8[%swap3A_169, %swap3A_170, %swap3A_171], %swap3A_174 {strides = array<i32>} : memref<2x128x128xf32, #tpu.memory_space<vmem>>, vector<1x1x16xf32>,
      %swap3A_175 = arith.constant 0 : i32
      %swap3A_176 = arith.index_cast %swap3A_175 : i32 to index
      %swap3A_177 = arith.index_cast %scan3A_160 : i32 to index
      %swap3A_178 = arith.constant 32 : index
      %swap3A_179 = tpu.vector_load %arg8[%swap3A_176, %swap3A_177, %swap3A_178] {strides = array<i32>} : memref<2x128x128xf32, #tpu.memory_space<vmem>>, vector<1x1x16xf32>,
      %swap3A_180 = vector.shape_cast %swap3A_179 : vector<1x1x16xf32> to vector<16xf32>
      %swap3A_181 = vector.shape_cast %broadcast_in_dim3A_0 : vector<16xf32> to vector<1x1x16xf32>
      tpu.vector_store %arg8[%swap3A_176, %swap3A_177, %swap3A_178], %swap3A_181 {strides = array<i32>} : memref<2x128x128xf32, #tpu.memory_space<vmem>>, vector<1x1x16xf32>,
      %swap3A_182 = arith.constant 0 : i32
      %swap3A_183 = arith.index_cast %swap3A_182 : i32 to index
      %swap3A_184 = arith.index_cast %scan3A_160 : i32 to index
      %swap3A_185 = arith.constant 48 : index
      %swap3A_186 = tpu.vector_load %arg8[%swap3A_183, %swap3A_184, %swap3A_185] {strides = array<i32>} : memref<2x128x128xf32, #tpu.memory_space<vmem>>, vector<1x1x16xf32>,
      %swap3A_187 = vector.shape_cast %swap3A_186 : vector<1x1x16xf32> to vector<16xf32>
      %swap3A_188 = vector.shape_cast %broadcast_in_dim3A_0 : vector<16xf32> to vector<1x1x16xf32>
      tpu.vector_store %arg8[%swap3A_183, %swap3A_184, %swap3A_185], %swap3A_188 {strides = array<i32>} : memref<2x128x128xf32, #tpu.memory_space<vmem>>, vector<1x1x16xf32>,
      %swap3A_189 = arith.constant 0 : i32
      %swap3A_190 = arith.index_cast %swap3A_189 : i32 to index
      %swap3A_191 = arith.index_cast %scan3A_160 : i32 to index
      %swap3A_192 = arith.constant 64 : index
      %swap3A_193 = tpu.vector_load %arg8[%swap3A_190, %swap3A_191, %swap3A_192] {strides = array<i32>} : memref<2x128x128xf32, #tpu.memory_space<vmem>>, vector<1x1x16xf32>,
      %swap3A_194 = vector.shape_cast %swap3A_193 : vector<1x1x16xf32> to vector<16xf32>
      %swap3A_195 = vector.shape_cast %broadcast_in_dim3A_0 : vector<16xf32> to vector<1x1x16xf32>
      tpu.vector_store %arg8[%swap3A_190, %swap3A_191, %swap3A_192], %swap3A_195 {strides = array<i32>} : memref<2x128x128xf32, #tpu.memory_space<vmem>>, vector<1x1x16xf32>,
      %swap3A_196 = arith.constant 0 : i32
      %swap3A_197 = arith.index_cast %swap3A_196 : i32 to index
      %swap3A_198 = arith.index_cast %scan3A_160 : i32 to index
      %swap3A_199 = arith.constant 80 : index
      %swap3A_200 = tpu.vector_load %arg8[%swap3A_197, %swap3A_198, %swap3A_199] {strides = array<i32>} : memref<2x128x128xf32, #tpu.memory_space<vmem>>, vector<1x1x16xf32>,
      %swap3A_201 = vector.shape_cast %swap3A_200 : vector<1x1x16xf32> to vector<16xf32>
      %swap3A_202 = vector.shape_cast %broadcast_in_dim3A_0 : vector<16xf32> to vector<1x1x16xf32>
      tpu.vector_store %arg8[%swap3A_197, %swap3A_198, %swap3A_199], %swap3A_202 {strides = array<i32>} : memref<2x128x128xf32, #tpu.memory_space<vmem>>, vector<1x1x16xf32>,
      %swap3A_203 = arith.constant 0 : i32
      %swap3A_204 = arith.index_cast %swap3A_203 : i32 to index
      %swap3A_205 = arith.index_cast %scan3A_160 : i32 to index
      %swap3A_206 = arith.constant 96 : index
      %swap3A_207 = tpu.vector_load %arg8[%swap3A_204, %swap3A_205, %swap3A_206] {strides = array<i32>} : memref<2x128x128xf32, #tpu.memory_space<vmem>>, vector<1x1x16xf32>,
      %swap3A_208 = vector.shape_cast %swap3A_207 : vector<1x1x16xf32> to vector<16xf32>
      %swap3A_209 = vector.shape_cast %broadcast_in_dim3A_0 : vector<16xf32> to vector<1x1x16xf32>
      tpu.vector_store %arg8[%swap3A_204, %swap3A_205, %swap3A_206], %swap3A_209 {strides = array<i32>} : memref<2x128x128xf32, #tpu.memory_space<vmem>>, vector<1x1x16xf32>,
      %swap3A_210 = arith.constant 0 : i32
      %swap3A_211 = arith.index_cast %swap3A_210 : i32 to index
      %swap3A_212 = arith.index_cast %scan3A_160 : i32 to index
      %swap3A_213 = arith.constant 112 : index
      %swap3A_214 = tpu.vector_load %arg8[%swap3A_211, %swap3A_212, %swap3A_213] {strides = array<i32>} : memref<2x128x128xf32, #tpu.memory_space<vmem>>, vector<1x1x16xf32>,
      %swap3A_215 = vector.shape_cast %swap3A_214 : vector<1x1x16xf32> to vector<16xf32>
      %swap3A_216 = vector.shape_cast %broadcast_in_dim3A_0 : vector<16xf32> to vector<1x1x16xf32>
      tpu.vector_store %arg8[%swap3A_211, %swap3A_212, %swap3A_213], %swap3A_216 {strides = array<i32>} : memref<2x128x128xf32, #tpu.memory_space<vmem>>, vector<1x1x16xf32>,
      %scan3A_217 = arith.constant 0 : i32
      scf.yield %scan3A_217 : i32
    }
    %scan3A_6 = arith.constant 128 : i32
    %mul3A = arith.constant 640 : i32
    %mul3A_7 = arith.muli %arg1, %mul3A : i32
    %add3A = arith.constant 0 : i32
    %add3A_8 = arith.addi %mul3A_7, %add3A : i32
    %run_scoped3A = arith.constant 0 : i32
    "tpu.region"() ({
      %run_scoped3A_160 = tpu.sem_alloc : memref<!tpu.dma_semaphore, #tpu.memory_space<semaphore_mem>>
      %dma_start3A_161 = arith.constant 0 : i32
      %dma_start3A_162 = arith.constant 0 : i32
      %dma_start3A_163 = tpu.memref_slice %arg8[%run_scoped3A, %dma_start3A_161, %dma_start3A_162] : memref<2x128x128xf32, #tpu.memory_space<vmem>> -> memref<1x128x128xf32, #tpu.memory_space<vmem>>
      %dma_start3A_164 = tpu.memref_squeeze %dma_start3A_163 : memref<1x128x128xf32, #tpu.memory_space<vmem>> -> memref<128x128xf32, #tpu.memory_space<vmem>>
      %dma_start3A_165 = arith.constant 0 : i32
      %dma_start3A_166 = tpu.memref_slice %arg9[%add3A_8, %dma_start3A_165] : memref<10240x128xf32, #tpu.memory_space<vmem_shared>> -> memref<128x128xf32, #tpu.memory_space<vmem_shared>>
      %dma_start3A_167 = arith.constant 0 : i32
      %dma_start3A_168 = tpu.memref_slice %arg9[%add3A_8, %dma_start3A_167] : memref<10240x128xf32, #tpu.memory_space<vmem_shared>> -> memref<128x128xf32, #tpu.memory_space<vmem_shared>>
      %dma_start3A_169 = arith.constant 0 : i32
      %dma_start3A_170 = arith.constant 0 : i32
      %dma_start3A_171 = tpu.memref_slice %arg8[%run_scoped3A, %dma_start3A_169, %dma_start3A_170] : memref<2x128x128xf32, #tpu.memory_space<vmem>> -> memref<1x128x128xf32, #tpu.memory_space<vmem>>
      %dma_start3A_172 = tpu.memref_squeeze %dma_start3A_171 : memref<1x128x128xf32, #tpu.memory_space<vmem>> -> memref<128x128xf32, #tpu.memory_space<vmem>>
      tpu.enqueue_dma source(%dma_start3A_172 : memref<128x128xf32, #tpu.memory_space<vmem>>) target(%dma_start3A_168 : memref<128x128xf32, #tpu.memory_space<vmem_shared>>) target_semaphore(%run_scoped3A_160 : memref<!tpu.dma_semaphore, #tpu.memory_space<semaphore_mem>>)
      %dma_wait3A_173 = arith.constant 0 : i32
      %dma_wait3A_174 = arith.constant 0 : i32
      %dma_wait3A_175 = tpu.memref_slice %arg8[%run_scoped3A, %dma_wait3A_173, %dma_wait3A_174] : memref<2x128x128xf32, #tpu.memory_space<vmem>> -> memref<1x128x128xf32, #tpu.memory_space<vmem>>
      %dma_wait3A_176 = tpu.memref_squeeze %dma_wait3A_175 : memref<1x128x128xf32, #tpu.memory_space<vmem>> -> memref<128x128xf32, #tpu.memory_space<vmem>>
      %dma_wait3A_177 = arith.constant 0 : i32
      %dma_wait3A_178 = tpu.memref_slice %arg9[%add3A_8, %dma_wait3A_177] : memref<10240x128xf32, #tpu.memory_space<vmem_shared>> -> memref<128x128xf32, #tpu.memory_space<vmem_shared>>
      %dma_wait3A_179 = arith.constant 0 : i32
      %dma_wait3A_180 = tpu.memref_slice %arg9[%add3A_8, %dma_wait3A_179] : memref<10240x128xf32, #tpu.memory_space<vmem_shared>> -> memref<128x128xf32, #tpu.memory_space<vmem_shared>>
      %dma_wait3A_181 = arith.constant 0 : i32
      %dma_wait3A_182 = arith.constant 0 : i32
      %dma_wait3A_183 = tpu.memref_slice %arg8[%run_scoped3A, %dma_wait3A_181, %dma_wait3A_182] : memref<2x128x128xf32, #tpu.memory_space<vmem>> -> memref<1x128x128xf32, #tpu.memory_space<vmem>>
      %dma_wait3A_184 = tpu.memref_squeeze %dma_wait3A_183 : memref<1x128x128xf32, #tpu.memory_space<vmem>> -> memref<128x128xf32, #tpu.memory_space<vmem>>
      tpu.wait_dma2 semaphore(%run_scoped3A_160 : memref<!tpu.dma_semaphore, #tpu.memory_space<semaphore_mem>>) src(%dma_wait3A_184 : memref<128x128xf32, #tpu.memory_space<vmem>>) dst(%dma_wait3A_180 : memref<128x128xf32, #tpu.memory_space<vmem_shared>>)
      tpu.yield
    }) : () -> ()
    %mul3A_9 = arith.constant 640 : i32
    %mul3A_10 = arith.muli %arg1, %mul3A_9 : i32
    %add3A_11 = arith.constant 128 : i32
    %add3A_12 = arith.addi %mul3A_10, %add3A_11 : i32
    %run_scoped3A_13 = arith.constant 0 : i32
    "tpu.region"() ({
      %run_scoped3A_160 = tpu.sem_alloc : memref<!tpu.dma_semaphore, #tpu.memory_space<semaphore_mem>>
      %dma_start3A_161 = arith.constant 0 : i32
      %dma_start3A_162 = arith.constant 0 : i32
      %dma_start3A_163 = tpu.memref_slice %arg8[%run_scoped3A_13, %dma_start3A_161, %dma_start3A_162] : memref<2x128x128xf32, #tpu.memory_space<vmem>> -> memref<1x128x128xf32, #tpu.memory_space<vmem>>
      %dma_start3A_164 = tpu.memref_squeeze %dma_start3A_163 : memref<1x128x128xf32, #tpu.memory_space<vmem>> -> memref<128x128xf32, #tpu.memory_space<vmem>>
      %dma_start3A_165 = arith.constant 0 : i32
      %dma_start3A_166 = tpu.memref_slice %arg9[%add3A_12, %dma_start3A_165] : memref<10240x128xf32, #tpu.memory_space<vmem_shared>> -> memref<128x128xf32, #tpu.memory_space<vmem_shared>>
      %dma_start3A_167 = arith.constant 0 : i32
      %dma_start3A_168 = tpu.memref_slice %arg9[%add3A_12, %dma_start3A_167] : memref<10240x128xf32, #tpu.memory_space<vmem_shared>> -> memref<128x128xf32, #tpu.memory_space<vmem_shared>>
      %dma_start3A_169 = arith.constant 0 : i32
      %dma_start3A_170 = arith.constant 0 : i32
      %dma_start3A_171 = tpu.memref_slice %arg8[%run_scoped3A_13, %dma_start3A_169, %dma_start3A_170] : memref<2x128x128xf32, #tpu.memory_space<vmem>> -> memref<1x128x128xf32, #tpu.memory_space<vmem>>
      %dma_start3A_172 = tpu.memref_squeeze %dma_start3A_171 : memref<1x128x128xf32, #tpu.memory_space<vmem>> -> memref<128x128xf32, #tpu.memory_space<vmem>>
      tpu.enqueue_dma source(%dma_start3A_172 : memref<128x128xf32, #tpu.memory_space<vmem>>) target(%dma_start3A_168 : memref<128x128xf32, #tpu.memory_space<vmem_shared>>) target_semaphore(%run_scoped3A_160 : memref<!tpu.dma_semaphore, #tpu.memory_space<semaphore_mem>>)
      %dma_wait3A_173 = arith.constant 0 : i32
      %dma_wait3A_174 = arith.constant 0 : i32
      %dma_wait3A_175 = tpu.memref_slice %arg8[%run_scoped3A_13, %dma_wait3A_173, %dma_wait3A_174] : memref<2x128x128xf32, #tpu.memory_space<vmem>> -> memref<1x128x128xf32, #tpu.memory_space<vmem>>
      %dma_wait3A_176 = tpu.memref_squeeze %dma_wait3A_175 : memref<1x128x128xf32, #tpu.memory_space<vmem>> -> memref<128x128xf32, #tpu.memory_space<vmem>>
      %dma_wait3A_177 = arith.constant 0 : i32
      %dma_wait3A_178 = tpu.memref_slice %arg9[%add3A_12, %dma_wait3A_177] : memref<10240x128xf32, #tpu.memory_space<vmem_shared>> -> memref<128x128xf32, #tpu.memory_space<vmem_shared>>
      %dma_wait3A_179 = arith.constant 0 : i32
      %dma_wait3A_180 = tpu.memref_slice %arg9[%add3A_12, %dma_wait3A_179] : memref<10240x128xf32, #tpu.memory_space<vmem_shared>> -> memref<128x128xf32, #tpu.memory_space<vmem_shared>>
      %dma_wait3A_181 = arith.constant 0 : i32
      %dma_wait3A_182 = arith.constant 0 : i32
      %dma_wait3A_183 = tpu.memref_slice %arg8[%run_scoped3A_13, %dma_wait3A_181, %dma_wait3A_182] : memref<2x128x128xf32, #tpu.memory_space<vmem>> -> memref<1x128x128xf32, #tpu.memory_space<vmem>>
      %dma_wait3A_184 = tpu.memref_squeeze %dma_wait3A_183 : memref<1x128x128xf32, #tpu.memory_space<vmem>> -> memref<128x128xf32, #tpu.memory_space<vmem>>
      tpu.wait_dma2 semaphore(%run_scoped3A_160 : memref<!tpu.dma_semaphore, #tpu.memory_space<semaphore_mem>>) src(%dma_wait3A_184 : memref<128x128xf32, #tpu.memory_space<vmem>>) dst(%dma_wait3A_180 : memref<128x128xf32, #tpu.memory_space<vmem_shared>>)
      tpu.yield
    }) : () -> ()
    %mul3A_14 = arith.constant 640 : i32
    %mul3A_15 = arith.muli %arg1, %mul3A_14 : i32
    %add3A_16 = arith.constant 256 : i32
    %add3A_17 = arith.addi %mul3A_15, %add3A_16 : i32
    %run_scoped3A_18 = arith.constant 0 : i32
    "tpu.region"() ({
      %run_scoped3A_160 = tpu.sem_alloc : memref<!tpu.dma_semaphore, #tpu.memory_space<semaphore_mem>>
      %dma_start3A_161 = arith.constant 0 : i32
      %dma_start3A_162 = arith.constant 0 : i32
      %dma_start3A_163 = tpu.memref_slice %arg8[%run_scoped3A_18, %dma_start3A_161, %dma_start3A_162] : memref<2x128x128xf32, #tpu.memory_space<vmem>> -> memref<1x128x128xf32, #tpu.memory_space<vmem>>
      %dma_start3A_164 = tpu.memref_squeeze %dma_start3A_163 : memref<1x128x128xf32, #tpu.memory_space<vmem>> -> memref<128x128xf32, #tpu.memory_space<vmem>>
      %dma_start3A_165 = arith.constant 0 : i32
      %dma_start3A_166 = tpu.memref_slice %arg9[%add3A_17, %dma_start3A_165] : memref<10240x128xf32, #tpu.memory_space<vmem_shared>> -> memref<128x128xf32, #tpu.memory_space<vmem_shared>>
      %dma_start3A_167 = arith.constant 0 : i32
      %dma_start3A_168 = tpu.memref_slice %arg9[%add3A_17, %dma_start3A_167] : memref<10240x128xf32, #tpu.memory_space<vmem_shared>> -> memref<128x128xf32, #tpu.memory_space<vmem_shared>>
      %dma_start3A_169 = arith.constant 0 : i32
      %dma_start3A_170 = arith.constant 0 : i32
      %dma_start3A_171 = tpu.memref_slice %arg8[%run_scoped3A_18, %dma_start3A_169, %dma_start3A_170] : memref<2x128x128xf32, #tpu.memory_space<vmem>> -> memref<1x128x128xf32, #tpu.memory_space<vmem>>
      %dma_start3A_172 = tpu.memref_squeeze %dma_start3A_171 : memref<1x128x128xf32, #tpu.memory_space<vmem>> -> memref<128x128xf32, #tpu.memory_space<vmem>>
      tpu.enqueue_dma source(%dma_start3A_172 : memref<128x128xf32, #tpu.memory_space<vmem>>) target(%dma_start3A_168 : memref<128x128xf32, #tpu.memory_space<vmem_shared>>) target_semaphore(%run_scoped3A_160 : memref<!tpu.dma_semaphore, #tpu.memory_space<semaphore_mem>>)
      %dma_wait3A_173 = arith.constant 0 : i32
      %dma_wait3A_174 = arith.constant 0 : i32
      %dma_wait3A_175 = tpu.memref_slice %arg8[%run_scoped3A_18, %dma_wait3A_173, %dma_wait3A_174] : memref<2x128x128xf32, #tpu.memory_space<vmem>> -> memref<1x128x128xf32, #tpu.memory_space<vmem>>
      %dma_wait3A_176 = tpu.memref_squeeze %dma_wait3A_175 : memref<1x128x128xf32, #tpu.memory_space<vmem>> -> memref<128x128xf32, #tpu.memory_space<vmem>>
      %dma_wait3A_177 = arith.constant 0 : i32
      %dma_wait3A_178 = tpu.memref_slice %arg9[%add3A_17, %dma_wait3A_177] : memref<10240x128xf32, #tpu.memory_space<vmem_shared>> -> memref<128x128xf32, #tpu.memory_space<vmem_shared>>
      %dma_wait3A_179 = arith.constant 0 : i32
      %dma_wait3A_180 = tpu.memref_slice %arg9[%add3A_17, %dma_wait3A_179] : memref<10240x128xf32, #tpu.memory_space<vmem_shared>> -> memref<128x128xf32, #tpu.memory_space<vmem_shared>>
      %dma_wait3A_181 = arith.constant 0 : i32
      %dma_wait3A_182 = arith.constant 0 : i32
      %dma_wait3A_183 = tpu.memref_slice %arg8[%run_scoped3A_18, %dma_wait3A_181, %dma_wait3A_182] : memref<2x128x128xf32, #tpu.memory_space<vmem>> -> memref<1x128x128xf32, #tpu.memory_space<vmem>>
      %dma_wait3A_184 = tpu.memref_squeeze %dma_wait3A_183 : memref<1x128x128xf32, #tpu.memory_space<vmem>> -> memref<128x128xf32, #tpu.memory_space<vmem>>
      tpu.wait_dma2 semaphore(%run_scoped3A_160 : memref<!tpu.dma_semaphore, #tpu.memory_space<semaphore_mem>>) src(%dma_wait3A_184 : memref<128x128xf32, #tpu.memory_space<vmem>>) dst(%dma_wait3A_180 : memref<128x128xf32, #tpu.memory_space<vmem_shared>>)
      tpu.yield
    }) : () -> ()
    %mul3A_19 = arith.constant 640 : i32
    %mul3A_20 = arith.muli %arg1, %mul3A_19 : i32
    %add3A_21 = arith.constant 384 : i32
    %add3A_22 = arith.addi %mul3A_20, %add3A_21 : i32
    %run_scoped3A_23 = arith.constant 0 : i32
    "tpu.region"() ({
      %run_scoped3A_160 = tpu.sem_alloc : memref<!tpu.dma_semaphore, #tpu.memory_space<semaphore_mem>>
      %dma_start3A_161 = arith.constant 0 : i32
      %dma_start3A_162 = arith.constant 0 : i32
      %dma_start3A_163 = tpu.memref_slice %arg8[%run_scoped3A_23, %dma_start3A_161, %dma_start3A_162] : memref<2x128x128xf32, #tpu.memory_space<vmem>> -> memref<1x128x128xf32, #tpu.memory_space<vmem>>
      %dma_start3A_164 = tpu.memref_squeeze %dma_start3A_163 : memref<1x128x128xf32, #tpu.memory_space<vmem>> -> memref<128x128xf32, #tpu.memory_space<vmem>>
      %dma_start3A_165 = arith.constant 0 : i32
      %dma_start3A_166 = tpu.memref_slice %arg9[%add3A_22, %dma_start3A_165] : memref<10240x128xf32, #tpu.memory_space<vmem_shared>> -> memref<128x128xf32, #tpu.memory_space<vmem_shared>>
      %dma_start3A_167 = arith.constant 0 : i32
      %dma_start3A_168 = tpu.memref_slice %arg9[%add3A_22, %dma_start3A_167] : memref<10240x128xf32, #tpu.memory_space<vmem_shared>> -> memref<128x128xf32, #tpu.memory_space<vmem_shared>>
      %dma_start3A_169 = arith.constant 0 : i32
      %dma_start3A_170 = arith.constant 0 : i32
      %dma_start3A_171 = tpu.memref_slice %arg8[%run_scoped3A_23, %dma_start3A_169, %dma_start3A_170] : memref<2x128x128xf32, #tpu.memory_space<vmem>> -> memref<1x128x128xf32, #tpu.memory_space<vmem>>
      %dma_start3A_172 = tpu.memref_squeeze %dma_start3A_171 : memref<1x128x128xf32, #tpu.memory_space<vmem>> -> memref<128x128xf32, #tpu.memory_space<vmem>>
      tpu.enqueue_dma source(%dma_start3A_172 : memref<128x128xf32, #tpu.memory_space<vmem>>) target(%dma_start3A_168 : memref<128x128xf32, #tpu.memory_space<vmem_shared>>) target_semaphore(%run_scoped3A_160 : memref<!tpu.dma_semaphore, #tpu.memory_space<semaphore_mem>>)
      %dma_wait3A_173 = arith.constant 0 : i32
      %dma_wait3A_174 = arith.constant 0 : i32
      %dma_wait3A_175 = tpu.memref_slice %arg8[%run_scoped3A_23, %dma_wait3A_173, %dma_wait3A_174] : memref<2x128x128xf32, #tpu.memory_space<vmem>> -> memref<1x128x128xf32, #tpu.memory_space<vmem>>
      %dma_wait3A_176 = tpu.memref_squeeze %dma_wait3A_175 : memref<1x128x128xf32, #tpu.memory_space<vmem>> -> memref<128x128xf32, #tpu.memory_space<vmem>>
      %dma_wait3A_177 = arith.constant 0 : i32
      %dma_wait3A_178 = tpu.memref_slice %arg9[%add3A_22, %dma_wait3A_177] : memref<10240x128xf32, #tpu.memory_space<vmem_shared>> -> memref<128x128xf32, #tpu.memory_space<vmem_shared>>
      %dma_wait3A_179 = arith.constant 0 : i32
      %dma_wait3A_180 = tpu.memref_slice %arg9[%add3A_22, %dma_wait3A_179] : memref<10240x128xf32, #tpu.memory_space<vmem_shared>> -> memref<128x128xf32, #tpu.memory_space<vmem_shared>>
      %dma_wait3A_181 = arith.constant 0 : i32
      %dma_wait3A_182 = arith.constant 0 : i32
      %dma_wait3A_183 = tpu.memref_slice %arg8[%run_scoped3A_23, %dma_wait3A_181, %dma_wait3A_182] : memref<2x128x128xf32, #tpu.memory_space<vmem>> -> memref<1x128x128xf32, #tpu.memory_space<vmem>>
      %dma_wait3A_184 = tpu.memref_squeeze %dma_wait3A_183 : memref<1x128x128xf32, #tpu.memory_space<vmem>> -> memref<128x128xf32, #tpu.memory_space<vmem>>
      tpu.wait_dma2 semaphore(%run_scoped3A_160 : memref<!tpu.dma_semaphore, #tpu.memory_space<semaphore_mem>>) src(%dma_wait3A_184 : memref<128x128xf32, #tpu.memory_space<vmem>>) dst(%dma_wait3A_180 : memref<128x128xf32, #tpu.memory_space<vmem_shared>>)
      tpu.yield
    }) : () -> ()
    %mul3A_24 = arith.constant 640 : i32
    %mul3A_25 = arith.muli %arg1, %mul3A_24 : i32
    %add3A_26 = arith.constant 512 : i32
    %add3A_27 = arith.addi %mul3A_25, %add3A_26 : i32
    %run_scoped3A_28 = arith.constant 0 : i32
    "tpu.region"() ({
      %run_scoped3A_160 = tpu.sem_alloc : memref<!tpu.dma_semaphore, #tpu.memory_space<semaphore_mem>>
      %dma_start3A_161 = arith.constant 0 : i32
      %dma_start3A_162 = arith.constant 0 : i32
      %dma_start3A_163 = tpu.memref_slice %arg8[%run_scoped3A_28, %dma_start3A_161, %dma_start3A_162] : memref<2x128x128xf32, #tpu.memory_space<vmem>> -> memref<1x128x128xf32, #tpu.memory_space<vmem>>
      %dma_start3A_164 = tpu.memref_squeeze %dma_start3A_163 : memref<1x128x128xf32, #tpu.memory_space<vmem>> -> memref<128x128xf32, #tpu.memory_space<vmem>>
      %dma_start3A_165 = arith.constant 0 : i32
      %dma_start3A_166 = tpu.memref_slice %arg9[%add3A_27, %dma_start3A_165] : memref<10240x128xf32, #tpu.memory_space<vmem_shared>> -> memref<128x128xf32, #tpu.memory_space<vmem_shared>>
      %dma_start3A_167 = arith.constant 0 : i32
      %dma_start3A_168 = tpu.memref_slice %arg9[%add3A_27, %dma_start3A_167] : memref<10240x128xf32, #tpu.memory_space<vmem_shared>> -> memref<128x128xf32, #tpu.memory_space<vmem_shared>>
      %dma_start3A_169 = arith.constant 0 : i32
      %dma_start3A_170 = arith.constant 0 : i32
      %dma_start3A_171 = tpu.memref_slice %arg8[%run_scoped3A_28, %dma_start3A_169, %dma_start3A_170] : memref<2x128x128xf32, #tpu.memory_space<vmem>> -> memref<1x128x128xf32, #tpu.memory_space<vmem>>
      %dma_start3A_172 = tpu.memref_squeeze %dma_start3A_171 : memref<1x128x128xf32, #tpu.memory_space<vmem>> -> memref<128x128xf32, #tpu.memory_space<vmem>>
      tpu.enqueue_dma source(%dma_start3A_172 : memref<128x128xf32, #tpu.memory_space<vmem>>) target(%dma_start3A_168 : memref<128x128xf32, #tpu.memory_space<vmem_shared>>) target_semaphore(%run_scoped3A_160 : memref<!tpu.dma_semaphore, #tpu.memory_space<semaphore_mem>>)
      %dma_wait3A_173 = arith.constant 0 : i32
      %dma_wait3A_174 = arith.constant 0 : i32
      %dma_wait3A_175 = tpu.memref_slice %arg8[%run_scoped3A_28, %dma_wait3A_173, %dma_wait3A_174] : memref<2x128x128xf32, #tpu.memory_space<vmem>> -> memref<1x128x128xf32, #tpu.memory_space<vmem>>
      %dma_wait3A_176 = tpu.memref_squeeze %dma_wait3A_175 : memref<1x128x128xf32, #tpu.memory_space<vmem>> -> memref<128x128xf32, #tpu.memory_space<vmem>>
      %dma_wait3A_177 = arith.constant 0 : i32
      %dma_wait3A_178 = tpu.memref_slice %arg9[%add3A_27, %dma_wait3A_177] : memref<10240x128xf32, #tpu.memory_space<vmem_shared>> -> memref<128x128xf32, #tpu.memory_space<vmem_shared>>
      %dma_wait3A_179 = arith.constant 0 : i32
      %dma_wait3A_180 = tpu.memref_slice %arg9[%add3A_27, %dma_wait3A_179] : memref<10240x128xf32, #tpu.memory_space<vmem_shared>> -> memref<128x128xf32, #tpu.memory_space<vmem_shared>>
      %dma_wait3A_181 = arith.constant 0 : i32
      %dma_wait3A_182 = arith.constant 0 : i32
      %dma_wait3A_183 = tpu.memref_slice %arg8[%run_scoped3A_28, %dma_wait3A_181, %dma_wait3A_182] : memref<2x128x128xf32, #tpu.memory_space<vmem>> -> memref<1x128x128xf32, #tpu.memory_space<vmem>>
      %dma_wait3A_184 = tpu.memref_squeeze %dma_wait3A_183 : memref<1x128x128xf32, #tpu.memory_space<vmem>> -> memref<128x128xf32, #tpu.memory_space<vmem>>
      tpu.wait_dma2 semaphore(%run_scoped3A_160 : memref<!tpu.dma_semaphore, #tpu.memory_space<semaphore_mem>>) src(%dma_wait3A_184 : memref<128x128xf32, #tpu.memory_space<vmem>>) dst(%dma_wait3A_180 : memref<128x128xf32, #tpu.memory_space<vmem_shared>>)
      tpu.yield
    }) : () -> ()
    %barrier3A = arith.constant 0 : index
    tpu.barrier barrier_id(%barrier3A)
    %mul3A_29 = arith.constant 1280 : i32
    %mul3A_30 = arith.muli %arg0, %mul3A_29 : i32
    %mul3A_31 = arith.constant 80 : i32
    %mul3A_32 = arith.muli %arg1, %mul3A_31 : i32
    %add3A_33 = arith.addi %mul3A_30, %mul3A_32 : i32
    %mul3A_34 = arith.constant 1280 : i32
    %mul3A_35 = arith.muli %arg0, %mul3A_34 : i32
    %mul3A_36 = arith.constant 80 : i32
    %mul3A_37 = arith.muli %arg1, %mul3A_36 : i32
    %add3A_38 = arith.addi %mul3A_35, %mul3A_37 : i32
    %add3A_39 = arith.constant 0 : i32
    %add3A_40 = arith.addi %add3A_33, %add3A_39 : i32
    %dma_start3A = arith.constant 0 : i32
    %dma_start3A_41 = arith.constant 0 : i32
    %dma_start3A_42 = arith.constant 0 : i32
    %dma_start3A_43 = arith.constant 0 : i32
    %dma_start3A_44 = tpu.memref_slice %arg6[%dma_start3A, %dma_start3A_42, %dma_start3A_43] : memref<2x16x128xi32, #tpu.memory_space<vmem>> -> memref<1x16x128xi32, #tpu.memory_space<vmem>>
    %dma_start3A_45 = tpu.memref_squeeze %dma_start3A_44 : memref<1x16x128xi32, #tpu.memory_space<vmem>> -> memref<16x128xi32, #tpu.memory_space<vmem>>
    %dma_start3A_46 = arith.constant 0 : i32
    %dma_start3A_47 = tpu.memref_slice %arg2[%add3A_40, %dma_start3A_46] : memref<5120x128xi32, #tpu.memory_space<hbm>> -> memref<16x128xi32, #tpu.memory_space<hbm>>
    %dma_start3A_48 = tpu.memref_slice %arg12[%dma_start3A_41] : memref<2x!tpu.dma_semaphore, #tpu.memory_space<semaphore_mem>> -> memref<1x!tpu.dma_semaphore, #tpu.memory_space<semaphore_mem>>
    %dma_start3A_49 = tpu.memref_squeeze %dma_start3A_48 : memref<1x!tpu.dma_semaphore, #tpu.memory_space<semaphore_mem>> -> memref<!tpu.dma_semaphore, #tpu.memory_space<semaphore_mem>>
    %dma_start3A_50 = arith.constant 0 : i32
    %dma_start3A_51 = arith.constant 0 : i32
    %dma_start3A_52 = tpu.memref_slice %arg6[%dma_start3A, %dma_start3A_50, %dma_start3A_51] : memref<2x16x128xi32, #tpu.memory_space<vmem>> -> memref<1x16x128xi32, #tpu.memory_space<vmem>>
    %dma_start3A_53 = tpu.memref_squeeze %dma_start3A_52 : memref<1x16x128xi32, #tpu.memory_space<vmem>> -> memref<16x128xi32, #tpu.memory_space<vmem>>
    %dma_start3A_54 = arith.constant 0 : i32
    %dma_start3A_55 = tpu.memref_slice %arg2[%add3A_40, %dma_start3A_54] : memref<5120x128xi32, #tpu.memory_space<hbm>> -> memref<16x128xi32, #tpu.memory_space<hbm>>
    tpu.enqueue_dma source(%dma_start3A_55 : memref<16x128xi32, #tpu.memory_space<hbm>>) target(%dma_start3A_53 : memref<16x128xi32, #tpu.memory_space<vmem>>) target_semaphore(%dma_start3A_49 : memref<!tpu.dma_semaphore, #tpu.memory_space<semaphore_mem>>)
    %add3A_56 = arith.constant 0 : i32
    %add3A_57 = arith.addi %add3A_38, %add3A_56 : i32
    %dma_start3A_58 = arith.constant 0 : i32
    %dma_start3A_59 = arith.constant 0 : i32
    %dma_start3A_60 = arith.constant 0 : i32
    %dma_start3A_61 = arith.constant 0 : i32
    %dma_start3A_62 = tpu.memref_slice %arg7[%dma_start3A_58, %dma_start3A_60, %dma_start3A_61] : memref<2x16x128xi32, #tpu.memory_space<vmem>> -> memref<1x16x128xi32, #tpu.memory_space<vmem>>
    %dma_start3A_63 = tpu.memref_squeeze %dma_start3A_62 : memref<1x16x128xi32, #tpu.memory_space<vmem>> -> memref<16x128xi32, #tpu.memory_space<vmem>>
    %dma_start3A_64 = arith.constant 0 : i32
    %dma_start3A_65 = tpu.memref_slice %arg3[%add3A_57, %dma_start3A_64] : memref<2560x128xi32, #tpu.memory_space<hbm>> -> memref<16x128xi32, #tpu.memory_space<hbm>>
    %dma_start3A_66 = tpu.memref_slice %arg12[%dma_start3A_59] : memref<2x!tpu.dma_semaphore, #tpu.memory_space<semaphore_mem>> -> memref<1x!tpu.dma_semaphore, #tpu.memory_space<semaphore_mem>>
    %dma_start3A_67 = tpu.memref_squeeze %dma_start3A_66 : memref<1x!tpu.dma_semaphore, #tpu.memory_space<semaphore_mem>> -> memref<!tpu.dma_semaphore, #tpu.memory_space<semaphore_mem>>
    %dma_start3A_68 = arith.constant 0 : i32
    %dma_start3A_69 = arith.constant 0 : i32
    %dma_start3A_70 = tpu.memref_slice %arg7[%dma_start3A_58, %dma_start3A_68, %dma_start3A_69] : memref<2x16x128xi32, #tpu.memory_space<vmem>> -> memref<1x16x128xi32, #tpu.memory_space<vmem>>
    %dma_start3A_71 = tpu.memref_squeeze %dma_start3A_70 : memref<1x16x128xi32, #tpu.memory_space<vmem>> -> memref<16x128xi32, #tpu.memory_space<vmem>>
    %dma_start3A_72 = arith.constant 0 : i32
    %dma_start3A_73 = tpu.memref_slice %arg3[%add3A_57, %dma_start3A_72] : memref<2560x128xi32, #tpu.memory_space<hbm>> -> memref<16x128xi32, #tpu.memory_space<hbm>>
    tpu.enqueue_dma source(%dma_start3A_73 : memref<16x128xi32, #tpu.memory_space<hbm>>) target(%dma_start3A_71 : memref<16x128xi32, #tpu.memory_space<vmem>>) target_semaphore(%dma_start3A_67 : memref<!tpu.dma_semaphore, #tpu.memory_space<semaphore_mem>>)
    %dma_wait3A = arith.constant 0 : i32
    %dma_wait3A_74 = arith.constant 0 : i32
    %dma_wait3A_75 = arith.constant 0 : i32
    %dma_wait3A_76 = arith.constant 0 : i32
    %dma_wait3A_77 = tpu.memref_slice %arg6[%dma_wait3A, %dma_wait3A_75, %dma_wait3A_76] : memref<2x16x128xi32, #tpu.memory_space<vmem>> -> memref<1x16x128xi32, #tpu.memory_space<vmem>>
    %dma_wait3A_78 = tpu.memref_squeeze %dma_wait3A_77 : memref<1x16x128xi32, #tpu.memory_space<vmem>> -> memref<16x128xi32, #tpu.memory_space<vmem>>
    %dma_wait3A_79 = arith.constant 0 : i32
    %dma_wait3A_80 = tpu.memref_slice %arg2[%add3A_33, %dma_wait3A_79] : memref<5120x128xi32, #tpu.memory_space<hbm>> -> memref<16x128xi32, #tpu.memory_space<hbm>>
    %dma_wait3A_81 = tpu.memref_slice %arg12[%dma_wait3A_74] : memref<2x!tpu.dma_semaphore, #tpu.memory_space<semaphore_mem>> -> memref<1x!tpu.dma_semaphore, #tpu.memory_space<semaphore_mem>>
    %dma_wait3A_82 = tpu.memref_squeeze %dma_wait3A_81 : memref<1x!tpu.dma_semaphore, #tpu.memory_space<semaphore_mem>> -> memref<!tpu.dma_semaphore, #tpu.memory_space<semaphore_mem>>
    %dma_wait3A_83 = arith.constant 0 : i32
    %dma_wait3A_84 = arith.constant 0 : i32
    %dma_wait3A_85 = tpu.memref_slice %arg6[%dma_wait3A, %dma_wait3A_83, %dma_wait3A_84] : memref<2x16x128xi32, #tpu.memory_space<vmem>> -> memref<1x16x128xi32, #tpu.memory_space<vmem>>
    %dma_wait3A_86 = tpu.memref_squeeze %dma_wait3A_85 : memref<1x16x128xi32, #tpu.memory_space<vmem>> -> memref<16x128xi32, #tpu.memory_space<vmem>>
    %dma_wait3A_87 = arith.constant 0 : i32
    %dma_wait3A_88 = tpu.memref_slice %arg2[%add3A_33, %dma_wait3A_87] : memref<5120x128xi32, #tpu.memory_space<hbm>> -> memref<16x128xi32, #tpu.memory_space<hbm>>
    tpu.wait_dma2 semaphore(%dma_wait3A_82 : memref<!tpu.dma_semaphore, #tpu.memory_space<semaphore_mem>>) src(%dma_wait3A_88 : memref<16x128xi32, #tpu.memory_space<hbm>>) dst(%dma_wait3A_86 : memref<16x128xi32, #tpu.memory_space<vmem>>)
    %dma_wait3A_89 = arith.constant 0 : i32
    %dma_wait3A_90 = arith.constant 0 : i32
    %dma_wait3A_91 = arith.constant 0 : i32
    %dma_wait3A_92 = arith.constant 0 : i32
    %dma_wait3A_93 = tpu.memref_slice %arg7[%dma_wait3A_89, %dma_wait3A_91, %dma_wait3A_92] : memref<2x16x128xi32, #tpu.memory_space<vmem>> -> memref<1x16x128xi32, #tpu.memory_space<vmem>>
    %dma_wait3A_94 = tpu.memref_squeeze %dma_wait3A_93 : memref<1x16x128xi32, #tpu.memory_space<vmem>> -> memref<16x128xi32, #tpu.memory_space<vmem>>
    %dma_wait3A_95 = arith.constant 0 : i32
    %dma_wait3A_96 = tpu.memref_slice %arg3[%add3A_38, %dma_wait3A_95] : memref<2560x128xi32, #tpu.memory_space<hbm>> -> memref<16x128xi32, #tpu.memory_space<hbm>>
    %dma_wait3A_97 = tpu.memref_slice %arg12[%dma_wait3A_90] : memref<2x!tpu.dma_semaphore, #tpu.memory_space<semaphore_mem>> -> memref<1x!tpu.dma_semaphore, #tpu.memory_space<semaphore_mem>>
    %dma_wait3A_98 = tpu.memref_squeeze %dma_wait3A_97 : memref<1x!tpu.dma_semaphore, #tpu.memory_space<semaphore_mem>> -> memref<!tpu.dma_semaphore, #tpu.memory_space<semaphore_mem>>
    %dma_wait3A_99 = arith.constant 0 : i32
    %dma_wait3A_100 = arith.constant 0 : i32
    %dma_wait3A_101 = tpu.memref_slice %arg7[%dma_wait3A_89, %dma_wait3A_99, %dma_wait3A_100] : memref<2x16x128xi32, #tpu.memory_space<vmem>> -> memref<1x16x128xi32, #tpu.memory_space<vmem>>
    %dma_wait3A_102 = tpu.memref_squeeze %dma_wait3A_101 : memref<1x16x128xi32, #tpu.memory_space<vmem>> -> memref<16x128xi32, #tpu.memory_space<vmem>>
    %dma_wait3A_103 = arith.constant 0 : i32
    %dma_wait3A_104 = tpu.memref_slice %arg3[%add3A_38, %dma_wait3A_103] : memref<2560x128xi32, #tpu.memory_space<hbm>> -> memref<16x128xi32, #tpu.memory_space<hbm>>
    tpu.wait_dma2 semaphore(%dma_wait3A_98 : memref<!tpu.dma_semaphore, #tpu.memory_space<semaphore_mem>>) src(%dma_wait3A_104 : memref<16x128xi32, #tpu.memory_space<hbm>>) dst(%dma_wait3A_102 : memref<16x128xi32, #tpu.memory_space<vmem>>)
    %rem3A = arith.constant 0 : i32
    %rem3A_105 = arith.constant 2 : i32
    %rem3A_106 = arith.remsi %rem3A, %rem3A_105 : i32
    %rem3A_107 = arith.constant 0 : i32
    %rem3A_108 = arith.constant 16 : i32
    %rem3A_109 = arith.remsi %rem3A_107, %rem3A_108 : i32
    %rem3A_110 = arith.constant 0 : i32
    %rem3A_111 = arith.constant 2 : i32
    %rem3A_112 = arith.remsi %rem3A_110, %rem3A_111 : i32
    %rem3A_113 = arith.constant 0 : i32
    %rem3A_114 = arith.constant 2 : i32
    %rem3A_115 = arith.remsi %rem3A_113, %rem3A_114 : i32
    %dma_start3A_116 = arith.constant 0 : i32
    %dma_start3A_117 = arith.constant 0 : i32
    %dma_start3A_118 = tpu.memref_slice %arg8[%rem3A_112, %dma_start3A_116, %dma_start3A_117] : memref<2x128x128xf32, #tpu.memory_space<vmem>> -> memref<1x128x128xf32, #tpu.memory_space<vmem>>
    %dma_start3A_119 = tpu.memref_squeeze %dma_start3A_118 : memref<1x128x128xf32, #tpu.memory_space<vmem>> -> memref<128x128xf32, #tpu.memory_space<vmem>>
    %dma_start3A_120 = arith.constant 0 : i32
    %dma_start3A_121 = tpu.memref_slice %arg6[%rem3A_106, %rem3A_109, %dma_start3A_120] : memref<2x16x128xi32, #tpu.memory_space<vmem>> -> memref<1x1x128xi32, #tpu.memory_space<vmem>>
    %dma_start3A_122 = tpu.memref_squeeze %dma_start3A_121 : memref<1x1x128xi32, #tpu.memory_space<vmem>> -> memref<128xi32, #tpu.memory_space<vmem>>
    %dma_start3A_123 = arith.constant 0 : i32
    %dma_start3A_124 = arith.constant 0 : i32
    %dma_start3A_125 = tpu.memref_slice %arg4[%dma_start3A_123, %dma_start3A_124] : memref<10240x128xf32, #tpu.memory_space<hbm>> -> memref<10240x128xf32, #tpu.memory_space<hbm>>
    %dma_start3A_126 = tpu.memref_slice %arg10[%rem3A_115] : memref<2x!tpu.dma_semaphore, #tpu.memory_space<semaphore_mem>> -> memref<1x!tpu.dma_semaphore, #tpu.memory_space<semaphore_mem>>
    %dma_start3A_127 = tpu.memref_squeeze %dma_start3A_126 : memref<1x!tpu.dma_semaphore, #tpu.memory_space<semaphore_mem>> -> memref<!tpu.dma_semaphore, #tpu.memory_space<semaphore_mem>>
    tpu.enqueue_indirect_dma source(%dma_start3A_125 : memref<10240x128xf32, #tpu.memory_space<hbm>>) target(%dma_start3A_119 : memref<128x128xf32, #tpu.memory_space<vmem>>) offsets(%dma_start3A_122 : memref<128xi32, #tpu.memory_space<vmem>>) semaphore(%dma_start3A_127 : memref<!tpu.dma_semaphore, #tpu.memory_space<semaphore_mem>>)
    %scan3A_128 = arith.constant 0 : i32
    %scan3A_129 = arith.constant 0 : i32
    %scan3A_130 = arith.constant 80 : i32
    %scan3A_131 = arith.addi %scan3A_129, %scan3A_130 : i32
    %scan3A_132 = arith.constant 1 : i32
    %scan3A_133 = scf.for %scan3A_160 = %scan3A_129 to %scan3A_131 step %scan3A_132 iter_args(%scan3A_161 = %scan3A_128) -> (i32)  : i32 {
      %rem3A_162 = arith.constant 2 : i32
      %rem3A_163 = arith.remsi %scan3A_160, %rem3A_162 : i32
      %jit3A = arith.constant 16 : i32
      %div3A = arith.divsi %scan3A_160, %jit3A : i32
      %sign3A = arith.constant 0 : i32
      %sign3A_164 = arith.cmpi sgt, %scan3A_160, %sign3A : i32
      %sign3A_165 = arith.extui %sign3A_164 : i1 to i32
      %sign3A_166 = arith.constant 0 : i32
      %sign3A_167 = arith.cmpi slt, %scan3A_160, %sign3A_166 : i32
      %sign3A_168 = arith.extui %sign3A_167 : i1 to i32
      %sign3A_169 = arith.subi %sign3A_165, %sign3A_168 : i32
      %sign3A_170 = arith.constant 0 : i32
      %sign3A_171 = arith.cmpi sgt, %jit3A, %sign3A_170 : i32
      %sign3A_172 = arith.extui %sign3A_171 : i1 to i32
      %sign3A_173 = arith.constant 0 : i32
      %sign3A_174 = arith.cmpi slt, %jit3A, %sign3A_173 : i32
      %sign3A_175 = arith.extui %sign3A_174 : i1 to i32
      %sign3A_176 = arith.subi %sign3A_172, %sign3A_175 : i32
      %ne3A = arith.cmpi ne, %sign3A_169, %sign3A_176 : i32
      %rem3A_177 = arith.remsi %scan3A_160, %jit3A : i32
      %ne3A_178 = arith.constant 0 : i32
      %ne3A_179 = arith.cmpi ne, %rem3A_177, %ne3A_178 : i32
      %and3A = arith.andi %ne3A, %ne3A_179 : i1
      %sub3A = arith.constant 1 : i32
      %sub3A_180 = arith.subi %div3A, %sub3A : i32
      %select_n3A = arith.select %and3A, %sub3A_180, %div3A : i32
      %rem3A_181 = arith.constant 16 : i32
      %rem3A_182 = arith.remsi %scan3A_160, %rem3A_181 : i32
      %eq3A = arith.constant 1 : i32
      %eq3A_183 = arith.cmpi eq, %rem3A_182, %eq3A : i32
      %add3A_184 = arith.constant 1 : i32
      %add3A_185 = arith.addi %select_n3A, %add3A_184 : i32
      %lt3A = arith.constant 5 : i32
      %lt3A_186 = arith.cmpi slt, %add3A_185, %lt3A : i32
      %and3A_187 = arith.andi %eq3A_183, %lt3A_186 : i1
      %convert_element_type3A = arith.extui %and3A_187 : i1 to i32
      %cond3A = arith.constant 0 : i32
      %cond3A_188 = arith.cmpi ne, %convert_element_type3A, %cond3A : i32
      scf.if %cond3A_188 {
        %add3A_231 = arith.constant 1 : i32
        %add3A_232 = arith.addi %select_n3A, %add3A_231 : i32
        %add3A_233 = arith.constant 1 : i32
        %add3A_234 = arith.addi %select_n3A, %add3A_233 : i32
        %rem3A_235 = arith.constant 2 : i32
        %rem3A_236 = arith.remsi %add3A_234, %rem3A_235 : i32
        %mul3A_237 = arith.constant 16 : i32
        %mul3A_238 = arith.muli %add3A_232, %mul3A_237 : i32
        %add3A_239 = arith.addi %add3A_33, %mul3A_238 : i32
        %dma_start3A_240 = arith.constant 0 : i32
        %dma_start3A_241 = arith.constant 0 : i32
        %dma_start3A_242 = tpu.memref_slice %arg6[%rem3A_236, %dma_start3A_240, %dma_start3A_241] : memref<2x16x128xi32, #tpu.memory_space<vmem>> -> memref<1x16x128xi32, #tpu.memory_space<vmem>>
        %dma_start3A_243 = tpu.memref_squeeze %dma_start3A_242 : memref<1x16x128xi32, #tpu.memory_space<vmem>> -> memref<16x128xi32, #tpu.memory_space<vmem>>
        %dma_start3A_244 = arith.constant 0 : i32
        %dma_start3A_245 = tpu.memref_slice %arg2[%add3A_239, %dma_start3A_244] : memref<5120x128xi32, #tpu.memory_space<hbm>> -> memref<16x128xi32, #tpu.memory_space<hbm>>
        %dma_start3A_246 = tpu.memref_slice %arg12[%rem3A_236] : memref<2x!tpu.dma_semaphore, #tpu.memory_space<semaphore_mem>> -> memref<1x!tpu.dma_semaphore, #tpu.memory_space<semaphore_mem>>
        %dma_start3A_247 = tpu.memref_squeeze %dma_start3A_246 : memref<1x!tpu.dma_semaphore, #tpu.memory_space<semaphore_mem>> -> memref<!tpu.dma_semaphore, #tpu.memory_space<semaphore_mem>>
        %dma_start3A_248 = arith.constant 0 : i32
        %dma_start3A_249 = arith.constant 0 : i32
        %dma_start3A_250 = tpu.memref_slice %arg6[%rem3A_236, %dma_start3A_248, %dma_start3A_249] : memref<2x16x128xi32, #tpu.memory_space<vmem>> -> memref<1x16x128xi32, #tpu.memory_space<vmem>>
        %dma_start3A_251 = tpu.memref_squeeze %dma_start3A_250 : memref<1x16x128xi32, #tpu.memory_space<vmem>> -> memref<16x128xi32, #tpu.memory_space<vmem>>
        %dma_start3A_252 = arith.constant 0 : i32
        %dma_start3A_253 = tpu.memref_slice %arg2[%add3A_239, %dma_start3A_252] : memref<5120x128xi32, #tpu.memory_space<hbm>> -> memref<16x128xi32, #tpu.memory_space<hbm>>
        tpu.enqueue_dma source(%dma_start3A_253 : memref<16x128xi32, #tpu.memory_space<hbm>>) target(%dma_start3A_251 : memref<16x128xi32, #tpu.memory_space<vmem>>) target_semaphore(%dma_start3A_247 : memref<!tpu.dma_semaphore, #tpu.memory_space<semaphore_mem>>)
        %mul3A_254 = arith.constant 16 : i32
        %mul3A_255 = arith.muli %add3A_232, %mul3A_254 : i32
        %add3A_256 = arith.addi %add3A_38, %mul3A_255 : i32
        %dma_start3A_257 = arith.constant 0 : i32
        %dma_start3A_258 = arith.constant 0 : i32
        %dma_start3A_259 = tpu.memref_slice %arg7[%rem3A_236, %dma_start3A_257, %dma_start3A_258] : memref<2x16x128xi32, #tpu.memory_space<vmem>> -> memref<1x16x128xi32, #tpu.memory_space<vmem>>
        %dma_start3A_260 = tpu.memref_squeeze %dma_start3A_259 : memref<1x16x128xi32, #tpu.memory_space<vmem>> -> memref<16x128xi32, #tpu.memory_space<vmem>>
        %dma_start3A_261 = arith.constant 0 : i32
        %dma_start3A_262 = tpu.memref_slice %arg3[%add3A_256, %dma_start3A_261] : memref<2560x128xi32, #tpu.memory_space<hbm>> -> memref<16x128xi32, #tpu.memory_space<hbm>>
        %dma_start3A_263 = tpu.memref_slice %arg12[%rem3A_236] : memref<2x!tpu.dma_semaphore, #tpu.memory_space<semaphore_mem>> -> memref<1x!tpu.dma_semaphore, #tpu.memory_space<semaphore_mem>>
        %dma_start3A_264 = tpu.memref_squeeze %dma_start3A_263 : memref<1x!tpu.dma_semaphore, #tpu.memory_space<semaphore_mem>> -> memref<!tpu.dma_semaphore, #tpu.memory_space<semaphore_mem>>
        %dma_start3A_265 = arith.constant 0 : i32
        %dma_start3A_266 = arith.constant 0 : i32
        %dma_start3A_267 = tpu.memref_slice %arg7[%rem3A_236, %dma_start3A_265, %dma_start3A_266] : memref<2x16x128xi32, #tpu.memory_space<vmem>> -> memref<1x16x128xi32, #tpu.memory_space<vmem>>
        %dma_start3A_268 = tpu.memref_squeeze %dma_start3A_267 : memref<1x16x128xi32, #tpu.memory_space<vmem>> -> memref<16x128xi32, #tpu.memory_space<vmem>>
        %dma_start3A_269 = arith.constant 0 : i32
        %dma_start3A_270 = tpu.memref_slice %arg3[%add3A_256, %dma_start3A_269] : memref<2560x128xi32, #tpu.memory_space<hbm>> -> memref<16x128xi32, #tpu.memory_space<hbm>>
        tpu.enqueue_dma source(%dma_start3A_270 : memref<16x128xi32, #tpu.memory_space<hbm>>) target(%dma_start3A_268 : memref<16x128xi32, #tpu.memory_space<vmem>>) target_semaphore(%dma_start3A_264 : memref<!tpu.dma_semaphore, #tpu.memory_space<semaphore_mem>>)
      } else {
      }
      %ge3A = arith.constant 1 : i32
      %ge3A_189 = arith.cmpi sge, %scan3A_160, %ge3A : i32
      %convert_element_type3A_190 = arith.extui %ge3A_189 : i1 to i32
      %cond3A_191 = arith.constant 0 : i32
      %cond3A_192 = arith.cmpi ne, %convert_element_type3A_190, %cond3A_191 : i32
      scf.if %cond3A_192 {
        %sub3A_231 = arith.constant 1 : i32
        %sub3A_232 = arith.subi %sub3A_231, %rem3A_163 : i32
        %sub3A_233 = arith.constant 1 : i32
        %sub3A_234 = arith.subi %sub3A_233, %rem3A_163 : i32
        %dma_wait3A_235 = arith.constant 0 : i32
        %dma_wait3A_236 = arith.constant 0 : i32
        %dma_wait3A_237 = arith.constant 0 : i32
        %dma_wait3A_238 = arith.constant 0 : i32
        %dma_wait3A_239 = tpu.memref_slice %arg8[%sub3A_232, %dma_wait3A_237, %dma_wait3A_238] : memref<2x128x128xf32, #tpu.memory_space<vmem>> -> memref<1x128x128xf32, #tpu.memory_space<vmem>>
        %dma_wait3A_240 = tpu.memref_squeeze %dma_wait3A_239 : memref<1x128x128xf32, #tpu.memory_space<vmem>> -> memref<128x128xf32, #tpu.memory_space<vmem>>
        %dma_wait3A_241 = arith.constant 0 : i32
        %dma_wait3A_242 = tpu.memref_slice %arg7[%dma_wait3A_235, %dma_wait3A_236, %dma_wait3A_241] : memref<2x16x128xi32, #tpu.memory_space<vmem>> -> memref<1x1x128xi32, #tpu.memory_space<vmem>>
        %dma_wait3A_243 = tpu.memref_squeeze %dma_wait3A_242 : memref<1x1x128xi32, #tpu.memory_space<vmem>> -> memref<128xi32, #tpu.memory_space<vmem>>
        %dma_wait3A_244 = arith.constant 0 : i32
        %dma_wait3A_245 = arith.constant 0 : i32
        %dma_wait3A_246 = tpu.memref_slice %arg9[%dma_wait3A_244, %dma_wait3A_245] : memref<10240x128xf32, #tpu.memory_space<vmem_shared>> -> memref<10240x128xf32, #tpu.memory_space<vmem_shared>>
        %dma_wait3A_247 = tpu.memref_slice %arg11[%sub3A_234] : memref<2x!tpu.dma_semaphore, #tpu.memory_space<semaphore_mem>> -> memref<1x!tpu.dma_semaphore, #tpu.memory_space<semaphore_mem>>
        %dma_wait3A_248 = tpu.memref_squeeze %dma_wait3A_247 : memref<1x!tpu.dma_semaphore, #tpu.memory_space<semaphore_mem>> -> memref<!tpu.dma_semaphore, #tpu.memory_space<semaphore_mem>>
        tpu.wait_indirect_dma semaphore(%dma_wait3A_248 : memref<!tpu.dma_semaphore, #tpu.memory_space<semaphore_mem>>) src(%dma_wait3A_240 : memref<128x128xf32, #tpu.memory_space<vmem>>) dst(%dma_wait3A_246 : memref<10240x128xf32, #tpu.memory_space<vmem_shared>>)
      } else {
      }
      %add3A_193 = arith.constant 1 : i32
      %add3A_194 = arith.addi %scan3A_160, %add3A_193 : i32
      %lt3A_195 = arith.constant 80 : i32
      %lt3A_196 = arith.cmpi slt, %add3A_194, %lt3A_195 : i32
      %convert_element_type3A_197 = arith.extui %lt3A_196 : i1 to i32
      %cond3A_198 = arith.constant 0 : i32
      %cond3A_199 = arith.cmpi ne, %convert_element_type3A_197, %cond3A_198 : i32
      scf.if %cond3A_199 {
        %add3A_231 = arith.constant 1 : i32
        %add3A_232 = arith.addi %scan3A_160, %add3A_231 : i32
        %rem3A_233 = arith.constant 16 : i32
        %rem3A_234 = arith.remsi %add3A_232, %rem3A_233 : i32
        %eq3A_235 = arith.constant 0 : i32
        %eq3A_236 = arith.cmpi eq, %rem3A_234, %eq3A_235 : i32
        %convert_element_type3A_237 = arith.extui %eq3A_236 : i1 to i32
        %cond3A_238 = arith.constant 0 : i32
        %cond3A_239 = arith.cmpi ne, %convert_element_type3A_237, %cond3A_238 : i32
        scf.if %cond3A_239 {
          %add3A_286 = arith.constant 1 : i32
          %add3A_287 = arith.addi %select_n3A, %add3A_286 : i32
          %rem3A_288 = arith.constant 2 : i32
          %rem3A_289 = arith.remsi %add3A_287, %rem3A_288 : i32
          %dma_wait3A_290 = arith.constant 0 : i32
          %dma_wait3A_291 = arith.constant 0 : i32
          %dma_wait3A_292 = tpu.memref_slice %arg6[%rem3A_289, %dma_wait3A_290, %dma_wait3A_291] : memref<2x16x128xi32, #tpu.memory_space<vmem>> -> memref<1x16x128xi32, #tpu.memory_space<vmem>>
          %dma_wait3A_293 = tpu.memref_squeeze %dma_wait3A_292 : memref<1x16x128xi32, #tpu.memory_space<vmem>> -> memref<16x128xi32, #tpu.memory_space<vmem>>
          %dma_wait3A_294 = arith.constant 0 : i32
          %dma_wait3A_295 = tpu.memref_slice %arg2[%add3A_33, %dma_wait3A_294] : memref<5120x128xi32, #tpu.memory_space<hbm>> -> memref<16x128xi32, #tpu.memory_space<hbm>>
          %dma_wait3A_296 = tpu.memref_slice %arg12[%rem3A_289] : memref<2x!tpu.dma_semaphore, #tpu.memory_space<semaphore_mem>> -> memref<1x!tpu.dma_semaphore, #tpu.memory_space<semaphore_mem>>
          %dma_wait3A_297 = tpu.memref_squeeze %dma_wait3A_296 : memref<1x!tpu.dma_semaphore, #tpu.memory_space<semaphore_mem>> -> memref<!tpu.dma_semaphore, #tpu.memory_space<semaphore_mem>>
          %dma_wait3A_298 = arith.constant 0 : i32
          %dma_wait3A_299 = arith.constant 0 : i32
          %dma_wait3A_300 = tpu.memref_slice %arg6[%rem3A_289, %dma_wait3A_298, %dma_wait3A_299] : memref<2x16x128xi32, #tpu.memory_space<vmem>> -> memref<1x16x128xi32, #tpu.memory_space<vmem>>
          %dma_wait3A_301 = tpu.memref_squeeze %dma_wait3A_300 : memref<1x16x128xi32, #tpu.memory_space<vmem>> -> memref<16x128xi32, #tpu.memory_space<vmem>>
          %dma_wait3A_302 = arith.constant 0 : i32
          %dma_wait3A_303 = tpu.memref_slice %arg2[%add3A_33, %dma_wait3A_302] : memref<5120x128xi32, #tpu.memory_space<hbm>> -> memref<16x128xi32, #tpu.memory_space<hbm>>
          tpu.wait_dma2 semaphore(%dma_wait3A_297 : memref<!tpu.dma_semaphore, #tpu.memory_space<semaphore_mem>>) src(%dma_wait3A_303 : memref<16x128xi32, #tpu.memory_space<hbm>>) dst(%dma_wait3A_301 : memref<16x128xi32, #tpu.memory_space<vmem>>)
          %dma_wait3A_304 = arith.constant 0 : i32
          %dma_wait3A_305 = arith.constant 0 : i32
          %dma_wait3A_306 = tpu.memref_slice %arg7[%rem3A_289, %dma_wait3A_304, %dma_wait3A_305] : memref<2x16x128xi32, #tpu.memory_space<vmem>> -> memref<1x16x128xi32, #tpu.memory_space<vmem>>
          %dma_wait3A_307 = tpu.memref_squeeze %dma_wait3A_306 : memref<1x16x128xi32, #tpu.memory_space<vmem>> -> memref<16x128xi32, #tpu.memory_space<vmem>>
          %dma_wait3A_308 = arith.constant 0 : i32
          %dma_wait3A_309 = tpu.memref_slice %arg3[%add3A_38, %dma_wait3A_308] : memref<2560x128xi32, #tpu.memory_space<hbm>> -> memref<16x128xi32, #tpu.memory_space<hbm>>
          %dma_wait3A_310 = tpu.memref_slice %arg12[%rem3A_289] : memref<2x!tpu.dma_semaphore, #tpu.memory_space<semaphore_mem>> -> memref<1x!tpu.dma_semaphore, #tpu.memory_space<semaphore_mem>>
          %dma_wait3A_311 = tpu.memref_squeeze %dma_wait3A_310 : memref<1x!tpu.dma_semaphore, #tpu.memory_space<semaphore_mem>> -> memref<!tpu.dma_semaphore, #tpu.memory_space<semaphore_mem>>
          %dma_wait3A_312 = arith.constant 0 : i32
          %dma_wait3A_313 = arith.constant 0 : i32
          %dma_wait3A_314 = tpu.memref_slice %arg7[%rem3A_289, %dma_wait3A_312, %dma_wait3A_313] : memref<2x16x128xi32, #tpu.memory_space<vmem>> -> memref<1x16x128xi32, #tpu.memory_space<vmem>>
          %dma_wait3A_315 = tpu.memref_squeeze %dma_wait3A_314 : memref<1x16x128xi32, #tpu.memory_space<vmem>> -> memref<16x128xi32, #tpu.memory_space<vmem>>
          %dma_wait3A_316 = arith.constant 0 : i32
          %dma_wait3A_317 = tpu.memref_slice %arg3[%add3A_38, %dma_wait3A_316] : memref<2560x128xi32, #tpu.memory_space<hbm>> -> memref<16x128xi32, #tpu.memory_space<hbm>>
          tpu.wait_dma2 semaphore(%dma_wait3A_311 : memref<!tpu.dma_semaphore, #tpu.memory_space<semaphore_mem>>) src(%dma_wait3A_317 : memref<16x128xi32, #tpu.memory_space<hbm>>) dst(%dma_wait3A_315 : memref<16x128xi32, #tpu.memory_space<vmem>>)
        } else {
        }
        %add3A_240 = arith.constant 1 : i32
        %add3A_241 = arith.addi %scan3A_160, %add3A_240 : i32
        %jit3A_242 = arith.constant 16 : i32
        %div3A_243 = arith.divsi %add3A_241, %jit3A_242 : i32
        %sign3A_244 = arith.constant 0 : i32
        %sign3A_245 = arith.cmpi sgt, %add3A_241, %sign3A_244 : i32
        %sign3A_246 = arith.extui %sign3A_245 : i1 to i32
        %sign3A_247 = arith.constant 0 : i32
        %sign3A_248 = arith.cmpi slt, %add3A_241, %sign3A_247 : i32
        %sign3A_249 = arith.extui %sign3A_248 : i1 to i32
        %sign3A_250 = arith.subi %sign3A_246, %sign3A_249 : i32
        %sign3A_251 = arith.constant 0 : i32
        %sign3A_252 = arith.cmpi sgt, %jit3A_242, %sign3A_251 : i32
        %sign3A_253 = arith.extui %sign3A_252 : i1 to i32
        %sign3A_254 = arith.constant 0 : i32
        %sign3A_255 = arith.cmpi slt, %jit3A_242, %sign3A_254 : i32
        %sign3A_256 = arith.extui %sign3A_255 : i1 to i32
        %sign3A_257 = arith.subi %sign3A_253, %sign3A_256 : i32
        %ne3A_258 = arith.cmpi ne, %sign3A_250, %sign3A_257 : i32
        %rem3A_259 = arith.remsi %add3A_241, %jit3A_242 : i32
        %ne3A_260 = arith.constant 0 : i32
        %ne3A_261 = arith.cmpi ne, %rem3A_259, %ne3A_260 : i32
        %and3A_262 = arith.andi %ne3A_258, %ne3A_261 : i1
        %sub3A_263 = arith.constant 1 : i32
        %sub3A_264 = arith.subi %div3A_243, %sub3A_263 : i32
        %select_n3A_265 = arith.select %and3A_262, %sub3A_264, %div3A_243 : i32
        %rem3A_266 = arith.constant 2 : i32
        %rem3A_267 = arith.remsi %select_n3A_265, %rem3A_266 : i32
        %rem3A_268 = arith.constant 16 : i32
        %rem3A_269 = arith.remsi %add3A_241, %rem3A_268 : i32
        %rem3A_270 = arith.constant 2 : i32
        %rem3A_271 = arith.remsi %add3A_241, %rem3A_270 : i32
        %rem3A_272 = arith.constant 2 : i32
        %rem3A_273 = arith.remsi %add3A_241, %rem3A_272 : i32
        %dma_start3A_274 = arith.constant 0 : i32
        %dma_start3A_275 = arith.constant 0 : i32
        %dma_start3A_276 = tpu.memref_slice %arg8[%rem3A_271, %dma_start3A_274, %dma_start3A_275] : memref<2x128x128xf32, #tpu.memory_space<vmem>> -> memref<1x128x128xf32, #tpu.memory_space<vmem>>
        %dma_start3A_277 = tpu.memref_squeeze %dma_start3A_276 : memref<1x128x128xf32, #tpu.memory_space<vmem>> -> memref<128x128xf32, #tpu.memory_space<vmem>>
        %dma_start3A_278 = arith.constant 0 : i32
        %dma_start3A_279 = tpu.memref_slice %arg6[%rem3A_267, %rem3A_269, %dma_start3A_278] : memref<2x16x128xi32, #tpu.memory_space<vmem>> -> memref<1x1x128xi32, #tpu.memory_space<vmem>>
        %dma_start3A_280 = tpu.memref_squeeze %dma_start3A_279 : memref<1x1x128xi32, #tpu.memory_space<vmem>> -> memref<128xi32, #tpu.memory_space<vmem>>
        %dma_start3A_281 = arith.constant 0 : i32
        %dma_start3A_282 = arith.constant 0 : i32
        %dma_start3A_283 = tpu.memref_slice %arg4[%dma_start3A_281, %dma_start3A_282] : memref<10240x128xf32, #tpu.memory_space<hbm>> -> memref<10240x128xf32, #tpu.memory_space<hbm>>
        %dma_start3A_284 = tpu.memref_slice %arg10[%rem3A_273] : memref<2x!tpu.dma_semaphore, #tpu.memory_space<semaphore_mem>> -> memref<1x!tpu.dma_semaphore, #tpu.memory_space<semaphore_mem>>
        %dma_start3A_285 = tpu.memref_squeeze %dma_start3A_284 : memref<1x!tpu.dma_semaphore, #tpu.memory_space<semaphore_mem>> -> memref<!tpu.dma_semaphore, #tpu.memory_space<semaphore_mem>>
        tpu.enqueue_indirect_dma source(%dma_start3A_283 : memref<10240x128xf32, #tpu.memory_space<hbm>>) target(%dma_start3A_277 : memref<128x128xf32, #tpu.memory_space<vmem>>) offsets(%dma_start3A_280 : memref<128xi32, #tpu.memory_space<vmem>>) semaphore(%dma_start3A_285 : memref<!tpu.dma_semaphore, #tpu.memory_space<semaphore_mem>>)
      } else {
      }
      %dma_wait3A_200 = arith.constant 0 : i32
      %dma_wait3A_201 = arith.constant 0 : i32
      %dma_wait3A_202 = arith.constant 0 : i32
      %dma_wait3A_203 = arith.constant 0 : i32
      %dma_wait3A_204 = tpu.memref_slice %arg8[%rem3A_163, %dma_wait3A_202, %dma_wait3A_203] : memref<2x128x128xf32, #tpu.memory_space<vmem>> -> memref<1x128x128xf32, #tpu.memory_space<vmem>>
      %dma_wait3A_205 = tpu.memref_squeeze %dma_wait3A_204 : memref<1x128x128xf32, #tpu.memory_space<vmem>> -> memref<128x128xf32, #tpu.memory_space<vmem>>
      %dma_wait3A_206 = arith.constant 0 : i32
      %dma_wait3A_207 = tpu.memref_slice %arg6[%dma_wait3A_200, %dma_wait3A_201, %dma_wait3A_206] : memref<2x16x128xi32, #tpu.memory_space<vmem>> -> memref<1x1x128xi32, #tpu.memory_space<vmem>>
      %dma_wait3A_208 = tpu.memref_squeeze %dma_wait3A_207 : memref<1x1x128xi32, #tpu.memory_space<vmem>> -> memref<128xi32, #tpu.memory_space<vmem>>
      %dma_wait3A_209 = arith.constant 0 : i32
      %dma_wait3A_210 = arith.constant 0 : i32
      %dma_wait3A_211 = tpu.memref_slice %arg4[%dma_wait3A_209, %dma_wait3A_210] : memref<10240x128xf32, #tpu.memory_space<hbm>> -> memref<10240x128xf32, #tpu.memory_space<hbm>>
      %dma_wait3A_212 = tpu.memref_slice %arg10[%rem3A_163] : memref<2x!tpu.dma_semaphore, #tpu.memory_space<semaphore_mem>> -> memref<1x!tpu.dma_semaphore, #tpu.memory_space<semaphore_mem>>
      %dma_wait3A_213 = tpu.memref_squeeze %dma_wait3A_212 : memref<1x!tpu.dma_semaphore, #tpu.memory_space<semaphore_mem>> -> memref<!tpu.dma_semaphore, #tpu.memory_space<semaphore_mem>>
      tpu.wait_indirect_dma semaphore(%dma_wait3A_213 : memref<!tpu.dma_semaphore, #tpu.memory_space<semaphore_mem>>) src(%dma_wait3A_211 : memref<10240x128xf32, #tpu.memory_space<hbm>>) dst(%dma_wait3A_205 : memref<128x128xf32, #tpu.memory_space<vmem>>)
      %rem3A_214 = arith.constant 2 : i32
      %rem3A_215 = arith.remsi %select_n3A, %rem3A_214 : i32
      %rem3A_216 = arith.constant 16 : i32
      %rem3A_217 = arith.remsi %scan3A_160, %rem3A_216 : i32
      %dma_start3A_218 = arith.constant 0 : i32
      %dma_start3A_219 = arith.constant 0 : i32
      %dma_start3A_220 = tpu.memref_slice %arg8[%rem3A_163, %dma_start3A_218, %dma_start3A_219] : memref<2x128x128xf32, #tpu.memory_space<vmem>> -> memref<1x128x128xf32, #tpu.memory_space<vmem>>
      %dma_start3A_221 = tpu.memref_squeeze %dma_start3A_220 : memref<1x128x128xf32, #tpu.memory_space<vmem>> -> memref<128x128xf32, #tpu.memory_space<vmem>>
      %dma_start3A_222 = arith.constant 0 : i32
      %dma_start3A_223 = tpu.memref_slice %arg7[%rem3A_215, %rem3A_217, %dma_start3A_222] : memref<2x16x128xi32, #tpu.memory_space<vmem>> -> memref<1x1x128xi32, #tpu.memory_space<vmem>>
      %dma_start3A_224 = tpu.memref_squeeze %dma_start3A_223 : memref<1x1x128xi32, #tpu.memory_space<vmem>> -> memref<128xi32, #tpu.memory_space<vmem>>
      %dma_start3A_225 = arith.constant 0 : i32
      %dma_start3A_226 = arith.constant 0 : i32
      %dma_start3A_227 = tpu.memref_slice %arg9[%dma_start3A_225, %dma_start3A_226] : memref<10240x128xf32, #tpu.memory_space<vmem_shared>> -> memref<10240x128xf32, #tpu.memory_space<vmem_shared>>
      %dma_start3A_228 = tpu.memref_slice %arg11[%rem3A_163] : memref<2x!tpu.dma_semaphore, #tpu.memory_space<semaphore_mem>> -> memref<1x!tpu.dma_semaphore, #tpu.memory_space<semaphore_mem>>
      %dma_start3A_229 = tpu.memref_squeeze %dma_start3A_228 : memref<1x!tpu.dma_semaphore, #tpu.memory_space<semaphore_mem>> -> memref<!tpu.dma_semaphore, #tpu.memory_space<semaphore_mem>>
      tpu.enqueue_indirect_dma source(%dma_start3A_221 : memref<128x128xf32, #tpu.memory_space<vmem>>) target(%dma_start3A_227 : memref<10240x128xf32, #tpu.memory_space<vmem_shared>>) offsets(%dma_start3A_224 : memref<128xi32, #tpu.memory_space<vmem>>) semaphore(%dma_start3A_229 : memref<!tpu.dma_semaphore, #tpu.memory_space<semaphore_mem>>) {add = true}
      %scan3A_230 = arith.constant 0 : i32
      scf.yield %scan3A_230 : i32
    }
    %scan3A_134 = arith.constant 80 : i32
    %rem3A_135 = arith.constant 79 : i32
    %rem3A_136 = arith.constant 2 : i32
    %rem3A_137 = arith.remsi %rem3A_135, %rem3A_136 : i32
    %rem3A_138 = arith.constant 79 : i32
    %rem3A_139 = arith.constant 2 : i32
    %rem3A_140 = arith.remsi %rem3A_138, %rem3A_139 : i32
    %dma_wait3A_141 = arith.constant 0 : i32
    %dma_wait3A_142 = arith.constant 0 : i32
    %dma_wait3A_143 = arith.constant 0 : i32
    %dma_wait3A_144 = arith.constant 0 : i32
    %dma_wait3A_145 = tpu.memref_slice %arg8[%rem3A_137, %dma_wait3A_143, %dma_wait3A_144] : memref<2x128x128xf32, #tpu.memory_space<vmem>> -> memref<1x128x128xf32, #tpu.memory_space<vmem>>
    %dma_wait3A_146 = tpu.memref_squeeze %dma_wait3A_145 : memref<1x128x128xf32, #tpu.memory_space<vmem>> -> memref<128x128xf32, #tpu.memory_space<vmem>>
    %dma_wait3A_147 = arith.constant 0 : i32
    %dma_wait3A_148 = tpu.memref_slice %arg7[%dma_wait3A_141, %dma_wait3A_142, %dma_wait3A_147] : memref<2x16x128xi32, #tpu.memory_space<vmem>> -> memref<1x1x128xi32, #tpu.memory_space<vmem>>
    %dma_wait3A_149 = tpu.memref_squeeze %dma_wait3A_148 : memref<1x1x128xi32, #tpu.memory_space<vmem>> -> memref<128xi32, #tpu.memory_space<vmem>>
    %dma_wait3A_150 = arith.constant 0 : i32
    %dma_wait3A_151 = arith.constant 0 : i32
    %dma_wait3A_152 = tpu.memref_slice %arg9[%dma_wait3A_150, %dma_wait3A_151] : memref<10240x128xf32, #tpu.memory_space<vmem_shared>> -> memref<10240x128xf32, #tpu.memory_space<vmem_shared>>
    %dma_wait3A_153 = tpu.memref_slice %arg11[%rem3A_140] : memref<2x!tpu.dma_semaphore, #tpu.memory_space<semaphore_mem>> -> memref<1x!tpu.dma_semaphore, #tpu.memory_space<semaphore_mem>>
    %dma_wait3A_154 = tpu.memref_squeeze %dma_wait3A_153 : memref<1x!tpu.dma_semaphore, #tpu.memory_space<semaphore_mem>> -> memref<!tpu.dma_semaphore, #tpu.memory_space<semaphore_mem>>
    tpu.wait_indirect_dma semaphore(%dma_wait3A_154 : memref<!tpu.dma_semaphore, #tpu.memory_space<semaphore_mem>>) src(%dma_wait3A_146 : memref<128x128xf32, #tpu.memory_space<vmem>>) dst(%dma_wait3A_152 : memref<10240x128xf32, #tpu.memory_space<vmem_shared>>)
    %barrier3A_155 = arith.constant 0 : index
    tpu.barrier barrier_id(%barrier3A_155)
    %mul3A_156 = arith.constant 640 : i32
    %mul3A_157 = arith.muli %arg1, %mul3A_156 : i32
    %mul3A_158 = arith.constant 640 : i32
    %mul3A_159 = arith.muli %arg1, %mul3A_158 : i32
    "tpu.region"() ({
      %run_scoped3A_160 = tpu.sem_alloc : memref<!tpu.dma_semaphore, #tpu.memory_space<semaphore_mem>>
      %dma_start3A_161 = arith.constant 0 : i32
      %dma_start3A_162 = tpu.memref_slice %arg5[%arg0, %mul3A_159, %dma_start3A_161] : memref<2x10240x128xf32, #tpu.memory_space<hbm>> -> memref<1x640x128xf32, #tpu.memory_space<hbm>>
      %dma_start3A_163 = tpu.memref_squeeze %dma_start3A_162 : memref<1x640x128xf32, #tpu.memory_space<hbm>> -> memref<640x128xf32, #tpu.memory_space<hbm>>
      %dma_start3A_164 = arith.constant 0 : i32
      %dma_start3A_165 = tpu.memref_slice %arg9[%mul3A_157, %dma_start3A_164] : memref<10240x128xf32, #tpu.memory_space<vmem_shared>> -> memref<640x128xf32, #tpu.memory_space<vmem_shared>>
      tpu.enqueue_dma source(%dma_start3A_165 : memref<640x128xf32, #tpu.memory_space<vmem_shared>>) target(%dma_start3A_163 : memref<640x128xf32, #tpu.memory_space<hbm>>) target_semaphore(%run_scoped3A_160 : memref<!tpu.dma_semaphore, #tpu.memory_space<semaphore_mem>>)
      %dma_wait3A_166 = arith.constant 0 : i32
      %dma_wait3A_167 = tpu.memref_slice %arg5[%arg0, %mul3A_159, %dma_wait3A_166] : memref<2x10240x128xf32, #tpu.memory_space<hbm>> -> memref<1x640x128xf32, #tpu.memory_space<hbm>>
      %dma_wait3A_168 = tpu.memref_squeeze %dma_wait3A_167 : memref<1x640x128xf32, #tpu.memory_space<hbm>> -> memref<640x128xf32, #tpu.memory_space<hbm>>
      %dma_wait3A_169 = arith.constant 0 : i32
      %dma_wait3A_170 = tpu.memref_slice %arg9[%mul3A_157, %dma_wait3A_169] : memref<10240x128xf32, #tpu.memory_space<vmem_shared>> -> memref<640x128xf32, #tpu.memory_space<vmem_shared>>
      tpu.wait_dma2 semaphore(%run_scoped3A_160 : memref<!tpu.dma_semaphore, #tpu.memory_space<semaphore_mem>>) src(%dma_wait3A_170 : memref<640x128xf32, #tpu.memory_space<vmem_shared>>) dst(%dma_wait3A_168 : memref<640x128xf32, #tpu.memory_space<hbm>>)
      tpu.yield
    }) : () -> ()
    return
  }
}

#map = affine_map<(d0, d1) -> (0, 0)>
#map1 = affine_map<(d0, d1) -> (0)>
module attributes {stable_mosaic.version = 14 : i64} {
  func.func @deg_kernel(%arg0: i32, %arg1: i32, %arg2: memref<2560x128xi32, #tpu.memory_space<hbm>>, %arg3: memref<20480xf32, #tpu.memory_space<hbm>>, %arg4: memref<80x128xi32, #tpu.memory_space<vmem>>, %arg5: memref<1x128xf32, #tpu.memory_space<vmem>>, %arg6: memref<640xf32, #tpu.memory_space<vmem>>, %arg7: memref<10240xf32, #tpu.memory_space<vmem_shared>>) attributes {dimension_semantics = [#tpu.dimension_semantics<core_parallel>, #tpu.dimension_semantics<subcore_parallel>], iteration_bounds = array<i64: 2, 16>, scalar_prefetch = 0 : i64, scratch_operands = 4 : i64, tpu.core_type = #tpu.core_type<sc_vector_subcore>, window_params = [{transform_indices = #map}, {transform_indices = #map1}]} {
    %broadcast_in_dim3A = arith.constant 0.000000e+00 : f32
    %broadcast_in_dim3A_0 = vector.broadcast %broadcast_in_dim3A : f32 to vector<16xf32>
    %broadcast_in_dim3A_1 = arith.constant 1.000000e+00 : f32
    %broadcast_in_dim3A_2 = vector.broadcast %broadcast_in_dim3A_1 : f32 to vector<16xf32>
    %swap3A = arith.constant 0 : index
    %swap3A_3 = tpu.vector_load %arg6[%swap3A] {strides = array<i32>} : memref<640xf32, #tpu.memory_space<vmem>>, vector<16xf32>,
    %swap3A_4 = vector.shape_cast %swap3A_3 : vector<16xf32> to vector<16xf32>
    %swap3A_5 = vector.shape_cast %broadcast_in_dim3A_0 : vector<16xf32> to vector<16xf32>
    tpu.vector_store %arg6[%swap3A], %swap3A_5 {strides = array<i32>} : memref<640xf32, #tpu.memory_space<vmem>>, vector<16xf32>,
    %swap3A_6 = arith.constant 16 : index
    %swap3A_7 = tpu.vector_load %arg6[%swap3A_6] {strides = array<i32>} : memref<640xf32, #tpu.memory_space<vmem>>, vector<16xf32>,
    %swap3A_8 = vector.shape_cast %swap3A_7 : vector<16xf32> to vector<16xf32>
    %swap3A_9 = vector.shape_cast %broadcast_in_dim3A_0 : vector<16xf32> to vector<16xf32>
    tpu.vector_store %arg6[%swap3A_6], %swap3A_9 {strides = array<i32>} : memref<640xf32, #tpu.memory_space<vmem>>, vector<16xf32>,
    %swap3A_10 = arith.constant 32 : index
    %swap3A_11 = tpu.vector_load %arg6[%swap3A_10] {strides = array<i32>} : memref<640xf32, #tpu.memory_space<vmem>>, vector<16xf32>,
    %swap3A_12 = vector.shape_cast %swap3A_11 : vector<16xf32> to vector<16xf32>
    %swap3A_13 = vector.shape_cast %broadcast_in_dim3A_0 : vector<16xf32> to vector<16xf32>
    tpu.vector_store %arg6[%swap3A_10], %swap3A_13 {strides = array<i32>} : memref<640xf32, #tpu.memory_space<vmem>>, vector<16xf32>,
    %swap3A_14 = arith.constant 48 : index
    %swap3A_15 = tpu.vector_load %arg6[%swap3A_14] {strides = array<i32>} : memref<640xf32, #tpu.memory_space<vmem>>, vector<16xf32>,
    %swap3A_16 = vector.shape_cast %swap3A_15 : vector<16xf32> to vector<16xf32>
    %swap3A_17 = vector.shape_cast %broadcast_in_dim3A_0 : vector<16xf32> to vector<16xf32>
    tpu.vector_store %arg6[%swap3A_14], %swap3A_17 {strides = array<i32>} : memref<640xf32, #tpu.memory_space<vmem>>, vector<16xf32>,
    %swap3A_18 = arith.constant 64 : index
    %swap3A_19 = tpu.vector_load %arg6[%swap3A_18] {strides = array<i32>} : memref<640xf32, #tpu.memory_space<vmem>>, vector<16xf32>,
    %swap3A_20 = vector.shape_cast %swap3A_19 : vector<16xf32> to vector<16xf32>
    %swap3A_21 = vector.shape_cast %broadcast_in_dim3A_0 : vector<16xf32> to vector<16xf32>
    tpu.vector_store %arg6[%swap3A_18], %swap3A_21 {strides = array<i32>} : memref<640xf32, #tpu.memory_space<vmem>>, vector<16xf32>,
    %swap3A_22 = arith.constant 80 : index
    %swap3A_23 = tpu.vector_load %arg6[%swap3A_22] {strides = array<i32>} : memref<640xf32, #tpu.memory_space<vmem>>, vector<16xf32>,
    %swap3A_24 = vector.shape_cast %swap3A_23 : vector<16xf32> to vector<16xf32>
    %swap3A_25 = vector.shape_cast %broadcast_in_dim3A_0 : vector<16xf32> to vector<16xf32>
    tpu.vector_store %arg6[%swap3A_22], %swap3A_25 {strides = array<i32>} : memref<640xf32, #tpu.memory_space<vmem>>, vector<16xf32>,
    %swap3A_26 = arith.constant 96 : index
    %swap3A_27 = tpu.vector_load %arg6[%swap3A_26] {strides = array<i32>} : memref<640xf32, #tpu.memory_space<vmem>>, vector<16xf32>,
    %swap3A_28 = vector.shape_cast %swap3A_27 : vector<16xf32> to vector<16xf32>
    %swap3A_29 = vector.shape_cast %broadcast_in_dim3A_0 : vector<16xf32> to vector<16xf32>
    tpu.vector_store %arg6[%swap3A_26], %swap3A_29 {strides = array<i32>} : memref<640xf32, #tpu.memory_space<vmem>>, vector<16xf32>,
    %swap3A_30 = arith.constant 112 : index
    %swap3A_31 = tpu.vector_load %arg6[%swap3A_30] {strides = array<i32>} : memref<640xf32, #tpu.memory_space<vmem>>, vector<16xf32>,
    %swap3A_32 = vector.shape_cast %swap3A_31 : vector<16xf32> to vector<16xf32>
    %swap3A_33 = vector.shape_cast %broadcast_in_dim3A_0 : vector<16xf32> to vector<16xf32>
    tpu.vector_store %arg6[%swap3A_30], %swap3A_33 {strides = array<i32>} : memref<640xf32, #tpu.memory_space<vmem>>, vector<16xf32>,
    %swap3A_34 = arith.constant 128 : index
    %swap3A_35 = tpu.vector_load %arg6[%swap3A_34] {strides = array<i32>} : memref<640xf32, #tpu.memory_space<vmem>>, vector<16xf32>,
    %swap3A_36 = vector.shape_cast %swap3A_35 : vector<16xf32> to vector<16xf32>
    %swap3A_37 = vector.shape_cast %broadcast_in_dim3A_0 : vector<16xf32> to vector<16xf32>
    tpu.vector_store %arg6[%swap3A_34], %swap3A_37 {strides = array<i32>} : memref<640xf32, #tpu.memory_space<vmem>>, vector<16xf32>,
    %swap3A_38 = arith.constant 144 : index
    %swap3A_39 = tpu.vector_load %arg6[%swap3A_38] {strides = array<i32>} : memref<640xf32, #tpu.memory_space<vmem>>, vector<16xf32>,
    %swap3A_40 = vector.shape_cast %swap3A_39 : vector<16xf32> to vector<16xf32>
    %swap3A_41 = vector.shape_cast %broadcast_in_dim3A_0 : vector<16xf32> to vector<16xf32>
    tpu.vector_store %arg6[%swap3A_38], %swap3A_41 {strides = array<i32>} : memref<640xf32, #tpu.memory_space<vmem>>, vector<16xf32>,
    %swap3A_42 = arith.constant 160 : index
    %swap3A_43 = tpu.vector_load %arg6[%swap3A_42] {strides = array<i32>} : memref<640xf32, #tpu.memory_space<vmem>>, vector<16xf32>,
    %swap3A_44 = vector.shape_cast %swap3A_43 : vector<16xf32> to vector<16xf32>
    %swap3A_45 = vector.shape_cast %broadcast_in_dim3A_0 : vector<16xf32> to vector<16xf32>
    tpu.vector_store %arg6[%swap3A_42], %swap3A_45 {strides = array<i32>} : memref<640xf32, #tpu.memory_space<vmem>>, vector<16xf32>,
    %swap3A_46 = arith.constant 176 : index
    %swap3A_47 = tpu.vector_load %arg6[%swap3A_46] {strides = array<i32>} : memref<640xf32, #tpu.memory_space<vmem>>, vector<16xf32>,
    %swap3A_48 = vector.shape_cast %swap3A_47 : vector<16xf32> to vector<16xf32>
    %swap3A_49 = vector.shape_cast %broadcast_in_dim3A_0 : vector<16xf32> to vector<16xf32>
    tpu.vector_store %arg6[%swap3A_46], %swap3A_49 {strides = array<i32>} : memref<640xf32, #tpu.memory_space<vmem>>, vector<16xf32>,
    %swap3A_50 = arith.constant 192 : index
    %swap3A_51 = tpu.vector_load %arg6[%swap3A_50] {strides = array<i32>} : memref<640xf32, #tpu.memory_space<vmem>>, vector<16xf32>,
    %swap3A_52 = vector.shape_cast %swap3A_51 : vector<16xf32> to vector<16xf32>
    %swap3A_53 = vector.shape_cast %broadcast_in_dim3A_0 : vector<16xf32> to vector<16xf32>
    tpu.vector_store %arg6[%swap3A_50], %swap3A_53 {strides = array<i32>} : memref<640xf32, #tpu.memory_space<vmem>>, vector<16xf32>,
    %swap3A_54 = arith.constant 208 : index
    %swap3A_55 = tpu.vector_load %arg6[%swap3A_54] {strides = array<i32>} : memref<640xf32, #tpu.memory_space<vmem>>, vector<16xf32>,
    %swap3A_56 = vector.shape_cast %swap3A_55 : vector<16xf32> to vector<16xf32>
    %swap3A_57 = vector.shape_cast %broadcast_in_dim3A_0 : vector<16xf32> to vector<16xf32>
    tpu.vector_store %arg6[%swap3A_54], %swap3A_57 {strides = array<i32>} : memref<640xf32, #tpu.memory_space<vmem>>, vector<16xf32>,
    %swap3A_58 = arith.constant 224 : index
    %swap3A_59 = tpu.vector_load %arg6[%swap3A_58] {strides = array<i32>} : memref<640xf32, #tpu.memory_space<vmem>>, vector<16xf32>,
    %swap3A_60 = vector.shape_cast %swap3A_59 : vector<16xf32> to vector<16xf32>
    %swap3A_61 = vector.shape_cast %broadcast_in_dim3A_0 : vector<16xf32> to vector<16xf32>
    tpu.vector_store %arg6[%swap3A_58], %swap3A_61 {strides = array<i32>} : memref<640xf32, #tpu.memory_space<vmem>>, vector<16xf32>,
    %swap3A_62 = arith.constant 240 : index
    %swap3A_63 = tpu.vector_load %arg6[%swap3A_62] {strides = array<i32>} : memref<640xf32, #tpu.memory_space<vmem>>, vector<16xf32>,
    %swap3A_64 = vector.shape_cast %swap3A_63 : vector<16xf32> to vector<16xf32>
    %swap3A_65 = vector.shape_cast %broadcast_in_dim3A_0 : vector<16xf32> to vector<16xf32>
    tpu.vector_store %arg6[%swap3A_62], %swap3A_65 {strides = array<i32>} : memref<640xf32, #tpu.memory_space<vmem>>, vector<16xf32>,
    %swap3A_66 = arith.constant 256 : index
    %swap3A_67 = tpu.vector_load %arg6[%swap3A_66] {strides = array<i32>} : memref<640xf32, #tpu.memory_space<vmem>>, vector<16xf32>,
    %swap3A_68 = vector.shape_cast %swap3A_67 : vector<16xf32> to vector<16xf32>
    %swap3A_69 = vector.shape_cast %broadcast_in_dim3A_0 : vector<16xf32> to vector<16xf32>
    tpu.vector_store %arg6[%swap3A_66], %swap3A_69 {strides = array<i32>} : memref<640xf32, #tpu.memory_space<vmem>>, vector<16xf32>,
    %swap3A_70 = arith.constant 272 : index
    %swap3A_71 = tpu.vector_load %arg6[%swap3A_70] {strides = array<i32>} : memref<640xf32, #tpu.memory_space<vmem>>, vector<16xf32>,
    %swap3A_72 = vector.shape_cast %swap3A_71 : vector<16xf32> to vector<16xf32>
    %swap3A_73 = vector.shape_cast %broadcast_in_dim3A_0 : vector<16xf32> to vector<16xf32>
    tpu.vector_store %arg6[%swap3A_70], %swap3A_73 {strides = array<i32>} : memref<640xf32, #tpu.memory_space<vmem>>, vector<16xf32>,
    %swap3A_74 = arith.constant 288 : index
    %swap3A_75 = tpu.vector_load %arg6[%swap3A_74] {strides = array<i32>} : memref<640xf32, #tpu.memory_space<vmem>>, vector<16xf32>,
    %swap3A_76 = vector.shape_cast %swap3A_75 : vector<16xf32> to vector<16xf32>
    %swap3A_77 = vector.shape_cast %broadcast_in_dim3A_0 : vector<16xf32> to vector<16xf32>
    tpu.vector_store %arg6[%swap3A_74], %swap3A_77 {strides = array<i32>} : memref<640xf32, #tpu.memory_space<vmem>>, vector<16xf32>,
    %swap3A_78 = arith.constant 304 : index
    %swap3A_79 = tpu.vector_load %arg6[%swap3A_78] {strides = array<i32>} : memref<640xf32, #tpu.memory_space<vmem>>, vector<16xf32>,
    %swap3A_80 = vector.shape_cast %swap3A_79 : vector<16xf32> to vector<16xf32>
    %swap3A_81 = vector.shape_cast %broadcast_in_dim3A_0 : vector<16xf32> to vector<16xf32>
    tpu.vector_store %arg6[%swap3A_78], %swap3A_81 {strides = array<i32>} : memref<640xf32, #tpu.memory_space<vmem>>, vector<16xf32>,
    %swap3A_82 = arith.constant 320 : index
    %swap3A_83 = tpu.vector_load %arg6[%swap3A_82] {strides = array<i32>} : memref<640xf32, #tpu.memory_space<vmem>>, vector<16xf32>,
    %swap3A_84 = vector.shape_cast %swap3A_83 : vector<16xf32> to vector<16xf32>
    %swap3A_85 = vector.shape_cast %broadcast_in_dim3A_0 : vector<16xf32> to vector<16xf32>
    tpu.vector_store %arg6[%swap3A_82], %swap3A_85 {strides = array<i32>} : memref<640xf32, #tpu.memory_space<vmem>>, vector<16xf32>,
    %swap3A_86 = arith.constant 336 : index
    %swap3A_87 = tpu.vector_load %arg6[%swap3A_86] {strides = array<i32>} : memref<640xf32, #tpu.memory_space<vmem>>, vector<16xf32>,
    %swap3A_88 = vector.shape_cast %swap3A_87 : vector<16xf32> to vector<16xf32>
    %swap3A_89 = vector.shape_cast %broadcast_in_dim3A_0 : vector<16xf32> to vector<16xf32>
    tpu.vector_store %arg6[%swap3A_86], %swap3A_89 {strides = array<i32>} : memref<640xf32, #tpu.memory_space<vmem>>, vector<16xf32>,
    %swap3A_90 = arith.constant 352 : index
    %swap3A_91 = tpu.vector_load %arg6[%swap3A_90] {strides = array<i32>} : memref<640xf32, #tpu.memory_space<vmem>>, vector<16xf32>,
    %swap3A_92 = vector.shape_cast %swap3A_91 : vector<16xf32> to vector<16xf32>
    %swap3A_93 = vector.shape_cast %broadcast_in_dim3A_0 : vector<16xf32> to vector<16xf32>
    tpu.vector_store %arg6[%swap3A_90], %swap3A_93 {strides = array<i32>} : memref<640xf32, #tpu.memory_space<vmem>>, vector<16xf32>,
    %swap3A_94 = arith.constant 368 : index
    %swap3A_95 = tpu.vector_load %arg6[%swap3A_94] {strides = array<i32>} : memref<640xf32, #tpu.memory_space<vmem>>, vector<16xf32>,
    %swap3A_96 = vector.shape_cast %swap3A_95 : vector<16xf32> to vector<16xf32>
    %swap3A_97 = vector.shape_cast %broadcast_in_dim3A_0 : vector<16xf32> to vector<16xf32>
    tpu.vector_store %arg6[%swap3A_94], %swap3A_97 {strides = array<i32>} : memref<640xf32, #tpu.memory_space<vmem>>, vector<16xf32>,
    %swap3A_98 = arith.constant 384 : index
    %swap3A_99 = tpu.vector_load %arg6[%swap3A_98] {strides = array<i32>} : memref<640xf32, #tpu.memory_space<vmem>>, vector<16xf32>,
    %swap3A_100 = vector.shape_cast %swap3A_99 : vector<16xf32> to vector<16xf32>
    %swap3A_101 = vector.shape_cast %broadcast_in_dim3A_0 : vector<16xf32> to vector<16xf32>
    tpu.vector_store %arg6[%swap3A_98], %swap3A_101 {strides = array<i32>} : memref<640xf32, #tpu.memory_space<vmem>>, vector<16xf32>,
    %swap3A_102 = arith.constant 400 : index
    %swap3A_103 = tpu.vector_load %arg6[%swap3A_102] {strides = array<i32>} : memref<640xf32, #tpu.memory_space<vmem>>, vector<16xf32>,
    %swap3A_104 = vector.shape_cast %swap3A_103 : vector<16xf32> to vector<16xf32>
    %swap3A_105 = vector.shape_cast %broadcast_in_dim3A_0 : vector<16xf32> to vector<16xf32>
    tpu.vector_store %arg6[%swap3A_102], %swap3A_105 {strides = array<i32>} : memref<640xf32, #tpu.memory_space<vmem>>, vector<16xf32>,
    %swap3A_106 = arith.constant 416 : index
    %swap3A_107 = tpu.vector_load %arg6[%swap3A_106] {strides = array<i32>} : memref<640xf32, #tpu.memory_space<vmem>>, vector<16xf32>,
    %swap3A_108 = vector.shape_cast %swap3A_107 : vector<16xf32> to vector<16xf32>
    %swap3A_109 = vector.shape_cast %broadcast_in_dim3A_0 : vector<16xf32> to vector<16xf32>
    tpu.vector_store %arg6[%swap3A_106], %swap3A_109 {strides = array<i32>} : memref<640xf32, #tpu.memory_space<vmem>>, vector<16xf32>,
    %swap3A_110 = arith.constant 432 : index
    %swap3A_111 = tpu.vector_load %arg6[%swap3A_110] {strides = array<i32>} : memref<640xf32, #tpu.memory_space<vmem>>, vector<16xf32>,
    %swap3A_112 = vector.shape_cast %swap3A_111 : vector<16xf32> to vector<16xf32>
    %swap3A_113 = vector.shape_cast %broadcast_in_dim3A_0 : vector<16xf32> to vector<16xf32>
    tpu.vector_store %arg6[%swap3A_110], %swap3A_113 {strides = array<i32>} : memref<640xf32, #tpu.memory_space<vmem>>, vector<16xf32>,
    %swap3A_114 = arith.constant 448 : index
    %swap3A_115 = tpu.vector_load %arg6[%swap3A_114] {strides = array<i32>} : memref<640xf32, #tpu.memory_space<vmem>>, vector<16xf32>,
    %swap3A_116 = vector.shape_cast %swap3A_115 : vector<16xf32> to vector<16xf32>
    %swap3A_117 = vector.shape_cast %broadcast_in_dim3A_0 : vector<16xf32> to vector<16xf32>
    tpu.vector_store %arg6[%swap3A_114], %swap3A_117 {strides = array<i32>} : memref<640xf32, #tpu.memory_space<vmem>>, vector<16xf32>,
    %swap3A_118 = arith.constant 464 : index
    %swap3A_119 = tpu.vector_load %arg6[%swap3A_118] {strides = array<i32>} : memref<640xf32, #tpu.memory_space<vmem>>, vector<16xf32>,
    %swap3A_120 = vector.shape_cast %swap3A_119 : vector<16xf32> to vector<16xf32>
    %swap3A_121 = vector.shape_cast %broadcast_in_dim3A_0 : vector<16xf32> to vector<16xf32>
    tpu.vector_store %arg6[%swap3A_118], %swap3A_121 {strides = array<i32>} : memref<640xf32, #tpu.memory_space<vmem>>, vector<16xf32>,
    %swap3A_122 = arith.constant 480 : index
    %swap3A_123 = tpu.vector_load %arg6[%swap3A_122] {strides = array<i32>} : memref<640xf32, #tpu.memory_space<vmem>>, vector<16xf32>,
    %swap3A_124 = vector.shape_cast %swap3A_123 : vector<16xf32> to vector<16xf32>
    %swap3A_125 = vector.shape_cast %broadcast_in_dim3A_0 : vector<16xf32> to vector<16xf32>
    tpu.vector_store %arg6[%swap3A_122], %swap3A_125 {strides = array<i32>} : memref<640xf32, #tpu.memory_space<vmem>>, vector<16xf32>,
    %swap3A_126 = arith.constant 496 : index
    %swap3A_127 = tpu.vector_load %arg6[%swap3A_126] {strides = array<i32>} : memref<640xf32, #tpu.memory_space<vmem>>, vector<16xf32>,
    %swap3A_128 = vector.shape_cast %swap3A_127 : vector<16xf32> to vector<16xf32>
    %swap3A_129 = vector.shape_cast %broadcast_in_dim3A_0 : vector<16xf32> to vector<16xf32>
    tpu.vector_store %arg6[%swap3A_126], %swap3A_129 {strides = array<i32>} : memref<640xf32, #tpu.memory_space<vmem>>, vector<16xf32>,
    %swap3A_130 = arith.constant 512 : index
    %swap3A_131 = tpu.vector_load %arg6[%swap3A_130] {strides = array<i32>} : memref<640xf32, #tpu.memory_space<vmem>>, vector<16xf32>,
    %swap3A_132 = vector.shape_cast %swap3A_131 : vector<16xf32> to vector<16xf32>
    %swap3A_133 = vector.shape_cast %broadcast_in_dim3A_0 : vector<16xf32> to vector<16xf32>
    tpu.vector_store %arg6[%swap3A_130], %swap3A_133 {strides = array<i32>} : memref<640xf32, #tpu.memory_space<vmem>>, vector<16xf32>,
    %swap3A_134 = arith.constant 528 : index
    %swap3A_135 = tpu.vector_load %arg6[%swap3A_134] {strides = array<i32>} : memref<640xf32, #tpu.memory_space<vmem>>, vector<16xf32>,
    %swap3A_136 = vector.shape_cast %swap3A_135 : vector<16xf32> to vector<16xf32>
    %swap3A_137 = vector.shape_cast %broadcast_in_dim3A_0 : vector<16xf32> to vector<16xf32>
    tpu.vector_store %arg6[%swap3A_134], %swap3A_137 {strides = array<i32>} : memref<640xf32, #tpu.memory_space<vmem>>, vector<16xf32>,
    %swap3A_138 = arith.constant 544 : index
    %swap3A_139 = tpu.vector_load %arg6[%swap3A_138] {strides = array<i32>} : memref<640xf32, #tpu.memory_space<vmem>>, vector<16xf32>,
    %swap3A_140 = vector.shape_cast %swap3A_139 : vector<16xf32> to vector<16xf32>
    %swap3A_141 = vector.shape_cast %broadcast_in_dim3A_0 : vector<16xf32> to vector<16xf32>
    tpu.vector_store %arg6[%swap3A_138], %swap3A_141 {strides = array<i32>} : memref<640xf32, #tpu.memory_space<vmem>>, vector<16xf32>,
    %swap3A_142 = arith.constant 560 : index
    %swap3A_143 = tpu.vector_load %arg6[%swap3A_142] {strides = array<i32>} : memref<640xf32, #tpu.memory_space<vmem>>, vector<16xf32>,
    %swap3A_144 = vector.shape_cast %swap3A_143 : vector<16xf32> to vector<16xf32>
    %swap3A_145 = vector.shape_cast %broadcast_in_dim3A_0 : vector<16xf32> to vector<16xf32>
    tpu.vector_store %arg6[%swap3A_142], %swap3A_145 {strides = array<i32>} : memref<640xf32, #tpu.memory_space<vmem>>, vector<16xf32>,
    %swap3A_146 = arith.constant 576 : index
    %swap3A_147 = tpu.vector_load %arg6[%swap3A_146] {strides = array<i32>} : memref<640xf32, #tpu.memory_space<vmem>>, vector<16xf32>,
    %swap3A_148 = vector.shape_cast %swap3A_147 : vector<16xf32> to vector<16xf32>
    %swap3A_149 = vector.shape_cast %broadcast_in_dim3A_0 : vector<16xf32> to vector<16xf32>
    tpu.vector_store %arg6[%swap3A_146], %swap3A_149 {strides = array<i32>} : memref<640xf32, #tpu.memory_space<vmem>>, vector<16xf32>,
    %swap3A_150 = arith.constant 592 : index
    %swap3A_151 = tpu.vector_load %arg6[%swap3A_150] {strides = array<i32>} : memref<640xf32, #tpu.memory_space<vmem>>, vector<16xf32>,
    %swap3A_152 = vector.shape_cast %swap3A_151 : vector<16xf32> to vector<16xf32>
    %swap3A_153 = vector.shape_cast %broadcast_in_dim3A_0 : vector<16xf32> to vector<16xf32>
    tpu.vector_store %arg6[%swap3A_150], %swap3A_153 {strides = array<i32>} : memref<640xf32, #tpu.memory_space<vmem>>, vector<16xf32>,
    %swap3A_154 = arith.constant 608 : index
    %swap3A_155 = tpu.vector_load %arg6[%swap3A_154] {strides = array<i32>} : memref<640xf32, #tpu.memory_space<vmem>>, vector<16xf32>,
    %swap3A_156 = vector.shape_cast %swap3A_155 : vector<16xf32> to vector<16xf32>
    %swap3A_157 = vector.shape_cast %broadcast_in_dim3A_0 : vector<16xf32> to vector<16xf32>
    tpu.vector_store %arg6[%swap3A_154], %swap3A_157 {strides = array<i32>} : memref<640xf32, #tpu.memory_space<vmem>>, vector<16xf32>,
    %swap3A_158 = arith.constant 624 : index
    %swap3A_159 = tpu.vector_load %arg6[%swap3A_158] {strides = array<i32>} : memref<640xf32, #tpu.memory_space<vmem>>, vector<16xf32>,
    %swap3A_160 = vector.shape_cast %swap3A_159 : vector<16xf32> to vector<16xf32>
    %swap3A_161 = vector.shape_cast %broadcast_in_dim3A_0 : vector<16xf32> to vector<16xf32>
    tpu.vector_store %arg6[%swap3A_158], %swap3A_161 {strides = array<i32>} : memref<640xf32, #tpu.memory_space<vmem>>, vector<16xf32>,
    %swap3A_162 = arith.constant 0 : i32
    %swap3A_163 = arith.index_cast %swap3A_162 : i32 to index
    %swap3A_164 = arith.constant 0 : index
    %swap3A_165 = tpu.vector_load %arg5[%swap3A_163, %swap3A_164] {strides = array<i32>} : memref<1x128xf32, #tpu.memory_space<vmem>>, vector<1x16xf32>,
    %swap3A_166 = vector.shape_cast %swap3A_165 : vector<1x16xf32> to vector<16xf32>
    %swap3A_167 = vector.shape_cast %broadcast_in_dim3A_2 : vector<16xf32> to vector<1x16xf32>
    tpu.vector_store %arg5[%swap3A_163, %swap3A_164], %swap3A_167 {strides = array<i32>} : memref<1x128xf32, #tpu.memory_space<vmem>>, vector<1x16xf32>,
    %swap3A_168 = arith.constant 0 : i32
    %swap3A_169 = arith.index_cast %swap3A_168 : i32 to index
    %swap3A_170 = arith.constant 16 : index
    %swap3A_171 = tpu.vector_load %arg5[%swap3A_169, %swap3A_170] {strides = array<i32>} : memref<1x128xf32, #tpu.memory_space<vmem>>, vector<1x16xf32>,
    %swap3A_172 = vector.shape_cast %swap3A_171 : vector<1x16xf32> to vector<16xf32>
    %swap3A_173 = vector.shape_cast %broadcast_in_dim3A_2 : vector<16xf32> to vector<1x16xf32>
    tpu.vector_store %arg5[%swap3A_169, %swap3A_170], %swap3A_173 {strides = array<i32>} : memref<1x128xf32, #tpu.memory_space<vmem>>, vector<1x16xf32>,
    %swap3A_174 = arith.constant 0 : i32
    %swap3A_175 = arith.index_cast %swap3A_174 : i32 to index
    %swap3A_176 = arith.constant 32 : index
    %swap3A_177 = tpu.vector_load %arg5[%swap3A_175, %swap3A_176] {strides = array<i32>} : memref<1x128xf32, #tpu.memory_space<vmem>>, vector<1x16xf32>,
    %swap3A_178 = vector.shape_cast %swap3A_177 : vector<1x16xf32> to vector<16xf32>
    %swap3A_179 = vector.shape_cast %broadcast_in_dim3A_2 : vector<16xf32> to vector<1x16xf32>
    tpu.vector_store %arg5[%swap3A_175, %swap3A_176], %swap3A_179 {strides = array<i32>} : memref<1x128xf32, #tpu.memory_space<vmem>>, vector<1x16xf32>,
    %swap3A_180 = arith.constant 0 : i32
    %swap3A_181 = arith.index_cast %swap3A_180 : i32 to index
    %swap3A_182 = arith.constant 48 : index
    %swap3A_183 = tpu.vector_load %arg5[%swap3A_181, %swap3A_182] {strides = array<i32>} : memref<1x128xf32, #tpu.memory_space<vmem>>, vector<1x16xf32>,
    %swap3A_184 = vector.shape_cast %swap3A_183 : vector<1x16xf32> to vector<16xf32>
    %swap3A_185 = vector.shape_cast %broadcast_in_dim3A_2 : vector<16xf32> to vector<1x16xf32>
    tpu.vector_store %arg5[%swap3A_181, %swap3A_182], %swap3A_185 {strides = array<i32>} : memref<1x128xf32, #tpu.memory_space<vmem>>, vector<1x16xf32>,
    %swap3A_186 = arith.constant 0 : i32
    %swap3A_187 = arith.index_cast %swap3A_186 : i32 to index
    %swap3A_188 = arith.constant 64 : index
    %swap3A_189 = tpu.vector_load %arg5[%swap3A_187, %swap3A_188] {strides = array<i32>} : memref<1x128xf32, #tpu.memory_space<vmem>>, vector<1x16xf32>,
    %swap3A_190 = vector.shape_cast %swap3A_189 : vector<1x16xf32> to vector<16xf32>
    %swap3A_191 = vector.shape_cast %broadcast_in_dim3A_2 : vector<16xf32> to vector<1x16xf32>
    tpu.vector_store %arg5[%swap3A_187, %swap3A_188], %swap3A_191 {strides = array<i32>} : memref<1x128xf32, #tpu.memory_space<vmem>>, vector<1x16xf32>,
    %swap3A_192 = arith.constant 0 : i32
    %swap3A_193 = arith.index_cast %swap3A_192 : i32 to index
    %swap3A_194 = arith.constant 80 : index
    %swap3A_195 = tpu.vector_load %arg5[%swap3A_193, %swap3A_194] {strides = array<i32>} : memref<1x128xf32, #tpu.memory_space<vmem>>, vector<1x16xf32>,
    %swap3A_196 = vector.shape_cast %swap3A_195 : vector<1x16xf32> to vector<16xf32>
    %swap3A_197 = vector.shape_cast %broadcast_in_dim3A_2 : vector<16xf32> to vector<1x16xf32>
    tpu.vector_store %arg5[%swap3A_193, %swap3A_194], %swap3A_197 {strides = array<i32>} : memref<1x128xf32, #tpu.memory_space<vmem>>, vector<1x16xf32>,
    %swap3A_198 = arith.constant 0 : i32
    %swap3A_199 = arith.index_cast %swap3A_198 : i32 to index
    %swap3A_200 = arith.constant 96 : index
    %swap3A_201 = tpu.vector_load %arg5[%swap3A_199, %swap3A_200] {strides = array<i32>} : memref<1x128xf32, #tpu.memory_space<vmem>>, vector<1x16xf32>,
    %swap3A_202 = vector.shape_cast %swap3A_201 : vector<1x16xf32> to vector<16xf32>
    %swap3A_203 = vector.shape_cast %broadcast_in_dim3A_2 : vector<16xf32> to vector<1x16xf32>
    tpu.vector_store %arg5[%swap3A_199, %swap3A_200], %swap3A_203 {strides = array<i32>} : memref<1x128xf32, #tpu.memory_space<vmem>>, vector<1x16xf32>,
    %swap3A_204 = arith.constant 0 : i32
    %swap3A_205 = arith.index_cast %swap3A_204 : i32 to index
    %swap3A_206 = arith.constant 112 : index
    %swap3A_207 = tpu.vector_load %arg5[%swap3A_205, %swap3A_206] {strides = array<i32>} : memref<1x128xf32, #tpu.memory_space<vmem>>, vector<1x16xf32>,
    %swap3A_208 = vector.shape_cast %swap3A_207 : vector<1x16xf32> to vector<16xf32>
    %swap3A_209 = vector.shape_cast %broadcast_in_dim3A_2 : vector<16xf32> to vector<1x16xf32>
    tpu.vector_store %arg5[%swap3A_205, %swap3A_206], %swap3A_209 {strides = array<i32>} : memref<1x128xf32, #tpu.memory_space<vmem>>, vector<1x16xf32>,
    %mul3A = arith.constant 640 : i32
    %mul3A_210 = arith.muli %arg1, %mul3A : i32
    "tpu.region"() ({
      %run_scoped3A = tpu.sem_alloc : memref<!tpu.dma_semaphore, #tpu.memory_space<semaphore_mem>>
      %dma_start3A = tpu.memref_slice %arg7[%mul3A_210] : memref<10240xf32, #tpu.memory_space<vmem_shared>> -> memref<640xf32, #tpu.memory_space<vmem_shared>>
      %dma_start3A_229 = tpu.memref_slice %arg7[%mul3A_210] : memref<10240xf32, #tpu.memory_space<vmem_shared>> -> memref<640xf32, #tpu.memory_space<vmem_shared>>
      tpu.enqueue_dma source(%arg6 : memref<640xf32, #tpu.memory_space<vmem>>) target(%dma_start3A_229 : memref<640xf32, #tpu.memory_space<vmem_shared>>) target_semaphore(%run_scoped3A : memref<!tpu.dma_semaphore, #tpu.memory_space<semaphore_mem>>)
      %dma_wait3A = tpu.memref_slice %arg7[%mul3A_210] : memref<10240xf32, #tpu.memory_space<vmem_shared>> -> memref<640xf32, #tpu.memory_space<vmem_shared>>
      %dma_wait3A_230 = tpu.memref_slice %arg7[%mul3A_210] : memref<10240xf32, #tpu.memory_space<vmem_shared>> -> memref<640xf32, #tpu.memory_space<vmem_shared>>
      tpu.wait_dma2 semaphore(%run_scoped3A : memref<!tpu.dma_semaphore, #tpu.memory_space<semaphore_mem>>) src(%arg6 : memref<640xf32, #tpu.memory_space<vmem>>) dst(%dma_wait3A_230 : memref<640xf32, #tpu.memory_space<vmem_shared>>)
      tpu.yield
    }) : () -> ()
    %barrier3A = arith.constant 0 : index
    tpu.barrier barrier_id(%barrier3A)
    %mul3A_211 = arith.constant 1280 : i32
    %mul3A_212 = arith.muli %arg0, %mul3A_211 : i32
    %mul3A_213 = arith.constant 80 : i32
    %mul3A_214 = arith.muli %arg1, %mul3A_213 : i32
    %add3A = arith.addi %mul3A_212, %mul3A_214 : i32
    "tpu.region"() ({
      %run_scoped3A = tpu.sem_alloc : memref<!tpu.dma_semaphore, #tpu.memory_space<semaphore_mem>>
      %dma_start3A = arith.constant 0 : i32
      %dma_start3A_229 = tpu.memref_slice %arg2[%add3A, %dma_start3A] : memref<2560x128xi32, #tpu.memory_space<hbm>> -> memref<80x128xi32, #tpu.memory_space<hbm>>
      %dma_start3A_230 = arith.constant 0 : i32
      %dma_start3A_231 = tpu.memref_slice %arg2[%add3A, %dma_start3A_230] : memref<2560x128xi32, #tpu.memory_space<hbm>> -> memref<80x128xi32, #tpu.memory_space<hbm>>
      tpu.enqueue_dma source(%dma_start3A_231 : memref<80x128xi32, #tpu.memory_space<hbm>>) target(%arg4 : memref<80x128xi32, #tpu.memory_space<vmem>>) target_semaphore(%run_scoped3A : memref<!tpu.dma_semaphore, #tpu.memory_space<semaphore_mem>>)
      %dma_wait3A = arith.constant 0 : i32
      %dma_wait3A_232 = tpu.memref_slice %arg2[%add3A, %dma_wait3A] : memref<2560x128xi32, #tpu.memory_space<hbm>> -> memref<80x128xi32, #tpu.memory_space<hbm>>
      %dma_wait3A_233 = arith.constant 0 : i32
      %dma_wait3A_234 = tpu.memref_slice %arg2[%add3A, %dma_wait3A_233] : memref<2560x128xi32, #tpu.memory_space<hbm>> -> memref<80x128xi32, #tpu.memory_space<hbm>>
      tpu.wait_dma2 semaphore(%run_scoped3A : memref<!tpu.dma_semaphore, #tpu.memory_space<semaphore_mem>>) src(%dma_wait3A_234 : memref<80x128xi32, #tpu.memory_space<hbm>>) dst(%arg4 : memref<80x128xi32, #tpu.memory_space<vmem>>)
      tpu.yield
    }) : () -> ()
    %scan3A = arith.constant 0 : i32
    %scan3A_215 = arith.constant 0 : i32
    %scan3A_216 = arith.constant 80 : i32
    %scan3A_217 = arith.addi %scan3A_215, %scan3A_216 : i32
    %scan3A_218 = arith.constant 1 : i32
    %scan3A_219 = scf.for %scan3A_229 = %scan3A_215 to %scan3A_217 step %scan3A_218 iter_args(%scan3A_230 = %scan3A) -> (i32)  : i32 {
      %run_scoped3A = arith.constant 0 : i32
      "tpu.region"() ({
        %run_scoped3A_232 = tpu.sem_alloc : memref<!tpu.dma_semaphore, #tpu.memory_space<semaphore_mem>>
        %dma_start3A = arith.constant 0 : i32
        %dma_start3A_233 = tpu.memref_slice %arg5[%run_scoped3A, %dma_start3A] : memref<1x128xf32, #tpu.memory_space<vmem>> -> memref<1x128xf32, #tpu.memory_space<vmem>>
        %dma_start3A_234 = tpu.memref_squeeze %dma_start3A_233 : memref<1x128xf32, #tpu.memory_space<vmem>> -> memref<128xf32, #tpu.memory_space<vmem>>
        %dma_start3A_235 = arith.constant 0 : i32
        %dma_start3A_236 = tpu.memref_slice %arg4[%scan3A_229, %dma_start3A_235] : memref<80x128xi32, #tpu.memory_space<vmem>> -> memref<1x128xi32, #tpu.memory_space<vmem>>
        %dma_start3A_237 = tpu.memref_squeeze %dma_start3A_236 : memref<1x128xi32, #tpu.memory_space<vmem>> -> memref<128xi32, #tpu.memory_space<vmem>>
        %dma_start3A_238 = arith.constant 0 : i32
        %dma_start3A_239 = tpu.memref_slice %arg7[%dma_start3A_238] : memref<10240xf32, #tpu.memory_space<vmem_shared>> -> memref<10240xf32, #tpu.memory_space<vmem_shared>>
        tpu.enqueue_indirect_dma source(%dma_start3A_234 : memref<128xf32, #tpu.memory_space<vmem>>) target(%dma_start3A_239 : memref<10240xf32, #tpu.memory_space<vmem_shared>>) offsets(%dma_start3A_237 : memref<128xi32, #tpu.memory_space<vmem>>) semaphore(%run_scoped3A_232 : memref<!tpu.dma_semaphore, #tpu.memory_space<semaphore_mem>>) {add = true}
        %dma_wait3A = arith.constant 0 : i32
        %dma_wait3A_240 = tpu.memref_slice %arg5[%run_scoped3A, %dma_wait3A] : memref<1x128xf32, #tpu.memory_space<vmem>> -> memref<1x128xf32, #tpu.memory_space<vmem>>
        %dma_wait3A_241 = tpu.memref_squeeze %dma_wait3A_240 : memref<1x128xf32, #tpu.memory_space<vmem>> -> memref<128xf32, #tpu.memory_space<vmem>>
        %dma_wait3A_242 = arith.constant 0 : i32
        %dma_wait3A_243 = tpu.memref_slice %arg4[%scan3A_229, %dma_wait3A_242] : memref<80x128xi32, #tpu.memory_space<vmem>> -> memref<1x128xi32, #tpu.memory_space<vmem>>
        %dma_wait3A_244 = tpu.memref_squeeze %dma_wait3A_243 : memref<1x128xi32, #tpu.memory_space<vmem>> -> memref<128xi32, #tpu.memory_space<vmem>>
        %dma_wait3A_245 = arith.constant 0 : i32
        %dma_wait3A_246 = tpu.memref_slice %arg7[%dma_wait3A_245] : memref<10240xf32, #tpu.memory_space<vmem_shared>> -> memref<10240xf32, #tpu.memory_space<vmem_shared>>
        tpu.wait_indirect_dma semaphore(%run_scoped3A_232 : memref<!tpu.dma_semaphore, #tpu.memory_space<semaphore_mem>>) src(%dma_wait3A_241 : memref<128xf32, #tpu.memory_space<vmem>>) dst(%dma_wait3A_246 : memref<10240xf32, #tpu.memory_space<vmem_shared>>)
        tpu.yield
      }) : () -> ()
      %scan3A_231 = arith.constant 0 : i32
      scf.yield %scan3A_231 : i32
    }
    %scan3A_220 = arith.constant 80 : i32
    %barrier3A_221 = arith.constant 0 : index
    tpu.barrier barrier_id(%barrier3A_221)
    %mul3A_222 = arith.constant 640 : i32
    %mul3A_223 = arith.muli %arg1, %mul3A_222 : i32
    %mul3A_224 = arith.constant 10240 : i32
    %mul3A_225 = arith.muli %arg0, %mul3A_224 : i32
    %mul3A_226 = arith.constant 640 : i32
    %mul3A_227 = arith.muli %arg1, %mul3A_226 : i32
    %add3A_228 = arith.addi %mul3A_225, %mul3A_227 : i32
    "tpu.region"() ({
      %run_scoped3A = tpu.sem_alloc : memref<!tpu.dma_semaphore, #tpu.memory_space<semaphore_mem>>
      %dma_start3A = tpu.memref_slice %arg3[%add3A_228] : memref<20480xf32, #tpu.memory_space<hbm>> -> memref<640xf32, #tpu.memory_space<hbm>>
      %dma_start3A_229 = tpu.memref_slice %arg7[%mul3A_223] : memref<10240xf32, #tpu.memory_space<vmem_shared>> -> memref<640xf32, #tpu.memory_space<vmem_shared>>
      tpu.enqueue_dma source(%dma_start3A_229 : memref<640xf32, #tpu.memory_space<vmem_shared>>) target(%dma_start3A : memref<640xf32, #tpu.memory_space<hbm>>) target_semaphore(%run_scoped3A : memref<!tpu.dma_semaphore, #tpu.memory_space<semaphore_mem>>)
      %dma_wait3A = tpu.memref_slice %arg3[%add3A_228] : memref<20480xf32, #tpu.memory_space<hbm>> -> memref<640xf32, #tpu.memory_space<hbm>>
      %dma_wait3A_230 = tpu.memref_slice %arg7[%mul3A_223] : memref<10240xf32, #tpu.memory_space<vmem_shared>> -> memref<640xf32, #tpu.memory_space<vmem_shared>>
      tpu.wait_dma2 semaphore(%run_scoped3A : memref<!tpu.dma_semaphore, #tpu.memory_space<semaphore_mem>>) src(%dma_wait3A_230 : memref<640xf32, #tpu.memory_space<vmem_shared>>) dst(%dma_wait3A : memref<640xf32, #tpu.memory_space<hbm>>)
      tpu.yield
    }) : () -> ()
    return
  }
}

#map = affine_map<(d0, d1) -> (0, 0)>
#map1 = affine_map<(d0, d1) -> (0, 0, 0)>
module attributes {stable_mosaic.version = 14 : i64} {
  func.func @scatter_kernel(%arg0: i32, %arg1: i32, %arg2: memref<5120x128xi32, #tpu.memory_space<hbm>>, %arg3: memref<2560x128xi32, #tpu.memory_space<hbm>>, %arg4: memref<20480x128xf32, #tpu.memory_space<hbm>>, %arg5: memref<2x10240x128xf32, #tpu.memory_space<hbm>>, %arg6: memref<2x16x128xi32, #tpu.memory_space<vmem>>, %arg7: memref<2x16x128xi32, #tpu.memory_space<vmem>>, %arg8: memref<2x128x128xf32, #tpu.memory_space<vmem>>, %arg9: memref<10240x128xf32, #tpu.memory_space<vmem_shared>>, %arg10: memref<2x!tpu.dma_semaphore, #tpu.memory_space<semaphore_mem>>, %arg11: memref<2x!tpu.dma_semaphore, #tpu.memory_space<semaphore_mem>>, %arg12: memref<2x!tpu.dma_semaphore, #tpu.memory_space<semaphore_mem>>) attributes {dimension_semantics = [#tpu.dimension_semantics<core_parallel>, #tpu.dimension_semantics<subcore_parallel>], iteration_bounds = array<i64: 2, 16>, scalar_prefetch = 0 : i64, scratch_operands = 7 : i64, tpu.core_type = #tpu.core_type<sc_vector_subcore>, window_params = [{transform_indices = #map}, {transform_indices = #map}, {transform_indices = #map}, {transform_indices = #map1}]} {
    %broadcast_in_dim3A = arith.constant 0.000000e+00 : f32
    %broadcast_in_dim3A_0 = vector.broadcast %broadcast_in_dim3A : f32 to vector<16xf32>
    %scan3A = arith.constant 0 : i32
    %scan3A_1 = arith.constant 0 : i32
    %scan3A_2 = arith.constant 128 : i32
    %scan3A_3 = arith.addi %scan3A_1, %scan3A_2 : i32
    %scan3A_4 = arith.constant 1 : i32
    %scan3A_5 = scf.for %scan3A_160 = %scan3A_1 to %scan3A_3 step %scan3A_4 iter_args(%scan3A_161 = %scan3A) -> (i32)  : i32 {
      %swap3A = arith.constant 0 : i32
      %swap3A_162 = arith.index_cast %swap3A : i32 to index
      %swap3A_163 = arith.index_cast %scan3A_160 : i32 to index
      %swap3A_164 = arith.constant 0 : index
      %swap3A_165 = tpu.vector_load %arg8[%swap3A_162, %swap3A_163, %swap3A_164] {strides = array<i32>} : memref<2x128x128xf32, #tpu.memory_space<vmem>>, vector<1x1x16xf32>,
      %swap3A_166 = vector.shape_cast %swap3A_165 : vector<1x1x16xf32> to vector<16xf32>
      %swap3A_167 = vector.shape_cast %broadcast_in_dim3A_0 : vector<16xf32> to vector<1x1x16xf32>
      tpu.vector_store %arg8[%swap3A_162, %swap3A_163, %swap3A_164], %swap3A_167 {strides = array<i32>} : memref<2x128x128xf32, #tpu.memory_space<vmem>>, vector<1x1x16xf32>,
      %swap3A_168 = arith.constant 0 : i32
      %swap3A_169 = arith.index_cast %swap3A_168 : i32 to index
      %swap3A_170 = arith.index_cast %scan3A_160 : i32 to index
      %swap3A_171 = arith.constant 16 : index
      %swap3A_172 = tpu.vector_load %arg8[%swap3A_169, %swap3A_170, %swap3A_171] {strides = array<i32>} : memref<2x128x128xf32, #tpu.memory_space<vmem>>, vector<1x1x16xf32>,
      %swap3A_173 = vector.shape_cast %swap3A_172 : vector<1x1x16xf32> to vector<16xf32>
      %swap3A_174 = vector.shape_cast %broadcast_in_dim3A_0 : vector<16xf32> to vector<1x1x16xf32>
      tpu.vector_store %arg8[%swap3A_169, %swap3A_170, %swap3A_171], %swap3A_174 {strides = array<i32>} : memref<2x128x128xf32, #tpu.memory_space<vmem>>, vector<1x1x16xf32>,
      %swap3A_175 = arith.constant 0 : i32
      %swap3A_176 = arith.index_cast %swap3A_175 : i32 to index
      %swap3A_177 = arith.index_cast %scan3A_160 : i32 to index
      %swap3A_178 = arith.constant 32 : index
      %swap3A_179 = tpu.vector_load %arg8[%swap3A_176, %swap3A_177, %swap3A_178] {strides = array<i32>} : memref<2x128x128xf32, #tpu.memory_space<vmem>>, vector<1x1x16xf32>,
      %swap3A_180 = vector.shape_cast %swap3A_179 : vector<1x1x16xf32> to vector<16xf32>
      %swap3A_181 = vector.shape_cast %broadcast_in_dim3A_0 : vector<16xf32> to vector<1x1x16xf32>
      tpu.vector_store %arg8[%swap3A_176, %swap3A_177, %swap3A_178], %swap3A_181 {strides = array<i32>} : memref<2x128x128xf32, #tpu.memory_space<vmem>>, vector<1x1x16xf32>,
      %swap3A_182 = arith.constant 0 : i32
      %swap3A_183 = arith.index_cast %swap3A_182 : i32 to index
      %swap3A_184 = arith.index_cast %scan3A_160 : i32 to index
      %swap3A_185 = arith.constant 48 : index
      %swap3A_186 = tpu.vector_load %arg8[%swap3A_183, %swap3A_184, %swap3A_185] {strides = array<i32>} : memref<2x128x128xf32, #tpu.memory_space<vmem>>, vector<1x1x16xf32>,
      %swap3A_187 = vector.shape_cast %swap3A_186 : vector<1x1x16xf32> to vector<16xf32>
      %swap3A_188 = vector.shape_cast %broadcast_in_dim3A_0 : vector<16xf32> to vector<1x1x16xf32>
      tpu.vector_store %arg8[%swap3A_183, %swap3A_184, %swap3A_185], %swap3A_188 {strides = array<i32>} : memref<2x128x128xf32, #tpu.memory_space<vmem>>, vector<1x1x16xf32>,
      %swap3A_189 = arith.constant 0 : i32
      %swap3A_190 = arith.index_cast %swap3A_189 : i32 to index
      %swap3A_191 = arith.index_cast %scan3A_160 : i32 to index
      %swap3A_192 = arith.constant 64 : index
      %swap3A_193 = tpu.vector_load %arg8[%swap3A_190, %swap3A_191, %swap3A_192] {strides = array<i32>} : memref<2x128x128xf32, #tpu.memory_space<vmem>>, vector<1x1x16xf32>,
      %swap3A_194 = vector.shape_cast %swap3A_193 : vector<1x1x16xf32> to vector<16xf32>
      %swap3A_195 = vector.shape_cast %broadcast_in_dim3A_0 : vector<16xf32> to vector<1x1x16xf32>
      tpu.vector_store %arg8[%swap3A_190, %swap3A_191, %swap3A_192], %swap3A_195 {strides = array<i32>} : memref<2x128x128xf32, #tpu.memory_space<vmem>>, vector<1x1x16xf32>,
      %swap3A_196 = arith.constant 0 : i32
      %swap3A_197 = arith.index_cast %swap3A_196 : i32 to index
      %swap3A_198 = arith.index_cast %scan3A_160 : i32 to index
      %swap3A_199 = arith.constant 80 : index
      %swap3A_200 = tpu.vector_load %arg8[%swap3A_197, %swap3A_198, %swap3A_199] {strides = array<i32>} : memref<2x128x128xf32, #tpu.memory_space<vmem>>, vector<1x1x16xf32>,
      %swap3A_201 = vector.shape_cast %swap3A_200 : vector<1x1x16xf32> to vector<16xf32>
      %swap3A_202 = vector.shape_cast %broadcast_in_dim3A_0 : vector<16xf32> to vector<1x1x16xf32>
      tpu.vector_store %arg8[%swap3A_197, %swap3A_198, %swap3A_199], %swap3A_202 {strides = array<i32>} : memref<2x128x128xf32, #tpu.memory_space<vmem>>, vector<1x1x16xf32>,
      %swap3A_203 = arith.constant 0 : i32
      %swap3A_204 = arith.index_cast %swap3A_203 : i32 to index
      %swap3A_205 = arith.index_cast %scan3A_160 : i32 to index
      %swap3A_206 = arith.constant 96 : index
      %swap3A_207 = tpu.vector_load %arg8[%swap3A_204, %swap3A_205, %swap3A_206] {strides = array<i32>} : memref<2x128x128xf32, #tpu.memory_space<vmem>>, vector<1x1x16xf32>,
      %swap3A_208 = vector.shape_cast %swap3A_207 : vector<1x1x16xf32> to vector<16xf32>
      %swap3A_209 = vector.shape_cast %broadcast_in_dim3A_0 : vector<16xf32> to vector<1x1x16xf32>
      tpu.vector_store %arg8[%swap3A_204, %swap3A_205, %swap3A_206], %swap3A_209 {strides = array<i32>} : memref<2x128x128xf32, #tpu.memory_space<vmem>>, vector<1x1x16xf32>,
      %swap3A_210 = arith.constant 0 : i32
      %swap3A_211 = arith.index_cast %swap3A_210 : i32 to index
      %swap3A_212 = arith.index_cast %scan3A_160 : i32 to index
      %swap3A_213 = arith.constant 112 : index
      %swap3A_214 = tpu.vector_load %arg8[%swap3A_211, %swap3A_212, %swap3A_213] {strides = array<i32>} : memref<2x128x128xf32, #tpu.memory_space<vmem>>, vector<1x1x16xf32>,
      %swap3A_215 = vector.shape_cast %swap3A_214 : vector<1x1x16xf32> to vector<16xf32>
      %swap3A_216 = vector.shape_cast %broadcast_in_dim3A_0 : vector<16xf32> to vector<1x1x16xf32>
      tpu.vector_store %arg8[%swap3A_211, %swap3A_212, %swap3A_213], %swap3A_216 {strides = array<i32>} : memref<2x128x128xf32, #tpu.memory_space<vmem>>, vector<1x1x16xf32>,
      %scan3A_217 = arith.constant 0 : i32
      scf.yield %scan3A_217 : i32
    }
    %scan3A_6 = arith.constant 128 : i32
    %mul3A = arith.constant 640 : i32
    %mul3A_7 = arith.muli %arg1, %mul3A : i32
    %add3A = arith.constant 0 : i32
    %add3A_8 = arith.addi %mul3A_7, %add3A : i32
    %run_scoped3A = arith.constant 0 : i32
    "tpu.region"() ({
      %run_scoped3A_160 = tpu.sem_alloc : memref<!tpu.dma_semaphore, #tpu.memory_space<semaphore_mem>>
      %dma_start3A_161 = arith.constant 0 : i32
      %dma_start3A_162 = arith.constant 0 : i32
      %dma_start3A_163 = tpu.memref_slice %arg8[%run_scoped3A, %dma_start3A_161, %dma_start3A_162] : memref<2x128x128xf32, #tpu.memory_space<vmem>> -> memref<1x128x128xf32, #tpu.memory_space<vmem>>
      %dma_start3A_164 = tpu.memref_squeeze %dma_start3A_163 : memref<1x128x128xf32, #tpu.memory_space<vmem>> -> memref<128x128xf32, #tpu.memory_space<vmem>>
      %dma_start3A_165 = arith.constant 0 : i32
      %dma_start3A_166 = tpu.memref_slice %arg9[%add3A_8, %dma_start3A_165] : memref<10240x128xf32, #tpu.memory_space<vmem_shared>> -> memref<128x128xf32, #tpu.memory_space<vmem_shared>>
      %dma_start3A_167 = arith.constant 0 : i32
      %dma_start3A_168 = tpu.memref_slice %arg9[%add3A_8, %dma_start3A_167] : memref<10240x128xf32, #tpu.memory_space<vmem_shared>> -> memref<128x128xf32, #tpu.memory_space<vmem_shared>>
      %dma_start3A_169 = arith.constant 0 : i32
      %dma_start3A_170 = arith.constant 0 : i32
      %dma_start3A_171 = tpu.memref_slice %arg8[%run_scoped3A, %dma_start3A_169, %dma_start3A_170] : memref<2x128x128xf32, #tpu.memory_space<vmem>> -> memref<1x128x128xf32, #tpu.memory_space<vmem>>
      %dma_start3A_172 = tpu.memref_squeeze %dma_start3A_171 : memref<1x128x128xf32, #tpu.memory_space<vmem>> -> memref<128x128xf32, #tpu.memory_space<vmem>>
      tpu.enqueue_dma source(%dma_start3A_172 : memref<128x128xf32, #tpu.memory_space<vmem>>) target(%dma_start3A_168 : memref<128x128xf32, #tpu.memory_space<vmem_shared>>) target_semaphore(%run_scoped3A_160 : memref<!tpu.dma_semaphore, #tpu.memory_space<semaphore_mem>>)
      %dma_wait3A_173 = arith.constant 0 : i32
      %dma_wait3A_174 = arith.constant 0 : i32
      %dma_wait3A_175 = tpu.memref_slice %arg8[%run_scoped3A, %dma_wait3A_173, %dma_wait3A_174] : memref<2x128x128xf32, #tpu.memory_space<vmem>> -> memref<1x128x128xf32, #tpu.memory_space<vmem>>
      %dma_wait3A_176 = tpu.memref_squeeze %dma_wait3A_175 : memref<1x128x128xf32, #tpu.memory_space<vmem>> -> memref<128x128xf32, #tpu.memory_space<vmem>>
      %dma_wait3A_177 = arith.constant 0 : i32
      %dma_wait3A_178 = tpu.memref_slice %arg9[%add3A_8, %dma_wait3A_177] : memref<10240x128xf32, #tpu.memory_space<vmem_shared>> -> memref<128x128xf32, #tpu.memory_space<vmem_shared>>
      %dma_wait3A_179 = arith.constant 0 : i32
      %dma_wait3A_180 = tpu.memref_slice %arg9[%add3A_8, %dma_wait3A_179] : memref<10240x128xf32, #tpu.memory_space<vmem_shared>> -> memref<128x128xf32, #tpu.memory_space<vmem_shared>>
      %dma_wait3A_181 = arith.constant 0 : i32
      %dma_wait3A_182 = arith.constant 0 : i32
      %dma_wait3A_183 = tpu.memref_slice %arg8[%run_scoped3A, %dma_wait3A_181, %dma_wait3A_182] : memref<2x128x128xf32, #tpu.memory_space<vmem>> -> memref<1x128x128xf32, #tpu.memory_space<vmem>>
      %dma_wait3A_184 = tpu.memref_squeeze %dma_wait3A_183 : memref<1x128x128xf32, #tpu.memory_space<vmem>> -> memref<128x128xf32, #tpu.memory_space<vmem>>
      tpu.wait_dma2 semaphore(%run_scoped3A_160 : memref<!tpu.dma_semaphore, #tpu.memory_space<semaphore_mem>>) src(%dma_wait3A_184 : memref<128x128xf32, #tpu.memory_space<vmem>>) dst(%dma_wait3A_180 : memref<128x128xf32, #tpu.memory_space<vmem_shared>>)
      tpu.yield
    }) : () -> ()
    %mul3A_9 = arith.constant 640 : i32
    %mul3A_10 = arith.muli %arg1, %mul3A_9 : i32
    %add3A_11 = arith.constant 128 : i32
    %add3A_12 = arith.addi %mul3A_10, %add3A_11 : i32
    %run_scoped3A_13 = arith.constant 0 : i32
    "tpu.region"() ({
      %run_scoped3A_160 = tpu.sem_alloc : memref<!tpu.dma_semaphore, #tpu.memory_space<semaphore_mem>>
      %dma_start3A_161 = arith.constant 0 : i32
      %dma_start3A_162 = arith.constant 0 : i32
      %dma_start3A_163 = tpu.memref_slice %arg8[%run_scoped3A_13, %dma_start3A_161, %dma_start3A_162] : memref<2x128x128xf32, #tpu.memory_space<vmem>> -> memref<1x128x128xf32, #tpu.memory_space<vmem>>
      %dma_start3A_164 = tpu.memref_squeeze %dma_start3A_163 : memref<1x128x128xf32, #tpu.memory_space<vmem>> -> memref<128x128xf32, #tpu.memory_space<vmem>>
      %dma_start3A_165 = arith.constant 0 : i32
      %dma_start3A_166 = tpu.memref_slice %arg9[%add3A_12, %dma_start3A_165] : memref<10240x128xf32, #tpu.memory_space<vmem_shared>> -> memref<128x128xf32, #tpu.memory_space<vmem_shared>>
      %dma_start3A_167 = arith.constant 0 : i32
      %dma_start3A_168 = tpu.memref_slice %arg9[%add3A_12, %dma_start3A_167] : memref<10240x128xf32, #tpu.memory_space<vmem_shared>> -> memref<128x128xf32, #tpu.memory_space<vmem_shared>>
      %dma_start3A_169 = arith.constant 0 : i32
      %dma_start3A_170 = arith.constant 0 : i32
      %dma_start3A_171 = tpu.memref_slice %arg8[%run_scoped3A_13, %dma_start3A_169, %dma_start3A_170] : memref<2x128x128xf32, #tpu.memory_space<vmem>> -> memref<1x128x128xf32, #tpu.memory_space<vmem>>
      %dma_start3A_172 = tpu.memref_squeeze %dma_start3A_171 : memref<1x128x128xf32, #tpu.memory_space<vmem>> -> memref<128x128xf32, #tpu.memory_space<vmem>>
      tpu.enqueue_dma source(%dma_start3A_172 : memref<128x128xf32, #tpu.memory_space<vmem>>) target(%dma_start3A_168 : memref<128x128xf32, #tpu.memory_space<vmem_shared>>) target_semaphore(%run_scoped3A_160 : memref<!tpu.dma_semaphore, #tpu.memory_space<semaphore_mem>>)
      %dma_wait3A_173 = arith.constant 0 : i32
      %dma_wait3A_174 = arith.constant 0 : i32
      %dma_wait3A_175 = tpu.memref_slice %arg8[%run_scoped3A_13, %dma_wait3A_173, %dma_wait3A_174] : memref<2x128x128xf32, #tpu.memory_space<vmem>> -> memref<1x128x128xf32, #tpu.memory_space<vmem>>
      %dma_wait3A_176 = tpu.memref_squeeze %dma_wait3A_175 : memref<1x128x128xf32, #tpu.memory_space<vmem>> -> memref<128x128xf32, #tpu.memory_space<vmem>>
      %dma_wait3A_177 = arith.constant 0 : i32
      %dma_wait3A_178 = tpu.memref_slice %arg9[%add3A_12, %dma_wait3A_177] : memref<10240x128xf32, #tpu.memory_space<vmem_shared>> -> memref<128x128xf32, #tpu.memory_space<vmem_shared>>
      %dma_wait3A_179 = arith.constant 0 : i32
      %dma_wait3A_180 = tpu.memref_slice %arg9[%add3A_12, %dma_wait3A_179] : memref<10240x128xf32, #tpu.memory_space<vmem_shared>> -> memref<128x128xf32, #tpu.memory_space<vmem_shared>>
      %dma_wait3A_181 = arith.constant 0 : i32
      %dma_wait3A_182 = arith.constant 0 : i32
      %dma_wait3A_183 = tpu.memref_slice %arg8[%run_scoped3A_13, %dma_wait3A_181, %dma_wait3A_182] : memref<2x128x128xf32, #tpu.memory_space<vmem>> -> memref<1x128x128xf32, #tpu.memory_space<vmem>>
      %dma_wait3A_184 = tpu.memref_squeeze %dma_wait3A_183 : memref<1x128x128xf32, #tpu.memory_space<vmem>> -> memref<128x128xf32, #tpu.memory_space<vmem>>
      tpu.wait_dma2 semaphore(%run_scoped3A_160 : memref<!tpu.dma_semaphore, #tpu.memory_space<semaphore_mem>>) src(%dma_wait3A_184 : memref<128x128xf32, #tpu.memory_space<vmem>>) dst(%dma_wait3A_180 : memref<128x128xf32, #tpu.memory_space<vmem_shared>>)
      tpu.yield
    }) : () -> ()
    %mul3A_14 = arith.constant 640 : i32
    %mul3A_15 = arith.muli %arg1, %mul3A_14 : i32
    %add3A_16 = arith.constant 256 : i32
    %add3A_17 = arith.addi %mul3A_15, %add3A_16 : i32
    %run_scoped3A_18 = arith.constant 0 : i32
    "tpu.region"() ({
      %run_scoped3A_160 = tpu.sem_alloc : memref<!tpu.dma_semaphore, #tpu.memory_space<semaphore_mem>>
      %dma_start3A_161 = arith.constant 0 : i32
      %dma_start3A_162 = arith.constant 0 : i32
      %dma_start3A_163 = tpu.memref_slice %arg8[%run_scoped3A_18, %dma_start3A_161, %dma_start3A_162] : memref<2x128x128xf32, #tpu.memory_space<vmem>> -> memref<1x128x128xf32, #tpu.memory_space<vmem>>
      %dma_start3A_164 = tpu.memref_squeeze %dma_start3A_163 : memref<1x128x128xf32, #tpu.memory_space<vmem>> -> memref<128x128xf32, #tpu.memory_space<vmem>>
      %dma_start3A_165 = arith.constant 0 : i32
      %dma_start3A_166 = tpu.memref_slice %arg9[%add3A_17, %dma_start3A_165] : memref<10240x128xf32, #tpu.memory_space<vmem_shared>> -> memref<128x128xf32, #tpu.memory_space<vmem_shared>>
      %dma_start3A_167 = arith.constant 0 : i32
      %dma_start3A_168 = tpu.memref_slice %arg9[%add3A_17, %dma_start3A_167] : memref<10240x128xf32, #tpu.memory_space<vmem_shared>> -> memref<128x128xf32, #tpu.memory_space<vmem_shared>>
      %dma_start3A_169 = arith.constant 0 : i32
      %dma_start3A_170 = arith.constant 0 : i32
      %dma_start3A_171 = tpu.memref_slice %arg8[%run_scoped3A_18, %dma_start3A_169, %dma_start3A_170] : memref<2x128x128xf32, #tpu.memory_space<vmem>> -> memref<1x128x128xf32, #tpu.memory_space<vmem>>
      %dma_start3A_172 = tpu.memref_squeeze %dma_start3A_171 : memref<1x128x128xf32, #tpu.memory_space<vmem>> -> memref<128x128xf32, #tpu.memory_space<vmem>>
      tpu.enqueue_dma source(%dma_start3A_172 : memref<128x128xf32, #tpu.memory_space<vmem>>) target(%dma_start3A_168 : memref<128x128xf32, #tpu.memory_space<vmem_shared>>) target_semaphore(%run_scoped3A_160 : memref<!tpu.dma_semaphore, #tpu.memory_space<semaphore_mem>>)
      %dma_wait3A_173 = arith.constant 0 : i32
      %dma_wait3A_174 = arith.constant 0 : i32
      %dma_wait3A_175 = tpu.memref_slice %arg8[%run_scoped3A_18, %dma_wait3A_173, %dma_wait3A_174] : memref<2x128x128xf32, #tpu.memory_space<vmem>> -> memref<1x128x128xf32, #tpu.memory_space<vmem>>
      %dma_wait3A_176 = tpu.memref_squeeze %dma_wait3A_175 : memref<1x128x128xf32, #tpu.memory_space<vmem>> -> memref<128x128xf32, #tpu.memory_space<vmem>>
      %dma_wait3A_177 = arith.constant 0 : i32
      %dma_wait3A_178 = tpu.memref_slice %arg9[%add3A_17, %dma_wait3A_177] : memref<10240x128xf32, #tpu.memory_space<vmem_shared>> -> memref<128x128xf32, #tpu.memory_space<vmem_shared>>
      %dma_wait3A_179 = arith.constant 0 : i32
      %dma_wait3A_180 = tpu.memref_slice %arg9[%add3A_17, %dma_wait3A_179] : memref<10240x128xf32, #tpu.memory_space<vmem_shared>> -> memref<128x128xf32, #tpu.memory_space<vmem_shared>>
      %dma_wait3A_181 = arith.constant 0 : i32
      %dma_wait3A_182 = arith.constant 0 : i32
      %dma_wait3A_183 = tpu.memref_slice %arg8[%run_scoped3A_18, %dma_wait3A_181, %dma_wait3A_182] : memref<2x128x128xf32, #tpu.memory_space<vmem>> -> memref<1x128x128xf32, #tpu.memory_space<vmem>>
      %dma_wait3A_184 = tpu.memref_squeeze %dma_wait3A_183 : memref<1x128x128xf32, #tpu.memory_space<vmem>> -> memref<128x128xf32, #tpu.memory_space<vmem>>
      tpu.wait_dma2 semaphore(%run_scoped3A_160 : memref<!tpu.dma_semaphore, #tpu.memory_space<semaphore_mem>>) src(%dma_wait3A_184 : memref<128x128xf32, #tpu.memory_space<vmem>>) dst(%dma_wait3A_180 : memref<128x128xf32, #tpu.memory_space<vmem_shared>>)
      tpu.yield
    }) : () -> ()
    %mul3A_19 = arith.constant 640 : i32
    %mul3A_20 = arith.muli %arg1, %mul3A_19 : i32
    %add3A_21 = arith.constant 384 : i32
    %add3A_22 = arith.addi %mul3A_20, %add3A_21 : i32
    %run_scoped3A_23 = arith.constant 0 : i32
    "tpu.region"() ({
      %run_scoped3A_160 = tpu.sem_alloc : memref<!tpu.dma_semaphore, #tpu.memory_space<semaphore_mem>>
      %dma_start3A_161 = arith.constant 0 : i32
      %dma_start3A_162 = arith.constant 0 : i32
      %dma_start3A_163 = tpu.memref_slice %arg8[%run_scoped3A_23, %dma_start3A_161, %dma_start3A_162] : memref<2x128x128xf32, #tpu.memory_space<vmem>> -> memref<1x128x128xf32, #tpu.memory_space<vmem>>
      %dma_start3A_164 = tpu.memref_squeeze %dma_start3A_163 : memref<1x128x128xf32, #tpu.memory_space<vmem>> -> memref<128x128xf32, #tpu.memory_space<vmem>>
      %dma_start3A_165 = arith.constant 0 : i32
      %dma_start3A_166 = tpu.memref_slice %arg9[%add3A_22, %dma_start3A_165] : memref<10240x128xf32, #tpu.memory_space<vmem_shared>> -> memref<128x128xf32, #tpu.memory_space<vmem_shared>>
      %dma_start3A_167 = arith.constant 0 : i32
      %dma_start3A_168 = tpu.memref_slice %arg9[%add3A_22, %dma_start3A_167] : memref<10240x128xf32, #tpu.memory_space<vmem_shared>> -> memref<128x128xf32, #tpu.memory_space<vmem_shared>>
      %dma_start3A_169 = arith.constant 0 : i32
      %dma_start3A_170 = arith.constant 0 : i32
      %dma_start3A_171 = tpu.memref_slice %arg8[%run_scoped3A_23, %dma_start3A_169, %dma_start3A_170] : memref<2x128x128xf32, #tpu.memory_space<vmem>> -> memref<1x128x128xf32, #tpu.memory_space<vmem>>
      %dma_start3A_172 = tpu.memref_squeeze %dma_start3A_171 : memref<1x128x128xf32, #tpu.memory_space<vmem>> -> memref<128x128xf32, #tpu.memory_space<vmem>>
      tpu.enqueue_dma source(%dma_start3A_172 : memref<128x128xf32, #tpu.memory_space<vmem>>) target(%dma_start3A_168 : memref<128x128xf32, #tpu.memory_space<vmem_shared>>) target_semaphore(%run_scoped3A_160 : memref<!tpu.dma_semaphore, #tpu.memory_space<semaphore_mem>>)
      %dma_wait3A_173 = arith.constant 0 : i32
      %dma_wait3A_174 = arith.constant 0 : i32
      %dma_wait3A_175 = tpu.memref_slice %arg8[%run_scoped3A_23, %dma_wait3A_173, %dma_wait3A_174] : memref<2x128x128xf32, #tpu.memory_space<vmem>> -> memref<1x128x128xf32, #tpu.memory_space<vmem>>
      %dma_wait3A_176 = tpu.memref_squeeze %dma_wait3A_175 : memref<1x128x128xf32, #tpu.memory_space<vmem>> -> memref<128x128xf32, #tpu.memory_space<vmem>>
      %dma_wait3A_177 = arith.constant 0 : i32
      %dma_wait3A_178 = tpu.memref_slice %arg9[%add3A_22, %dma_wait3A_177] : memref<10240x128xf32, #tpu.memory_space<vmem_shared>> -> memref<128x128xf32, #tpu.memory_space<vmem_shared>>
      %dma_wait3A_179 = arith.constant 0 : i32
      %dma_wait3A_180 = tpu.memref_slice %arg9[%add3A_22, %dma_wait3A_179] : memref<10240x128xf32, #tpu.memory_space<vmem_shared>> -> memref<128x128xf32, #tpu.memory_space<vmem_shared>>
      %dma_wait3A_181 = arith.constant 0 : i32
      %dma_wait3A_182 = arith.constant 0 : i32
      %dma_wait3A_183 = tpu.memref_slice %arg8[%run_scoped3A_23, %dma_wait3A_181, %dma_wait3A_182] : memref<2x128x128xf32, #tpu.memory_space<vmem>> -> memref<1x128x128xf32, #tpu.memory_space<vmem>>
      %dma_wait3A_184 = tpu.memref_squeeze %dma_wait3A_183 : memref<1x128x128xf32, #tpu.memory_space<vmem>> -> memref<128x128xf32, #tpu.memory_space<vmem>>
      tpu.wait_dma2 semaphore(%run_scoped3A_160 : memref<!tpu.dma_semaphore, #tpu.memory_space<semaphore_mem>>) src(%dma_wait3A_184 : memref<128x128xf32, #tpu.memory_space<vmem>>) dst(%dma_wait3A_180 : memref<128x128xf32, #tpu.memory_space<vmem_shared>>)
      tpu.yield
    }) : () -> ()
    %mul3A_24 = arith.constant 640 : i32
    %mul3A_25 = arith.muli %arg1, %mul3A_24 : i32
    %add3A_26 = arith.constant 512 : i32
    %add3A_27 = arith.addi %mul3A_25, %add3A_26 : i32
    %run_scoped3A_28 = arith.constant 0 : i32
    "tpu.region"() ({
      %run_scoped3A_160 = tpu.sem_alloc : memref<!tpu.dma_semaphore, #tpu.memory_space<semaphore_mem>>
      %dma_start3A_161 = arith.constant 0 : i32
      %dma_start3A_162 = arith.constant 0 : i32
      %dma_start3A_163 = tpu.memref_slice %arg8[%run_scoped3A_28, %dma_start3A_161, %dma_start3A_162] : memref<2x128x128xf32, #tpu.memory_space<vmem>> -> memref<1x128x128xf32, #tpu.memory_space<vmem>>
      %dma_start3A_164 = tpu.memref_squeeze %dma_start3A_163 : memref<1x128x128xf32, #tpu.memory_space<vmem>> -> memref<128x128xf32, #tpu.memory_space<vmem>>
      %dma_start3A_165 = arith.constant 0 : i32
      %dma_start3A_166 = tpu.memref_slice %arg9[%add3A_27, %dma_start3A_165] : memref<10240x128xf32, #tpu.memory_space<vmem_shared>> -> memref<128x128xf32, #tpu.memory_space<vmem_shared>>
      %dma_start3A_167 = arith.constant 0 : i32
      %dma_start3A_168 = tpu.memref_slice %arg9[%add3A_27, %dma_start3A_167] : memref<10240x128xf32, #tpu.memory_space<vmem_shared>> -> memref<128x128xf32, #tpu.memory_space<vmem_shared>>
      %dma_start3A_169 = arith.constant 0 : i32
      %dma_start3A_170 = arith.constant 0 : i32
      %dma_start3A_171 = tpu.memref_slice %arg8[%run_scoped3A_28, %dma_start3A_169, %dma_start3A_170] : memref<2x128x128xf32, #tpu.memory_space<vmem>> -> memref<1x128x128xf32, #tpu.memory_space<vmem>>
      %dma_start3A_172 = tpu.memref_squeeze %dma_start3A_171 : memref<1x128x128xf32, #tpu.memory_space<vmem>> -> memref<128x128xf32, #tpu.memory_space<vmem>>
      tpu.enqueue_dma source(%dma_start3A_172 : memref<128x128xf32, #tpu.memory_space<vmem>>) target(%dma_start3A_168 : memref<128x128xf32, #tpu.memory_space<vmem_shared>>) target_semaphore(%run_scoped3A_160 : memref<!tpu.dma_semaphore, #tpu.memory_space<semaphore_mem>>)
      %dma_wait3A_173 = arith.constant 0 : i32
      %dma_wait3A_174 = arith.constant 0 : i32
      %dma_wait3A_175 = tpu.memref_slice %arg8[%run_scoped3A_28, %dma_wait3A_173, %dma_wait3A_174] : memref<2x128x128xf32, #tpu.memory_space<vmem>> -> memref<1x128x128xf32, #tpu.memory_space<vmem>>
      %dma_wait3A_176 = tpu.memref_squeeze %dma_wait3A_175 : memref<1x128x128xf32, #tpu.memory_space<vmem>> -> memref<128x128xf32, #tpu.memory_space<vmem>>
      %dma_wait3A_177 = arith.constant 0 : i32
      %dma_wait3A_178 = tpu.memref_slice %arg9[%add3A_27, %dma_wait3A_177] : memref<10240x128xf32, #tpu.memory_space<vmem_shared>> -> memref<128x128xf32, #tpu.memory_space<vmem_shared>>
      %dma_wait3A_179 = arith.constant 0 : i32
      %dma_wait3A_180 = tpu.memref_slice %arg9[%add3A_27, %dma_wait3A_179] : memref<10240x128xf32, #tpu.memory_space<vmem_shared>> -> memref<128x128xf32, #tpu.memory_space<vmem_shared>>
      %dma_wait3A_181 = arith.constant 0 : i32
      %dma_wait3A_182 = arith.constant 0 : i32
      %dma_wait3A_183 = tpu.memref_slice %arg8[%run_scoped3A_28, %dma_wait3A_181, %dma_wait3A_182] : memref<2x128x128xf32, #tpu.memory_space<vmem>> -> memref<1x128x128xf32, #tpu.memory_space<vmem>>
      %dma_wait3A_184 = tpu.memref_squeeze %dma_wait3A_183 : memref<1x128x128xf32, #tpu.memory_space<vmem>> -> memref<128x128xf32, #tpu.memory_space<vmem>>
      tpu.wait_dma2 semaphore(%run_scoped3A_160 : memref<!tpu.dma_semaphore, #tpu.memory_space<semaphore_mem>>) src(%dma_wait3A_184 : memref<128x128xf32, #tpu.memory_space<vmem>>) dst(%dma_wait3A_180 : memref<128x128xf32, #tpu.memory_space<vmem_shared>>)
      tpu.yield
    }) : () -> ()
    %barrier3A = arith.constant 0 : index
    tpu.barrier barrier_id(%barrier3A)
    %mul3A_29 = arith.constant 2560 : i32
    %mul3A_30 = arith.muli %arg0, %mul3A_29 : i32
    %mul3A_31 = arith.constant 160 : i32
    %mul3A_32 = arith.muli %arg1, %mul3A_31 : i32
    %add3A_33 = arith.addi %mul3A_30, %mul3A_32 : i32
    %mul3A_34 = arith.constant 0 : i32
    %mul3A_35 = arith.muli %arg0, %mul3A_34 : i32
    %mul3A_36 = arith.constant 160 : i32
    %mul3A_37 = arith.muli %arg1, %mul3A_36 : i32
    %add3A_38 = arith.addi %mul3A_35, %mul3A_37 : i32
    %add3A_39 = arith.constant 0 : i32
    %add3A_40 = arith.addi %add3A_33, %add3A_39 : i32
    %dma_start3A = arith.constant 0 : i32
    %dma_start3A_41 = arith.constant 0 : i32
    %dma_start3A_42 = arith.constant 0 : i32
    %dma_start3A_43 = arith.constant 0 : i32
    %dma_start3A_44 = tpu.memref_slice %arg6[%dma_start3A, %dma_start3A_42, %dma_start3A_43] : memref<2x16x128xi32, #tpu.memory_space<vmem>> -> memref<1x16x128xi32, #tpu.memory_space<vmem>>
    %dma_start3A_45 = tpu.memref_squeeze %dma_start3A_44 : memref<1x16x128xi32, #tpu.memory_space<vmem>> -> memref<16x128xi32, #tpu.memory_space<vmem>>
    %dma_start3A_46 = arith.constant 0 : i32
    %dma_start3A_47 = tpu.memref_slice %arg2[%add3A_40, %dma_start3A_46] : memref<5120x128xi32, #tpu.memory_space<hbm>> -> memref<16x128xi32, #tpu.memory_space<hbm>>
    %dma_start3A_48 = tpu.memref_slice %arg12[%dma_start3A_41] : memref<2x!tpu.dma_semaphore, #tpu.memory_space<semaphore_mem>> -> memref<1x!tpu.dma_semaphore, #tpu.memory_space<semaphore_mem>>
    %dma_start3A_49 = tpu.memref_squeeze %dma_start3A_48 : memref<1x!tpu.dma_semaphore, #tpu.memory_space<semaphore_mem>> -> memref<!tpu.dma_semaphore, #tpu.memory_space<semaphore_mem>>
    %dma_start3A_50 = arith.constant 0 : i32
    %dma_start3A_51 = arith.constant 0 : i32
    %dma_start3A_52 = tpu.memref_slice %arg6[%dma_start3A, %dma_start3A_50, %dma_start3A_51] : memref<2x16x128xi32, #tpu.memory_space<vmem>> -> memref<1x16x128xi32, #tpu.memory_space<vmem>>
    %dma_start3A_53 = tpu.memref_squeeze %dma_start3A_52 : memref<1x16x128xi32, #tpu.memory_space<vmem>> -> memref<16x128xi32, #tpu.memory_space<vmem>>
    %dma_start3A_54 = arith.constant 0 : i32
    %dma_start3A_55 = tpu.memref_slice %arg2[%add3A_40, %dma_start3A_54] : memref<5120x128xi32, #tpu.memory_space<hbm>> -> memref<16x128xi32, #tpu.memory_space<hbm>>
    tpu.enqueue_dma source(%dma_start3A_55 : memref<16x128xi32, #tpu.memory_space<hbm>>) target(%dma_start3A_53 : memref<16x128xi32, #tpu.memory_space<vmem>>) target_semaphore(%dma_start3A_49 : memref<!tpu.dma_semaphore, #tpu.memory_space<semaphore_mem>>)
    %add3A_56 = arith.constant 0 : i32
    %add3A_57 = arith.addi %add3A_38, %add3A_56 : i32
    %dma_start3A_58 = arith.constant 0 : i32
    %dma_start3A_59 = arith.constant 0 : i32
    %dma_start3A_60 = arith.constant 0 : i32
    %dma_start3A_61 = arith.constant 0 : i32
    %dma_start3A_62 = tpu.memref_slice %arg7[%dma_start3A_58, %dma_start3A_60, %dma_start3A_61] : memref<2x16x128xi32, #tpu.memory_space<vmem>> -> memref<1x16x128xi32, #tpu.memory_space<vmem>>
    %dma_start3A_63 = tpu.memref_squeeze %dma_start3A_62 : memref<1x16x128xi32, #tpu.memory_space<vmem>> -> memref<16x128xi32, #tpu.memory_space<vmem>>
    %dma_start3A_64 = arith.constant 0 : i32
    %dma_start3A_65 = tpu.memref_slice %arg3[%add3A_57, %dma_start3A_64] : memref<2560x128xi32, #tpu.memory_space<hbm>> -> memref<16x128xi32, #tpu.memory_space<hbm>>
    %dma_start3A_66 = tpu.memref_slice %arg12[%dma_start3A_59] : memref<2x!tpu.dma_semaphore, #tpu.memory_space<semaphore_mem>> -> memref<1x!tpu.dma_semaphore, #tpu.memory_space<semaphore_mem>>
    %dma_start3A_67 = tpu.memref_squeeze %dma_start3A_66 : memref<1x!tpu.dma_semaphore, #tpu.memory_space<semaphore_mem>> -> memref<!tpu.dma_semaphore, #tpu.memory_space<semaphore_mem>>
    %dma_start3A_68 = arith.constant 0 : i32
    %dma_start3A_69 = arith.constant 0 : i32
    %dma_start3A_70 = tpu.memref_slice %arg7[%dma_start3A_58, %dma_start3A_68, %dma_start3A_69] : memref<2x16x128xi32, #tpu.memory_space<vmem>> -> memref<1x16x128xi32, #tpu.memory_space<vmem>>
    %dma_start3A_71 = tpu.memref_squeeze %dma_start3A_70 : memref<1x16x128xi32, #tpu.memory_space<vmem>> -> memref<16x128xi32, #tpu.memory_space<vmem>>
    %dma_start3A_72 = arith.constant 0 : i32
    %dma_start3A_73 = tpu.memref_slice %arg3[%add3A_57, %dma_start3A_72] : memref<2560x128xi32, #tpu.memory_space<hbm>> -> memref<16x128xi32, #tpu.memory_space<hbm>>
    tpu.enqueue_dma source(%dma_start3A_73 : memref<16x128xi32, #tpu.memory_space<hbm>>) target(%dma_start3A_71 : memref<16x128xi32, #tpu.memory_space<vmem>>) target_semaphore(%dma_start3A_67 : memref<!tpu.dma_semaphore, #tpu.memory_space<semaphore_mem>>)
    %dma_wait3A = arith.constant 0 : i32
    %dma_wait3A_74 = arith.constant 0 : i32
    %dma_wait3A_75 = arith.constant 0 : i32
    %dma_wait3A_76 = arith.constant 0 : i32
    %dma_wait3A_77 = tpu.memref_slice %arg6[%dma_wait3A, %dma_wait3A_75, %dma_wait3A_76] : memref<2x16x128xi32, #tpu.memory_space<vmem>> -> memref<1x16x128xi32, #tpu.memory_space<vmem>>
    %dma_wait3A_78 = tpu.memref_squeeze %dma_wait3A_77 : memref<1x16x128xi32, #tpu.memory_space<vmem>> -> memref<16x128xi32, #tpu.memory_space<vmem>>
    %dma_wait3A_79 = arith.constant 0 : i32
    %dma_wait3A_80 = tpu.memref_slice %arg2[%add3A_33, %dma_wait3A_79] : memref<5120x128xi32, #tpu.memory_space<hbm>> -> memref<16x128xi32, #tpu.memory_space<hbm>>
    %dma_wait3A_81 = tpu.memref_slice %arg12[%dma_wait3A_74] : memref<2x!tpu.dma_semaphore, #tpu.memory_space<semaphore_mem>> -> memref<1x!tpu.dma_semaphore, #tpu.memory_space<semaphore_mem>>
    %dma_wait3A_82 = tpu.memref_squeeze %dma_wait3A_81 : memref<1x!tpu.dma_semaphore, #tpu.memory_space<semaphore_mem>> -> memref<!tpu.dma_semaphore, #tpu.memory_space<semaphore_mem>>
    %dma_wait3A_83 = arith.constant 0 : i32
    %dma_wait3A_84 = arith.constant 0 : i32
    %dma_wait3A_85 = tpu.memref_slice %arg6[%dma_wait3A, %dma_wait3A_83, %dma_wait3A_84] : memref<2x16x128xi32, #tpu.memory_space<vmem>> -> memref<1x16x128xi32, #tpu.memory_space<vmem>>
    %dma_wait3A_86 = tpu.memref_squeeze %dma_wait3A_85 : memref<1x16x128xi32, #tpu.memory_space<vmem>> -> memref<16x128xi32, #tpu.memory_space<vmem>>
    %dma_wait3A_87 = arith.constant 0 : i32
    %dma_wait3A_88 = tpu.memref_slice %arg2[%add3A_33, %dma_wait3A_87] : memref<5120x128xi32, #tpu.memory_space<hbm>> -> memref<16x128xi32, #tpu.memory_space<hbm>>
    tpu.wait_dma2 semaphore(%dma_wait3A_82 : memref<!tpu.dma_semaphore, #tpu.memory_space<semaphore_mem>>) src(%dma_wait3A_88 : memref<16x128xi32, #tpu.memory_space<hbm>>) dst(%dma_wait3A_86 : memref<16x128xi32, #tpu.memory_space<vmem>>)
    %dma_wait3A_89 = arith.constant 0 : i32
    %dma_wait3A_90 = arith.constant 0 : i32
    %dma_wait3A_91 = arith.constant 0 : i32
    %dma_wait3A_92 = arith.constant 0 : i32
    %dma_wait3A_93 = tpu.memref_slice %arg7[%dma_wait3A_89, %dma_wait3A_91, %dma_wait3A_92] : memref<2x16x128xi32, #tpu.memory_space<vmem>> -> memref<1x16x128xi32, #tpu.memory_space<vmem>>
    %dma_wait3A_94 = tpu.memref_squeeze %dma_wait3A_93 : memref<1x16x128xi32, #tpu.memory_space<vmem>> -> memref<16x128xi32, #tpu.memory_space<vmem>>
    %dma_wait3A_95 = arith.constant 0 : i32
    %dma_wait3A_96 = tpu.memref_slice %arg3[%add3A_38, %dma_wait3A_95] : memref<2560x128xi32, #tpu.memory_space<hbm>> -> memref<16x128xi32, #tpu.memory_space<hbm>>
    %dma_wait3A_97 = tpu.memref_slice %arg12[%dma_wait3A_90] : memref<2x!tpu.dma_semaphore, #tpu.memory_space<semaphore_mem>> -> memref<1x!tpu.dma_semaphore, #tpu.memory_space<semaphore_mem>>
    %dma_wait3A_98 = tpu.memref_squeeze %dma_wait3A_97 : memref<1x!tpu.dma_semaphore, #tpu.memory_space<semaphore_mem>> -> memref<!tpu.dma_semaphore, #tpu.memory_space<semaphore_mem>>
    %dma_wait3A_99 = arith.constant 0 : i32
    %dma_wait3A_100 = arith.constant 0 : i32
    %dma_wait3A_101 = tpu.memref_slice %arg7[%dma_wait3A_89, %dma_wait3A_99, %dma_wait3A_100] : memref<2x16x128xi32, #tpu.memory_space<vmem>> -> memref<1x16x128xi32, #tpu.memory_space<vmem>>
    %dma_wait3A_102 = tpu.memref_squeeze %dma_wait3A_101 : memref<1x16x128xi32, #tpu.memory_space<vmem>> -> memref<16x128xi32, #tpu.memory_space<vmem>>
    %dma_wait3A_103 = arith.constant 0 : i32
    %dma_wait3A_104 = tpu.memref_slice %arg3[%add3A_38, %dma_wait3A_103] : memref<2560x128xi32, #tpu.memory_space<hbm>> -> memref<16x128xi32, #tpu.memory_space<hbm>>
    tpu.wait_dma2 semaphore(%dma_wait3A_98 : memref<!tpu.dma_semaphore, #tpu.memory_space<semaphore_mem>>) src(%dma_wait3A_104 : memref<16x128xi32, #tpu.memory_space<hbm>>) dst(%dma_wait3A_102 : memref<16x128xi32, #tpu.memory_space<vmem>>)
    %rem3A = arith.constant 0 : i32
    %rem3A_105 = arith.constant 2 : i32
    %rem3A_106 = arith.remsi %rem3A, %rem3A_105 : i32
    %rem3A_107 = arith.constant 0 : i32
    %rem3A_108 = arith.constant 16 : i32
    %rem3A_109 = arith.remsi %rem3A_107, %rem3A_108 : i32
    %rem3A_110 = arith.constant 0 : i32
    %rem3A_111 = arith.constant 2 : i32
    %rem3A_112 = arith.remsi %rem3A_110, %rem3A_111 : i32
    %rem3A_113 = arith.constant 0 : i32
    %rem3A_114 = arith.constant 2 : i32
    %rem3A_115 = arith.remsi %rem3A_113, %rem3A_114 : i32
    %dma_start3A_116 = arith.constant 0 : i32
    %dma_start3A_117 = arith.constant 0 : i32
    %dma_start3A_118 = tpu.memref_slice %arg8[%rem3A_112, %dma_start3A_116, %dma_start3A_117] : memref<2x128x128xf32, #tpu.memory_space<vmem>> -> memref<1x128x128xf32, #tpu.memory_space<vmem>>
    %dma_start3A_119 = tpu.memref_squeeze %dma_start3A_118 : memref<1x128x128xf32, #tpu.memory_space<vmem>> -> memref<128x128xf32, #tpu.memory_space<vmem>>
    %dma_start3A_120 = arith.constant 0 : i32
    %dma_start3A_121 = tpu.memref_slice %arg6[%rem3A_106, %rem3A_109, %dma_start3A_120] : memref<2x16x128xi32, #tpu.memory_space<vmem>> -> memref<1x1x128xi32, #tpu.memory_space<vmem>>
    %dma_start3A_122 = tpu.memref_squeeze %dma_start3A_121 : memref<1x1x128xi32, #tpu.memory_space<vmem>> -> memref<128xi32, #tpu.memory_space<vmem>>
    %dma_start3A_123 = arith.constant 0 : i32
    %dma_start3A_124 = arith.constant 0 : i32
    %dma_start3A_125 = tpu.memref_slice %arg4[%dma_start3A_123, %dma_start3A_124] : memref<20480x128xf32, #tpu.memory_space<hbm>> -> memref<20480x128xf32, #tpu.memory_space<hbm>>
    %dma_start3A_126 = tpu.memref_slice %arg10[%rem3A_115] : memref<2x!tpu.dma_semaphore, #tpu.memory_space<semaphore_mem>> -> memref<1x!tpu.dma_semaphore, #tpu.memory_space<semaphore_mem>>
    %dma_start3A_127 = tpu.memref_squeeze %dma_start3A_126 : memref<1x!tpu.dma_semaphore, #tpu.memory_space<semaphore_mem>> -> memref<!tpu.dma_semaphore, #tpu.memory_space<semaphore_mem>>
    tpu.enqueue_indirect_dma source(%dma_start3A_125 : memref<20480x128xf32, #tpu.memory_space<hbm>>) target(%dma_start3A_119 : memref<128x128xf32, #tpu.memory_space<vmem>>) offsets(%dma_start3A_122 : memref<128xi32, #tpu.memory_space<vmem>>) semaphore(%dma_start3A_127 : memref<!tpu.dma_semaphore, #tpu.memory_space<semaphore_mem>>)
    %scan3A_128 = arith.constant 0 : i32
    %scan3A_129 = arith.constant 0 : i32
    %scan3A_130 = arith.constant 160 : i32
    %scan3A_131 = arith.addi %scan3A_129, %scan3A_130 : i32
    %scan3A_132 = arith.constant 1 : i32
    %scan3A_133 = scf.for %scan3A_160 = %scan3A_129 to %scan3A_131 step %scan3A_132 iter_args(%scan3A_161 = %scan3A_128) -> (i32)  : i32 {
      %rem3A_162 = arith.constant 2 : i32
      %rem3A_163 = arith.remsi %scan3A_160, %rem3A_162 : i32
      %jit3A = arith.constant 16 : i32
      %div3A = arith.divsi %scan3A_160, %jit3A : i32
      %sign3A = arith.constant 0 : i32
      %sign3A_164 = arith.cmpi sgt, %scan3A_160, %sign3A : i32
      %sign3A_165 = arith.extui %sign3A_164 : i1 to i32
      %sign3A_166 = arith.constant 0 : i32
      %sign3A_167 = arith.cmpi slt, %scan3A_160, %sign3A_166 : i32
      %sign3A_168 = arith.extui %sign3A_167 : i1 to i32
      %sign3A_169 = arith.subi %sign3A_165, %sign3A_168 : i32
      %sign3A_170 = arith.constant 0 : i32
      %sign3A_171 = arith.cmpi sgt, %jit3A, %sign3A_170 : i32
      %sign3A_172 = arith.extui %sign3A_171 : i1 to i32
      %sign3A_173 = arith.constant 0 : i32
      %sign3A_174 = arith.cmpi slt, %jit3A, %sign3A_173 : i32
      %sign3A_175 = arith.extui %sign3A_174 : i1 to i32
      %sign3A_176 = arith.subi %sign3A_172, %sign3A_175 : i32
      %ne3A = arith.cmpi ne, %sign3A_169, %sign3A_176 : i32
      %rem3A_177 = arith.remsi %scan3A_160, %jit3A : i32
      %ne3A_178 = arith.constant 0 : i32
      %ne3A_179 = arith.cmpi ne, %rem3A_177, %ne3A_178 : i32
      %and3A = arith.andi %ne3A, %ne3A_179 : i1
      %sub3A = arith.constant 1 : i32
      %sub3A_180 = arith.subi %div3A, %sub3A : i32
      %select_n3A = arith.select %and3A, %sub3A_180, %div3A : i32
      %rem3A_181 = arith.constant 16 : i32
      %rem3A_182 = arith.remsi %scan3A_160, %rem3A_181 : i32
      %eq3A = arith.constant 1 : i32
      %eq3A_183 = arith.cmpi eq, %rem3A_182, %eq3A : i32
      %add3A_184 = arith.constant 1 : i32
      %add3A_185 = arith.addi %select_n3A, %add3A_184 : i32
      %lt3A = arith.constant 10 : i32
      %lt3A_186 = arith.cmpi slt, %add3A_185, %lt3A : i32
      %and3A_187 = arith.andi %eq3A_183, %lt3A_186 : i1
      %convert_element_type3A = arith.extui %and3A_187 : i1 to i32
      %cond3A = arith.constant 0 : i32
      %cond3A_188 = arith.cmpi ne, %convert_element_type3A, %cond3A : i32
      scf.if %cond3A_188 {
        %add3A_231 = arith.constant 1 : i32
        %add3A_232 = arith.addi %select_n3A, %add3A_231 : i32
        %add3A_233 = arith.constant 1 : i32
        %add3A_234 = arith.addi %select_n3A, %add3A_233 : i32
        %rem3A_235 = arith.constant 2 : i32
        %rem3A_236 = arith.remsi %add3A_234, %rem3A_235 : i32
        %mul3A_237 = arith.constant 16 : i32
        %mul3A_238 = arith.muli %add3A_232, %mul3A_237 : i32
        %add3A_239 = arith.addi %add3A_33, %mul3A_238 : i32
        %dma_start3A_240 = arith.constant 0 : i32
        %dma_start3A_241 = arith.constant 0 : i32
        %dma_start3A_242 = tpu.memref_slice %arg6[%rem3A_236, %dma_start3A_240, %dma_start3A_241] : memref<2x16x128xi32, #tpu.memory_space<vmem>> -> memref<1x16x128xi32, #tpu.memory_space<vmem>>
        %dma_start3A_243 = tpu.memref_squeeze %dma_start3A_242 : memref<1x16x128xi32, #tpu.memory_space<vmem>> -> memref<16x128xi32, #tpu.memory_space<vmem>>
        %dma_start3A_244 = arith.constant 0 : i32
        %dma_start3A_245 = tpu.memref_slice %arg2[%add3A_239, %dma_start3A_244] : memref<5120x128xi32, #tpu.memory_space<hbm>> -> memref<16x128xi32, #tpu.memory_space<hbm>>
        %dma_start3A_246 = tpu.memref_slice %arg12[%rem3A_236] : memref<2x!tpu.dma_semaphore, #tpu.memory_space<semaphore_mem>> -> memref<1x!tpu.dma_semaphore, #tpu.memory_space<semaphore_mem>>
        %dma_start3A_247 = tpu.memref_squeeze %dma_start3A_246 : memref<1x!tpu.dma_semaphore, #tpu.memory_space<semaphore_mem>> -> memref<!tpu.dma_semaphore, #tpu.memory_space<semaphore_mem>>
        %dma_start3A_248 = arith.constant 0 : i32
        %dma_start3A_249 = arith.constant 0 : i32
        %dma_start3A_250 = tpu.memref_slice %arg6[%rem3A_236, %dma_start3A_248, %dma_start3A_249] : memref<2x16x128xi32, #tpu.memory_space<vmem>> -> memref<1x16x128xi32, #tpu.memory_space<vmem>>
        %dma_start3A_251 = tpu.memref_squeeze %dma_start3A_250 : memref<1x16x128xi32, #tpu.memory_space<vmem>> -> memref<16x128xi32, #tpu.memory_space<vmem>>
        %dma_start3A_252 = arith.constant 0 : i32
        %dma_start3A_253 = tpu.memref_slice %arg2[%add3A_239, %dma_start3A_252] : memref<5120x128xi32, #tpu.memory_space<hbm>> -> memref<16x128xi32, #tpu.memory_space<hbm>>
        tpu.enqueue_dma source(%dma_start3A_253 : memref<16x128xi32, #tpu.memory_space<hbm>>) target(%dma_start3A_251 : memref<16x128xi32, #tpu.memory_space<vmem>>) target_semaphore(%dma_start3A_247 : memref<!tpu.dma_semaphore, #tpu.memory_space<semaphore_mem>>)
        %mul3A_254 = arith.constant 16 : i32
        %mul3A_255 = arith.muli %add3A_232, %mul3A_254 : i32
        %add3A_256 = arith.addi %add3A_38, %mul3A_255 : i32
        %dma_start3A_257 = arith.constant 0 : i32
        %dma_start3A_258 = arith.constant 0 : i32
        %dma_start3A_259 = tpu.memref_slice %arg7[%rem3A_236, %dma_start3A_257, %dma_start3A_258] : memref<2x16x128xi32, #tpu.memory_space<vmem>> -> memref<1x16x128xi32, #tpu.memory_space<vmem>>
        %dma_start3A_260 = tpu.memref_squeeze %dma_start3A_259 : memref<1x16x128xi32, #tpu.memory_space<vmem>> -> memref<16x128xi32, #tpu.memory_space<vmem>>
        %dma_start3A_261 = arith.constant 0 : i32
        %dma_start3A_262 = tpu.memref_slice %arg3[%add3A_256, %dma_start3A_261] : memref<2560x128xi32, #tpu.memory_space<hbm>> -> memref<16x128xi32, #tpu.memory_space<hbm>>
        %dma_start3A_263 = tpu.memref_slice %arg12[%rem3A_236] : memref<2x!tpu.dma_semaphore, #tpu.memory_space<semaphore_mem>> -> memref<1x!tpu.dma_semaphore, #tpu.memory_space<semaphore_mem>>
        %dma_start3A_264 = tpu.memref_squeeze %dma_start3A_263 : memref<1x!tpu.dma_semaphore, #tpu.memory_space<semaphore_mem>> -> memref<!tpu.dma_semaphore, #tpu.memory_space<semaphore_mem>>
        %dma_start3A_265 = arith.constant 0 : i32
        %dma_start3A_266 = arith.constant 0 : i32
        %dma_start3A_267 = tpu.memref_slice %arg7[%rem3A_236, %dma_start3A_265, %dma_start3A_266] : memref<2x16x128xi32, #tpu.memory_space<vmem>> -> memref<1x16x128xi32, #tpu.memory_space<vmem>>
        %dma_start3A_268 = tpu.memref_squeeze %dma_start3A_267 : memref<1x16x128xi32, #tpu.memory_space<vmem>> -> memref<16x128xi32, #tpu.memory_space<vmem>>
        %dma_start3A_269 = arith.constant 0 : i32
        %dma_start3A_270 = tpu.memref_slice %arg3[%add3A_256, %dma_start3A_269] : memref<2560x128xi32, #tpu.memory_space<hbm>> -> memref<16x128xi32, #tpu.memory_space<hbm>>
        tpu.enqueue_dma source(%dma_start3A_270 : memref<16x128xi32, #tpu.memory_space<hbm>>) target(%dma_start3A_268 : memref<16x128xi32, #tpu.memory_space<vmem>>) target_semaphore(%dma_start3A_264 : memref<!tpu.dma_semaphore, #tpu.memory_space<semaphore_mem>>)
      } else {
      }
      %ge3A = arith.constant 1 : i32
      %ge3A_189 = arith.cmpi sge, %scan3A_160, %ge3A : i32
      %convert_element_type3A_190 = arith.extui %ge3A_189 : i1 to i32
      %cond3A_191 = arith.constant 0 : i32
      %cond3A_192 = arith.cmpi ne, %convert_element_type3A_190, %cond3A_191 : i32
      scf.if %cond3A_192 {
        %sub3A_231 = arith.constant 1 : i32
        %sub3A_232 = arith.subi %sub3A_231, %rem3A_163 : i32
        %sub3A_233 = arith.constant 1 : i32
        %sub3A_234 = arith.subi %sub3A_233, %rem3A_163 : i32
        %dma_wait3A_235 = arith.constant 0 : i32
        %dma_wait3A_236 = arith.constant 0 : i32
        %dma_wait3A_237 = arith.constant 0 : i32
        %dma_wait3A_238 = arith.constant 0 : i32
        %dma_wait3A_239 = tpu.memref_slice %arg8[%sub3A_232, %dma_wait3A_237, %dma_wait3A_238] : memref<2x128x128xf32, #tpu.memory_space<vmem>> -> memref<1x128x128xf32, #tpu.memory_space<vmem>>
        %dma_wait3A_240 = tpu.memref_squeeze %dma_wait3A_239 : memref<1x128x128xf32, #tpu.memory_space<vmem>> -> memref<128x128xf32, #tpu.memory_space<vmem>>
        %dma_wait3A_241 = arith.constant 0 : i32
        %dma_wait3A_242 = tpu.memref_slice %arg7[%dma_wait3A_235, %dma_wait3A_236, %dma_wait3A_241] : memref<2x16x128xi32, #tpu.memory_space<vmem>> -> memref<1x1x128xi32, #tpu.memory_space<vmem>>
        %dma_wait3A_243 = tpu.memref_squeeze %dma_wait3A_242 : memref<1x1x128xi32, #tpu.memory_space<vmem>> -> memref<128xi32, #tpu.memory_space<vmem>>
        %dma_wait3A_244 = arith.constant 0 : i32
        %dma_wait3A_245 = arith.constant 0 : i32
        %dma_wait3A_246 = tpu.memref_slice %arg9[%dma_wait3A_244, %dma_wait3A_245] : memref<10240x128xf32, #tpu.memory_space<vmem_shared>> -> memref<10240x128xf32, #tpu.memory_space<vmem_shared>>
        %dma_wait3A_247 = tpu.memref_slice %arg11[%sub3A_234] : memref<2x!tpu.dma_semaphore, #tpu.memory_space<semaphore_mem>> -> memref<1x!tpu.dma_semaphore, #tpu.memory_space<semaphore_mem>>
        %dma_wait3A_248 = tpu.memref_squeeze %dma_wait3A_247 : memref<1x!tpu.dma_semaphore, #tpu.memory_space<semaphore_mem>> -> memref<!tpu.dma_semaphore, #tpu.memory_space<semaphore_mem>>
        tpu.wait_indirect_dma semaphore(%dma_wait3A_248 : memref<!tpu.dma_semaphore, #tpu.memory_space<semaphore_mem>>) src(%dma_wait3A_240 : memref<128x128xf32, #tpu.memory_space<vmem>>) dst(%dma_wait3A_246 : memref<10240x128xf32, #tpu.memory_space<vmem_shared>>)
      } else {
      }
      %add3A_193 = arith.constant 1 : i32
      %add3A_194 = arith.addi %scan3A_160, %add3A_193 : i32
      %lt3A_195 = arith.constant 160 : i32
      %lt3A_196 = arith.cmpi slt, %add3A_194, %lt3A_195 : i32
      %convert_element_type3A_197 = arith.extui %lt3A_196 : i1 to i32
      %cond3A_198 = arith.constant 0 : i32
      %cond3A_199 = arith.cmpi ne, %convert_element_type3A_197, %cond3A_198 : i32
      scf.if %cond3A_199 {
        %add3A_231 = arith.constant 1 : i32
        %add3A_232 = arith.addi %scan3A_160, %add3A_231 : i32
        %rem3A_233 = arith.constant 16 : i32
        %rem3A_234 = arith.remsi %add3A_232, %rem3A_233 : i32
        %eq3A_235 = arith.constant 0 : i32
        %eq3A_236 = arith.cmpi eq, %rem3A_234, %eq3A_235 : i32
        %convert_element_type3A_237 = arith.extui %eq3A_236 : i1 to i32
        %cond3A_238 = arith.constant 0 : i32
        %cond3A_239 = arith.cmpi ne, %convert_element_type3A_237, %cond3A_238 : i32
        scf.if %cond3A_239 {
          %add3A_286 = arith.constant 1 : i32
          %add3A_287 = arith.addi %select_n3A, %add3A_286 : i32
          %rem3A_288 = arith.constant 2 : i32
          %rem3A_289 = arith.remsi %add3A_287, %rem3A_288 : i32
          %dma_wait3A_290 = arith.constant 0 : i32
          %dma_wait3A_291 = arith.constant 0 : i32
          %dma_wait3A_292 = tpu.memref_slice %arg6[%rem3A_289, %dma_wait3A_290, %dma_wait3A_291] : memref<2x16x128xi32, #tpu.memory_space<vmem>> -> memref<1x16x128xi32, #tpu.memory_space<vmem>>
          %dma_wait3A_293 = tpu.memref_squeeze %dma_wait3A_292 : memref<1x16x128xi32, #tpu.memory_space<vmem>> -> memref<16x128xi32, #tpu.memory_space<vmem>>
          %dma_wait3A_294 = arith.constant 0 : i32
          %dma_wait3A_295 = tpu.memref_slice %arg2[%add3A_33, %dma_wait3A_294] : memref<5120x128xi32, #tpu.memory_space<hbm>> -> memref<16x128xi32, #tpu.memory_space<hbm>>
          %dma_wait3A_296 = tpu.memref_slice %arg12[%rem3A_289] : memref<2x!tpu.dma_semaphore, #tpu.memory_space<semaphore_mem>> -> memref<1x!tpu.dma_semaphore, #tpu.memory_space<semaphore_mem>>
          %dma_wait3A_297 = tpu.memref_squeeze %dma_wait3A_296 : memref<1x!tpu.dma_semaphore, #tpu.memory_space<semaphore_mem>> -> memref<!tpu.dma_semaphore, #tpu.memory_space<semaphore_mem>>
          %dma_wait3A_298 = arith.constant 0 : i32
          %dma_wait3A_299 = arith.constant 0 : i32
          %dma_wait3A_300 = tpu.memref_slice %arg6[%rem3A_289, %dma_wait3A_298, %dma_wait3A_299] : memref<2x16x128xi32, #tpu.memory_space<vmem>> -> memref<1x16x128xi32, #tpu.memory_space<vmem>>
          %dma_wait3A_301 = tpu.memref_squeeze %dma_wait3A_300 : memref<1x16x128xi32, #tpu.memory_space<vmem>> -> memref<16x128xi32, #tpu.memory_space<vmem>>
          %dma_wait3A_302 = arith.constant 0 : i32
          %dma_wait3A_303 = tpu.memref_slice %arg2[%add3A_33, %dma_wait3A_302] : memref<5120x128xi32, #tpu.memory_space<hbm>> -> memref<16x128xi32, #tpu.memory_space<hbm>>
          tpu.wait_dma2 semaphore(%dma_wait3A_297 : memref<!tpu.dma_semaphore, #tpu.memory_space<semaphore_mem>>) src(%dma_wait3A_303 : memref<16x128xi32, #tpu.memory_space<hbm>>) dst(%dma_wait3A_301 : memref<16x128xi32, #tpu.memory_space<vmem>>)
          %dma_wait3A_304 = arith.constant 0 : i32
          %dma_wait3A_305 = arith.constant 0 : i32
          %dma_wait3A_306 = tpu.memref_slice %arg7[%rem3A_289, %dma_wait3A_304, %dma_wait3A_305] : memref<2x16x128xi32, #tpu.memory_space<vmem>> -> memref<1x16x128xi32, #tpu.memory_space<vmem>>
          %dma_wait3A_307 = tpu.memref_squeeze %dma_wait3A_306 : memref<1x16x128xi32, #tpu.memory_space<vmem>> -> memref<16x128xi32, #tpu.memory_space<vmem>>
          %dma_wait3A_308 = arith.constant 0 : i32
          %dma_wait3A_309 = tpu.memref_slice %arg3[%add3A_38, %dma_wait3A_308] : memref<2560x128xi32, #tpu.memory_space<hbm>> -> memref<16x128xi32, #tpu.memory_space<hbm>>
          %dma_wait3A_310 = tpu.memref_slice %arg12[%rem3A_289] : memref<2x!tpu.dma_semaphore, #tpu.memory_space<semaphore_mem>> -> memref<1x!tpu.dma_semaphore, #tpu.memory_space<semaphore_mem>>
          %dma_wait3A_311 = tpu.memref_squeeze %dma_wait3A_310 : memref<1x!tpu.dma_semaphore, #tpu.memory_space<semaphore_mem>> -> memref<!tpu.dma_semaphore, #tpu.memory_space<semaphore_mem>>
          %dma_wait3A_312 = arith.constant 0 : i32
          %dma_wait3A_313 = arith.constant 0 : i32
          %dma_wait3A_314 = tpu.memref_slice %arg7[%rem3A_289, %dma_wait3A_312, %dma_wait3A_313] : memref<2x16x128xi32, #tpu.memory_space<vmem>> -> memref<1x16x128xi32, #tpu.memory_space<vmem>>
          %dma_wait3A_315 = tpu.memref_squeeze %dma_wait3A_314 : memref<1x16x128xi32, #tpu.memory_space<vmem>> -> memref<16x128xi32, #tpu.memory_space<vmem>>
          %dma_wait3A_316 = arith.constant 0 : i32
          %dma_wait3A_317 = tpu.memref_slice %arg3[%add3A_38, %dma_wait3A_316] : memref<2560x128xi32, #tpu.memory_space<hbm>> -> memref<16x128xi32, #tpu.memory_space<hbm>>
          tpu.wait_dma2 semaphore(%dma_wait3A_311 : memref<!tpu.dma_semaphore, #tpu.memory_space<semaphore_mem>>) src(%dma_wait3A_317 : memref<16x128xi32, #tpu.memory_space<hbm>>) dst(%dma_wait3A_315 : memref<16x128xi32, #tpu.memory_space<vmem>>)
        } else {
        }
        %add3A_240 = arith.constant 1 : i32
        %add3A_241 = arith.addi %scan3A_160, %add3A_240 : i32
        %jit3A_242 = arith.constant 16 : i32
        %div3A_243 = arith.divsi %add3A_241, %jit3A_242 : i32
        %sign3A_244 = arith.constant 0 : i32
        %sign3A_245 = arith.cmpi sgt, %add3A_241, %sign3A_244 : i32
        %sign3A_246 = arith.extui %sign3A_245 : i1 to i32
        %sign3A_247 = arith.constant 0 : i32
        %sign3A_248 = arith.cmpi slt, %add3A_241, %sign3A_247 : i32
        %sign3A_249 = arith.extui %sign3A_248 : i1 to i32
        %sign3A_250 = arith.subi %sign3A_246, %sign3A_249 : i32
        %sign3A_251 = arith.constant 0 : i32
        %sign3A_252 = arith.cmpi sgt, %jit3A_242, %sign3A_251 : i32
        %sign3A_253 = arith.extui %sign3A_252 : i1 to i32
        %sign3A_254 = arith.constant 0 : i32
        %sign3A_255 = arith.cmpi slt, %jit3A_242, %sign3A_254 : i32
        %sign3A_256 = arith.extui %sign3A_255 : i1 to i32
        %sign3A_257 = arith.subi %sign3A_253, %sign3A_256 : i32
        %ne3A_258 = arith.cmpi ne, %sign3A_250, %sign3A_257 : i32
        %rem3A_259 = arith.remsi %add3A_241, %jit3A_242 : i32
        %ne3A_260 = arith.constant 0 : i32
        %ne3A_261 = arith.cmpi ne, %rem3A_259, %ne3A_260 : i32
        %and3A_262 = arith.andi %ne3A_258, %ne3A_261 : i1
        %sub3A_263 = arith.constant 1 : i32
        %sub3A_264 = arith.subi %div3A_243, %sub3A_263 : i32
        %select_n3A_265 = arith.select %and3A_262, %sub3A_264, %div3A_243 : i32
        %rem3A_266 = arith.constant 2 : i32
        %rem3A_267 = arith.remsi %select_n3A_265, %rem3A_266 : i32
        %rem3A_268 = arith.constant 16 : i32
        %rem3A_269 = arith.remsi %add3A_241, %rem3A_268 : i32
        %rem3A_270 = arith.constant 2 : i32
        %rem3A_271 = arith.remsi %add3A_241, %rem3A_270 : i32
        %rem3A_272 = arith.constant 2 : i32
        %rem3A_273 = arith.remsi %add3A_241, %rem3A_272 : i32
        %dma_start3A_274 = arith.constant 0 : i32
        %dma_start3A_275 = arith.constant 0 : i32
        %dma_start3A_276 = tpu.memref_slice %arg8[%rem3A_271, %dma_start3A_274, %dma_start3A_275] : memref<2x128x128xf32, #tpu.memory_space<vmem>> -> memref<1x128x128xf32, #tpu.memory_space<vmem>>
        %dma_start3A_277 = tpu.memref_squeeze %dma_start3A_276 : memref<1x128x128xf32, #tpu.memory_space<vmem>> -> memref<128x128xf32, #tpu.memory_space<vmem>>
        %dma_start3A_278 = arith.constant 0 : i32
        %dma_start3A_279 = tpu.memref_slice %arg6[%rem3A_267, %rem3A_269, %dma_start3A_278] : memref<2x16x128xi32, #tpu.memory_space<vmem>> -> memref<1x1x128xi32, #tpu.memory_space<vmem>>
        %dma_start3A_280 = tpu.memref_squeeze %dma_start3A_279 : memref<1x1x128xi32, #tpu.memory_space<vmem>> -> memref<128xi32, #tpu.memory_space<vmem>>
        %dma_start3A_281 = arith.constant 0 : i32
        %dma_start3A_282 = arith.constant 0 : i32
        %dma_start3A_283 = tpu.memref_slice %arg4[%dma_start3A_281, %dma_start3A_282] : memref<20480x128xf32, #tpu.memory_space<hbm>> -> memref<20480x128xf32, #tpu.memory_space<hbm>>
        %dma_start3A_284 = tpu.memref_slice %arg10[%rem3A_273] : memref<2x!tpu.dma_semaphore, #tpu.memory_space<semaphore_mem>> -> memref<1x!tpu.dma_semaphore, #tpu.memory_space<semaphore_mem>>
        %dma_start3A_285 = tpu.memref_squeeze %dma_start3A_284 : memref<1x!tpu.dma_semaphore, #tpu.memory_space<semaphore_mem>> -> memref<!tpu.dma_semaphore, #tpu.memory_space<semaphore_mem>>
        tpu.enqueue_indirect_dma source(%dma_start3A_283 : memref<20480x128xf32, #tpu.memory_space<hbm>>) target(%dma_start3A_277 : memref<128x128xf32, #tpu.memory_space<vmem>>) offsets(%dma_start3A_280 : memref<128xi32, #tpu.memory_space<vmem>>) semaphore(%dma_start3A_285 : memref<!tpu.dma_semaphore, #tpu.memory_space<semaphore_mem>>)
      } else {
      }
      %dma_wait3A_200 = arith.constant 0 : i32
      %dma_wait3A_201 = arith.constant 0 : i32
      %dma_wait3A_202 = arith.constant 0 : i32
      %dma_wait3A_203 = arith.constant 0 : i32
      %dma_wait3A_204 = tpu.memref_slice %arg8[%rem3A_163, %dma_wait3A_202, %dma_wait3A_203] : memref<2x128x128xf32, #tpu.memory_space<vmem>> -> memref<1x128x128xf32, #tpu.memory_space<vmem>>
      %dma_wait3A_205 = tpu.memref_squeeze %dma_wait3A_204 : memref<1x128x128xf32, #tpu.memory_space<vmem>> -> memref<128x128xf32, #tpu.memory_space<vmem>>
      %dma_wait3A_206 = arith.constant 0 : i32
      %dma_wait3A_207 = tpu.memref_slice %arg6[%dma_wait3A_200, %dma_wait3A_201, %dma_wait3A_206] : memref<2x16x128xi32, #tpu.memory_space<vmem>> -> memref<1x1x128xi32, #tpu.memory_space<vmem>>
      %dma_wait3A_208 = tpu.memref_squeeze %dma_wait3A_207 : memref<1x1x128xi32, #tpu.memory_space<vmem>> -> memref<128xi32, #tpu.memory_space<vmem>>
      %dma_wait3A_209 = arith.constant 0 : i32
      %dma_wait3A_210 = arith.constant 0 : i32
      %dma_wait3A_211 = tpu.memref_slice %arg4[%dma_wait3A_209, %dma_wait3A_210] : memref<20480x128xf32, #tpu.memory_space<hbm>> -> memref<20480x128xf32, #tpu.memory_space<hbm>>
      %dma_wait3A_212 = tpu.memref_slice %arg10[%rem3A_163] : memref<2x!tpu.dma_semaphore, #tpu.memory_space<semaphore_mem>> -> memref<1x!tpu.dma_semaphore, #tpu.memory_space<semaphore_mem>>
      %dma_wait3A_213 = tpu.memref_squeeze %dma_wait3A_212 : memref<1x!tpu.dma_semaphore, #tpu.memory_space<semaphore_mem>> -> memref<!tpu.dma_semaphore, #tpu.memory_space<semaphore_mem>>
      tpu.wait_indirect_dma semaphore(%dma_wait3A_213 : memref<!tpu.dma_semaphore, #tpu.memory_space<semaphore_mem>>) src(%dma_wait3A_211 : memref<20480x128xf32, #tpu.memory_space<hbm>>) dst(%dma_wait3A_205 : memref<128x128xf32, #tpu.memory_space<vmem>>)
      %rem3A_214 = arith.constant 2 : i32
      %rem3A_215 = arith.remsi %select_n3A, %rem3A_214 : i32
      %rem3A_216 = arith.constant 16 : i32
      %rem3A_217 = arith.remsi %scan3A_160, %rem3A_216 : i32
      %dma_start3A_218 = arith.constant 0 : i32
      %dma_start3A_219 = arith.constant 0 : i32
      %dma_start3A_220 = tpu.memref_slice %arg8[%rem3A_163, %dma_start3A_218, %dma_start3A_219] : memref<2x128x128xf32, #tpu.memory_space<vmem>> -> memref<1x128x128xf32, #tpu.memory_space<vmem>>
      %dma_start3A_221 = tpu.memref_squeeze %dma_start3A_220 : memref<1x128x128xf32, #tpu.memory_space<vmem>> -> memref<128x128xf32, #tpu.memory_space<vmem>>
      %dma_start3A_222 = arith.constant 0 : i32
      %dma_start3A_223 = tpu.memref_slice %arg7[%rem3A_215, %rem3A_217, %dma_start3A_222] : memref<2x16x128xi32, #tpu.memory_space<vmem>> -> memref<1x1x128xi32, #tpu.memory_space<vmem>>
      %dma_start3A_224 = tpu.memref_squeeze %dma_start3A_223 : memref<1x1x128xi32, #tpu.memory_space<vmem>> -> memref<128xi32, #tpu.memory_space<vmem>>
      %dma_start3A_225 = arith.constant 0 : i32
      %dma_start3A_226 = arith.constant 0 : i32
      %dma_start3A_227 = tpu.memref_slice %arg9[%dma_start3A_225, %dma_start3A_226] : memref<10240x128xf32, #tpu.memory_space<vmem_shared>> -> memref<10240x128xf32, #tpu.memory_space<vmem_shared>>
      %dma_start3A_228 = tpu.memref_slice %arg11[%rem3A_163] : memref<2x!tpu.dma_semaphore, #tpu.memory_space<semaphore_mem>> -> memref<1x!tpu.dma_semaphore, #tpu.memory_space<semaphore_mem>>
      %dma_start3A_229 = tpu.memref_squeeze %dma_start3A_228 : memref<1x!tpu.dma_semaphore, #tpu.memory_space<semaphore_mem>> -> memref<!tpu.dma_semaphore, #tpu.memory_space<semaphore_mem>>
      tpu.enqueue_indirect_dma source(%dma_start3A_221 : memref<128x128xf32, #tpu.memory_space<vmem>>) target(%dma_start3A_227 : memref<10240x128xf32, #tpu.memory_space<vmem_shared>>) offsets(%dma_start3A_224 : memref<128xi32, #tpu.memory_space<vmem>>) semaphore(%dma_start3A_229 : memref<!tpu.dma_semaphore, #tpu.memory_space<semaphore_mem>>) {add = true}
      %scan3A_230 = arith.constant 0 : i32
      scf.yield %scan3A_230 : i32
    }
    %scan3A_134 = arith.constant 160 : i32
    %rem3A_135 = arith.constant 159 : i32
    %rem3A_136 = arith.constant 2 : i32
    %rem3A_137 = arith.remsi %rem3A_135, %rem3A_136 : i32
    %rem3A_138 = arith.constant 159 : i32
    %rem3A_139 = arith.constant 2 : i32
    %rem3A_140 = arith.remsi %rem3A_138, %rem3A_139 : i32
    %dma_wait3A_141 = arith.constant 0 : i32
    %dma_wait3A_142 = arith.constant 0 : i32
    %dma_wait3A_143 = arith.constant 0 : i32
    %dma_wait3A_144 = arith.constant 0 : i32
    %dma_wait3A_145 = tpu.memref_slice %arg8[%rem3A_137, %dma_wait3A_143, %dma_wait3A_144] : memref<2x128x128xf32, #tpu.memory_space<vmem>> -> memref<1x128x128xf32, #tpu.memory_space<vmem>>
    %dma_wait3A_146 = tpu.memref_squeeze %dma_wait3A_145 : memref<1x128x128xf32, #tpu.memory_space<vmem>> -> memref<128x128xf32, #tpu.memory_space<vmem>>
    %dma_wait3A_147 = arith.constant 0 : i32
    %dma_wait3A_148 = tpu.memref_slice %arg7[%dma_wait3A_141, %dma_wait3A_142, %dma_wait3A_147] : memref<2x16x128xi32, #tpu.memory_space<vmem>> -> memref<1x1x128xi32, #tpu.memory_space<vmem>>
    %dma_wait3A_149 = tpu.memref_squeeze %dma_wait3A_148 : memref<1x1x128xi32, #tpu.memory_space<vmem>> -> memref<128xi32, #tpu.memory_space<vmem>>
    %dma_wait3A_150 = arith.constant 0 : i32
    %dma_wait3A_151 = arith.constant 0 : i32
    %dma_wait3A_152 = tpu.memref_slice %arg9[%dma_wait3A_150, %dma_wait3A_151] : memref<10240x128xf32, #tpu.memory_space<vmem_shared>> -> memref<10240x128xf32, #tpu.memory_space<vmem_shared>>
    %dma_wait3A_153 = tpu.memref_slice %arg11[%rem3A_140] : memref<2x!tpu.dma_semaphore, #tpu.memory_space<semaphore_mem>> -> memref<1x!tpu.dma_semaphore, #tpu.memory_space<semaphore_mem>>
    %dma_wait3A_154 = tpu.memref_squeeze %dma_wait3A_153 : memref<1x!tpu.dma_semaphore, #tpu.memory_space<semaphore_mem>> -> memref<!tpu.dma_semaphore, #tpu.memory_space<semaphore_mem>>
    tpu.wait_indirect_dma semaphore(%dma_wait3A_154 : memref<!tpu.dma_semaphore, #tpu.memory_space<semaphore_mem>>) src(%dma_wait3A_146 : memref<128x128xf32, #tpu.memory_space<vmem>>) dst(%dma_wait3A_152 : memref<10240x128xf32, #tpu.memory_space<vmem_shared>>)
    %barrier3A_155 = arith.constant 0 : index
    tpu.barrier barrier_id(%barrier3A_155)
    %mul3A_156 = arith.constant 640 : i32
    %mul3A_157 = arith.muli %arg1, %mul3A_156 : i32
    %mul3A_158 = arith.constant 640 : i32
    %mul3A_159 = arith.muli %arg1, %mul3A_158 : i32
    "tpu.region"() ({
      %run_scoped3A_160 = tpu.sem_alloc : memref<!tpu.dma_semaphore, #tpu.memory_space<semaphore_mem>>
      %dma_start3A_161 = arith.constant 0 : i32
      %dma_start3A_162 = tpu.memref_slice %arg5[%arg0, %mul3A_159, %dma_start3A_161] : memref<2x10240x128xf32, #tpu.memory_space<hbm>> -> memref<1x640x128xf32, #tpu.memory_space<hbm>>
      %dma_start3A_163 = tpu.memref_squeeze %dma_start3A_162 : memref<1x640x128xf32, #tpu.memory_space<hbm>> -> memref<640x128xf32, #tpu.memory_space<hbm>>
      %dma_start3A_164 = arith.constant 0 : i32
      %dma_start3A_165 = tpu.memref_slice %arg9[%mul3A_157, %dma_start3A_164] : memref<10240x128xf32, #tpu.memory_space<vmem_shared>> -> memref<640x128xf32, #tpu.memory_space<vmem_shared>>
      tpu.enqueue_dma source(%dma_start3A_165 : memref<640x128xf32, #tpu.memory_space<vmem_shared>>) target(%dma_start3A_163 : memref<640x128xf32, #tpu.memory_space<hbm>>) target_semaphore(%run_scoped3A_160 : memref<!tpu.dma_semaphore, #tpu.memory_space<semaphore_mem>>)
      %dma_wait3A_166 = arith.constant 0 : i32
      %dma_wait3A_167 = tpu.memref_slice %arg5[%arg0, %mul3A_159, %dma_wait3A_166] : memref<2x10240x128xf32, #tpu.memory_space<hbm>> -> memref<1x640x128xf32, #tpu.memory_space<hbm>>
      %dma_wait3A_168 = tpu.memref_squeeze %dma_wait3A_167 : memref<1x640x128xf32, #tpu.memory_space<hbm>> -> memref<640x128xf32, #tpu.memory_space<hbm>>
      %dma_wait3A_169 = arith.constant 0 : i32
      %dma_wait3A_170 = tpu.memref_slice %arg9[%mul3A_157, %dma_wait3A_169] : memref<10240x128xf32, #tpu.memory_space<vmem_shared>> -> memref<640x128xf32, #tpu.memory_space<vmem_shared>>
      tpu.wait_dma2 semaphore(%run_scoped3A_160 : memref<!tpu.dma_semaphore, #tpu.memory_space<semaphore_mem>>) src(%dma_wait3A_170 : memref<640x128xf32, #tpu.memory_space<vmem_shared>>) dst(%dma_wait3A_168 : memref<640x128xf32, #tpu.memory_space<hbm>>)
      tpu.yield
    }) : () -> ()
    return
  }
}

#map = affine_map<(d0, d1) -> (0, 0)>
#map1 = affine_map<(d0, d1) -> (0, 0, 0)>
module attributes {stable_mosaic.version = 14 : i64} {
  func.func @scatter_kernel(%arg0: i32, %arg1: i32, %arg2: memref<5120x128xi32, #tpu.memory_space<hbm>>, %arg3: memref<2560x128xi32, #tpu.memory_space<hbm>>, %arg4: memref<20480x128xf32, #tpu.memory_space<hbm>>, %arg5: memref<2x10240x128xf32, #tpu.memory_space<hbm>>, %arg6: memref<2x16x128xi32, #tpu.memory_space<vmem>>, %arg7: memref<2x16x128xi32, #tpu.memory_space<vmem>>, %arg8: memref<2x128x128xf32, #tpu.memory_space<vmem>>, %arg9: memref<10240x128xf32, #tpu.memory_space<vmem_shared>>, %arg10: memref<2x!tpu.dma_semaphore, #tpu.memory_space<semaphore_mem>>, %arg11: memref<2x!tpu.dma_semaphore, #tpu.memory_space<semaphore_mem>>, %arg12: memref<2x!tpu.dma_semaphore, #tpu.memory_space<semaphore_mem>>) attributes {dimension_semantics = [#tpu.dimension_semantics<core_parallel>, #tpu.dimension_semantics<subcore_parallel>], iteration_bounds = array<i64: 2, 16>, scalar_prefetch = 0 : i64, scratch_operands = 7 : i64, tpu.core_type = #tpu.core_type<sc_vector_subcore>, window_params = [{transform_indices = #map}, {transform_indices = #map}, {transform_indices = #map}, {transform_indices = #map1}]} {
    %broadcast_in_dim3A = arith.constant 0.000000e+00 : f32
    %broadcast_in_dim3A_0 = vector.broadcast %broadcast_in_dim3A : f32 to vector<16xf32>
    %scan3A = arith.constant 0 : i32
    %scan3A_1 = arith.constant 0 : i32
    %scan3A_2 = arith.constant 128 : i32
    %scan3A_3 = arith.addi %scan3A_1, %scan3A_2 : i32
    %scan3A_4 = arith.constant 1 : i32
    %scan3A_5 = scf.for %scan3A_160 = %scan3A_1 to %scan3A_3 step %scan3A_4 iter_args(%scan3A_161 = %scan3A) -> (i32)  : i32 {
      %swap3A = arith.constant 0 : i32
      %swap3A_162 = arith.index_cast %swap3A : i32 to index
      %swap3A_163 = arith.index_cast %scan3A_160 : i32 to index
      %swap3A_164 = arith.constant 0 : index
      %swap3A_165 = tpu.vector_load %arg8[%swap3A_162, %swap3A_163, %swap3A_164] {strides = array<i32>} : memref<2x128x128xf32, #tpu.memory_space<vmem>>, vector<1x1x16xf32>,
      %swap3A_166 = vector.shape_cast %swap3A_165 : vector<1x1x16xf32> to vector<16xf32>
      %swap3A_167 = vector.shape_cast %broadcast_in_dim3A_0 : vector<16xf32> to vector<1x1x16xf32>
      tpu.vector_store %arg8[%swap3A_162, %swap3A_163, %swap3A_164], %swap3A_167 {strides = array<i32>} : memref<2x128x128xf32, #tpu.memory_space<vmem>>, vector<1x1x16xf32>,
      %swap3A_168 = arith.constant 0 : i32
      %swap3A_169 = arith.index_cast %swap3A_168 : i32 to index
      %swap3A_170 = arith.index_cast %scan3A_160 : i32 to index
      %swap3A_171 = arith.constant 16 : index
      %swap3A_172 = tpu.vector_load %arg8[%swap3A_169, %swap3A_170, %swap3A_171] {strides = array<i32>} : memref<2x128x128xf32, #tpu.memory_space<vmem>>, vector<1x1x16xf32>,
      %swap3A_173 = vector.shape_cast %swap3A_172 : vector<1x1x16xf32> to vector<16xf32>
      %swap3A_174 = vector.shape_cast %broadcast_in_dim3A_0 : vector<16xf32> to vector<1x1x16xf32>
      tpu.vector_store %arg8[%swap3A_169, %swap3A_170, %swap3A_171], %swap3A_174 {strides = array<i32>} : memref<2x128x128xf32, #tpu.memory_space<vmem>>, vector<1x1x16xf32>,
      %swap3A_175 = arith.constant 0 : i32
      %swap3A_176 = arith.index_cast %swap3A_175 : i32 to index
      %swap3A_177 = arith.index_cast %scan3A_160 : i32 to index
      %swap3A_178 = arith.constant 32 : index
      %swap3A_179 = tpu.vector_load %arg8[%swap3A_176, %swap3A_177, %swap3A_178] {strides = array<i32>} : memref<2x128x128xf32, #tpu.memory_space<vmem>>, vector<1x1x16xf32>,
      %swap3A_180 = vector.shape_cast %swap3A_179 : vector<1x1x16xf32> to vector<16xf32>
      %swap3A_181 = vector.shape_cast %broadcast_in_dim3A_0 : vector<16xf32> to vector<1x1x16xf32>
      tpu.vector_store %arg8[%swap3A_176, %swap3A_177, %swap3A_178], %swap3A_181 {strides = array<i32>} : memref<2x128x128xf32, #tpu.memory_space<vmem>>, vector<1x1x16xf32>,
      %swap3A_182 = arith.constant 0 : i32
      %swap3A_183 = arith.index_cast %swap3A_182 : i32 to index
      %swap3A_184 = arith.index_cast %scan3A_160 : i32 to index
      %swap3A_185 = arith.constant 48 : index
      %swap3A_186 = tpu.vector_load %arg8[%swap3A_183, %swap3A_184, %swap3A_185] {strides = array<i32>} : memref<2x128x128xf32, #tpu.memory_space<vmem>>, vector<1x1x16xf32>,
      %swap3A_187 = vector.shape_cast %swap3A_186 : vector<1x1x16xf32> to vector<16xf32>
      %swap3A_188 = vector.shape_cast %broadcast_in_dim3A_0 : vector<16xf32> to vector<1x1x16xf32>
      tpu.vector_store %arg8[%swap3A_183, %swap3A_184, %swap3A_185], %swap3A_188 {strides = array<i32>} : memref<2x128x128xf32, #tpu.memory_space<vmem>>, vector<1x1x16xf32>,
      %swap3A_189 = arith.constant 0 : i32
      %swap3A_190 = arith.index_cast %swap3A_189 : i32 to index
      %swap3A_191 = arith.index_cast %scan3A_160 : i32 to index
      %swap3A_192 = arith.constant 64 : index
      %swap3A_193 = tpu.vector_load %arg8[%swap3A_190, %swap3A_191, %swap3A_192] {strides = array<i32>} : memref<2x128x128xf32, #tpu.memory_space<vmem>>, vector<1x1x16xf32>,
      %swap3A_194 = vector.shape_cast %swap3A_193 : vector<1x1x16xf32> to vector<16xf32>
      %swap3A_195 = vector.shape_cast %broadcast_in_dim3A_0 : vector<16xf32> to vector<1x1x16xf32>
      tpu.vector_store %arg8[%swap3A_190, %swap3A_191, %swap3A_192], %swap3A_195 {strides = array<i32>} : memref<2x128x128xf32, #tpu.memory_space<vmem>>, vector<1x1x16xf32>,
      %swap3A_196 = arith.constant 0 : i32
      %swap3A_197 = arith.index_cast %swap3A_196 : i32 to index
      %swap3A_198 = arith.index_cast %scan3A_160 : i32 to index
      %swap3A_199 = arith.constant 80 : index
      %swap3A_200 = tpu.vector_load %arg8[%swap3A_197, %swap3A_198, %swap3A_199] {strides = array<i32>} : memref<2x128x128xf32, #tpu.memory_space<vmem>>, vector<1x1x16xf32>,
      %swap3A_201 = vector.shape_cast %swap3A_200 : vector<1x1x16xf32> to vector<16xf32>
      %swap3A_202 = vector.shape_cast %broadcast_in_dim3A_0 : vector<16xf32> to vector<1x1x16xf32>
      tpu.vector_store %arg8[%swap3A_197, %swap3A_198, %swap3A_199], %swap3A_202 {strides = array<i32>} : memref<2x128x128xf32, #tpu.memory_space<vmem>>, vector<1x1x16xf32>,
      %swap3A_203 = arith.constant 0 : i32
      %swap3A_204 = arith.index_cast %swap3A_203 : i32 to index
      %swap3A_205 = arith.index_cast %scan3A_160 : i32 to index
      %swap3A_206 = arith.constant 96 : index
      %swap3A_207 = tpu.vector_load %arg8[%swap3A_204, %swap3A_205, %swap3A_206] {strides = array<i32>} : memref<2x128x128xf32, #tpu.memory_space<vmem>>, vector<1x1x16xf32>,
      %swap3A_208 = vector.shape_cast %swap3A_207 : vector<1x1x16xf32> to vector<16xf32>
      %swap3A_209 = vector.shape_cast %broadcast_in_dim3A_0 : vector<16xf32> to vector<1x1x16xf32>
      tpu.vector_store %arg8[%swap3A_204, %swap3A_205, %swap3A_206], %swap3A_209 {strides = array<i32>} : memref<2x128x128xf32, #tpu.memory_space<vmem>>, vector<1x1x16xf32>,
      %swap3A_210 = arith.constant 0 : i32
      %swap3A_211 = arith.index_cast %swap3A_210 : i32 to index
      %swap3A_212 = arith.index_cast %scan3A_160 : i32 to index
      %swap3A_213 = arith.constant 112 : index
      %swap3A_214 = tpu.vector_load %arg8[%swap3A_211, %swap3A_212, %swap3A_213] {strides = array<i32>} : memref<2x128x128xf32, #tpu.memory_space<vmem>>, vector<1x1x16xf32>,
      %swap3A_215 = vector.shape_cast %swap3A_214 : vector<1x1x16xf32> to vector<16xf32>
      %swap3A_216 = vector.shape_cast %broadcast_in_dim3A_0 : vector<16xf32> to vector<1x1x16xf32>
      tpu.vector_store %arg8[%swap3A_211, %swap3A_212, %swap3A_213], %swap3A_216 {strides = array<i32>} : memref<2x128x128xf32, #tpu.memory_space<vmem>>, vector<1x1x16xf32>,
      %scan3A_217 = arith.constant 0 : i32
      scf.yield %scan3A_217 : i32
    }
    %scan3A_6 = arith.constant 128 : i32
    %mul3A = arith.constant 640 : i32
    %mul3A_7 = arith.muli %arg1, %mul3A : i32
    %add3A = arith.constant 0 : i32
    %add3A_8 = arith.addi %mul3A_7, %add3A : i32
    %run_scoped3A = arith.constant 0 : i32
    "tpu.region"() ({
      %run_scoped3A_160 = tpu.sem_alloc : memref<!tpu.dma_semaphore, #tpu.memory_space<semaphore_mem>>
      %dma_start3A_161 = arith.constant 0 : i32
      %dma_start3A_162 = arith.constant 0 : i32
      %dma_start3A_163 = tpu.memref_slice %arg8[%run_scoped3A, %dma_start3A_161, %dma_start3A_162] : memref<2x128x128xf32, #tpu.memory_space<vmem>> -> memref<1x128x128xf32, #tpu.memory_space<vmem>>
      %dma_start3A_164 = tpu.memref_squeeze %dma_start3A_163 : memref<1x128x128xf32, #tpu.memory_space<vmem>> -> memref<128x128xf32, #tpu.memory_space<vmem>>
      %dma_start3A_165 = arith.constant 0 : i32
      %dma_start3A_166 = tpu.memref_slice %arg9[%add3A_8, %dma_start3A_165] : memref<10240x128xf32, #tpu.memory_space<vmem_shared>> -> memref<128x128xf32, #tpu.memory_space<vmem_shared>>
      %dma_start3A_167 = arith.constant 0 : i32
      %dma_start3A_168 = tpu.memref_slice %arg9[%add3A_8, %dma_start3A_167] : memref<10240x128xf32, #tpu.memory_space<vmem_shared>> -> memref<128x128xf32, #tpu.memory_space<vmem_shared>>
      %dma_start3A_169 = arith.constant 0 : i32
      %dma_start3A_170 = arith.constant 0 : i32
      %dma_start3A_171 = tpu.memref_slice %arg8[%run_scoped3A, %dma_start3A_169, %dma_start3A_170] : memref<2x128x128xf32, #tpu.memory_space<vmem>> -> memref<1x128x128xf32, #tpu.memory_space<vmem>>
      %dma_start3A_172 = tpu.memref_squeeze %dma_start3A_171 : memref<1x128x128xf32, #tpu.memory_space<vmem>> -> memref<128x128xf32, #tpu.memory_space<vmem>>
      tpu.enqueue_dma source(%dma_start3A_172 : memref<128x128xf32, #tpu.memory_space<vmem>>) target(%dma_start3A_168 : memref<128x128xf32, #tpu.memory_space<vmem_shared>>) target_semaphore(%run_scoped3A_160 : memref<!tpu.dma_semaphore, #tpu.memory_space<semaphore_mem>>)
      %dma_wait3A_173 = arith.constant 0 : i32
      %dma_wait3A_174 = arith.constant 0 : i32
      %dma_wait3A_175 = tpu.memref_slice %arg8[%run_scoped3A, %dma_wait3A_173, %dma_wait3A_174] : memref<2x128x128xf32, #tpu.memory_space<vmem>> -> memref<1x128x128xf32, #tpu.memory_space<vmem>>
      %dma_wait3A_176 = tpu.memref_squeeze %dma_wait3A_175 : memref<1x128x128xf32, #tpu.memory_space<vmem>> -> memref<128x128xf32, #tpu.memory_space<vmem>>
      %dma_wait3A_177 = arith.constant 0 : i32
      %dma_wait3A_178 = tpu.memref_slice %arg9[%add3A_8, %dma_wait3A_177] : memref<10240x128xf32, #tpu.memory_space<vmem_shared>> -> memref<128x128xf32, #tpu.memory_space<vmem_shared>>
      %dma_wait3A_179 = arith.constant 0 : i32
      %dma_wait3A_180 = tpu.memref_slice %arg9[%add3A_8, %dma_wait3A_179] : memref<10240x128xf32, #tpu.memory_space<vmem_shared>> -> memref<128x128xf32, #tpu.memory_space<vmem_shared>>
      %dma_wait3A_181 = arith.constant 0 : i32
      %dma_wait3A_182 = arith.constant 0 : i32
      %dma_wait3A_183 = tpu.memref_slice %arg8[%run_scoped3A, %dma_wait3A_181, %dma_wait3A_182] : memref<2x128x128xf32, #tpu.memory_space<vmem>> -> memref<1x128x128xf32, #tpu.memory_space<vmem>>
      %dma_wait3A_184 = tpu.memref_squeeze %dma_wait3A_183 : memref<1x128x128xf32, #tpu.memory_space<vmem>> -> memref<128x128xf32, #tpu.memory_space<vmem>>
      tpu.wait_dma2 semaphore(%run_scoped3A_160 : memref<!tpu.dma_semaphore, #tpu.memory_space<semaphore_mem>>) src(%dma_wait3A_184 : memref<128x128xf32, #tpu.memory_space<vmem>>) dst(%dma_wait3A_180 : memref<128x128xf32, #tpu.memory_space<vmem_shared>>)
      tpu.yield
    }) : () -> ()
    %mul3A_9 = arith.constant 640 : i32
    %mul3A_10 = arith.muli %arg1, %mul3A_9 : i32
    %add3A_11 = arith.constant 128 : i32
    %add3A_12 = arith.addi %mul3A_10, %add3A_11 : i32
    %run_scoped3A_13 = arith.constant 0 : i32
    "tpu.region"() ({
      %run_scoped3A_160 = tpu.sem_alloc : memref<!tpu.dma_semaphore, #tpu.memory_space<semaphore_mem>>
      %dma_start3A_161 = arith.constant 0 : i32
      %dma_start3A_162 = arith.constant 0 : i32
      %dma_start3A_163 = tpu.memref_slice %arg8[%run_scoped3A_13, %dma_start3A_161, %dma_start3A_162] : memref<2x128x128xf32, #tpu.memory_space<vmem>> -> memref<1x128x128xf32, #tpu.memory_space<vmem>>
      %dma_start3A_164 = tpu.memref_squeeze %dma_start3A_163 : memref<1x128x128xf32, #tpu.memory_space<vmem>> -> memref<128x128xf32, #tpu.memory_space<vmem>>
      %dma_start3A_165 = arith.constant 0 : i32
      %dma_start3A_166 = tpu.memref_slice %arg9[%add3A_12, %dma_start3A_165] : memref<10240x128xf32, #tpu.memory_space<vmem_shared>> -> memref<128x128xf32, #tpu.memory_space<vmem_shared>>
      %dma_start3A_167 = arith.constant 0 : i32
      %dma_start3A_168 = tpu.memref_slice %arg9[%add3A_12, %dma_start3A_167] : memref<10240x128xf32, #tpu.memory_space<vmem_shared>> -> memref<128x128xf32, #tpu.memory_space<vmem_shared>>
      %dma_start3A_169 = arith.constant 0 : i32
      %dma_start3A_170 = arith.constant 0 : i32
      %dma_start3A_171 = tpu.memref_slice %arg8[%run_scoped3A_13, %dma_start3A_169, %dma_start3A_170] : memref<2x128x128xf32, #tpu.memory_space<vmem>> -> memref<1x128x128xf32, #tpu.memory_space<vmem>>
      %dma_start3A_172 = tpu.memref_squeeze %dma_start3A_171 : memref<1x128x128xf32, #tpu.memory_space<vmem>> -> memref<128x128xf32, #tpu.memory_space<vmem>>
      tpu.enqueue_dma source(%dma_start3A_172 : memref<128x128xf32, #tpu.memory_space<vmem>>) target(%dma_start3A_168 : memref<128x128xf32, #tpu.memory_space<vmem_shared>>) target_semaphore(%run_scoped3A_160 : memref<!tpu.dma_semaphore, #tpu.memory_space<semaphore_mem>>)
      %dma_wait3A_173 = arith.constant 0 : i32
      %dma_wait3A_174 = arith.constant 0 : i32
      %dma_wait3A_175 = tpu.memref_slice %arg8[%run_scoped3A_13, %dma_wait3A_173, %dma_wait3A_174] : memref<2x128x128xf32, #tpu.memory_space<vmem>> -> memref<1x128x128xf32, #tpu.memory_space<vmem>>
      %dma_wait3A_176 = tpu.memref_squeeze %dma_wait3A_175 : memref<1x128x128xf32, #tpu.memory_space<vmem>> -> memref<128x128xf32, #tpu.memory_space<vmem>>
      %dma_wait3A_177 = arith.constant 0 : i32
      %dma_wait3A_178 = tpu.memref_slice %arg9[%add3A_12, %dma_wait3A_177] : memref<10240x128xf32, #tpu.memory_space<vmem_shared>> -> memref<128x128xf32, #tpu.memory_space<vmem_shared>>
      %dma_wait3A_179 = arith.constant 0 : i32
      %dma_wait3A_180 = tpu.memref_slice %arg9[%add3A_12, %dma_wait3A_179] : memref<10240x128xf32, #tpu.memory_space<vmem_shared>> -> memref<128x128xf32, #tpu.memory_space<vmem_shared>>
      %dma_wait3A_181 = arith.constant 0 : i32
      %dma_wait3A_182 = arith.constant 0 : i32
      %dma_wait3A_183 = tpu.memref_slice %arg8[%run_scoped3A_13, %dma_wait3A_181, %dma_wait3A_182] : memref<2x128x128xf32, #tpu.memory_space<vmem>> -> memref<1x128x128xf32, #tpu.memory_space<vmem>>
      %dma_wait3A_184 = tpu.memref_squeeze %dma_wait3A_183 : memref<1x128x128xf32, #tpu.memory_space<vmem>> -> memref<128x128xf32, #tpu.memory_space<vmem>>
      tpu.wait_dma2 semaphore(%run_scoped3A_160 : memref<!tpu.dma_semaphore, #tpu.memory_space<semaphore_mem>>) src(%dma_wait3A_184 : memref<128x128xf32, #tpu.memory_space<vmem>>) dst(%dma_wait3A_180 : memref<128x128xf32, #tpu.memory_space<vmem_shared>>)
      tpu.yield
    }) : () -> ()
    %mul3A_14 = arith.constant 640 : i32
    %mul3A_15 = arith.muli %arg1, %mul3A_14 : i32
    %add3A_16 = arith.constant 256 : i32
    %add3A_17 = arith.addi %mul3A_15, %add3A_16 : i32
    %run_scoped3A_18 = arith.constant 0 : i32
    "tpu.region"() ({
      %run_scoped3A_160 = tpu.sem_alloc : memref<!tpu.dma_semaphore, #tpu.memory_space<semaphore_mem>>
      %dma_start3A_161 = arith.constant 0 : i32
      %dma_start3A_162 = arith.constant 0 : i32
      %dma_start3A_163 = tpu.memref_slice %arg8[%run_scoped3A_18, %dma_start3A_161, %dma_start3A_162] : memref<2x128x128xf32, #tpu.memory_space<vmem>> -> memref<1x128x128xf32, #tpu.memory_space<vmem>>
      %dma_start3A_164 = tpu.memref_squeeze %dma_start3A_163 : memref<1x128x128xf32, #tpu.memory_space<vmem>> -> memref<128x128xf32, #tpu.memory_space<vmem>>
      %dma_start3A_165 = arith.constant 0 : i32
      %dma_start3A_166 = tpu.memref_slice %arg9[%add3A_17, %dma_start3A_165] : memref<10240x128xf32, #tpu.memory_space<vmem_shared>> -> memref<128x128xf32, #tpu.memory_space<vmem_shared>>
      %dma_start3A_167 = arith.constant 0 : i32
      %dma_start3A_168 = tpu.memref_slice %arg9[%add3A_17, %dma_start3A_167] : memref<10240x128xf32, #tpu.memory_space<vmem_shared>> -> memref<128x128xf32, #tpu.memory_space<vmem_shared>>
      %dma_start3A_169 = arith.constant 0 : i32
      %dma_start3A_170 = arith.constant 0 : i32
      %dma_start3A_171 = tpu.memref_slice %arg8[%run_scoped3A_18, %dma_start3A_169, %dma_start3A_170] : memref<2x128x128xf32, #tpu.memory_space<vmem>> -> memref<1x128x128xf32, #tpu.memory_space<vmem>>
      %dma_start3A_172 = tpu.memref_squeeze %dma_start3A_171 : memref<1x128x128xf32, #tpu.memory_space<vmem>> -> memref<128x128xf32, #tpu.memory_space<vmem>>
      tpu.enqueue_dma source(%dma_start3A_172 : memref<128x128xf32, #tpu.memory_space<vmem>>) target(%dma_start3A_168 : memref<128x128xf32, #tpu.memory_space<vmem_shared>>) target_semaphore(%run_scoped3A_160 : memref<!tpu.dma_semaphore, #tpu.memory_space<semaphore_mem>>)
      %dma_wait3A_173 = arith.constant 0 : i32
      %dma_wait3A_174 = arith.constant 0 : i32
      %dma_wait3A_175 = tpu.memref_slice %arg8[%run_scoped3A_18, %dma_wait3A_173, %dma_wait3A_174] : memref<2x128x128xf32, #tpu.memory_space<vmem>> -> memref<1x128x128xf32, #tpu.memory_space<vmem>>
      %dma_wait3A_176 = tpu.memref_squeeze %dma_wait3A_175 : memref<1x128x128xf32, #tpu.memory_space<vmem>> -> memref<128x128xf32, #tpu.memory_space<vmem>>
      %dma_wait3A_177 = arith.constant 0 : i32
      %dma_wait3A_178 = tpu.memref_slice %arg9[%add3A_17, %dma_wait3A_177] : memref<10240x128xf32, #tpu.memory_space<vmem_shared>> -> memref<128x128xf32, #tpu.memory_space<vmem_shared>>
      %dma_wait3A_179 = arith.constant 0 : i32
      %dma_wait3A_180 = tpu.memref_slice %arg9[%add3A_17, %dma_wait3A_179] : memref<10240x128xf32, #tpu.memory_space<vmem_shared>> -> memref<128x128xf32, #tpu.memory_space<vmem_shared>>
      %dma_wait3A_181 = arith.constant 0 : i32
      %dma_wait3A_182 = arith.constant 0 : i32
      %dma_wait3A_183 = tpu.memref_slice %arg8[%run_scoped3A_18, %dma_wait3A_181, %dma_wait3A_182] : memref<2x128x128xf32, #tpu.memory_space<vmem>> -> memref<1x128x128xf32, #tpu.memory_space<vmem>>
      %dma_wait3A_184 = tpu.memref_squeeze %dma_wait3A_183 : memref<1x128x128xf32, #tpu.memory_space<vmem>> -> memref<128x128xf32, #tpu.memory_space<vmem>>
      tpu.wait_dma2 semaphore(%run_scoped3A_160 : memref<!tpu.dma_semaphore, #tpu.memory_space<semaphore_mem>>) src(%dma_wait3A_184 : memref<128x128xf32, #tpu.memory_space<vmem>>) dst(%dma_wait3A_180 : memref<128x128xf32, #tpu.memory_space<vmem_shared>>)
      tpu.yield
    }) : () -> ()
    %mul3A_19 = arith.constant 640 : i32
    %mul3A_20 = arith.muli %arg1, %mul3A_19 : i32
    %add3A_21 = arith.constant 384 : i32
    %add3A_22 = arith.addi %mul3A_20, %add3A_21 : i32
    %run_scoped3A_23 = arith.constant 0 : i32
    "tpu.region"() ({
      %run_scoped3A_160 = tpu.sem_alloc : memref<!tpu.dma_semaphore, #tpu.memory_space<semaphore_mem>>
      %dma_start3A_161 = arith.constant 0 : i32
      %dma_start3A_162 = arith.constant 0 : i32
      %dma_start3A_163 = tpu.memref_slice %arg8[%run_scoped3A_23, %dma_start3A_161, %dma_start3A_162] : memref<2x128x128xf32, #tpu.memory_space<vmem>> -> memref<1x128x128xf32, #tpu.memory_space<vmem>>
      %dma_start3A_164 = tpu.memref_squeeze %dma_start3A_163 : memref<1x128x128xf32, #tpu.memory_space<vmem>> -> memref<128x128xf32, #tpu.memory_space<vmem>>
      %dma_start3A_165 = arith.constant 0 : i32
      %dma_start3A_166 = tpu.memref_slice %arg9[%add3A_22, %dma_start3A_165] : memref<10240x128xf32, #tpu.memory_space<vmem_shared>> -> memref<128x128xf32, #tpu.memory_space<vmem_shared>>
      %dma_start3A_167 = arith.constant 0 : i32
      %dma_start3A_168 = tpu.memref_slice %arg9[%add3A_22, %dma_start3A_167] : memref<10240x128xf32, #tpu.memory_space<vmem_shared>> -> memref<128x128xf32, #tpu.memory_space<vmem_shared>>
      %dma_start3A_169 = arith.constant 0 : i32
      %dma_start3A_170 = arith.constant 0 : i32
      %dma_start3A_171 = tpu.memref_slice %arg8[%run_scoped3A_23, %dma_start3A_169, %dma_start3A_170] : memref<2x128x128xf32, #tpu.memory_space<vmem>> -> memref<1x128x128xf32, #tpu.memory_space<vmem>>
      %dma_start3A_172 = tpu.memref_squeeze %dma_start3A_171 : memref<1x128x128xf32, #tpu.memory_space<vmem>> -> memref<128x128xf32, #tpu.memory_space<vmem>>
      tpu.enqueue_dma source(%dma_start3A_172 : memref<128x128xf32, #tpu.memory_space<vmem>>) target(%dma_start3A_168 : memref<128x128xf32, #tpu.memory_space<vmem_shared>>) target_semaphore(%run_scoped3A_160 : memref<!tpu.dma_semaphore, #tpu.memory_space<semaphore_mem>>)
      %dma_wait3A_173 = arith.constant 0 : i32
      %dma_wait3A_174 = arith.constant 0 : i32
      %dma_wait3A_175 = tpu.memref_slice %arg8[%run_scoped3A_23, %dma_wait3A_173, %dma_wait3A_174] : memref<2x128x128xf32, #tpu.memory_space<vmem>> -> memref<1x128x128xf32, #tpu.memory_space<vmem>>
      %dma_wait3A_176 = tpu.memref_squeeze %dma_wait3A_175 : memref<1x128x128xf32, #tpu.memory_space<vmem>> -> memref<128x128xf32, #tpu.memory_space<vmem>>
      %dma_wait3A_177 = arith.constant 0 : i32
      %dma_wait3A_178 = tpu.memref_slice %arg9[%add3A_22, %dma_wait3A_177] : memref<10240x128xf32, #tpu.memory_space<vmem_shared>> -> memref<128x128xf32, #tpu.memory_space<vmem_shared>>
      %dma_wait3A_179 = arith.constant 0 : i32
      %dma_wait3A_180 = tpu.memref_slice %arg9[%add3A_22, %dma_wait3A_179] : memref<10240x128xf32, #tpu.memory_space<vmem_shared>> -> memref<128x128xf32, #tpu.memory_space<vmem_shared>>
      %dma_wait3A_181 = arith.constant 0 : i32
      %dma_wait3A_182 = arith.constant 0 : i32
      %dma_wait3A_183 = tpu.memref_slice %arg8[%run_scoped3A_23, %dma_wait3A_181, %dma_wait3A_182] : memref<2x128x128xf32, #tpu.memory_space<vmem>> -> memref<1x128x128xf32, #tpu.memory_space<vmem>>
      %dma_wait3A_184 = tpu.memref_squeeze %dma_wait3A_183 : memref<1x128x128xf32, #tpu.memory_space<vmem>> -> memref<128x128xf32, #tpu.memory_space<vmem>>
      tpu.wait_dma2 semaphore(%run_scoped3A_160 : memref<!tpu.dma_semaphore, #tpu.memory_space<semaphore_mem>>) src(%dma_wait3A_184 : memref<128x128xf32, #tpu.memory_space<vmem>>) dst(%dma_wait3A_180 : memref<128x128xf32, #tpu.memory_space<vmem_shared>>)
      tpu.yield
    }) : () -> ()
    %mul3A_24 = arith.constant 640 : i32
    %mul3A_25 = arith.muli %arg1, %mul3A_24 : i32
    %add3A_26 = arith.constant 512 : i32
    %add3A_27 = arith.addi %mul3A_25, %add3A_26 : i32
    %run_scoped3A_28 = arith.constant 0 : i32
    "tpu.region"() ({
      %run_scoped3A_160 = tpu.sem_alloc : memref<!tpu.dma_semaphore, #tpu.memory_space<semaphore_mem>>
      %dma_start3A_161 = arith.constant 0 : i32
      %dma_start3A_162 = arith.constant 0 : i32
      %dma_start3A_163 = tpu.memref_slice %arg8[%run_scoped3A_28, %dma_start3A_161, %dma_start3A_162] : memref<2x128x128xf32, #tpu.memory_space<vmem>> -> memref<1x128x128xf32, #tpu.memory_space<vmem>>
      %dma_start3A_164 = tpu.memref_squeeze %dma_start3A_163 : memref<1x128x128xf32, #tpu.memory_space<vmem>> -> memref<128x128xf32, #tpu.memory_space<vmem>>
      %dma_start3A_165 = arith.constant 0 : i32
      %dma_start3A_166 = tpu.memref_slice %arg9[%add3A_27, %dma_start3A_165] : memref<10240x128xf32, #tpu.memory_space<vmem_shared>> -> memref<128x128xf32, #tpu.memory_space<vmem_shared>>
      %dma_start3A_167 = arith.constant 0 : i32
      %dma_start3A_168 = tpu.memref_slice %arg9[%add3A_27, %dma_start3A_167] : memref<10240x128xf32, #tpu.memory_space<vmem_shared>> -> memref<128x128xf32, #tpu.memory_space<vmem_shared>>
      %dma_start3A_169 = arith.constant 0 : i32
      %dma_start3A_170 = arith.constant 0 : i32
      %dma_start3A_171 = tpu.memref_slice %arg8[%run_scoped3A_28, %dma_start3A_169, %dma_start3A_170] : memref<2x128x128xf32, #tpu.memory_space<vmem>> -> memref<1x128x128xf32, #tpu.memory_space<vmem>>
      %dma_start3A_172 = tpu.memref_squeeze %dma_start3A_171 : memref<1x128x128xf32, #tpu.memory_space<vmem>> -> memref<128x128xf32, #tpu.memory_space<vmem>>
      tpu.enqueue_dma source(%dma_start3A_172 : memref<128x128xf32, #tpu.memory_space<vmem>>) target(%dma_start3A_168 : memref<128x128xf32, #tpu.memory_space<vmem_shared>>) target_semaphore(%run_scoped3A_160 : memref<!tpu.dma_semaphore, #tpu.memory_space<semaphore_mem>>)
      %dma_wait3A_173 = arith.constant 0 : i32
      %dma_wait3A_174 = arith.constant 0 : i32
      %dma_wait3A_175 = tpu.memref_slice %arg8[%run_scoped3A_28, %dma_wait3A_173, %dma_wait3A_174] : memref<2x128x128xf32, #tpu.memory_space<vmem>> -> memref<1x128x128xf32, #tpu.memory_space<vmem>>
      %dma_wait3A_176 = tpu.memref_squeeze %dma_wait3A_175 : memref<1x128x128xf32, #tpu.memory_space<vmem>> -> memref<128x128xf32, #tpu.memory_space<vmem>>
      %dma_wait3A_177 = arith.constant 0 : i32
      %dma_wait3A_178 = tpu.memref_slice %arg9[%add3A_27, %dma_wait3A_177] : memref<10240x128xf32, #tpu.memory_space<vmem_shared>> -> memref<128x128xf32, #tpu.memory_space<vmem_shared>>
      %dma_wait3A_179 = arith.constant 0 : i32
      %dma_wait3A_180 = tpu.memref_slice %arg9[%add3A_27, %dma_wait3A_179] : memref<10240x128xf32, #tpu.memory_space<vmem_shared>> -> memref<128x128xf32, #tpu.memory_space<vmem_shared>>
      %dma_wait3A_181 = arith.constant 0 : i32
      %dma_wait3A_182 = arith.constant 0 : i32
      %dma_wait3A_183 = tpu.memref_slice %arg8[%run_scoped3A_28, %dma_wait3A_181, %dma_wait3A_182] : memref<2x128x128xf32, #tpu.memory_space<vmem>> -> memref<1x128x128xf32, #tpu.memory_space<vmem>>
      %dma_wait3A_184 = tpu.memref_squeeze %dma_wait3A_183 : memref<1x128x128xf32, #tpu.memory_space<vmem>> -> memref<128x128xf32, #tpu.memory_space<vmem>>
      tpu.wait_dma2 semaphore(%run_scoped3A_160 : memref<!tpu.dma_semaphore, #tpu.memory_space<semaphore_mem>>) src(%dma_wait3A_184 : memref<128x128xf32, #tpu.memory_space<vmem>>) dst(%dma_wait3A_180 : memref<128x128xf32, #tpu.memory_space<vmem_shared>>)
      tpu.yield
    }) : () -> ()
    %barrier3A = arith.constant 0 : index
    tpu.barrier barrier_id(%barrier3A)
    %mul3A_29 = arith.constant 2560 : i32
    %mul3A_30 = arith.muli %arg0, %mul3A_29 : i32
    %mul3A_31 = arith.constant 160 : i32
    %mul3A_32 = arith.muli %arg1, %mul3A_31 : i32
    %add3A_33 = arith.addi %mul3A_30, %mul3A_32 : i32
    %mul3A_34 = arith.constant 0 : i32
    %mul3A_35 = arith.muli %arg0, %mul3A_34 : i32
    %mul3A_36 = arith.constant 160 : i32
    %mul3A_37 = arith.muli %arg1, %mul3A_36 : i32
    %add3A_38 = arith.addi %mul3A_35, %mul3A_37 : i32
    %add3A_39 = arith.constant 0 : i32
    %add3A_40 = arith.addi %add3A_33, %add3A_39 : i32
    %dma_start3A = arith.constant 0 : i32
    %dma_start3A_41 = arith.constant 0 : i32
    %dma_start3A_42 = arith.constant 0 : i32
    %dma_start3A_43 = arith.constant 0 : i32
    %dma_start3A_44 = tpu.memref_slice %arg6[%dma_start3A, %dma_start3A_42, %dma_start3A_43] : memref<2x16x128xi32, #tpu.memory_space<vmem>> -> memref<1x16x128xi32, #tpu.memory_space<vmem>>
    %dma_start3A_45 = tpu.memref_squeeze %dma_start3A_44 : memref<1x16x128xi32, #tpu.memory_space<vmem>> -> memref<16x128xi32, #tpu.memory_space<vmem>>
    %dma_start3A_46 = arith.constant 0 : i32
    %dma_start3A_47 = tpu.memref_slice %arg2[%add3A_40, %dma_start3A_46] : memref<5120x128xi32, #tpu.memory_space<hbm>> -> memref<16x128xi32, #tpu.memory_space<hbm>>
    %dma_start3A_48 = tpu.memref_slice %arg12[%dma_start3A_41] : memref<2x!tpu.dma_semaphore, #tpu.memory_space<semaphore_mem>> -> memref<1x!tpu.dma_semaphore, #tpu.memory_space<semaphore_mem>>
    %dma_start3A_49 = tpu.memref_squeeze %dma_start3A_48 : memref<1x!tpu.dma_semaphore, #tpu.memory_space<semaphore_mem>> -> memref<!tpu.dma_semaphore, #tpu.memory_space<semaphore_mem>>
    %dma_start3A_50 = arith.constant 0 : i32
    %dma_start3A_51 = arith.constant 0 : i32
    %dma_start3A_52 = tpu.memref_slice %arg6[%dma_start3A, %dma_start3A_50, %dma_start3A_51] : memref<2x16x128xi32, #tpu.memory_space<vmem>> -> memref<1x16x128xi32, #tpu.memory_space<vmem>>
    %dma_start3A_53 = tpu.memref_squeeze %dma_start3A_52 : memref<1x16x128xi32, #tpu.memory_space<vmem>> -> memref<16x128xi32, #tpu.memory_space<vmem>>
    %dma_start3A_54 = arith.constant 0 : i32
    %dma_start3A_55 = tpu.memref_slice %arg2[%add3A_40, %dma_start3A_54] : memref<5120x128xi32, #tpu.memory_space<hbm>> -> memref<16x128xi32, #tpu.memory_space<hbm>>
    tpu.enqueue_dma source(%dma_start3A_55 : memref<16x128xi32, #tpu.memory_space<hbm>>) target(%dma_start3A_53 : memref<16x128xi32, #tpu.memory_space<vmem>>) target_semaphore(%dma_start3A_49 : memref<!tpu.dma_semaphore, #tpu.memory_space<semaphore_mem>>)
    %add3A_56 = arith.constant 0 : i32
    %add3A_57 = arith.addi %add3A_38, %add3A_56 : i32
    %dma_start3A_58 = arith.constant 0 : i32
    %dma_start3A_59 = arith.constant 0 : i32
    %dma_start3A_60 = arith.constant 0 : i32
    %dma_start3A_61 = arith.constant 0 : i32
    %dma_start3A_62 = tpu.memref_slice %arg7[%dma_start3A_58, %dma_start3A_60, %dma_start3A_61] : memref<2x16x128xi32, #tpu.memory_space<vmem>> -> memref<1x16x128xi32, #tpu.memory_space<vmem>>
    %dma_start3A_63 = tpu.memref_squeeze %dma_start3A_62 : memref<1x16x128xi32, #tpu.memory_space<vmem>> -> memref<16x128xi32, #tpu.memory_space<vmem>>
    %dma_start3A_64 = arith.constant 0 : i32
    %dma_start3A_65 = tpu.memref_slice %arg3[%add3A_57, %dma_start3A_64] : memref<2560x128xi32, #tpu.memory_space<hbm>> -> memref<16x128xi32, #tpu.memory_space<hbm>>
    %dma_start3A_66 = tpu.memref_slice %arg12[%dma_start3A_59] : memref<2x!tpu.dma_semaphore, #tpu.memory_space<semaphore_mem>> -> memref<1x!tpu.dma_semaphore, #tpu.memory_space<semaphore_mem>>
    %dma_start3A_67 = tpu.memref_squeeze %dma_start3A_66 : memref<1x!tpu.dma_semaphore, #tpu.memory_space<semaphore_mem>> -> memref<!tpu.dma_semaphore, #tpu.memory_space<semaphore_mem>>
    %dma_start3A_68 = arith.constant 0 : i32
    %dma_start3A_69 = arith.constant 0 : i32
    %dma_start3A_70 = tpu.memref_slice %arg7[%dma_start3A_58, %dma_start3A_68, %dma_start3A_69] : memref<2x16x128xi32, #tpu.memory_space<vmem>> -> memref<1x16x128xi32, #tpu.memory_space<vmem>>
    %dma_start3A_71 = tpu.memref_squeeze %dma_start3A_70 : memref<1x16x128xi32, #tpu.memory_space<vmem>> -> memref<16x128xi32, #tpu.memory_space<vmem>>
    %dma_start3A_72 = arith.constant 0 : i32
    %dma_start3A_73 = tpu.memref_slice %arg3[%add3A_57, %dma_start3A_72] : memref<2560x128xi32, #tpu.memory_space<hbm>> -> memref<16x128xi32, #tpu.memory_space<hbm>>
    tpu.enqueue_dma source(%dma_start3A_73 : memref<16x128xi32, #tpu.memory_space<hbm>>) target(%dma_start3A_71 : memref<16x128xi32, #tpu.memory_space<vmem>>) target_semaphore(%dma_start3A_67 : memref<!tpu.dma_semaphore, #tpu.memory_space<semaphore_mem>>)
    %dma_wait3A = arith.constant 0 : i32
    %dma_wait3A_74 = arith.constant 0 : i32
    %dma_wait3A_75 = arith.constant 0 : i32
    %dma_wait3A_76 = arith.constant 0 : i32
    %dma_wait3A_77 = tpu.memref_slice %arg6[%dma_wait3A, %dma_wait3A_75, %dma_wait3A_76] : memref<2x16x128xi32, #tpu.memory_space<vmem>> -> memref<1x16x128xi32, #tpu.memory_space<vmem>>
    %dma_wait3A_78 = tpu.memref_squeeze %dma_wait3A_77 : memref<1x16x128xi32, #tpu.memory_space<vmem>> -> memref<16x128xi32, #tpu.memory_space<vmem>>
    %dma_wait3A_79 = arith.constant 0 : i32
    %dma_wait3A_80 = tpu.memref_slice %arg2[%add3A_33, %dma_wait3A_79] : memref<5120x128xi32, #tpu.memory_space<hbm>> -> memref<16x128xi32, #tpu.memory_space<hbm>>
    %dma_wait3A_81 = tpu.memref_slice %arg12[%dma_wait3A_74] : memref<2x!tpu.dma_semaphore, #tpu.memory_space<semaphore_mem>> -> memref<1x!tpu.dma_semaphore, #tpu.memory_space<semaphore_mem>>
    %dma_wait3A_82 = tpu.memref_squeeze %dma_wait3A_81 : memref<1x!tpu.dma_semaphore, #tpu.memory_space<semaphore_mem>> -> memref<!tpu.dma_semaphore, #tpu.memory_space<semaphore_mem>>
    %dma_wait3A_83 = arith.constant 0 : i32
    %dma_wait3A_84 = arith.constant 0 : i32
    %dma_wait3A_85 = tpu.memref_slice %arg6[%dma_wait3A, %dma_wait3A_83, %dma_wait3A_84] : memref<2x16x128xi32, #tpu.memory_space<vmem>> -> memref<1x16x128xi32, #tpu.memory_space<vmem>>
    %dma_wait3A_86 = tpu.memref_squeeze %dma_wait3A_85 : memref<1x16x128xi32, #tpu.memory_space<vmem>> -> memref<16x128xi32, #tpu.memory_space<vmem>>
    %dma_wait3A_87 = arith.constant 0 : i32
    %dma_wait3A_88 = tpu.memref_slice %arg2[%add3A_33, %dma_wait3A_87] : memref<5120x128xi32, #tpu.memory_space<hbm>> -> memref<16x128xi32, #tpu.memory_space<hbm>>
    tpu.wait_dma2 semaphore(%dma_wait3A_82 : memref<!tpu.dma_semaphore, #tpu.memory_space<semaphore_mem>>) src(%dma_wait3A_88 : memref<16x128xi32, #tpu.memory_space<hbm>>) dst(%dma_wait3A_86 : memref<16x128xi32, #tpu.memory_space<vmem>>)
    %dma_wait3A_89 = arith.constant 0 : i32
    %dma_wait3A_90 = arith.constant 0 : i32
    %dma_wait3A_91 = arith.constant 0 : i32
    %dma_wait3A_92 = arith.constant 0 : i32
    %dma_wait3A_93 = tpu.memref_slice %arg7[%dma_wait3A_89, %dma_wait3A_91, %dma_wait3A_92] : memref<2x16x128xi32, #tpu.memory_space<vmem>> -> memref<1x16x128xi32, #tpu.memory_space<vmem>>
    %dma_wait3A_94 = tpu.memref_squeeze %dma_wait3A_93 : memref<1x16x128xi32, #tpu.memory_space<vmem>> -> memref<16x128xi32, #tpu.memory_space<vmem>>
    %dma_wait3A_95 = arith.constant 0 : i32
    %dma_wait3A_96 = tpu.memref_slice %arg3[%add3A_38, %dma_wait3A_95] : memref<2560x128xi32, #tpu.memory_space<hbm>> -> memref<16x128xi32, #tpu.memory_space<hbm>>
    %dma_wait3A_97 = tpu.memref_slice %arg12[%dma_wait3A_90] : memref<2x!tpu.dma_semaphore, #tpu.memory_space<semaphore_mem>> -> memref<1x!tpu.dma_semaphore, #tpu.memory_space<semaphore_mem>>
    %dma_wait3A_98 = tpu.memref_squeeze %dma_wait3A_97 : memref<1x!tpu.dma_semaphore, #tpu.memory_space<semaphore_mem>> -> memref<!tpu.dma_semaphore, #tpu.memory_space<semaphore_mem>>
    %dma_wait3A_99 = arith.constant 0 : i32
    %dma_wait3A_100 = arith.constant 0 : i32
    %dma_wait3A_101 = tpu.memref_slice %arg7[%dma_wait3A_89, %dma_wait3A_99, %dma_wait3A_100] : memref<2x16x128xi32, #tpu.memory_space<vmem>> -> memref<1x16x128xi32, #tpu.memory_space<vmem>>
    %dma_wait3A_102 = tpu.memref_squeeze %dma_wait3A_101 : memref<1x16x128xi32, #tpu.memory_space<vmem>> -> memref<16x128xi32, #tpu.memory_space<vmem>>
    %dma_wait3A_103 = arith.constant 0 : i32
    %dma_wait3A_104 = tpu.memref_slice %arg3[%add3A_38, %dma_wait3A_103] : memref<2560x128xi32, #tpu.memory_space<hbm>> -> memref<16x128xi32, #tpu.memory_space<hbm>>
    tpu.wait_dma2 semaphore(%dma_wait3A_98 : memref<!tpu.dma_semaphore, #tpu.memory_space<semaphore_mem>>) src(%dma_wait3A_104 : memref<16x128xi32, #tpu.memory_space<hbm>>) dst(%dma_wait3A_102 : memref<16x128xi32, #tpu.memory_space<vmem>>)
    %rem3A = arith.constant 0 : i32
    %rem3A_105 = arith.constant 2 : i32
    %rem3A_106 = arith.remsi %rem3A, %rem3A_105 : i32
    %rem3A_107 = arith.constant 0 : i32
    %rem3A_108 = arith.constant 16 : i32
    %rem3A_109 = arith.remsi %rem3A_107, %rem3A_108 : i32
    %rem3A_110 = arith.constant 0 : i32
    %rem3A_111 = arith.constant 2 : i32
    %rem3A_112 = arith.remsi %rem3A_110, %rem3A_111 : i32
    %rem3A_113 = arith.constant 0 : i32
    %rem3A_114 = arith.constant 2 : i32
    %rem3A_115 = arith.remsi %rem3A_113, %rem3A_114 : i32
    %dma_start3A_116 = arith.constant 0 : i32
    %dma_start3A_117 = arith.constant 0 : i32
    %dma_start3A_118 = tpu.memref_slice %arg8[%rem3A_112, %dma_start3A_116, %dma_start3A_117] : memref<2x128x128xf32, #tpu.memory_space<vmem>> -> memref<1x128x128xf32, #tpu.memory_space<vmem>>
    %dma_start3A_119 = tpu.memref_squeeze %dma_start3A_118 : memref<1x128x128xf32, #tpu.memory_space<vmem>> -> memref<128x128xf32, #tpu.memory_space<vmem>>
    %dma_start3A_120 = arith.constant 0 : i32
    %dma_start3A_121 = tpu.memref_slice %arg6[%rem3A_106, %rem3A_109, %dma_start3A_120] : memref<2x16x128xi32, #tpu.memory_space<vmem>> -> memref<1x1x128xi32, #tpu.memory_space<vmem>>
    %dma_start3A_122 = tpu.memref_squeeze %dma_start3A_121 : memref<1x1x128xi32, #tpu.memory_space<vmem>> -> memref<128xi32, #tpu.memory_space<vmem>>
    %dma_start3A_123 = arith.constant 0 : i32
    %dma_start3A_124 = arith.constant 0 : i32
    %dma_start3A_125 = tpu.memref_slice %arg4[%dma_start3A_123, %dma_start3A_124] : memref<20480x128xf32, #tpu.memory_space<hbm>> -> memref<20480x128xf32, #tpu.memory_space<hbm>>
    %dma_start3A_126 = tpu.memref_slice %arg10[%rem3A_115] : memref<2x!tpu.dma_semaphore, #tpu.memory_space<semaphore_mem>> -> memref<1x!tpu.dma_semaphore, #tpu.memory_space<semaphore_mem>>
    %dma_start3A_127 = tpu.memref_squeeze %dma_start3A_126 : memref<1x!tpu.dma_semaphore, #tpu.memory_space<semaphore_mem>> -> memref<!tpu.dma_semaphore, #tpu.memory_space<semaphore_mem>>
    tpu.enqueue_indirect_dma source(%dma_start3A_125 : memref<20480x128xf32, #tpu.memory_space<hbm>>) target(%dma_start3A_119 : memref<128x128xf32, #tpu.memory_space<vmem>>) offsets(%dma_start3A_122 : memref<128xi32, #tpu.memory_space<vmem>>) semaphore(%dma_start3A_127 : memref<!tpu.dma_semaphore, #tpu.memory_space<semaphore_mem>>)
    %scan3A_128 = arith.constant 0 : i32
    %scan3A_129 = arith.constant 0 : i32
    %scan3A_130 = arith.constant 160 : i32
    %scan3A_131 = arith.addi %scan3A_129, %scan3A_130 : i32
    %scan3A_132 = arith.constant 1 : i32
    %scan3A_133 = scf.for %scan3A_160 = %scan3A_129 to %scan3A_131 step %scan3A_132 iter_args(%scan3A_161 = %scan3A_128) -> (i32)  : i32 {
      %rem3A_162 = arith.constant 2 : i32
      %rem3A_163 = arith.remsi %scan3A_160, %rem3A_162 : i32
      %jit3A = arith.constant 16 : i32
      %div3A = arith.divsi %scan3A_160, %jit3A : i32
      %sign3A = arith.constant 0 : i32
      %sign3A_164 = arith.cmpi sgt, %scan3A_160, %sign3A : i32
      %sign3A_165 = arith.extui %sign3A_164 : i1 to i32
      %sign3A_166 = arith.constant 0 : i32
      %sign3A_167 = arith.cmpi slt, %scan3A_160, %sign3A_166 : i32
      %sign3A_168 = arith.extui %sign3A_167 : i1 to i32
      %sign3A_169 = arith.subi %sign3A_165, %sign3A_168 : i32
      %sign3A_170 = arith.constant 0 : i32
      %sign3A_171 = arith.cmpi sgt, %jit3A, %sign3A_170 : i32
      %sign3A_172 = arith.extui %sign3A_171 : i1 to i32
      %sign3A_173 = arith.constant 0 : i32
      %sign3A_174 = arith.cmpi slt, %jit3A, %sign3A_173 : i32
      %sign3A_175 = arith.extui %sign3A_174 : i1 to i32
      %sign3A_176 = arith.subi %sign3A_172, %sign3A_175 : i32
      %ne3A = arith.cmpi ne, %sign3A_169, %sign3A_176 : i32
      %rem3A_177 = arith.remsi %scan3A_160, %jit3A : i32
      %ne3A_178 = arith.constant 0 : i32
      %ne3A_179 = arith.cmpi ne, %rem3A_177, %ne3A_178 : i32
      %and3A = arith.andi %ne3A, %ne3A_179 : i1
      %sub3A = arith.constant 1 : i32
      %sub3A_180 = arith.subi %div3A, %sub3A : i32
      %select_n3A = arith.select %and3A, %sub3A_180, %div3A : i32
      %rem3A_181 = arith.constant 16 : i32
      %rem3A_182 = arith.remsi %scan3A_160, %rem3A_181 : i32
      %eq3A = arith.constant 1 : i32
      %eq3A_183 = arith.cmpi eq, %rem3A_182, %eq3A : i32
      %add3A_184 = arith.constant 1 : i32
      %add3A_185 = arith.addi %select_n3A, %add3A_184 : i32
      %lt3A = arith.constant 10 : i32
      %lt3A_186 = arith.cmpi slt, %add3A_185, %lt3A : i32
      %and3A_187 = arith.andi %eq3A_183, %lt3A_186 : i1
      %convert_element_type3A = arith.extui %and3A_187 : i1 to i32
      %cond3A = arith.constant 0 : i32
      %cond3A_188 = arith.cmpi ne, %convert_element_type3A, %cond3A : i32
      scf.if %cond3A_188 {
        %add3A_231 = arith.constant 1 : i32
        %add3A_232 = arith.addi %select_n3A, %add3A_231 : i32
        %add3A_233 = arith.constant 1 : i32
        %add3A_234 = arith.addi %select_n3A, %add3A_233 : i32
        %rem3A_235 = arith.constant 2 : i32
        %rem3A_236 = arith.remsi %add3A_234, %rem3A_235 : i32
        %mul3A_237 = arith.constant 16 : i32
        %mul3A_238 = arith.muli %add3A_232, %mul3A_237 : i32
        %add3A_239 = arith.addi %add3A_33, %mul3A_238 : i32
        %dma_start3A_240 = arith.constant 0 : i32
        %dma_start3A_241 = arith.constant 0 : i32
        %dma_start3A_242 = tpu.memref_slice %arg6[%rem3A_236, %dma_start3A_240, %dma_start3A_241] : memref<2x16x128xi32, #tpu.memory_space<vmem>> -> memref<1x16x128xi32, #tpu.memory_space<vmem>>
        %dma_start3A_243 = tpu.memref_squeeze %dma_start3A_242 : memref<1x16x128xi32, #tpu.memory_space<vmem>> -> memref<16x128xi32, #tpu.memory_space<vmem>>
        %dma_start3A_244 = arith.constant 0 : i32
        %dma_start3A_245 = tpu.memref_slice %arg2[%add3A_239, %dma_start3A_244] : memref<5120x128xi32, #tpu.memory_space<hbm>> -> memref<16x128xi32, #tpu.memory_space<hbm>>
        %dma_start3A_246 = tpu.memref_slice %arg12[%rem3A_236] : memref<2x!tpu.dma_semaphore, #tpu.memory_space<semaphore_mem>> -> memref<1x!tpu.dma_semaphore, #tpu.memory_space<semaphore_mem>>
        %dma_start3A_247 = tpu.memref_squeeze %dma_start3A_246 : memref<1x!tpu.dma_semaphore, #tpu.memory_space<semaphore_mem>> -> memref<!tpu.dma_semaphore, #tpu.memory_space<semaphore_mem>>
        %dma_start3A_248 = arith.constant 0 : i32
        %dma_start3A_249 = arith.constant 0 : i32
        %dma_start3A_250 = tpu.memref_slice %arg6[%rem3A_236, %dma_start3A_248, %dma_start3A_249] : memref<2x16x128xi32, #tpu.memory_space<vmem>> -> memref<1x16x128xi32, #tpu.memory_space<vmem>>
        %dma_start3A_251 = tpu.memref_squeeze %dma_start3A_250 : memref<1x16x128xi32, #tpu.memory_space<vmem>> -> memref<16x128xi32, #tpu.memory_space<vmem>>
        %dma_start3A_252 = arith.constant 0 : i32
        %dma_start3A_253 = tpu.memref_slice %arg2[%add3A_239, %dma_start3A_252] : memref<5120x128xi32, #tpu.memory_space<hbm>> -> memref<16x128xi32, #tpu.memory_space<hbm>>
        tpu.enqueue_dma source(%dma_start3A_253 : memref<16x128xi32, #tpu.memory_space<hbm>>) target(%dma_start3A_251 : memref<16x128xi32, #tpu.memory_space<vmem>>) target_semaphore(%dma_start3A_247 : memref<!tpu.dma_semaphore, #tpu.memory_space<semaphore_mem>>)
        %mul3A_254 = arith.constant 16 : i32
        %mul3A_255 = arith.muli %add3A_232, %mul3A_254 : i32
        %add3A_256 = arith.addi %add3A_38, %mul3A_255 : i32
        %dma_start3A_257 = arith.constant 0 : i32
        %dma_start3A_258 = arith.constant 0 : i32
        %dma_start3A_259 = tpu.memref_slice %arg7[%rem3A_236, %dma_start3A_257, %dma_start3A_258] : memref<2x16x128xi32, #tpu.memory_space<vmem>> -> memref<1x16x128xi32, #tpu.memory_space<vmem>>
        %dma_start3A_260 = tpu.memref_squeeze %dma_start3A_259 : memref<1x16x128xi32, #tpu.memory_space<vmem>> -> memref<16x128xi32, #tpu.memory_space<vmem>>
        %dma_start3A_261 = arith.constant 0 : i32
        %dma_start3A_262 = tpu.memref_slice %arg3[%add3A_256, %dma_start3A_261] : memref<2560x128xi32, #tpu.memory_space<hbm>> -> memref<16x128xi32, #tpu.memory_space<hbm>>
        %dma_start3A_263 = tpu.memref_slice %arg12[%rem3A_236] : memref<2x!tpu.dma_semaphore, #tpu.memory_space<semaphore_mem>> -> memref<1x!tpu.dma_semaphore, #tpu.memory_space<semaphore_mem>>
        %dma_start3A_264 = tpu.memref_squeeze %dma_start3A_263 : memref<1x!tpu.dma_semaphore, #tpu.memory_space<semaphore_mem>> -> memref<!tpu.dma_semaphore, #tpu.memory_space<semaphore_mem>>
        %dma_start3A_265 = arith.constant 0 : i32
        %dma_start3A_266 = arith.constant 0 : i32
        %dma_start3A_267 = tpu.memref_slice %arg7[%rem3A_236, %dma_start3A_265, %dma_start3A_266] : memref<2x16x128xi32, #tpu.memory_space<vmem>> -> memref<1x16x128xi32, #tpu.memory_space<vmem>>
        %dma_start3A_268 = tpu.memref_squeeze %dma_start3A_267 : memref<1x16x128xi32, #tpu.memory_space<vmem>> -> memref<16x128xi32, #tpu.memory_space<vmem>>
        %dma_start3A_269 = arith.constant 0 : i32
        %dma_start3A_270 = tpu.memref_slice %arg3[%add3A_256, %dma_start3A_269] : memref<2560x128xi32, #tpu.memory_space<hbm>> -> memref<16x128xi32, #tpu.memory_space<hbm>>
        tpu.enqueue_dma source(%dma_start3A_270 : memref<16x128xi32, #tpu.memory_space<hbm>>) target(%dma_start3A_268 : memref<16x128xi32, #tpu.memory_space<vmem>>) target_semaphore(%dma_start3A_264 : memref<!tpu.dma_semaphore, #tpu.memory_space<semaphore_mem>>)
      } else {
      }
      %ge3A = arith.constant 1 : i32
      %ge3A_189 = arith.cmpi sge, %scan3A_160, %ge3A : i32
      %convert_element_type3A_190 = arith.extui %ge3A_189 : i1 to i32
      %cond3A_191 = arith.constant 0 : i32
      %cond3A_192 = arith.cmpi ne, %convert_element_type3A_190, %cond3A_191 : i32
      scf.if %cond3A_192 {
        %sub3A_231 = arith.constant 1 : i32
        %sub3A_232 = arith.subi %sub3A_231, %rem3A_163 : i32
        %sub3A_233 = arith.constant 1 : i32
        %sub3A_234 = arith.subi %sub3A_233, %rem3A_163 : i32
        %dma_wait3A_235 = arith.constant 0 : i32
        %dma_wait3A_236 = arith.constant 0 : i32
        %dma_wait3A_237 = arith.constant 0 : i32
        %dma_wait3A_238 = arith.constant 0 : i32
        %dma_wait3A_239 = tpu.memref_slice %arg8[%sub3A_232, %dma_wait3A_237, %dma_wait3A_238] : memref<2x128x128xf32, #tpu.memory_space<vmem>> -> memref<1x128x128xf32, #tpu.memory_space<vmem>>
        %dma_wait3A_240 = tpu.memref_squeeze %dma_wait3A_239 : memref<1x128x128xf32, #tpu.memory_space<vmem>> -> memref<128x128xf32, #tpu.memory_space<vmem>>
        %dma_wait3A_241 = arith.constant 0 : i32
        %dma_wait3A_242 = tpu.memref_slice %arg7[%dma_wait3A_235, %dma_wait3A_236, %dma_wait3A_241] : memref<2x16x128xi32, #tpu.memory_space<vmem>> -> memref<1x1x128xi32, #tpu.memory_space<vmem>>
        %dma_wait3A_243 = tpu.memref_squeeze %dma_wait3A_242 : memref<1x1x128xi32, #tpu.memory_space<vmem>> -> memref<128xi32, #tpu.memory_space<vmem>>
        %dma_wait3A_244 = arith.constant 0 : i32
        %dma_wait3A_245 = arith.constant 0 : i32
        %dma_wait3A_246 = tpu.memref_slice %arg9[%dma_wait3A_244, %dma_wait3A_245] : memref<10240x128xf32, #tpu.memory_space<vmem_shared>> -> memref<10240x128xf32, #tpu.memory_space<vmem_shared>>
        %dma_wait3A_247 = tpu.memref_slice %arg11[%sub3A_234] : memref<2x!tpu.dma_semaphore, #tpu.memory_space<semaphore_mem>> -> memref<1x!tpu.dma_semaphore, #tpu.memory_space<semaphore_mem>>
        %dma_wait3A_248 = tpu.memref_squeeze %dma_wait3A_247 : memref<1x!tpu.dma_semaphore, #tpu.memory_space<semaphore_mem>> -> memref<!tpu.dma_semaphore, #tpu.memory_space<semaphore_mem>>
        tpu.wait_indirect_dma semaphore(%dma_wait3A_248 : memref<!tpu.dma_semaphore, #tpu.memory_space<semaphore_mem>>) src(%dma_wait3A_240 : memref<128x128xf32, #tpu.memory_space<vmem>>) dst(%dma_wait3A_246 : memref<10240x128xf32, #tpu.memory_space<vmem_shared>>)
      } else {
      }
      %add3A_193 = arith.constant 1 : i32
      %add3A_194 = arith.addi %scan3A_160, %add3A_193 : i32
      %lt3A_195 = arith.constant 160 : i32
      %lt3A_196 = arith.cmpi slt, %add3A_194, %lt3A_195 : i32
      %convert_element_type3A_197 = arith.extui %lt3A_196 : i1 to i32
      %cond3A_198 = arith.constant 0 : i32
      %cond3A_199 = arith.cmpi ne, %convert_element_type3A_197, %cond3A_198 : i32
      scf.if %cond3A_199 {
        %add3A_231 = arith.constant 1 : i32
        %add3A_232 = arith.addi %scan3A_160, %add3A_231 : i32
        %rem3A_233 = arith.constant 16 : i32
        %rem3A_234 = arith.remsi %add3A_232, %rem3A_233 : i32
        %eq3A_235 = arith.constant 0 : i32
        %eq3A_236 = arith.cmpi eq, %rem3A_234, %eq3A_235 : i32
        %convert_element_type3A_237 = arith.extui %eq3A_236 : i1 to i32
        %cond3A_238 = arith.constant 0 : i32
        %cond3A_239 = arith.cmpi ne, %convert_element_type3A_237, %cond3A_238 : i32
        scf.if %cond3A_239 {
          %add3A_286 = arith.constant 1 : i32
          %add3A_287 = arith.addi %select_n3A, %add3A_286 : i32
          %rem3A_288 = arith.constant 2 : i32
          %rem3A_289 = arith.remsi %add3A_287, %rem3A_288 : i32
          %dma_wait3A_290 = arith.constant 0 : i32
          %dma_wait3A_291 = arith.constant 0 : i32
          %dma_wait3A_292 = tpu.memref_slice %arg6[%rem3A_289, %dma_wait3A_290, %dma_wait3A_291] : memref<2x16x128xi32, #tpu.memory_space<vmem>> -> memref<1x16x128xi32, #tpu.memory_space<vmem>>
          %dma_wait3A_293 = tpu.memref_squeeze %dma_wait3A_292 : memref<1x16x128xi32, #tpu.memory_space<vmem>> -> memref<16x128xi32, #tpu.memory_space<vmem>>
          %dma_wait3A_294 = arith.constant 0 : i32
          %dma_wait3A_295 = tpu.memref_slice %arg2[%add3A_33, %dma_wait3A_294] : memref<5120x128xi32, #tpu.memory_space<hbm>> -> memref<16x128xi32, #tpu.memory_space<hbm>>
          %dma_wait3A_296 = tpu.memref_slice %arg12[%rem3A_289] : memref<2x!tpu.dma_semaphore, #tpu.memory_space<semaphore_mem>> -> memref<1x!tpu.dma_semaphore, #tpu.memory_space<semaphore_mem>>
          %dma_wait3A_297 = tpu.memref_squeeze %dma_wait3A_296 : memref<1x!tpu.dma_semaphore, #tpu.memory_space<semaphore_mem>> -> memref<!tpu.dma_semaphore, #tpu.memory_space<semaphore_mem>>
          %dma_wait3A_298 = arith.constant 0 : i32
          %dma_wait3A_299 = arith.constant 0 : i32
          %dma_wait3A_300 = tpu.memref_slice %arg6[%rem3A_289, %dma_wait3A_298, %dma_wait3A_299] : memref<2x16x128xi32, #tpu.memory_space<vmem>> -> memref<1x16x128xi32, #tpu.memory_space<vmem>>
          %dma_wait3A_301 = tpu.memref_squeeze %dma_wait3A_300 : memref<1x16x128xi32, #tpu.memory_space<vmem>> -> memref<16x128xi32, #tpu.memory_space<vmem>>
          %dma_wait3A_302 = arith.constant 0 : i32
          %dma_wait3A_303 = tpu.memref_slice %arg2[%add3A_33, %dma_wait3A_302] : memref<5120x128xi32, #tpu.memory_space<hbm>> -> memref<16x128xi32, #tpu.memory_space<hbm>>
          tpu.wait_dma2 semaphore(%dma_wait3A_297 : memref<!tpu.dma_semaphore, #tpu.memory_space<semaphore_mem>>) src(%dma_wait3A_303 : memref<16x128xi32, #tpu.memory_space<hbm>>) dst(%dma_wait3A_301 : memref<16x128xi32, #tpu.memory_space<vmem>>)
          %dma_wait3A_304 = arith.constant 0 : i32
          %dma_wait3A_305 = arith.constant 0 : i32
          %dma_wait3A_306 = tpu.memref_slice %arg7[%rem3A_289, %dma_wait3A_304, %dma_wait3A_305] : memref<2x16x128xi32, #tpu.memory_space<vmem>> -> memref<1x16x128xi32, #tpu.memory_space<vmem>>
          %dma_wait3A_307 = tpu.memref_squeeze %dma_wait3A_306 : memref<1x16x128xi32, #tpu.memory_space<vmem>> -> memref<16x128xi32, #tpu.memory_space<vmem>>
          %dma_wait3A_308 = arith.constant 0 : i32
          %dma_wait3A_309 = tpu.memref_slice %arg3[%add3A_38, %dma_wait3A_308] : memref<2560x128xi32, #tpu.memory_space<hbm>> -> memref<16x128xi32, #tpu.memory_space<hbm>>
          %dma_wait3A_310 = tpu.memref_slice %arg12[%rem3A_289] : memref<2x!tpu.dma_semaphore, #tpu.memory_space<semaphore_mem>> -> memref<1x!tpu.dma_semaphore, #tpu.memory_space<semaphore_mem>>
          %dma_wait3A_311 = tpu.memref_squeeze %dma_wait3A_310 : memref<1x!tpu.dma_semaphore, #tpu.memory_space<semaphore_mem>> -> memref<!tpu.dma_semaphore, #tpu.memory_space<semaphore_mem>>
          %dma_wait3A_312 = arith.constant 0 : i32
          %dma_wait3A_313 = arith.constant 0 : i32
          %dma_wait3A_314 = tpu.memref_slice %arg7[%rem3A_289, %dma_wait3A_312, %dma_wait3A_313] : memref<2x16x128xi32, #tpu.memory_space<vmem>> -> memref<1x16x128xi32, #tpu.memory_space<vmem>>
          %dma_wait3A_315 = tpu.memref_squeeze %dma_wait3A_314 : memref<1x16x128xi32, #tpu.memory_space<vmem>> -> memref<16x128xi32, #tpu.memory_space<vmem>>
          %dma_wait3A_316 = arith.constant 0 : i32
          %dma_wait3A_317 = tpu.memref_slice %arg3[%add3A_38, %dma_wait3A_316] : memref<2560x128xi32, #tpu.memory_space<hbm>> -> memref<16x128xi32, #tpu.memory_space<hbm>>
          tpu.wait_dma2 semaphore(%dma_wait3A_311 : memref<!tpu.dma_semaphore, #tpu.memory_space<semaphore_mem>>) src(%dma_wait3A_317 : memref<16x128xi32, #tpu.memory_space<hbm>>) dst(%dma_wait3A_315 : memref<16x128xi32, #tpu.memory_space<vmem>>)
        } else {
        }
        %add3A_240 = arith.constant 1 : i32
        %add3A_241 = arith.addi %scan3A_160, %add3A_240 : i32
        %jit3A_242 = arith.constant 16 : i32
        %div3A_243 = arith.divsi %add3A_241, %jit3A_242 : i32
        %sign3A_244 = arith.constant 0 : i32
        %sign3A_245 = arith.cmpi sgt, %add3A_241, %sign3A_244 : i32
        %sign3A_246 = arith.extui %sign3A_245 : i1 to i32
        %sign3A_247 = arith.constant 0 : i32
        %sign3A_248 = arith.cmpi slt, %add3A_241, %sign3A_247 : i32
        %sign3A_249 = arith.extui %sign3A_248 : i1 to i32
        %sign3A_250 = arith.subi %sign3A_246, %sign3A_249 : i32
        %sign3A_251 = arith.constant 0 : i32
        %sign3A_252 = arith.cmpi sgt, %jit3A_242, %sign3A_251 : i32
        %sign3A_253 = arith.extui %sign3A_252 : i1 to i32
        %sign3A_254 = arith.constant 0 : i32
        %sign3A_255 = arith.cmpi slt, %jit3A_242, %sign3A_254 : i32
        %sign3A_256 = arith.extui %sign3A_255 : i1 to i32
        %sign3A_257 = arith.subi %sign3A_253, %sign3A_256 : i32
        %ne3A_258 = arith.cmpi ne, %sign3A_250, %sign3A_257 : i32
        %rem3A_259 = arith.remsi %add3A_241, %jit3A_242 : i32
        %ne3A_260 = arith.constant 0 : i32
        %ne3A_261 = arith.cmpi ne, %rem3A_259, %ne3A_260 : i32
        %and3A_262 = arith.andi %ne3A_258, %ne3A_261 : i1
        %sub3A_263 = arith.constant 1 : i32
        %sub3A_264 = arith.subi %div3A_243, %sub3A_263 : i32
        %select_n3A_265 = arith.select %and3A_262, %sub3A_264, %div3A_243 : i32
        %rem3A_266 = arith.constant 2 : i32
        %rem3A_267 = arith.remsi %select_n3A_265, %rem3A_266 : i32
        %rem3A_268 = arith.constant 16 : i32
        %rem3A_269 = arith.remsi %add3A_241, %rem3A_268 : i32
        %rem3A_270 = arith.constant 2 : i32
        %rem3A_271 = arith.remsi %add3A_241, %rem3A_270 : i32
        %rem3A_272 = arith.constant 2 : i32
        %rem3A_273 = arith.remsi %add3A_241, %rem3A_272 : i32
        %dma_start3A_274 = arith.constant 0 : i32
        %dma_start3A_275 = arith.constant 0 : i32
        %dma_start3A_276 = tpu.memref_slice %arg8[%rem3A_271, %dma_start3A_274, %dma_start3A_275] : memref<2x128x128xf32, #tpu.memory_space<vmem>> -> memref<1x128x128xf32, #tpu.memory_space<vmem>>
        %dma_start3A_277 = tpu.memref_squeeze %dma_start3A_276 : memref<1x128x128xf32, #tpu.memory_space<vmem>> -> memref<128x128xf32, #tpu.memory_space<vmem>>
        %dma_start3A_278 = arith.constant 0 : i32
        %dma_start3A_279 = tpu.memref_slice %arg6[%rem3A_267, %rem3A_269, %dma_start3A_278] : memref<2x16x128xi32, #tpu.memory_space<vmem>> -> memref<1x1x128xi32, #tpu.memory_space<vmem>>
        %dma_start3A_280 = tpu.memref_squeeze %dma_start3A_279 : memref<1x1x128xi32, #tpu.memory_space<vmem>> -> memref<128xi32, #tpu.memory_space<vmem>>
        %dma_start3A_281 = arith.constant 0 : i32
        %dma_start3A_282 = arith.constant 0 : i32
        %dma_start3A_283 = tpu.memref_slice %arg4[%dma_start3A_281, %dma_start3A_282] : memref<20480x128xf32, #tpu.memory_space<hbm>> -> memref<20480x128xf32, #tpu.memory_space<hbm>>
        %dma_start3A_284 = tpu.memref_slice %arg10[%rem3A_273] : memref<2x!tpu.dma_semaphore, #tpu.memory_space<semaphore_mem>> -> memref<1x!tpu.dma_semaphore, #tpu.memory_space<semaphore_mem>>
        %dma_start3A_285 = tpu.memref_squeeze %dma_start3A_284 : memref<1x!tpu.dma_semaphore, #tpu.memory_space<semaphore_mem>> -> memref<!tpu.dma_semaphore, #tpu.memory_space<semaphore_mem>>
        tpu.enqueue_indirect_dma source(%dma_start3A_283 : memref<20480x128xf32, #tpu.memory_space<hbm>>) target(%dma_start3A_277 : memref<128x128xf32, #tpu.memory_space<vmem>>) offsets(%dma_start3A_280 : memref<128xi32, #tpu.memory_space<vmem>>) semaphore(%dma_start3A_285 : memref<!tpu.dma_semaphore, #tpu.memory_space<semaphore_mem>>)
      } else {
      }
      %dma_wait3A_200 = arith.constant 0 : i32
      %dma_wait3A_201 = arith.constant 0 : i32
      %dma_wait3A_202 = arith.constant 0 : i32
      %dma_wait3A_203 = arith.constant 0 : i32
      %dma_wait3A_204 = tpu.memref_slice %arg8[%rem3A_163, %dma_wait3A_202, %dma_wait3A_203] : memref<2x128x128xf32, #tpu.memory_space<vmem>> -> memref<1x128x128xf32, #tpu.memory_space<vmem>>
      %dma_wait3A_205 = tpu.memref_squeeze %dma_wait3A_204 : memref<1x128x128xf32, #tpu.memory_space<vmem>> -> memref<128x128xf32, #tpu.memory_space<vmem>>
      %dma_wait3A_206 = arith.constant 0 : i32
      %dma_wait3A_207 = tpu.memref_slice %arg6[%dma_wait3A_200, %dma_wait3A_201, %dma_wait3A_206] : memref<2x16x128xi32, #tpu.memory_space<vmem>> -> memref<1x1x128xi32, #tpu.memory_space<vmem>>
      %dma_wait3A_208 = tpu.memref_squeeze %dma_wait3A_207 : memref<1x1x128xi32, #tpu.memory_space<vmem>> -> memref<128xi32, #tpu.memory_space<vmem>>
      %dma_wait3A_209 = arith.constant 0 : i32
      %dma_wait3A_210 = arith.constant 0 : i32
      %dma_wait3A_211 = tpu.memref_slice %arg4[%dma_wait3A_209, %dma_wait3A_210] : memref<20480x128xf32, #tpu.memory_space<hbm>> -> memref<20480x128xf32, #tpu.memory_space<hbm>>
      %dma_wait3A_212 = tpu.memref_slice %arg10[%rem3A_163] : memref<2x!tpu.dma_semaphore, #tpu.memory_space<semaphore_mem>> -> memref<1x!tpu.dma_semaphore, #tpu.memory_space<semaphore_mem>>
      %dma_wait3A_213 = tpu.memref_squeeze %dma_wait3A_212 : memref<1x!tpu.dma_semaphore, #tpu.memory_space<semaphore_mem>> -> memref<!tpu.dma_semaphore, #tpu.memory_space<semaphore_mem>>
      tpu.wait_indirect_dma semaphore(%dma_wait3A_213 : memref<!tpu.dma_semaphore, #tpu.memory_space<semaphore_mem>>) src(%dma_wait3A_211 : memref<20480x128xf32, #tpu.memory_space<hbm>>) dst(%dma_wait3A_205 : memref<128x128xf32, #tpu.memory_space<vmem>>)
      %rem3A_214 = arith.constant 2 : i32
      %rem3A_215 = arith.remsi %select_n3A, %rem3A_214 : i32
      %rem3A_216 = arith.constant 16 : i32
      %rem3A_217 = arith.remsi %scan3A_160, %rem3A_216 : i32
      %dma_start3A_218 = arith.constant 0 : i32
      %dma_start3A_219 = arith.constant 0 : i32
      %dma_start3A_220 = tpu.memref_slice %arg8[%rem3A_163, %dma_start3A_218, %dma_start3A_219] : memref<2x128x128xf32, #tpu.memory_space<vmem>> -> memref<1x128x128xf32, #tpu.memory_space<vmem>>
      %dma_start3A_221 = tpu.memref_squeeze %dma_start3A_220 : memref<1x128x128xf32, #tpu.memory_space<vmem>> -> memref<128x128xf32, #tpu.memory_space<vmem>>
      %dma_start3A_222 = arith.constant 0 : i32
      %dma_start3A_223 = tpu.memref_slice %arg7[%rem3A_215, %rem3A_217, %dma_start3A_222] : memref<2x16x128xi32, #tpu.memory_space<vmem>> -> memref<1x1x128xi32, #tpu.memory_space<vmem>>
      %dma_start3A_224 = tpu.memref_squeeze %dma_start3A_223 : memref<1x1x128xi32, #tpu.memory_space<vmem>> -> memref<128xi32, #tpu.memory_space<vmem>>
      %dma_start3A_225 = arith.constant 0 : i32
      %dma_start3A_226 = arith.constant 0 : i32
      %dma_start3A_227 = tpu.memref_slice %arg9[%dma_start3A_225, %dma_start3A_226] : memref<10240x128xf32, #tpu.memory_space<vmem_shared>> -> memref<10240x128xf32, #tpu.memory_space<vmem_shared>>
      %dma_start3A_228 = tpu.memref_slice %arg11[%rem3A_163] : memref<2x!tpu.dma_semaphore, #tpu.memory_space<semaphore_mem>> -> memref<1x!tpu.dma_semaphore, #tpu.memory_space<semaphore_mem>>
      %dma_start3A_229 = tpu.memref_squeeze %dma_start3A_228 : memref<1x!tpu.dma_semaphore, #tpu.memory_space<semaphore_mem>> -> memref<!tpu.dma_semaphore, #tpu.memory_space<semaphore_mem>>
      tpu.enqueue_indirect_dma source(%dma_start3A_221 : memref<128x128xf32, #tpu.memory_space<vmem>>) target(%dma_start3A_227 : memref<10240x128xf32, #tpu.memory_space<vmem_shared>>) offsets(%dma_start3A_224 : memref<128xi32, #tpu.memory_space<vmem>>) semaphore(%dma_start3A_229 : memref<!tpu.dma_semaphore, #tpu.memory_space<semaphore_mem>>) {add = true}
      %scan3A_230 = arith.constant 0 : i32
      scf.yield %scan3A_230 : i32
    }
    %scan3A_134 = arith.constant 160 : i32
    %rem3A_135 = arith.constant 159 : i32
    %rem3A_136 = arith.constant 2 : i32
    %rem3A_137 = arith.remsi %rem3A_135, %rem3A_136 : i32
    %rem3A_138 = arith.constant 159 : i32
    %rem3A_139 = arith.constant 2 : i32
    %rem3A_140 = arith.remsi %rem3A_138, %rem3A_139 : i32
    %dma_wait3A_141 = arith.constant 0 : i32
    %dma_wait3A_142 = arith.constant 0 : i32
    %dma_wait3A_143 = arith.constant 0 : i32
    %dma_wait3A_144 = arith.constant 0 : i32
    %dma_wait3A_145 = tpu.memref_slice %arg8[%rem3A_137, %dma_wait3A_143, %dma_wait3A_144] : memref<2x128x128xf32, #tpu.memory_space<vmem>> -> memref<1x128x128xf32, #tpu.memory_space<vmem>>
    %dma_wait3A_146 = tpu.memref_squeeze %dma_wait3A_145 : memref<1x128x128xf32, #tpu.memory_space<vmem>> -> memref<128x128xf32, #tpu.memory_space<vmem>>
    %dma_wait3A_147 = arith.constant 0 : i32
    %dma_wait3A_148 = tpu.memref_slice %arg7[%dma_wait3A_141, %dma_wait3A_142, %dma_wait3A_147] : memref<2x16x128xi32, #tpu.memory_space<vmem>> -> memref<1x1x128xi32, #tpu.memory_space<vmem>>
    %dma_wait3A_149 = tpu.memref_squeeze %dma_wait3A_148 : memref<1x1x128xi32, #tpu.memory_space<vmem>> -> memref<128xi32, #tpu.memory_space<vmem>>
    %dma_wait3A_150 = arith.constant 0 : i32
    %dma_wait3A_151 = arith.constant 0 : i32
    %dma_wait3A_152 = tpu.memref_slice %arg9[%dma_wait3A_150, %dma_wait3A_151] : memref<10240x128xf32, #tpu.memory_space<vmem_shared>> -> memref<10240x128xf32, #tpu.memory_space<vmem_shared>>
    %dma_wait3A_153 = tpu.memref_slice %arg11[%rem3A_140] : memref<2x!tpu.dma_semaphore, #tpu.memory_space<semaphore_mem>> -> memref<1x!tpu.dma_semaphore, #tpu.memory_space<semaphore_mem>>
    %dma_wait3A_154 = tpu.memref_squeeze %dma_wait3A_153 : memref<1x!tpu.dma_semaphore, #tpu.memory_space<semaphore_mem>> -> memref<!tpu.dma_semaphore, #tpu.memory_space<semaphore_mem>>
    tpu.wait_indirect_dma semaphore(%dma_wait3A_154 : memref<!tpu.dma_semaphore, #tpu.memory_space<semaphore_mem>>) src(%dma_wait3A_146 : memref<128x128xf32, #tpu.memory_space<vmem>>) dst(%dma_wait3A_152 : memref<10240x128xf32, #tpu.memory_space<vmem_shared>>)
    %barrier3A_155 = arith.constant 0 : index
    tpu.barrier barrier_id(%barrier3A_155)
    %mul3A_156 = arith.constant 640 : i32
    %mul3A_157 = arith.muli %arg1, %mul3A_156 : i32
    %mul3A_158 = arith.constant 640 : i32
    %mul3A_159 = arith.muli %arg1, %mul3A_158 : i32
    "tpu.region"() ({
      %run_scoped3A_160 = tpu.sem_alloc : memref<!tpu.dma_semaphore, #tpu.memory_space<semaphore_mem>>
      %dma_start3A_161 = arith.constant 0 : i32
      %dma_start3A_162 = tpu.memref_slice %arg5[%arg0, %mul3A_159, %dma_start3A_161] : memref<2x10240x128xf32, #tpu.memory_space<hbm>> -> memref<1x640x128xf32, #tpu.memory_space<hbm>>
      %dma_start3A_163 = tpu.memref_squeeze %dma_start3A_162 : memref<1x640x128xf32, #tpu.memory_space<hbm>> -> memref<640x128xf32, #tpu.memory_space<hbm>>
      %dma_start3A_164 = arith.constant 0 : i32
      %dma_start3A_165 = tpu.memref_slice %arg9[%mul3A_157, %dma_start3A_164] : memref<10240x128xf32, #tpu.memory_space<vmem_shared>> -> memref<640x128xf32, #tpu.memory_space<vmem_shared>>
      tpu.enqueue_dma source(%dma_start3A_165 : memref<640x128xf32, #tpu.memory_space<vmem_shared>>) target(%dma_start3A_163 : memref<640x128xf32, #tpu.memory_space<hbm>>) target_semaphore(%run_scoped3A_160 : memref<!tpu.dma_semaphore, #tpu.memory_space<semaphore_mem>>)
      %dma_wait3A_166 = arith.constant 0 : i32
      %dma_wait3A_167 = tpu.memref_slice %arg5[%arg0, %mul3A_159, %dma_wait3A_166] : memref<2x10240x128xf32, #tpu.memory_space<hbm>> -> memref<1x640x128xf32, #tpu.memory_space<hbm>>
      %dma_wait3A_168 = tpu.memref_squeeze %dma_wait3A_167 : memref<1x640x128xf32, #tpu.memory_space<hbm>> -> memref<640x128xf32, #tpu.memory_space<hbm>>
      %dma_wait3A_169 = arith.constant 0 : i32
      %dma_wait3A_170 = tpu.memref_slice %arg9[%mul3A_157, %dma_wait3A_169] : memref<10240x128xf32, #tpu.memory_space<vmem_shared>> -> memref<640x128xf32, #tpu.memory_space<vmem_shared>>
      tpu.wait_dma2 semaphore(%run_scoped3A_160 : memref<!tpu.dma_semaphore, #tpu.memory_space<semaphore_mem>>) src(%dma_wait3A_170 : memref<640x128xf32, #tpu.memory_space<vmem_shared>>) dst(%dma_wait3A_168 : memref<640x128xf32, #tpu.memory_space<hbm>>)
      tpu.yield
    }) : () -> ()
    return
  }
}

module attributes {stable_mosaic.version = 14 : i64} {
  func.func @_tc0_body(%arg0: i32, %arg1: memref<1024x2xf32, #tpu.memory_space<vmem>>, %arg2: memref<1024x128xf32, #tpu.memory_space<vmem>>, %arg3: memref<128x256xf32, #tpu.memory_space<vmem>>, %arg4: memref<1024x256xf32, #tpu.memory_space<vmem>>, %arg5: memref<2x1024x128xf32, #tpu.memory_space<vmem>>, %arg6: memref<1024x128xf32, #tpu.memory_space<vmem>>) attributes {dimension_semantics = [#tpu.dimension_semantics<arbitrary>], iteration_bounds = array<i64: 10>, scalar_prefetch = 0 : i64, scratch_operands = 0 : i64, tpu.core_type = #tpu.core_type<tc>, window_params = [{transform_indices = @transform_0, window_bounds = array<i64: 1024, 2>}, {transform_indices = @transform_1, window_bounds = array<i64: 1024, 128>}, {pipeline_mode = #tpu.pipeline_mode<synchronous>, transform_indices = @transform_2, window_bounds = array<i64: 128, 256>}, {transform_indices = @transform_3, window_bounds = array<i64: 1024, 256>}, {transform_indices = @transform_4, window_bounds = array<i64: 2, 1024, 128>}, {transform_indices = @transform_5, window_bounds = array<i64: 1024, 128>}]} {
    %get3A = arith.constant 0 : index
    %get3A_0 = arith.constant 0 : index
    %get3A_1 = vector.load %arg1[%get3A, %get3A_0] : memref<1024x2xf32, #tpu.memory_space<vmem>>, vector<1024x1xf32>
    %get3A_2 = arith.constant 0 : index
    %get3A_3 = arith.constant 1 : index
    %get3A_4 = vector.load %arg1[%get3A_2, %get3A_3] : memref<1024x2xf32, #tpu.memory_space<vmem>>, vector<1024x1xf32>
    %add3A = arith.addf %get3A_1, %get3A_4 : vector<1024x1xf32>
    %add3A_5 = arith.constant 1.000000e+00 : f32
    %add3A_6 = vector.broadcast %add3A_5 : f32 to vector<1024x1xf32>
    %add3A_7 = arith.addf %add3A, %add3A_6 : vector<1024x1xf32>
    %rsqrt3A = math.rsqrt %add3A_7 : vector<1024x1xf32>
    %get3A_8 = arith.constant 0 : index
    %get3A_9 = arith.constant 0 : index
    %get3A_10 = vector.load %arg2[%get3A_8, %get3A_9] : memref<1024x128xf32, #tpu.memory_space<vmem>>, vector<1024x128xf32>
    %get3A_11 = arith.constant 0 : index
    %get3A_12 = arith.constant 0 : index
    %get3A_13 = vector.load %arg3[%get3A_11, %get3A_12] : memref<128x256xf32, #tpu.memory_space<vmem>>, vector<128x256xf32>
    %dot_general3A = arith.constant dense<0.000000e+00> : vector<1024x256xf32>
    %dot_general3A_14 = tpu.matmul %get3A_10, %get3A_13, %dot_general3A {dimension_numbers = #tpu.dot_dimension_numbers<[1], [0], [0], [1], [0, 0, 1, 1], [], []>, transpose_lhs_hint = false} : vector<1024x128xf32>, vector<128x256xf32>, vector<1024x256xf32> -> vector<1024x256xf32>
    %mul3A = vector.broadcast %rsqrt3A : vector<1024x1xf32> to vector<1024x256xf32>
    %mul3A_15 = arith.mulf %mul3A, %dot_general3A_14 : vector<1024x256xf32>
    %swap3A = arith.constant 0 : index
    %swap3A_16 = arith.constant 0 : index
    %swap3A_17 = vector.load %arg4[%swap3A, %swap3A_16] : memref<1024x256xf32, #tpu.memory_space<vmem>>, vector<1024x256xf32>
    tpu.vector_store %arg4[%swap3A, %swap3A_16], %dot_general3A_14 {strides = array<i32>} : memref<1024x256xf32, #tpu.memory_space<vmem>>, vector<1024x256xf32>,
    %slice3A = vector.extract_strided_slice %mul3A_15 {offsets = [0, 0], sizes = [1024, 128], strides = [1, 1]} : vector<1024x256xf32> to vector<1024x128xf32>
    %swap3A_18 = arith.constant 0 : index
    %swap3A_19 = arith.constant 0 : index
    %swap3A_20 = arith.constant 0 : index
    %swap3A_21 = vector.load %arg5[%swap3A_18, %swap3A_19, %swap3A_20] : memref<2x1024x128xf32, #tpu.memory_space<vmem>>, vector<1x1024x128xf32>
    %swap3A_22 = vector.shape_cast %swap3A_21 : vector<1x1024x128xf32> to vector<1024x128xf32>
    %swap3A_23 = vector.shape_cast %slice3A : vector<1024x128xf32> to vector<1x1024x128xf32>
    tpu.vector_store %arg5[%swap3A_18, %swap3A_19, %swap3A_20], %swap3A_23 {strides = array<i32>} : memref<2x1024x128xf32, #tpu.memory_space<vmem>>, vector<1x1024x128xf32>,
    %slice3A_24 = vector.extract_strided_slice %mul3A_15 {offsets = [0, 128], sizes = [1024, 128], strides = [1, 1]} : vector<1024x256xf32> to vector<1024x128xf32>
    %swap3A_25 = arith.constant 1 : index
    %swap3A_26 = arith.constant 0 : index
    %swap3A_27 = arith.constant 0 : index
    %swap3A_28 = vector.load %arg5[%swap3A_25, %swap3A_26, %swap3A_27] : memref<2x1024x128xf32, #tpu.memory_space<vmem>>, vector<1x1024x128xf32>
    %swap3A_29 = vector.shape_cast %swap3A_28 : vector<1x1024x128xf32> to vector<1024x128xf32>
    %swap3A_30 = vector.shape_cast %slice3A_24 : vector<1024x128xf32> to vector<1x1024x128xf32>
    tpu.vector_store %arg5[%swap3A_25, %swap3A_26, %swap3A_27], %swap3A_30 {strides = array<i32>} : memref<2x1024x128xf32, #tpu.memory_space<vmem>>, vector<1x1024x128xf32>,
    %broadcast_in_dim3A = vector.shape_cast %rsqrt3A : vector<1024x1xf32> to vector<1024x1xf32>
    %broadcast_in_dim3A_31 = vector.broadcast %broadcast_in_dim3A : vector<1024x1xf32> to vector<1024x128xf32>
    %swap3A_32 = arith.constant 0 : index
    %swap3A_33 = arith.constant 0 : index
    %swap3A_34 = vector.load %arg6[%swap3A_32, %swap3A_33] : memref<1024x128xf32, #tpu.memory_space<vmem>>, vector<1024x128xf32>
    tpu.vector_store %arg6[%swap3A_32, %swap3A_33], %broadcast_in_dim3A_31 {strides = array<i32>} : memref<1024x128xf32, #tpu.memory_space<vmem>>, vector<1024x128xf32>,
    return
  }
  func.func @transform_0(%arg0: i32) -> (i32, i32) {
    %c0_i32 = arith.constant 0 : i32
    %c0_i32_0 = arith.constant 0 : i32
    return %arg0, %c0_i32 : i32, i32
  }
  func.func @transform_1(%arg0: i32) -> (i32, i32) {
    %c0_i32 = arith.constant 0 : i32
    %c0_i32_0 = arith.constant 0 : i32
    return %arg0, %c0_i32 : i32, i32
  }
  func.func @transform_2(%arg0: i32) -> (i32, i32) {
    %c0_i32 = arith.constant 0 : i32
    %c0_i32_0 = arith.constant 0 : i32
    %c0_i32_1 = arith.constant 0 : i32
    return %c0_i32, %c0_i32_0 : i32, i32
  }
  func.func @transform_3(%arg0: i32) -> (i32, i32) {
    %c0_i32 = arith.constant 0 : i32
    %c0_i32_0 = arith.constant 0 : i32
    return %arg0, %c0_i32 : i32, i32
  }
  func.func @transform_4(%arg0: i32) -> (i32, i32, i32) {
    %c0_i32 = arith.constant 0 : i32
    %c0_i32_0 = arith.constant 0 : i32
    %c0_i32_1 = arith.constant 0 : i32
    return %c0_i32, %arg0, %c0_i32_0 : i32, i32, i32
  }
  func.func @transform_5(%arg0: i32) -> (i32, i32) {
    %c0_i32 = arith.constant 0 : i32
    %c0_i32_0 = arith.constant 0 : i32
    return %arg0, %c0_i32 : i32, i32
  }
}

module attributes {stable_mosaic.version = 14 : i64} {
  func.func @_mid_body(%arg0: i32, %arg1: memref<2x1024x128xf32, #tpu.memory_space<vmem>>, %arg2: memref<1024x256xf32, #tpu.memory_space<vmem>>, %arg3: memref<1024x128xf32, #tpu.memory_space<vmem>>, %arg4: memref<1x256xf32, #tpu.memory_space<vmem>>, %arg5: memref<256x256xf32, #tpu.memory_space<vmem>>, %arg6: memref<1024x256xf32, #tpu.memory_space<vmem>>, %arg7: memref<2x1024x128xf32, #tpu.memory_space<vmem>>) attributes {dimension_semantics = [#tpu.dimension_semantics<arbitrary>], iteration_bounds = array<i64: 10>, scalar_prefetch = 0 : i64, scratch_operands = 0 : i64, tpu.core_type = #tpu.core_type<tc>, window_params = [{transform_indices = @transform_0, window_bounds = array<i64: 2, 1024, 128>}, {transform_indices = @transform_1, window_bounds = array<i64: 1024, 256>}, {transform_indices = @transform_2, window_bounds = array<i64: 1024, 128>}, {pipeline_mode = #tpu.pipeline_mode<synchronous>, transform_indices = @transform_3, window_bounds = array<i64: 1, 256>}, {pipeline_mode = #tpu.pipeline_mode<synchronous>, transform_indices = @transform_4, window_bounds = array<i64: 256, 256>}, {transform_indices = @transform_5, window_bounds = array<i64: 1024, 256>}, {transform_indices = @transform_6, window_bounds = array<i64: 2, 1024, 128>}]} {
    %get3A = arith.constant 0 : index
    %get3A_0 = arith.constant 0 : index
    %get3A_1 = vector.load %arg3[%get3A, %get3A_0] : memref<1024x128xf32, #tpu.memory_space<vmem>>, vector<1024x1xf32>
    %get3A_2 = arith.constant 0 : index
    %get3A_3 = arith.constant 0 : index
    %get3A_4 = arith.constant 0 : index
    %get3A_5 = vector.load %arg1[%get3A_2, %get3A_3, %get3A_4] : memref<2x1024x128xf32, #tpu.memory_space<vmem>>, vector<1x1024x128xf32>
    %get3A_6 = vector.shape_cast %get3A_5 : vector<1x1024x128xf32> to vector<1024x128xf32>
    %get3A_7 = arith.constant 1 : index
    %get3A_8 = arith.constant 0 : index
    %get3A_9 = arith.constant 0 : index
    %get3A_10 = vector.load %arg1[%get3A_7, %get3A_8, %get3A_9] : memref<2x1024x128xf32, #tpu.memory_space<vmem>>, vector<1x1024x128xf32>
    %get3A_11 = vector.shape_cast %get3A_10 : vector<1x1024x128xf32> to vector<1024x128xf32>
    %concatenate3A = tpu.concatenate %get3A_6, %get3A_11 in 1 : vector<1024x128xf32>, vector<1024x128xf32> -> vector<1024x256xf32>
    %mul3A = vector.broadcast %get3A_1 : vector<1024x1xf32> to vector<1024x256xf32>
    %mul3A_12 = arith.mulf %mul3A, %concatenate3A : vector<1024x256xf32>
    %mul3A_13 = arith.mulf %get3A_1, %get3A_1 : vector<1024x1xf32>
    %get3A_14 = arith.constant 0 : index
    %get3A_15 = arith.constant 0 : index
    %get3A_16 = vector.load %arg2[%get3A_14, %get3A_15] : memref<1024x256xf32, #tpu.memory_space<vmem>>, vector<1024x256xf32>
    %mul3A_17 = vector.broadcast %mul3A_13 : vector<1024x1xf32> to vector<1024x256xf32>
    %mul3A_18 = arith.mulf %mul3A_17, %get3A_16 : vector<1024x256xf32>
    %add3A = arith.addf %mul3A_12, %mul3A_18 : vector<1024x256xf32>
    %get3A_19 = arith.constant 0 : index
    %get3A_20 = arith.constant 0 : index
    %get3A_21 = vector.load %arg4[%get3A_19, %get3A_20] : memref<1x256xf32, #tpu.memory_space<vmem>>, vector<1x256xf32>
    %add3A_22 = vector.broadcast %get3A_21 : vector<1x256xf32> to vector<1024x256xf32>
    %add3A_23 = arith.addf %add3A, %add3A_22 : vector<1024x256xf32>
    %max3A = arith.constant 0.000000e+00 : f32
    %max3A_24 = vector.broadcast %max3A : f32 to vector<1024x256xf32>
    %max3A_25 = arith.maximumf %add3A_23, %max3A_24 : vector<1024x256xf32>
    %get3A_26 = arith.constant 0 : index
    %get3A_27 = arith.constant 0 : index
    %get3A_28 = vector.load %arg5[%get3A_26, %get3A_27] : memref<256x256xf32, #tpu.memory_space<vmem>>, vector<256x256xf32>
    %dot_general3A = arith.constant dense<0.000000e+00> : vector<1024x256xf32>
    %dot_general3A_29 = tpu.matmul %max3A_25, %get3A_28, %dot_general3A {dimension_numbers = #tpu.dot_dimension_numbers<[1], [0], [0], [1], [0, 0, 1, 1], [], []>, transpose_lhs_hint = false} : vector<1024x256xf32>, vector<256x256xf32>, vector<1024x256xf32> -> vector<1024x256xf32>
    %swap3A = arith.constant 0 : index
    %swap3A_30 = arith.constant 0 : index
    %swap3A_31 = vector.load %arg6[%swap3A, %swap3A_30] : memref<1024x256xf32, #tpu.memory_space<vmem>>, vector<1024x256xf32>
    tpu.vector_store %arg6[%swap3A, %swap3A_30], %dot_general3A_29 {strides = array<i32>} : memref<1024x256xf32, #tpu.memory_space<vmem>>, vector<1024x256xf32>,
    %mul3A_32 = vector.broadcast %get3A_1 : vector<1024x1xf32> to vector<1024x256xf32>
    %mul3A_33 = arith.mulf %mul3A_32, %dot_general3A_29 : vector<1024x256xf32>
    %slice3A = vector.extract_strided_slice %mul3A_33 {offsets = [0, 0], sizes = [1024, 128], strides = [1, 1]} : vector<1024x256xf32> to vector<1024x128xf32>
    %swap3A_34 = arith.constant 0 : index
    %swap3A_35 = arith.constant 0 : index
    %swap3A_36 = arith.constant 0 : index
    %swap3A_37 = vector.load %arg7[%swap3A_34, %swap3A_35, %swap3A_36] : memref<2x1024x128xf32, #tpu.memory_space<vmem>>, vector<1x1024x128xf32>
    %swap3A_38 = vector.shape_cast %swap3A_37 : vector<1x1024x128xf32> to vector<1024x128xf32>
    %swap3A_39 = vector.shape_cast %slice3A : vector<1024x128xf32> to vector<1x1024x128xf32>
    tpu.vector_store %arg7[%swap3A_34, %swap3A_35, %swap3A_36], %swap3A_39 {strides = array<i32>} : memref<2x1024x128xf32, #tpu.memory_space<vmem>>, vector<1x1024x128xf32>,
    %slice3A_40 = vector.extract_strided_slice %mul3A_33 {offsets = [0, 128], sizes = [1024, 128], strides = [1, 1]} : vector<1024x256xf32> to vector<1024x128xf32>
    %swap3A_41 = arith.constant 1 : index
    %swap3A_42 = arith.constant 0 : index
    %swap3A_43 = arith.constant 0 : index
    %swap3A_44 = vector.load %arg7[%swap3A_41, %swap3A_42, %swap3A_43] : memref<2x1024x128xf32, #tpu.memory_space<vmem>>, vector<1x1024x128xf32>
    %swap3A_45 = vector.shape_cast %swap3A_44 : vector<1x1024x128xf32> to vector<1024x128xf32>
    %swap3A_46 = vector.shape_cast %slice3A_40 : vector<1024x128xf32> to vector<1x1024x128xf32>
    tpu.vector_store %arg7[%swap3A_41, %swap3A_42, %swap3A_43], %swap3A_46 {strides = array<i32>} : memref<2x1024x128xf32, #tpu.memory_space<vmem>>, vector<1x1024x128xf32>,
    return
  }
  func.func @transform_0(%arg0: i32) -> (i32, i32, i32) {
    %c0_i32 = arith.constant 0 : i32
    %c0_i32_0 = arith.constant 0 : i32
    %c0_i32_1 = arith.constant 0 : i32
    return %c0_i32, %arg0, %c0_i32_0 : i32, i32, i32
  }
  func.func @transform_1(%arg0: i32) -> (i32, i32) {
    %c0_i32 = arith.constant 0 : i32
    %c0_i32_0 = arith.constant 0 : i32
    return %arg0, %c0_i32 : i32, i32
  }
  func.func @transform_2(%arg0: i32) -> (i32, i32) {
    %c0_i32 = arith.constant 0 : i32
    %c0_i32_0 = arith.constant 0 : i32
    return %arg0, %c0_i32 : i32, i32
  }
  func.func @transform_3(%arg0: i32) -> (i32, i32) {
    %c0_i32 = arith.constant 0 : i32
    %c0_i32_0 = arith.constant 0 : i32
    %c0_i32_1 = arith.constant 0 : i32
    return %c0_i32, %c0_i32_0 : i32, i32
  }
  func.func @transform_4(%arg0: i32) -> (i32, i32) {
    %c0_i32 = arith.constant 0 : i32
    %c0_i32_0 = arith.constant 0 : i32
    %c0_i32_1 = arith.constant 0 : i32
    return %c0_i32, %c0_i32_0 : i32, i32
  }
  func.func @transform_5(%arg0: i32) -> (i32, i32) {
    %c0_i32 = arith.constant 0 : i32
    %c0_i32_0 = arith.constant 0 : i32
    return %arg0, %c0_i32 : i32, i32
  }
  func.func @transform_6(%arg0: i32) -> (i32, i32, i32) {
    %c0_i32 = arith.constant 0 : i32
    %c0_i32_0 = arith.constant 0 : i32
    %c0_i32_1 = arith.constant 0 : i32
    return %c0_i32, %arg0, %c0_i32_0 : i32, i32, i32
  }
}

module attributes {stable_mosaic.version = 14 : i64} {
  func.func @_mid_body(%arg0: i32, %arg1: memref<2x1024x128xf32, #tpu.memory_space<vmem>>, %arg2: memref<1024x256xf32, #tpu.memory_space<vmem>>, %arg3: memref<1024x128xf32, #tpu.memory_space<vmem>>, %arg4: memref<1x256xf32, #tpu.memory_space<vmem>>, %arg5: memref<256x128xf32, #tpu.memory_space<vmem>>, %arg6: memref<1024x128xf32, #tpu.memory_space<vmem>>, %arg7: memref<1024x128xf32, #tpu.memory_space<vmem>>) attributes {dimension_semantics = [#tpu.dimension_semantics<arbitrary>], iteration_bounds = array<i64: 10>, scalar_prefetch = 0 : i64, scratch_operands = 0 : i64, tpu.core_type = #tpu.core_type<tc>, window_params = [{transform_indices = @transform_0, window_bounds = array<i64: 2, 1024, 128>}, {transform_indices = @transform_1, window_bounds = array<i64: 1024, 256>}, {transform_indices = @transform_2, window_bounds = array<i64: 1024, 128>}, {pipeline_mode = #tpu.pipeline_mode<synchronous>, transform_indices = @transform_3, window_bounds = array<i64: 1, 256>}, {pipeline_mode = #tpu.pipeline_mode<synchronous>, transform_indices = @transform_4, window_bounds = array<i64: 256, 128>}, {transform_indices = @transform_5, window_bounds = array<i64: 1024, 128>}, {transform_indices = @transform_6, window_bounds = array<i64: 1024, 128>}]} {
    %get3A = arith.constant 0 : index
    %get3A_0 = arith.constant 0 : index
    %get3A_1 = vector.load %arg3[%get3A, %get3A_0] : memref<1024x128xf32, #tpu.memory_space<vmem>>, vector<1024x1xf32>
    %get3A_2 = arith.constant 0 : index
    %get3A_3 = arith.constant 0 : index
    %get3A_4 = arith.constant 0 : index
    %get3A_5 = vector.load %arg1[%get3A_2, %get3A_3, %get3A_4] : memref<2x1024x128xf32, #tpu.memory_space<vmem>>, vector<1x1024x128xf32>
    %get3A_6 = vector.shape_cast %get3A_5 : vector<1x1024x128xf32> to vector<1024x128xf32>
    %get3A_7 = arith.constant 1 : index
    %get3A_8 = arith.constant 0 : index
    %get3A_9 = arith.constant 0 : index
    %get3A_10 = vector.load %arg1[%get3A_7, %get3A_8, %get3A_9] : memref<2x1024x128xf32, #tpu.memory_space<vmem>>, vector<1x1024x128xf32>
    %get3A_11 = vector.shape_cast %get3A_10 : vector<1x1024x128xf32> to vector<1024x128xf32>
    %concatenate3A = tpu.concatenate %get3A_6, %get3A_11 in 1 : vector<1024x128xf32>, vector<1024x128xf32> -> vector<1024x256xf32>
    %mul3A = vector.broadcast %get3A_1 : vector<1024x1xf32> to vector<1024x256xf32>
    %mul3A_12 = arith.mulf %mul3A, %concatenate3A : vector<1024x256xf32>
    %mul3A_13 = arith.mulf %get3A_1, %get3A_1 : vector<1024x1xf32>
    %get3A_14 = arith.constant 0 : index
    %get3A_15 = arith.constant 0 : index
    %get3A_16 = vector.load %arg2[%get3A_14, %get3A_15] : memref<1024x256xf32, #tpu.memory_space<vmem>>, vector<1024x256xf32>
    %mul3A_17 = vector.broadcast %mul3A_13 : vector<1024x1xf32> to vector<1024x256xf32>
    %mul3A_18 = arith.mulf %mul3A_17, %get3A_16 : vector<1024x256xf32>
    %add3A = arith.addf %mul3A_12, %mul3A_18 : vector<1024x256xf32>
    %get3A_19 = arith.constant 0 : index
    %get3A_20 = arith.constant 0 : index
    %get3A_21 = vector.load %arg4[%get3A_19, %get3A_20] : memref<1x256xf32, #tpu.memory_space<vmem>>, vector<1x256xf32>
    %add3A_22 = vector.broadcast %get3A_21 : vector<1x256xf32> to vector<1024x256xf32>
    %add3A_23 = arith.addf %add3A, %add3A_22 : vector<1024x256xf32>
    %max3A = arith.constant 0.000000e+00 : f32
    %max3A_24 = vector.broadcast %max3A : f32 to vector<1024x256xf32>
    %max3A_25 = arith.maximumf %add3A_23, %max3A_24 : vector<1024x256xf32>
    %get3A_26 = arith.constant 0 : index
    %get3A_27 = arith.constant 0 : index
    %get3A_28 = vector.load %arg5[%get3A_26, %get3A_27] : memref<256x128xf32, #tpu.memory_space<vmem>>, vector<256x128xf32>
    %dot_general3A = arith.constant dense<0.000000e+00> : vector<1024x128xf32>
    %dot_general3A_29 = tpu.matmul %max3A_25, %get3A_28, %dot_general3A {dimension_numbers = #tpu.dot_dimension_numbers<[1], [0], [0], [1], [0, 0, 1, 1], [], []>, transpose_lhs_hint = false} : vector<1024x256xf32>, vector<256x128xf32>, vector<1024x128xf32> -> vector<1024x128xf32>
    %swap3A = arith.constant 0 : index
    %swap3A_30 = arith.constant 0 : index
    %swap3A_31 = vector.load %arg6[%swap3A, %swap3A_30] : memref<1024x128xf32, #tpu.memory_space<vmem>>, vector<1024x128xf32>
    tpu.vector_store %arg6[%swap3A, %swap3A_30], %dot_general3A_29 {strides = array<i32>} : memref<1024x128xf32, #tpu.memory_space<vmem>>, vector<1024x128xf32>,
    %mul3A_32 = vector.broadcast %get3A_1 : vector<1024x1xf32> to vector<1024x128xf32>
    %mul3A_33 = arith.mulf %mul3A_32, %dot_general3A_29 : vector<1024x128xf32>
    %swap3A_34 = arith.constant 0 : index
    %swap3A_35 = arith.constant 0 : index
    %swap3A_36 = vector.load %arg7[%swap3A_34, %swap3A_35] : memref<1024x128xf32, #tpu.memory_space<vmem>>, vector<1024x128xf32>
    tpu.vector_store %arg7[%swap3A_34, %swap3A_35], %mul3A_33 {strides = array<i32>} : memref<1024x128xf32, #tpu.memory_space<vmem>>, vector<1024x128xf32>,
    return
  }
  func.func @transform_0(%arg0: i32) -> (i32, i32, i32) {
    %c0_i32 = arith.constant 0 : i32
    %c0_i32_0 = arith.constant 0 : i32
    %c0_i32_1 = arith.constant 0 : i32
    return %c0_i32, %arg0, %c0_i32_0 : i32, i32, i32
  }
  func.func @transform_1(%arg0: i32) -> (i32, i32) {
    %c0_i32 = arith.constant 0 : i32
    %c0_i32_0 = arith.constant 0 : i32
    return %arg0, %c0_i32 : i32, i32
  }
  func.func @transform_2(%arg0: i32) -> (i32, i32) {
    %c0_i32 = arith.constant 0 : i32
    %c0_i32_0 = arith.constant 0 : i32
    return %arg0, %c0_i32 : i32, i32
  }
  func.func @transform_3(%arg0: i32) -> (i32, i32) {
    %c0_i32 = arith.constant 0 : i32
    %c0_i32_0 = arith.constant 0 : i32
    %c0_i32_1 = arith.constant 0 : i32
    return %c0_i32, %c0_i32_0 : i32, i32
  }
  func.func @transform_4(%arg0: i32) -> (i32, i32) {
    %c0_i32 = arith.constant 0 : i32
    %c0_i32_0 = arith.constant 0 : i32
    %c0_i32_1 = arith.constant 0 : i32
    return %c0_i32, %c0_i32_0 : i32, i32
  }
  func.func @transform_5(%arg0: i32) -> (i32, i32) {
    %c0_i32 = arith.constant 0 : i32
    %c0_i32_0 = arith.constant 0 : i32
    return %arg0, %c0_i32 : i32, i32
  }
  func.func @transform_6(%arg0: i32) -> (i32, i32) {
    %c0_i32 = arith.constant 0 : i32
    %c0_i32_0 = arith.constant 0 : i32
    return %arg0, %c0_i32 : i32, i32
  }
}

module attributes {stable_mosaic.version = 14 : i64} {
  func.func @_tc3_body(%arg0: i32, %arg1: memref<2x1024x128xf32, #tpu.memory_space<vmem>>, %arg2: memref<1024x128xf32, #tpu.memory_space<vmem>>, %arg3: memref<1024x128xf32, #tpu.memory_space<vmem>>, %arg4: memref<1x128xf32, #tpu.memory_space<vmem>>, %arg5: memref<1024x128xf32, #tpu.memory_space<vmem>>) attributes {dimension_semantics = [#tpu.dimension_semantics<arbitrary>], iteration_bounds = array<i64: 10>, scalar_prefetch = 0 : i64, scratch_operands = 0 : i64, tpu.core_type = #tpu.core_type<tc>, window_params = [{transform_indices = @transform_0, window_bounds = array<i64: 2, 1024, 128>}, {transform_indices = @transform_1, window_bounds = array<i64: 1024, 128>}, {transform_indices = @transform_2, window_bounds = array<i64: 1024, 128>}, {pipeline_mode = #tpu.pipeline_mode<synchronous>, transform_indices = @transform_3, window_bounds = array<i64: 1, 128>}, {transform_indices = @transform_4, window_bounds = array<i64: 1024, 128>}]} {
    %get3A = arith.constant 0 : index
    %get3A_0 = arith.constant 0 : index
    %get3A_1 = vector.load %arg3[%get3A, %get3A_0] : memref<1024x128xf32, #tpu.memory_space<vmem>>, vector<1024x1xf32>
    %get3A_2 = arith.constant 0 : index
    %get3A_3 = arith.constant 0 : index
    %get3A_4 = arith.constant 0 : index
    %get3A_5 = vector.load %arg1[%get3A_2, %get3A_3, %get3A_4] : memref<2x1024x128xf32, #tpu.memory_space<vmem>>, vector<1x1024x128xf32>
    %get3A_6 = vector.shape_cast %get3A_5 : vector<1x1024x128xf32> to vector<1024x128xf32>
    %get3A_7 = arith.constant 1 : index
    %get3A_8 = arith.constant 0 : index
    %get3A_9 = arith.constant 0 : index
    %get3A_10 = vector.load %arg1[%get3A_7, %get3A_8, %get3A_9] : memref<2x1024x128xf32, #tpu.memory_space<vmem>>, vector<1x1024x128xf32>
    %get3A_11 = vector.shape_cast %get3A_10 : vector<1x1024x128xf32> to vector<1024x128xf32>
    %add3A = arith.addf %get3A_6, %get3A_11 : vector<1024x128xf32>
    %mul3A = vector.broadcast %get3A_1 : vector<1024x1xf32> to vector<1024x128xf32>
    %mul3A_12 = arith.mulf %mul3A, %add3A : vector<1024x128xf32>
    %mul3A_13 = arith.mulf %get3A_1, %get3A_1 : vector<1024x1xf32>
    %get3A_14 = arith.constant 0 : index
    %get3A_15 = arith.constant 0 : index
    %get3A_16 = vector.load %arg2[%get3A_14, %get3A_15] : memref<1024x128xf32, #tpu.memory_space<vmem>>, vector<1024x128xf32>
    %mul3A_17 = vector.broadcast %mul3A_13 : vector<1024x1xf32> to vector<1024x128xf32>
    %mul3A_18 = arith.mulf %mul3A_17, %get3A_16 : vector<1024x128xf32>
    %add3A_19 = arith.addf %mul3A_12, %mul3A_18 : vector<1024x128xf32>
    %get3A_20 = arith.constant 0 : index
    %get3A_21 = arith.constant 0 : index
    %get3A_22 = vector.load %arg4[%get3A_20, %get3A_21] : memref<1x128xf32, #tpu.memory_space<vmem>>, vector<1x128xf32>
    %add3A_23 = vector.broadcast %get3A_22 : vector<1x128xf32> to vector<1024x128xf32>
    %add3A_24 = arith.addf %add3A_19, %add3A_23 : vector<1024x128xf32>
    %swap3A = arith.constant 0 : index
    %swap3A_25 = arith.constant 0 : index
    %swap3A_26 = vector.load %arg5[%swap3A, %swap3A_25] : memref<1024x128xf32, #tpu.memory_space<vmem>>, vector<1024x128xf32>
    tpu.vector_store %arg5[%swap3A, %swap3A_25], %add3A_24 {strides = array<i32>} : memref<1024x128xf32, #tpu.memory_space<vmem>>, vector<1024x128xf32>,
    return
  }
  func.func @transform_0(%arg0: i32) -> (i32, i32, i32) {
    %c0_i32 = arith.constant 0 : i32
    %c0_i32_0 = arith.constant 0 : i32
    %c0_i32_1 = arith.constant 0 : i32
    return %c0_i32, %arg0, %c0_i32_0 : i32, i32, i32
  }
  func.func @transform_1(%arg0: i32) -> (i32, i32) {
    %c0_i32 = arith.constant 0 : i32
    %c0_i32_0 = arith.constant 0 : i32
    return %arg0, %c0_i32 : i32, i32
  }
  func.func @transform_2(%arg0: i32) -> (i32, i32) {
    %c0_i32 = arith.constant 0 : i32
    %c0_i32_0 = arith.constant 0 : i32
    return %arg0, %c0_i32 : i32, i32
  }
  func.func @transform_3(%arg0: i32) -> (i32, i32) {
    %c0_i32 = arith.constant 0 : i32
    %c0_i32_0 = arith.constant 0 : i32
    %c0_i32_1 = arith.constant 0 : i32
    return %c0_i32, %c0_i32_0 : i32, i32
  }
  func.func @transform_4(%arg0: i32) -> (i32, i32) {
    %c0_i32 = arith.constant 0 : i32
    %c0_i32_0 = arith.constant 0 : i32
    return %arg0, %c0_i32 : i32, i32
  }
}

</mosaic_0001>

<sc_bundles>
// kernel: kernel.10.cloned.1.call-start
scs
__scs_entry_jumppad:
0x0: {  	(pc) =	sbr.rel $0x88, $3  }
0x1: {  	(tag) =	ssettag $0x0;
	lr =	simm.s32 $0x1  }
0x2: {  	[smem:$0x3F99] =	sst lr;
	_ =	strace $0xD0000000  }
0x3: {  	_ = 	snop  }
0x4: {  	_ = 	snop  }
0x5: {  	_ = 	snop  }
0x6: {  	_ = 	snop  }
0x7: {  	_ = 	snop  }
__scs_overlays_trampoline_lowered:
0x8: {  	[smem:$0x3FA8] =	sst s0  }
0x9: {  	[smem:$0x3FA9] =	sst s1  }
0xa: {  	[smem:$0x3FAA] =	sst s2  }
0xb: {  	[smem:$0x3FAB] =	sst s3  }
0xc: {  	[smem:$0x3FAC] =	sst s4  }
0xd: {  	[smem:$0x3FAD] =	sst s5  }
0xe: {  	[smem:$0x3FAE] =	sst s6  }
0xf: {  	[smem:$0x3FAF] =	sst s7  }
0x10: {  	[smem:$0x3FB0] =	sst s8  }
0x11: {  	[smem:$0x3FB1] =	sst s9;
	s0 =	simm.s32 @!p0 $0x0  }
0x12: {  	s1 =	sld [smem:$0x3F97];
	s0 =	simm.s32 @p0 $0x1  }
0x13: {  	[smem:$0x3FB2] =	sst s0;
	s0 =	simm.s32 @!p1 $0x0  }
0x14: {  	s2 =	sld [smem:$0x3F96];
	s0 =	simm.s32 @p1 $0x1  }
0x15: {  	[smem:$0x3FB3] =	sst s0;
	s0 =	simm.s32 @!p2 $0x0  }
0x16: {  	s3 =	sld [smem:$0x3FDB];
	s0 =	simm.s32 @p2 $0x1  }
0x17: {  	s4 =	simm.s32 $0x1BF5;
	[smem:$0x3FB5] =	sst s0  }
0x18: {  	s0 =	sld [smem:$0x3F98];
	_ =	swait.ge [sflag:s4], $0x0  }
0x19: {  	s7 =	sld [smem:$0x3F99]  }
0x1a: {  	s8 =	sadd.s32 $0xFFFFE003, lr  }
0x1b: {  	s9 =	sadd.s32 $0xFFFFFEF7, lr;
	s5 =	simm.s32 $0xFFFFFFFF;
	p2 =	slt.u32 s8, $0xFFFFF086  }
0x1c: {  	p1 =	slt.u32 s9, $0xF7A;
	s5 =	simm.s32 @!p2 $0x0  }
0x1d: {  	s5 =	simm.s32 @p1 $0x1;
	p0 =	seq.s32 s7, s2  }
0x1e: {  	s7 =	smul.u32 @!p0 $0xF7A, s2;
	p2 =	seq.s32 @!p0 s5, $0x0  }
0x1f: {  	s9 =	smul.u32 $0xF7A, s1;
	s8 =	simm.s32 @!p0 $0x1BF5;
	p2 =	por !p2, p0  }
0x20: {  	[sflag:s8] =	ssyncset.s32 @!p0 $0xFFFFF086;
	s6 =	sadd.s32 @!p0 s3, s7;
	s7 =	simm.s32 @!p0 $0x108  }
0x21: {  	s3 =	sadd.s32 s3, s9;
	s6 =	sadd.s32 @!p0 $0x88, s6;
	s7 =	simm.s32 @p2 $0x1082  }
0x22: {  	[simem:s7], [sflag:s8] =	dma.local @!p0 [hbm:s6], $0xF7A  }
0x23: {  	s9 =	sor.u32 $0xD0000000, s2;
	s6 =	simm.s32 $0x108;
	_ =	swait.ge @!p0 [sflag:s8], $0x0  }
0x24: {  	s3 =	sadd.s32 $0x88, s3;
	s6 =	simm.s32 @!p1 $0x1082;
	[sflag:s4] =	ssyncset.s32 $0xFFFFF086  }
0x25: {  	[simem:s6], [sflag:s4] =	dma.local [hbm:s3], $0xF7A  }
0x26: {  	[smem:$0x3F99] =	sst s1;
	(tag) =	ssettag s2;
	_ =	strace s9  }
0x27: {  	s1 =	sld [smem:$0x3FA9]  }
0x28: {  	s2 =	sld [smem:$0x3FAA]  }
0x29: {  	s4 =	sld [smem:$0x3FAC]  }
0x2a: {  	p0 =	seq.s32 s5, $0x0;
	s5 =	sld [smem:$0x3FAD]  }
0x2b: {  	s6 =	sld [smem:$0x3FAE]  }
0x2c: {  	s7 =	sld [smem:$0x3FAF]  }
0x2d: {  	s3 =	simm.s32 $0x108;
	s8 =	sld [smem:$0x3FB0]  }
0x2e: {  	s3 =	simm.s32 @!p0 $0x1082;
	s9 =	sld [smem:$0x3FB1]  }
0x2f: {  	lr =	sadd.s32 s0, s3;
	s0 =	sld [smem:$0x3FA8]  }
0x30: {  	s3 =	sld [smem:$0x3FAB]  }
0x31: {  	[smem:$0x3FB4] =	sst s10  }
0x32: {  	s10 =	sld [smem:$0x3FB2];
	_ =	sdelay $0x3  }
0x33: {  	p0 =	seq.s32 s10, $0x1;
	s10 =	sld [smem:$0x3FB4];
	_ =	sdelay $0x3  }
0x34: {  	[smem:$0x3FB4] =	sst s10  }
0x35: {  	s10 =	sld [smem:$0x3FB3];
	_ =	sdelay $0x3  }
0x36: {  	p1 =	seq.s32 s10, $0x1;
	s10 =	sld [smem:$0x3FB4];
	_ =	sdelay $0x3  }
0x37: {  	[smem:$0x3FB4] =	sst s10  }
0x38: {  	s10 =	sld [smem:$0x3FB5]  }
0x39: {  	_ = 	snop;
	(pc) =	sbr.ind lr, $3  }
0x3a: {  	_ = 	snop  }
0x3b: {  	_ = 	snop  }
0x3c: {  	p2 =	seq.s32 s10, $0x1;
	s10 =	sld [smem:$0x3FB4]  }
0x3d: {  	_ =	shalt  }
0x3e: {  	_ =	shalt  }
0x3f: {  	_ =	shalt  }
0x40: {  	_ =	shalt  }
0x41: {  	_ =	shalt  }
0x42: {  	_ =	shalt  }
0x43: {  	_ =	shalt  }
0x44: {  	_ =	shalt  }
0x45: {  	_ =	shalt  }
0x46: {  	_ =	shalt  }
0x47: {  	_ =	shalt  }
0x48: {  	_ =	shalt  }
0x49: {  	_ =	shalt  }
0x4a: {  	_ =	shalt  }
0x4b: {  	_ =	shalt  }
0x4c: {  	_ =	shalt  }
0x4d: {  	_ =	shalt  }
0x4e: {  	_ =	shalt  }
0x4f: {  	_ =	shalt  }
0x50: {  	_ =	shalt  }
0x51: {  	_ =	shalt  }
0x52: {  	_ =	shalt  }
0x53: {  	_ =	shalt  }
0x54: {  	_ =	shalt  }
0x55: {  	_ =	shalt  }
0x56: {  	_ =	shalt  }
0x57: {  	_ =	shalt  }
0x58: {  	_ =	shalt  }
0x59: {  	_ =	shalt  }
0x5a: {  	_ =	shalt  }
0x5b: {  	_ =	shalt  }
0x5c: {  	_ =	shalt  }
0x5d: {  	_ =	shalt  }
0x5e: {  	_ =	shalt  }
0x5f: {  	_ =	shalt  }
0x60: {  	_ =	shalt  }
0x61: {  	_ =	shalt  }
0x62: {  	_ =	shalt  }
0x63: {  	_ =	shalt  }
0x64: {  	_ =	shalt  }
0x65: {  	_ =	shalt  }
0x66: {  	_ =	shalt  }
0x67: {  	_ =	shalt  }
0x68: {  	_ =	shalt  }
0x69: {  	_ =	shalt  }
0x6a: {  	_ =	shalt  }
0x6b: {  	_ =	shalt  }
0x6c: {  	_ =	shalt  }
0x6d: {  	_ =	shalt  }
0x6e: {  	_ =	shalt  }
0x6f: {  	_ =	shalt  }
0x70: {  	_ =	shalt  }
0x71: {  	_ =	shalt  }
0x72: {  	_ =	shalt  }
0x73: {  	_ =	shalt  }
0x74: {  	_ =	shalt  }
0x75: {  	_ =	shalt  }
0x76: {  	_ =	shalt  }
0x77: {  	_ =	shalt  }
0x78: {  	_ =	shalt  }
0x79: {  	_ =	shalt  }
0x7a: {  	_ =	shalt  }
0x7b: {  	_ =	shalt  }
0x7c: {  	_ =	shalt  }
0x7d: {  	_ =	shalt  }
0x7e: {  	_ =	shalt  }
0x7f: {  	_ =	shalt  }
0x80: {  	_ =	shalt  }
0x81: {  	_ =	shalt  }
0x82: {  	_ =	shalt  }
0x83: {  	_ =	shalt  }
0x84: {  	_ =	shalt  }
0x85: {  	_ =	shalt  }
0x86: {  	_ =	shalt  }
0x87: {  	_ =	shalt  }
.Lfunc_end0:
.L_simem_size_0:
called_computation_lowered:
.L_overlay_start_0:
0x88: {  	s2 =	sld [smem:$0x3FD9]  }
0x89: {  	s3 =	sld [smem:$0x3FFE];
	_ =	sdelay $0x1  }
0x8a: {  	s1 =	srdreg.scid  }
0x8b: {  	s0 =	sand.u32 $0x1, s1  }
0x8c: {  	s16 =	sshll.u32 s0, $0xA;
	s2 =	sadd.s32 s3, s2  }
0x8d: {  	s2 =	sadd.s32 s2, s16  }
0x8e: {  	[smem:$0x3FC0] =	sst s2  }
0x8f: {  	_ = 	snop  }
0x90: {  	(tm) =	ssettm $0x1  }
0x91: {  	s17 =	sld [smem:$0x3FFB];
	_ =	sdelay $0x3  }
0x92: {  	_ =	strace s17  }
0x93: {  	s2 =	sld [smem:$0x3FFC];
	_ =	sdelay $0x3  }
0x94: {  	_ =	strace s2  }
0x95: {  	s2 =	sld [smem:$0x3FFD];
	_ =	sdelay $0x3  }
0x96: {  	_ =	strace s2  }
0x97: {  	_ =	strace $0x8FFFFFFF  }
0x98: {  	s18 =	sld [smem:$0x3FDB];
	_ =	sdelay $0x1  }
0x99: {  	s19 =	simm.s32 $_scs_section_size  }
0x9a: {  	s4 =	simm.s32 $_size__tile_overlayer_lowered;
	s5 =	simm.s32 $_tile_overlayer_lowered  }
0x9b: {  	s22 =	simm.s32 $0x1BFF;
	s21 =	sshll.u32 s5, $0x1;
	s2 =	sadd.s32 s19, s18  }
0x9c: {  	s6 =	simm.s32 $0x0;
	s20 =	sshll.u32 s4, $0x1;
	s4 =	sadd.s32 s21, s2  }
0x9d: {  	[timem:s6], [sflag:s22] =	dma.local [hbm:s4], s20  }
0x9e: {  	_ =	swait.ge [sflag:s22], s20  }
0x9f: {  	s3 =	ssub.s32 $0x0, s20;
	[sflag:s22] =	ssyncset.done $0x0  }
0xa0: {  	[sflag:s22] =	ssyncadd.s32 s3;
	_ =	sdelay $0x1  }
0xa1: {  	s23 =	simm.s32 $0x1B8B  }
0xa2: {  	_ =	swait.ge [sflag:s23], $0x1  }
0xa3: {  	[sflag:s23] =	ssyncset.done $0x0  }
0xa4: {  	s25 =	simm.s32 $0x1B8E;
	s24 =	sld [smem:$0x3FFE];
	[sflag:s23] =	ssyncadd.s32 $0xFFFFFFFF  }
0xa5: {  	s26 =	simm.s32 $execute0_lowered;
	[smem:$0x3FD2] =	sst s25  }
0xa6: {  	s4 =	sshll.u32 s26, $0x1;
	_ =	strace $0x80000046;
	[dreg:$0x1] =	wrdreg $0xFFFFFFFF  }
0xa7: {  	s28 =	simm.s32 $_size_execute0_lowered;
	s2 =	sadd.s32 s2, s4;
	[dreg:$0x0] =	wrdreg $0x0  }
0xa8: {  	s4 =	sshll.u32 s28, $0x1;
	[dreg:$0x2] =	wrdreg s2  }
0xa9: {  	[dreg:$0x3] =	wrdreg s4  }
0xaa: {  	[dreg:$0x4] =	wrdreg $0xC0  }
0xab: {  	_ =	task [dreg:s6], $0x5FFFF  }
0xac: {  	[dreg:$0x1] =	wrdreg $0xFFFFFFFF  }
0xad: {  	[dreg:$0x0] =	wrdreg $0x60  }
0xae: {  	[dreg:$0x2] =	wrdreg s24  }
0xaf: {  	[dreg:$0x3] =	wrdreg $0x2B000  }
0xb0: {  	[dreg:$0x4] =	wrdreg $0x9  }
0xb1: {  	_ =	task.clear_ibuf [dreg:s6], $0x5FFFF;
	_ =	strace $0x90000046  }
0xb2: {  	s29 =	simm.s32 $0x9;
	_ =	strace $0x80000048  }
0xb3: {  	_ =	swait.ge [sflag:s29], $0x1  }
0xb4: {  	[sflag:s29] =	ssyncadd.s32 $0xFFFFFFFF  }
0xb5: {  	_ =	strace $0x90000048  }
0xb6: {  	_ =	sfence  }
0xb7: {  	s30 =	sld [smem:$0x0];
	_ =	sdelay $0x2  }
0xb8: {  	s31 =	sshll.u32 s1, $0xD;
	s1 =	sshrl.u32 s1, $0x2  }
0xb9: {  	s3 =	sand.u32 $0x4000, s31;
	s1 =	sadd.s32 s1, s30  }
0xba: {  	s0 =	sor.u32 s3, s0;
	s1 =	sshll.u32 s1, $0x11  }
0xbb: {  	s0 =	sor.u32 s1, s0  }
0xbc: {  	s0 =	sadd.s32 $0x8F2B, s0  }
0xbd: {  	[sflag:s0] =	ssyncadd.remote.s32 $0x1  }
0xbe: {  	_ =	sfence.sel $0xFFFF  }
0xbf: {  	[dreg:$0x0] =	wrdreg $0xFFFFFFFF;
	(pc) =	sbr.abs _section_cstart, $3  }
0xc0: {  	[dreg:$0x1] =	wrdreg $0xFFFFFFFF  }
0xc1: {  	_ =	task.clear_ibuf [dreg:s6], $0x2FFFF;
	_ =	strace $0x9FFFFFFF  }
0xc2: {  	(tm) =	ssettm $0x7FFFFFFF  }
0xc3: {  	_ =	shalt  }
tec
execute0_lowered:
.L_overlay_start_1:
0x0: {  	(tag) =	ssettag $0x1  }
0x1: {  	s0 =	srdreg.scid;
	s4 =	rddreg [dreg:$0x0]  }
0x2: {  	s2 =	rddreg [dreg:$0x1];
	s5 =	sand.u32 $0x1, s0  }
0x3: {  	s0 =	stileid.u32;
	s6 =	smul.u32 $0x5000, s5  }
0x4: {  	s1 =	rddreg [dreg:$0x2];
	s3 =	simm.s32 $0x0;
	s7 =	smul.u32 $0x280, s0  }
0x5: {  	s10 =	simm.s32 $0x80;
	s11 =	simm.s32 $0x2800;
	s8 =	smul.u32 $0x2800, s5  }
0x6: {  	s14 =	simm.s32 $0x0;
	[smem:$0x7FF] =	sst s3;
	s9 =	smul.u32 $0x500, s0  }
0x7: {  	_ =	strace $0x80000047;
	s5 =	ssub.s32 $0x2, s5;
	s12 =	sshll.u32 s0, $0x6  }
0x8: {  	s31 =	sshrl.u32 s5, $0x1;
	s12 =	sor.u32 $0x1C01, s12;
	s8 =	sadd.s32 s7, s8  }
0x9: {  	s6 =	sadd.s32 s9, s6;
	s9 =	ssub.s32 s5, s31;
	s8 =	sshrl.u32 s8, $0x3  }
0xa: {  	s6 =	sadd.s32 s6, s4;
	s8 =	sadd.s32 s8, s4;
	s4 =	sadd.s32 s7, s2  }
0xb: {  	s5 =	sadd.s32 $0x2000, s6;
	s7 =	smax.u32 s9, $0x1;
	s9 =	simm.s32 $0x1  }
0xc: {  	v0 =	vimm.f32 $0.0e+00;
	v1 =	vimm.f32 $1.000000000e+00;
	s6 =	sadd.s32 $0xC000, s8;
	s8 =	simm.s32 $0x2880;
	s13 =	sshrl.u32 s4, $0x3  }
.LBB2_1:
0xd: {  	[tilespmem:$0x2880] =	vst v0  }
0xe: {  	[tilespmem:$0x2890] =	vst v0  }
0xf: {  	[tilespmem:$0x28A0] =	vst v0  }
0x10: {  	[tilespmem:$0x28B0] =	vst v0  }
0x11: {  	[tilespmem:$0x28C0] =	vst v0  }
0x12: {  	[tilespmem:$0x28D0] =	vst v0  }
0x13: {  	[tilespmem:$0x28E0] =	vst v0  }
0x14: {  	[tilespmem:$0x28F0] =	vst v0  }
0x15: {  	[tilespmem:$0x2900] =	vst v0  }
0x16: {  	[tilespmem:$0x2910] =	vst v0  }
0x17: {  	[tilespmem:$0x2920] =	vst v0  }
0x18: {  	[tilespmem:$0x2930] =	vst v0  }
0x19: {  	[tilespmem:$0x2940] =	vst v0  }
0x1a: {  	[tilespmem:$0x2950] =	vst v0  }
0x1b: {  	[tilespmem:$0x2960] =	vst v0  }
0x1c: {  	[tilespmem:$0x2970] =	vst v0  }
0x1d: {  	[tilespmem:$0x2980] =	vst v0  }
0x1e: {  	[tilespmem:$0x2990] =	vst v0  }
0x1f: {  	[tilespmem:$0x29A0] =	vst v0  }
0x20: {  	[tilespmem:$0x29B0] =	vst v0  }
0x21: {  	[tilespmem:$0x29C0] =	vst v0  }
0x22: {  	[tilespmem:$0x29D0] =	vst v0  }
0x23: {  	[tilespmem:$0x29E0] =	vst v0  }
0x24: {  	[tilespmem:$0x29F0] =	vst v0  }
0x25: {  	[tilespmem:$0x2A00] =	vst v0  }
0x26: {  	[tilespmem:$0x2A10] =	vst v0  }
0x27: {  	[tilespmem:$0x2A20] =	vst v0  }
0x28: {  	[tilespmem:$0x2A30] =	vst v0  }
0x29: {  	[tilespmem:$0x2A40] =	vst v0  }
0x2a: {  	[tilespmem:$0x2A50] =	vst v0  }
0x2b: {  	[tilespmem:$0x2A60] =	vst v0  }
0x2c: {  	[tilespmem:$0x2A70] =	vst v0  }
0x2d: {  	[tilespmem:$0x2A80] =	vst v0  }
0x2e: {  	[tilespmem:$0x2A90] =	vst v0  }
0x2f: {  	[tilespmem:$0x2AA0] =	vst v0  }
0x30: {  	[tilespmem:$0x2AB0] =	vst v0  }
0x31: {  	[tilespmem:$0x2AC0] =	vst v0  }
0x32: {  	[tilespmem:$0x2AD0] =	vst v0  }
0x33: {  	[tilespmem:$0x2AE0] =	vst v0  }
0x34: {  	[tilespmem:$0x2AF0] =	vst v0  }
0x35: {  	[tilespmem:$0x2800] =	vst v1  }
0x36: {  	[tilespmem:$0x2810] =	vst v1  }
0x37: {  	[tilespmem:$0x2820] =	vst v1  }
0x38: {  	[tilespmem:$0x2830] =	vst v1  }
0x39: {  	[tilespmem:$0x2840] =	vst v1  }
0x3a: {  	[tilespmem:$0x2850] =	vst v1  }
0x3b: {  	[tilespmem:$0x2860] =	vst v1  }
0x3c: {  	[tilespmem:$0x2870] =	vst v1  }
0x3d: {  	[spmem:s4] =	stream.linear.scatter [tilespmem:s8], [sflag:$0x1], $0x280, $0x38;
	[tilespmem:$0x2D80] =	vst v63  }
0x3e: {  	_ =	swait.ge [sflag:s9], $0x280  }
0x3f: {  	[sflag:s9] =	ssyncset.done $0x0  }
0x40: {  	[sflag:s9] =	ssyncadd.s32 $0xFFFFFD80  }
0x41: {  	[bflag:$0x0] =	sbarrier.arrive $0xFFFF  }
0x42: {  	[tilespmem:s3], [sflag:$0x1] =	stream.linear.gather [hbm4b:s5+s3], $0x2800, $0x38;
	[tilespmem:$0x2D80] =	vst v63  }
0x43: {  	_ =	swait.ge [sflag:s9], $0x2800  }
0x44: {  	[sflag:s9] =	ssyncset.done $0x0  }
0x45: {  	s15 =	simm.s32 $0x0;
	[sflag:s9] =	ssyncadd.s32 $0xFFFFD800  }
0x46: {  	[spmem:s2] =	stream.indirect.scatter.add.f32 [tilespmem:s11], [sflag:$0x1], $0x1, s15, s10, $0xb8;
	[tilespmem:$0x2D80] =	vst v63  }
0x47: {  	_ =	swait.ge [sflag:s9], $0x80  }
0x48: {  	s15 =	simm.s32 $0x200;
	[sflag:s9] =	ssyncset.done $0x0  }
.LBB2_2:
0x49: {  	s16 =	sshra.s32 s15, $0x2;
	[sflag:s9] =	ssyncadd.s32 $0xFFFFFF80;
	p0 =	sne.s32 s15, $0x9E00  }
0x4a: {  	[spmem:s2] =	stream.indirect.scatter.add.f32 [tilespmem:s11], [sflag:$0x1], $0x1, s16, s10, $0xb8;
	[tilespmem:$0x2D80] =	vst v63  }
.Ltmp0:
0x4b: {  	_ = 	snop;
	(pc) =	sbr.rel @p0 .LBB2_2-.Ltmp0, $4  }
0x4c: {  	_ = 	snop  }
0x4d: {  	s15 =	sadd.s32 $0x200, s15  }
0x4e: {  	_ =	swait.ge [sflag:s9], $0x80  }
0x4f: {  	[sflag:s9] =	ssyncset.done $0x0  }
0x50: {  	s14 =	sadd.s32 $0x1, s14  }
0x51: {  	[sflag:s9] =	ssyncadd.s32 $0xFFFFFF80;
	p0 =	sne.s32 s14, s7  }
.Ltmp1:
0x52: {  	[bflag:$0x0] =	sbarrier.arrive $0xFFFF;
	(pc) =	sbr.rel @p0 .LBB2_1-.Ltmp1, $4  }
0x53: {  	[hbm:s6], [sflag:s12] =	dma.local [spmem:s13], $0x50  }
0x54: {  	_ =	swait.ge [sflag:s9], $0x50  }
0x55: {  	[sflag:s9] =	ssyncset.done $0x0  }
0x56: {  	[sflag:s9] =	ssyncadd.s32 $0xFFFFFFB0  }
0x57: {  	_ =	sfence.sel $0x180000  }
0x58: {  	[bflag:$0x0] =	sbarrier.arrive $0xFFFF  }
0x59: {  	p0 =	sne.s32 s0, $0x0;
	_ =	strace $0x90000047  }
0x5a: {  	s0 =	sadd.s32 @!p0 $0x100000, s1;
	[bflag:$0x2] =	sbarrier.arrive $0xFFFF  }
0x5b: {  	[sflag:s0] =	ssyncadd.tile.s32 @!p0 $0x1;
	_ =	shalt  }
.Lfunc_end2:
_tile_overlayer_lowered:
.L_overlay_start_2:
0x5c: {  	(tag) =	ssettag $0x2  }
0x5d: {  	s0 =	rddreg [dreg:$0x0];
	s2 =	stileid.u32  }
0x5e: {  	s1 =	rddreg [dreg:$0x1];
	p0 =	sne.s32 s2, $0x0  }
0x5f: {  	s3 =	rddreg [dreg:$0x2];
	[bflag:$0x3] =	sbarrier.arrive $0xFFFF;
	s2 =	simm.s32 @!p0 $0x1C01  }
0x60: {  	[timem:s3], [sflag:s2] =	dma.local @!p0 [hbm:s0], s1  }
0x61: {  	s0 =	simm.s32 @!p0 $0x1  }
0x62: {  	_ =	swait.ge @!p0 [sflag:s0], s1  }
0x63: {  	s1 =	ssub.s32 @!p0 $0x0, s1;
	[sflag:s0] =	ssyncset.done @!p0 $0x0  }
0x64: {  	[sflag:s0] =	ssyncadd.s32 @!p0 s1  }
0x65: {  	[bflag:$0x3] =	sbarrier.arrive $0xFFFF  }
0x66: {  	_ =	shalt  }

// kernel: kernel.13.cloned.1.call-start
scs
__scs_entry_jumppad:
0x0: {  	(pc) =	sbr.rel $0x88, $3  }
0x1: {  	(tag) =	ssettag $0x0;
	lr =	simm.s32 $0x1  }
0x2: {  	[smem:$0x3F99] =	sst lr;
	_ =	strace $0xD0000000  }
0x3: {  	_ = 	snop  }
0x4: {  	_ = 	snop  }
0x5: {  	_ = 	snop  }
0x6: {  	_ = 	snop  }
0x7: {  	_ = 	snop  }
__scs_overlays_trampoline_lowered:
0x8: {  	[smem:$0x3FA8] =	sst s0  }
0x9: {  	[smem:$0x3FA9] =	sst s1  }
0xa: {  	[smem:$0x3FAA] =	sst s2  }
0xb: {  	[smem:$0x3FAB] =	sst s3  }
0xc: {  	[smem:$0x3FAC] =	sst s4  }
0xd: {  	[smem:$0x3FAD] =	sst s5  }
0xe: {  	[smem:$0x3FAE] =	sst s6  }
0xf: {  	[smem:$0x3FAF] =	sst s7  }
0x10: {  	[smem:$0x3FB0] =	sst s8  }
0x11: {  	[smem:$0x3FB1] =	sst s9;
	s0 =	simm.s32 @!p0 $0x0  }
0x12: {  	s1 =	sld [smem:$0x3F97];
	s0 =	simm.s32 @p0 $0x1  }
0x13: {  	[smem:$0x3FB2] =	sst s0;
	s0 =	simm.s32 @!p1 $0x0  }
0x14: {  	s2 =	sld [smem:$0x3F96];
	s0 =	simm.s32 @p1 $0x1  }
0x15: {  	[smem:$0x3FB3] =	sst s0;
	s0 =	simm.s32 @!p2 $0x0  }
0x16: {  	s3 =	sld [smem:$0x3FDB];
	s0 =	simm.s32 @p2 $0x1  }
0x17: {  	s4 =	simm.s32 $0x1BF5;
	[smem:$0x3FB5] =	sst s0  }
0x18: {  	s0 =	sld [smem:$0x3F98];
	_ =	swait.ge [sflag:s4], $0x0  }
0x19: {  	s7 =	sld [smem:$0x3F99]  }
0x1a: {  	s8 =	sadd.s32 $0xFFFFE003, lr  }
0x1b: {  	s9 =	sadd.s32 $0xFFFFFEF7, lr;
	s5 =	simm.s32 $0xFFFFFFFF;
	p2 =	slt.u32 s8, $0xFFFFF086  }
0x1c: {  	p1 =	slt.u32 s9, $0xF7A;
	s5 =	simm.s32 @!p2 $0x0  }
0x1d: {  	s5 =	simm.s32 @p1 $0x1;
	p0 =	seq.s32 s7, s2  }
0x1e: {  	s7 =	smul.u32 @!p0 $0xF7A, s2;
	p2 =	seq.s32 @!p0 s5, $0x0  }
0x1f: {  	s9 =	smul.u32 $0xF7A, s1;
	s8 =	simm.s32 @!p0 $0x1BF5;
	p2 =	por !p2, p0  }
0x20: {  	[sflag:s8] =	ssyncset.s32 @!p0 $0xFFFFF086;
	s6 =	sadd.s32 @!p0 s3, s7;
	s7 =	simm.s32 @!p0 $0x108  }
0x21: {  	s3 =	sadd.s32 s3, s9;
	s6 =	sadd.s32 @!p0 $0x88, s6;
	s7 =	simm.s32 @p2 $0x1082  }
0x22: {  	[simem:s7], [sflag:s8] =	dma.local @!p0 [hbm:s6], $0xF7A  }
0x23: {  	s9 =	sor.u32 $0xD0000000, s2;
	s6 =	simm.s32 $0x108;
	_ =	swait.ge @!p0 [sflag:s8], $0x0  }
0x24: {  	s3 =	sadd.s32 $0x88, s3;
	s6 =	simm.s32 @!p1 $0x1082;
	[sflag:s4] =	ssyncset.s32 $0xFFFFF086  }
0x25: {  	[simem:s6], [sflag:s4] =	dma.local [hbm:s3], $0xF7A  }
0x26: {  	[smem:$0x3F99] =	sst s1;
	(tag) =	ssettag s2;
	_ =	strace s9  }
0x27: {  	s1 =	sld [smem:$0x3FA9]  }
0x28: {  	s2 =	sld [smem:$0x3FAA]  }
0x29: {  	s4 =	sld [smem:$0x3FAC]  }
0x2a: {  	p0 =	seq.s32 s5, $0x0;
	s5 =	sld [smem:$0x3FAD]  }
0x2b: {  	s6 =	sld [smem:$0x3FAE]  }
0x2c: {  	s7 =	sld [smem:$0x3FAF]  }
0x2d: {  	s3 =	simm.s32 $0x108;
	s8 =	sld [smem:$0x3FB0]  }
0x2e: {  	s3 =	simm.s32 @!p0 $0x1082;
	s9 =	sld [smem:$0x3FB1]  }
0x2f: {  	lr =	sadd.s32 s0, s3;
	s0 =	sld [smem:$0x3FA8]  }
0x30: {  	s3 =	sld [smem:$0x3FAB]  }
0x31: {  	[smem:$0x3FB4] =	sst s10  }
0x32: {  	s10 =	sld [smem:$0x3FB2];
	_ =	sdelay $0x3  }
0x33: {  	p0 =	seq.s32 s10, $0x1;
	s10 =	sld [smem:$0x3FB4];
	_ =	sdelay $0x3  }
0x34: {  	[smem:$0x3FB4] =	sst s10  }
0x35: {  	s10 =	sld [smem:$0x3FB3];
	_ =	sdelay $0x3  }
0x36: {  	p1 =	seq.s32 s10, $0x1;
	s10 =	sld [smem:$0x3FB4];
	_ =	sdelay $0x3  }
0x37: {  	[smem:$0x3FB4] =	sst s10  }
0x38: {  	s10 =	sld [smem:$0x3FB5]  }
0x39: {  	_ = 	snop;
	(pc) =	sbr.ind lr, $3  }
0x3a: {  	_ = 	snop  }
0x3b: {  	_ = 	snop  }
0x3c: {  	p2 =	seq.s32 s10, $0x1;
	s10 =	sld [smem:$0x3FB4]  }
0x3d: {  	_ =	shalt  }
0x3e: {  	_ =	shalt  }
0x3f: {  	_ =	shalt  }
0x40: {  	_ =	shalt  }
0x41: {  	_ =	shalt  }
0x42: {  	_ =	shalt  }
0x43: {  	_ =	shalt  }
0x44: {  	_ =	shalt  }
0x45: {  	_ =	shalt  }
0x46: {  	_ =	shalt  }
0x47: {  	_ =	shalt  }
0x48: {  	_ =	shalt  }
0x49: {  	_ =	shalt  }
0x4a: {  	_ =	shalt  }
0x4b: {  	_ =	shalt  }
0x4c: {  	_ =	shalt  }
0x4d: {  	_ =	shalt  }
0x4e: {  	_ =	shalt  }
0x4f: {  	_ =	shalt  }
0x50: {  	_ =	shalt  }
0x51: {  	_ =	shalt  }
0x52: {  	_ =	shalt  }
0x53: {  	_ =	shalt  }
0x54: {  	_ =	shalt  }
0x55: {  	_ =	shalt  }
0x56: {  	_ =	shalt  }
0x57: {  	_ =	shalt  }
0x58: {  	_ =	shalt  }
0x59: {  	_ =	shalt  }
0x5a: {  	_ =	shalt  }
0x5b: {  	_ =	shalt  }
0x5c: {  	_ =	shalt  }
0x5d: {  	_ =	shalt  }
0x5e: {  	_ =	shalt  }
0x5f: {  	_ =	shalt  }
0x60: {  	_ =	shalt  }
0x61: {  	_ =	shalt  }
0x62: {  	_ =	shalt  }
0x63: {  	_ =	shalt  }
0x64: {  	_ =	shalt  }
0x65: {  	_ =	shalt  }
0x66: {  	_ =	shalt  }
0x67: {  	_ =	shalt  }
0x68: {  	_ =	shalt  }
0x69: {  	_ =	shalt  }
0x6a: {  	_ =	shalt  }
0x6b: {  	_ =	shalt  }
0x6c: {  	_ =	shalt  }
0x6d: {  	_ =	shalt  }
0x6e: {  	_ =	shalt  }
0x6f: {  	_ =	shalt  }
0x70: {  	_ =	shalt  }
0x71: {  	_ =	shalt  }
0x72: {  	_ =	shalt  }
0x73: {  	_ =	shalt  }
0x74: {  	_ =	shalt  }
0x75: {  	_ =	shalt  }
0x76: {  	_ =	shalt  }
0x77: {  	_ =	shalt  }
0x78: {  	_ =	shalt  }
0x79: {  	_ =	shalt  }
0x7a: {  	_ =	shalt  }
0x7b: {  	_ =	shalt  }
0x7c: {  	_ =	shalt  }
0x7d: {  	_ =	shalt  }
0x7e: {  	_ =	shalt  }
0x7f: {  	_ =	shalt  }
0x80: {  	_ =	shalt  }
0x81: {  	_ =	shalt  }
0x82: {  	_ =	shalt  }
0x83: {  	_ =	shalt  }
0x84: {  	_ =	shalt  }
0x85: {  	_ =	shalt  }
0x86: {  	_ =	shalt  }
0x87: {  	_ =	shalt  }
.Lfunc_end0:
.L_simem_size_0:
called_computation.1_lowered:
.L_overlay_start_0:
0x88: {  	s2 =	sld [smem:$0x3FD9]  }
0x89: {  	s3 =	sld [smem:$0x3FFE];
	_ =	sdelay $0x1  }
0x8a: {  	s1 =	srdreg.scid  }
0x8b: {  	s0 =	sand.u32 $0x1, s1  }
0x8c: {  	s17 =	sshll.u32 s0, $0xA;
	s2 =	sadd.s32 s3, s2  }
0x8d: {  	s2 =	sadd.s32 s2, s17  }
0x8e: {  	[smem:$0x3FC0] =	sst s2  }
0x8f: {  	_ = 	snop  }
0x90: {  	s2 =	sld [smem:$0x3FD0];
	(tm) =	ssettm $0x1  }
0x91: {  	s18 =	sld [smem:$0x3FFB];
	_ =	sdelay $0x3  }
0x92: {  	_ =	strace s18  }
0x93: {  	s3 =	sld [smem:$0x3FFC];
	_ =	sdelay $0x3  }
0x94: {  	_ =	strace s3  }
0x95: {  	s3 =	sld [smem:$0x3FFD];
	_ =	sdelay $0x3  }
0x96: {  	_ =	strace s3  }
0x97: {  	_ =	strace $0x8FFFFFFF  }
0x98: {  	s19 =	sld [smem:$0x3FDB];
	_ =	sdelay $0x1  }
0x99: {  	s4 =	simm.s32 $_scs_section_size  }
0x9a: {  	s5 =	simm.s32 $_size__tile_overlayer_lowered;
	s6 =	simm.s32 $_tile_overlayer_lowered  }
0x9b: {  	s22 =	simm.s32 $0x1BFF;
	s21 =	sshll.u32 s6, $0x1;
	s3 =	sadd.s32 s4, s19  }
0x9c: {  	s7 =	simm.s32 $0x0;
	s20 =	sshll.u32 s5, $0x1;
	s5 =	sadd.s32 s21, s3  }
0x9d: {  	[timem:s7], [sflag:s22] =	dma.local [hbm:s5], s20  }
0x9e: {  	_ =	swait.ge [sflag:s22], s20  }
0x9f: {  	s4 =	ssub.s32 $0x0, s20;
	[sflag:s22] =	ssyncset.done $0x0  }
0xa0: {  	[sflag:s22] =	ssyncadd.s32 s4;
	_ =	sdelay $0x1  }
0xa1: {  	s23 =	simm.s32 $0x1B8B  }
0xa2: {  	_ =	swait.ge [sflag:s23], $0x1  }
0xa3: {  	[sflag:s23] =	ssyncset.done $0x0  }
0xa4: {  	s25 =	simm.s32 $0x1B8E;
	s24 =	sld [smem:$0x3FFE];
	[sflag:s23] =	ssyncadd.s32 $0xFFFFFFFF  }
0xa5: {  	s26 =	simm.s32 $execute0_lowered;
	[smem:$0x3FD2] =	sst s25  }
0xa6: {  	s5 =	sshll.u32 s26, $0x1;
	_ =	strace $0x80000049;
	[dreg:$0x1] =	wrdreg $0xFFFFFFFF  }
0xa7: {  	s28 =	simm.s32 $_size_execute0_lowered;
	s3 =	sadd.s32 s3, s5;
	[dreg:$0x0] =	wrdreg $0x0  }
0xa8: {  	s5 =	sshll.u32 s28, $0x1;
	[dreg:$0x2] =	wrdreg s3  }
0xa9: {  	[dreg:$0x3] =	wrdreg s5  }
0xaa: {  	[dreg:$0x4] =	wrdreg $0xC0  }
0xab: {  	_ =	task [dreg:s7], $0x5FFFF  }
0xac: {  	[dreg:$0x1] =	wrdreg $0xFFFFFFFF  }
0xad: {  	[dreg:$0x0] =	wrdreg $0x60  }
0xae: {  	[dreg:$0x2] =	wrdreg s2  }
0xaf: {  	[dreg:$0x3] =	wrdreg s24  }
0xb0: {  	[dreg:$0x4] =	wrdreg $0xA0000  }
0xb1: {  	[dreg:$0x5] =	wrdreg $0x9  }
0xb2: {  	_ =	task.clear_ibuf [dreg:s7], $0x6FFFF;
	_ =	strace $0x90000049  }
0xb3: {  	s29 =	simm.s32 $0x9;
	_ =	strace $0x8000004B  }
0xb4: {  	_ =	swait.ge [sflag:s29], $0x1  }
0xb5: {  	[sflag:s29] =	ssyncadd.s32 $0xFFFFFFFF  }
0xb6: {  	_ =	strace $0x9000004B  }
0xb7: {  	_ =	sfence  }
0xb8: {  	s30 =	sld [smem:$0x0];
	_ =	sdelay $0x2  }
0xb9: {  	s31 =	sshll.u32 s1, $0xD;
	s1 =	sshrl.u32 s1, $0x2  }
0xba: {  	s3 =	sand.u32 $0x4000, s31;
	s1 =	sadd.s32 s1, s30  }
0xbb: {  	s0 =	sor.u32 s3, s0;
	s1 =	sshll.u32 s1, $0x11  }
0xbc: {  	s0 =	sor.u32 s1, s0  }
0xbd: {  	s0 =	sadd.s32 $0x8F2B, s0  }
0xbe: {  	[sflag:s0] =	ssyncadd.remote.s32 $0x1  }
0xbf: {  	_ =	sfence.sel $0xFFFF  }
0xc0: {  	[dreg:$0x0] =	wrdreg $0xFFFFFFFF;
	(pc) =	sbr.abs _section_cstart, $3  }
0xc1: {  	[dreg:$0x1] =	wrdreg $0xFFFFFFFF  }
0xc2: {  	_ =	task.clear_ibuf [dreg:s7], $0x2FFFF;
	_ =	strace $0x9FFFFFFF  }
0xc3: {  	(tm) =	ssettm $0x7FFFFFFF  }
tec
execute0_lowered:
.L_overlay_start_1:
0x0: {  	(tag) =	ssettag $0x1  }
0x1: {  	s1 =	rddreg [dreg:$0x0]  }
0x2: {  	s8 =	rddreg [dreg:$0x1]  }
0x3: {  	s2 =	rddreg [dreg:$0x2]  }
0x4: {  	s3 =	srdreg.scid;
	s4 =	simm.s32 $0x0;
	s0 =	stileid.u32  }
0x5: {  	s18 =	simm.s32 $0x2000;
	s19 =	simm.s32 $0x7;
	s10 =	smul.u32 $0x14000, s0  }
0x6: {  	s21 =	simm.s32 $0x5;
	s22 =	simm.s32 $0x80;
	s31 =	smul.u32 $0x50000, s0  }
0x7: {  	s23 =	simm.s32 $0x4;
	s7 =	sand.u32 $0x1, s3;
	s15 =	smul.u32 $0xA00, s0  }
0x8: {  	s24 =	simm.s32 $0x0;
	[smem:$0x7FF] =	sst s4;
	s9 =	smul.u32 $0x140000, s7  }
0x9: {  	s5 =	sadd.s32 $0x2000, s8;
	s6 =	sadd.s32 $0xC000, s8;
	s12 =	smul.u32 $0xA00, s7  }
0xa: {  	_ =	strace $0x8000004A;
	s11 =	ssub.s32 $0x2, s7;
	s7 =	smul.u32 $0xA0, s0  }
0xb: {  	s13 =	sshrl.u32 s11, $0x1;
	s15 =	sadd.s32 s5, s15;
	s9 =	sadd.s32 s10, s9  }
.Ltmp0:
0xc: {  	s10 =	sshrl.u32 s31, $0x2;
	s9 =	sshrl.u32 s9, $0x3;
	(pc) =	sbr.rel .LBB2_1-.Ltmp0, $4  }
0xd: {  	s17 =	ssub.s32 s11, s13;
	s16 =	sadd.s32 s9, s8;
	s8 =	sadd.s32 s10, s2  }
0xe: {  	s17 =	smax.u32 s17, $0x1;
	s10 =	sadd.s32 s7, s12;
	s9 =	sadd.s32 $0x4000, s8  }
0xf: {  	s11 =	sadd.s32 $0x8000, s8;
	s12 =	sadd.s32 $0xC000, s8;
	s14 =	sshll.u32 s10, $0x4  }
0x10: {  	v0 =	vimm.f32 $0.0e+00;
	s13 =	sadd.s32 $0x10000, s8;
	s16 =	sadd.s32 $0xAC000, s16;
	s14 =	sadd.s32 s1, s14  }
.LBB2_12:
0x11: {  	_ =	swait.ge [sflag:s23], $0x4000;
	s0 =	stileid.u32  }
0x12: {  	s3 =	sshrl.u32 s8, $0x3;
	s24 =	sadd.s32 $0x1, s24;
	[sflag:s23] =	ssyncset.done $0x0  }
0x13: {  	s0 =	sshll.u32 s0, $0x6;
	p0 =	sne.s32 s24, s17;
	[sflag:s23] =	ssyncadd.s32 $0xFFFFC000  }
.Ltmp1:
0x14: {  	s0 =	sor.u32 $0x1C07, s0;
	[bflag:$0x0] =	sbarrier.arrive $0xFFFF;
	(pc) =	sbr.rel @!p0 .LBB2_13-.Ltmp1, $4  }
0x15: {  	[hbm:s16], [sflag:s0] =	dma.local [spmem:s3], $0x2800  }
0x16: {  	_ =	swait.ge [sflag:s19], $0x2800  }
0x17: {  	[sflag:s19] =	ssyncset.done $0x0  }
0x18: {  	[sflag:s19] =	ssyncadd.s32 $0xFFFFD800  }
.LBB2_1:
0x19: {  	s25 =	simm.s32 $0x0;
	s26 =	simm.s32 $0x200  }
.LBB2_2:
0x1a: {  	p0 =	sne.s32 s26, $0xFE00;
	[tilespmem:s25+$0x2070] =	vst v0  }
0x1b: {  	[tilespmem:s25+$0x2000] =	vst v0  }
0x1c: {  	[tilespmem:s25+$0x2010] =	vst v0  }
.Ltmp2:
0x1d: {  	[tilespmem:s25+$0x2020] =	vst v0;
	(pc) =	sbr.rel @p0 .LBB2_2-.Ltmp2, $4  }
0x1e: {  	[tilespmem:s25+$0x2030] =	vst v0  }
0x1f: {  	[tilespmem:s25+$0x2040] =	vst v0  }
0x20: {  	[tilespmem:s25+$0x2050] =	vst v0  }
0x21: {  	[tilespmem:s25+$0x2060] =	vst v0;
	s25 =	sshra.s32 s26, $0x2;
	s26 =	sadd.s32 $0x200, s26  }
0x22: {  	[tilespmem:s25+$0x2070] =	vst v0  }
0x23: {  	[tilespmem:s25+$0x2000] =	vst v0  }
0x24: {  	[tilespmem:s25+$0x2010] =	vst v0  }
0x25: {  	[tilespmem:s25+$0x2020] =	vst v0  }
0x26: {  	[tilespmem:s25+$0x2030] =	vst v0  }
0x27: {  	[tilespmem:s25+$0x2040] =	vst v0  }
0x28: {  	[tilespmem:s25+$0x2050] =	vst v0  }
0x29: {  	[tilespmem:s25+$0x2060] =	vst v0  }
0x2a: {  	[spmem:s8] =	stream.linear.scatter [tilespmem:s18], [sflag:$0x7], $0x4000, $0x38;
	[tilespmem:$0x1E000] =	vst v63  }
0x2b: {  	_ =	swait.ge [sflag:s19], $0x4000  }
0x2c: {  	[sflag:s19] =	ssyncset.done $0x0  }
0x2d: {  	[sflag:s19] =	ssyncadd.s32 $0xFFFFC000  }
0x2e: {  	[spmem:s9] =	stream.linear.scatter [tilespmem:s18], [sflag:$0x7], $0x4000, $0x38;
	[tilespmem:$0x1E000] =	vst v63  }
0x2f: {  	_ =	swait.ge [sflag:s19], $0x4000  }
0x30: {  	[sflag:s19] =	ssyncset.done $0x0  }
0x31: {  	[sflag:s19] =	ssyncadd.s32 $0xFFFFC000  }
0x32: {  	[spmem:s11] =	stream.linear.scatter [tilespmem:s18], [sflag:$0x7], $0x4000, $0x38;
	[tilespmem:$0x1E000] =	vst v63  }
0x33: {  	_ =	swait.ge [sflag:s19], $0x4000  }
0x34: {  	[sflag:s19] =	ssyncset.done $0x0  }
0x35: {  	[sflag:s19] =	ssyncadd.s32 $0xFFFFC000  }
0x36: {  	[spmem:s12] =	stream.linear.scatter [tilespmem:s18], [sflag:$0x7], $0x4000, $0x38;
	[tilespmem:$0x1E000] =	vst v63  }
0x37: {  	_ =	swait.ge [sflag:s19], $0x4000  }
0x38: {  	[sflag:s19] =	ssyncset.done $0x0  }
0x39: {  	[sflag:s19] =	ssyncadd.s32 $0xFFFFC000  }
0x3a: {  	[spmem:s13] =	stream.linear.scatter [tilespmem:s18], [sflag:$0x7], $0x4000, $0x38;
	[tilespmem:$0x1E000] =	vst v63  }
0x3b: {  	_ =	swait.ge [sflag:s19], $0x4000  }
0x3c: {  	[sflag:s19] =	ssyncset.done $0x0  }
0x3d: {  	[sflag:s19] =	ssyncadd.s32 $0xFFFFC000  }
0x3e: {  	s29 =	simm.s32 $0x0;
	[bflag:$0x0] =	sbarrier.arrive $0xFFFF  }
0x3f: {  	[tilespmem:s29], [sflag:$0x5] =	stream.linear.gather [hbm4b:s14+s29], $0x800, $0x38;
	[tilespmem:$0x1E000] =	vst v63  }
0x40: {  	s0 =	simm.s32 $0x1000  }
0x41: {  	[tilespmem:s0], [sflag:$0x5] =	stream.linear.gather [hbm4b:s15+s29], $0x800, $0x38;
	[tilespmem:$0x1E000] =	vst v63  }
0x42: {  	_ =	swait.ge [sflag:s21], $0x800  }
0x43: {  	[sflag:s21] =	ssyncset.done $0x0  }
.Ltmp3:
0x44: {  	[sflag:s21] =	ssyncadd.s32 $0xFFFFF800;
	(pc) =	sbr.rel .LBB2_4-.Ltmp3, $4  }
0x45: {  	_ =	swait.ge [sflag:s21], $0x800  }
0x46: {  	[sflag:s21] =	ssyncset.done $0x0  }
0x47: {  	[sflag:s21] =	ssyncadd.s32 $0xFFFFF800  }
0x48: {  	[tilespmem:s18], [sflag:$0x1] =	stream.indirect.gather [hbm4b:s6+s22], $0x80, s29, s22, $0xb8;
	[tilespmem:$0x1E000] =	vst v63  }
.LBB2_9:
0x49: {  	s29 =	simm.s32 $0x1;
	s30 =	simm.s32 $0x1  }
.LBB2_10:
0x4a: {  	s0 =	sand.u32 $0x1, s30;
	s3 =	sshll.u32 s30, $0x7  }
0x4b: {  	s29 =	sshll.u32 s29, $0x7;
	s20 =	sshll.u32 s0, $0xE;
	s3 =	sand.u32 $0x800, s3  }
0x4c: {  	s0 =	sadd.s32 $0x1, s0;
	s20 =	sor.u32 $0x2000, s20;
	s3 =	sor.u32 s29, s3  }
0x4d: {  	[tilespmem:s20], [sflag:s0] =	stream.indirect.gather [hbm4b:s6+s22], $0x80, s3, s22, $0xb8;
	[tilespmem:$0x1E000] =	vst v63  }
.LBB2_11:
0x4e: {  	s0 =	sshll.u32 s25, $0xE;
	s3 =	sadd.s32 $0x1, s25;
	p0 =	slt.u32 s30, $0xA0  }
.Ltmp4:
0x4f: {  	s20 =	sshll.u32 s28, $0xB;
	s26 =	sshll.u32 s26, $0x7;
	(pc) =	sbr.rel @!p0 .LBB2_12-.Ltmp4, $4  }
0x50: {  	s31 =	sadd.s32 $0x3, s25;
	_ =	swait.ge [sflag:s3], $0x4000;
	s20 =	sand.u32 $0x800, s20  }
0x51: {  	s29 =	smov.u32 s30;
	[sflag:s3] =	ssyncset.done $0x0;
	s20 =	sor.u32 s26, s20  }
0x52: {  	s0 =	sor.u32 $0x2000, s0;
	[sflag:s3] =	ssyncadd.s32 $0xFFFFC000;
	s28 =	sor.u32 $0x1000, s20  }
0x53: {  	[spmem:s2] =	stream.indirect.scatter.add.f32 [tilespmem:s0], [sflag:s31], $0x80, s28, s22, $0xb8;
	[tilespmem:$0x1E000] =	vst v63  }
.LBB2_4:
0x54: {  	s26 =	sand.u32 $0xF, s29;
	p0 =	sgt.u32 s29, $0x8F  }
0x55: {  	p1 =	sne.s32 @!p0 s26, $0x1  }
0x56: {  	p0 =	por p0, p1  }
.Ltmp5:
0x57: {  	_ = 	snop;
	(pc) =	sbr.rel @p0 .LBB2_8-.Ltmp5, $3  }
0x58: {  	_ =	sdelay $0x1  }
0x59: {  	s28 =	sshrl.u32 s29, $0x4  }
0x5a: {  	s25 =	sand.u32 $0x1, s29;
	s31 =	sadd.s32 $0x1, s28  }
0x5b: {  	s30 =	sshll.u32 s31, $0x4  }
0x5c: {  	s3 =	sand.u32 $0x1, s31;
	s0 =	sadd.s32 s10, s30  }
0x5d: {  	s20 =	sadd.s32 $0x5, s3;
	s3 =	sshll.u32 s3, $0xB;
	s0 =	sshll.u32 s0, $0x4  }
.Ltmp6:
0x5e: {  	s30 =	sadd.s32 s7, s30;
	s0 =	sadd.s32 s1, s0;
	(pc) =	sbr.rel .LBB2_6-.Ltmp6, $4  }
0x5f: {  	[tilespmem:s3], [sflag:s20] =	stream.linear.gather [hbm4b:s0+s4], $0x800, $0x38;
	[tilespmem:$0x1E000] =	vst v63  }
0x60: {  	s0 =	sshll.u32 s30, $0x4  }
0x61: {  	s3 =	sor.u32 $0x1000, s3;
	s0 =	sadd.s32 s5, s0  }
0x62: {  	[tilespmem:s3], [sflag:s20] =	stream.linear.gather [hbm4b:s0+s4], $0x800, $0x38;
	[tilespmem:$0x1E000] =	vst v63  }
.LBB2_8:
0x63: {  	p0 =	seq.s32 s29, $0x0  }
.Ltmp7:
0x64: {  	_ = 	snop;
	(pc) =	sbr.rel @p0 .LBB2_9-.Ltmp7, $1  }
0x65: {  	_ =	sdelay $0x3  }
.LBB2_6:
0x66: {  	p0 =	seq.s32 s29, $0x9F  }
.Ltmp8:
0x67: {  	s0 =	sxor.u32 $0x1, s25;
	(pc) =	sbr.rel @p0 .LBB2_11-.Ltmp8, $4  }
0x68: {  	s0 =	sadd.s32 $0x3, s0  }
0x69: {  	_ =	swait.ge [sflag:s0], $0x4000  }
0x6a: {  	[sflag:s0] =	ssyncset.done $0x0  }
0x6b: {  	s30 =	simm.s32 $0xA0;
	[sflag:s0] =	ssyncadd.s32 $0xFFFFC000  }
0x6c: {  	s30 =	sadd.s32 $0x1, s29  }
0x6d: {  	s29 =	sand.u32 $0xF, s30  }
0x6e: {  	p0 =	sne.s32 s29, $0x0  }
0x6f: {  	s0 =	sand.u32 @!p0 $0x1, s31  }
0x70: {  	s0 =	sadd.s32 @!p0 $0x5, s0  }
0x71: {  	_ =	swait.ge @!p0 [sflag:s0], $0x800  }
.Ltmp9:
0x72: {  	[sflag:s0] =	ssyncset.done @!p0 $0x0;
	(pc) =	sbr.rel .LBB2_10-.Ltmp9, $4  }
0x73: {  	[sflag:s0] =	ssyncadd.s32 @!p0 $0xFFFFF800  }
0x74: {  	_ =	swait.ge @!p0 [sflag:s0], $0x800  }
0x75: {  	[sflag:s0] =	ssyncset.done @!p0 $0x0  }
0x76: {  	s29 =	simm.s32 @!p0 $0x0;
	[sflag:s0] =	ssyncadd.s32 @!p0 $0xFFFFF800  }
.LBB2_13:
0x77: {  	_ =	sfence.sel $0x180000  }
0x78: {  	[bflag:$0x0] =	sbarrier.arrive $0xFFFF  }
0x79: {  	_ =	strace $0x9000004A  }
0x7a: {  	s0 =	stileid.u32;
	[bflag:$0x2] =	sbarrier.arrive $0xFFFF  }
0x7b: {  	p0 =	sne.s32 s0, $0x0;
	s0 =	rddreg [dreg:$0x3]  }
0x7c: {  	s0 =	sadd.s32 @!p0 $0x100000, s0  }
0x7d: {  	[sflag:s0] =	ssyncadd.tile.s32 @!p0 $0x1;
	_ =	shalt  }
.Lfunc_end2:
_tile_overlayer_lowered:
.L_overlay_start_2:
0x7e: {  	(tag) =	ssettag $0x2  }
0x7f: {  	s0 =	rddreg [dreg:$0x0];
	s2 =	stileid.u32  }
0x80: {  	s1 =	rddreg [dreg:$0x1];
	p0 =	sne.s32 s2, $0x0  }
0x81: {  	s3 =	rddreg [dreg:$0x2];
	[bflag:$0x3] =	sbarrier.arrive $0xFFFF;
	s2 =	simm.s32 @!p0 $0x1C07  }
0x82: {  	[timem:s3], [sflag:s2] =	dma.local @!p0 [hbm:s0], s1  }
0x83: {  	s0 =	simm.s32 @!p0 $0x7  }
0x84: {  	_ =	swait.ge @!p0 [sflag:s0], s1  }
0x85: {  	s1 =	ssub.s32 @!p0 $0x0, s1;
	[sflag:s0] =	ssyncset.done @!p0 $0x0  }
0x86: {  	[sflag:s0] =	ssyncadd.s32 @!p0 s1  }
0x87: {  	[bflag:$0x3] =	sbarrier.arrive $0xFFFF  }
0x88: {  	_ =	shalt  }

// kernel: kernel.16.cloned.1.call-start
scs
__scs_entry_jumppad:
0x0: {  	(pc) =	sbr.rel $0x88, $3  }
0x1: {  	(tag) =	ssettag $0x0;
	lr =	simm.s32 $0x1  }
0x2: {  	[smem:$0x3F99] =	sst lr;
	_ =	strace $0xD0000000  }
0x3: {  	_ = 	snop  }
0x4: {  	_ = 	snop  }
0x5: {  	_ = 	snop  }
0x6: {  	_ = 	snop  }
0x7: {  	_ = 	snop  }
__scs_overlays_trampoline_lowered:
0x8: {  	[smem:$0x3FA8] =	sst s0  }
0x9: {  	[smem:$0x3FA9] =	sst s1  }
0xa: {  	[smem:$0x3FAA] =	sst s2  }
0xb: {  	[smem:$0x3FAB] =	sst s3  }
0xc: {  	[smem:$0x3FAC] =	sst s4  }
0xd: {  	[smem:$0x3FAD] =	sst s5  }
0xe: {  	[smem:$0x3FAE] =	sst s6  }
0xf: {  	[smem:$0x3FAF] =	sst s7  }
0x10: {  	[smem:$0x3FB0] =	sst s8  }
0x11: {  	[smem:$0x3FB1] =	sst s9;
	s0 =	simm.s32 @!p0 $0x0  }
0x12: {  	s1 =	sld [smem:$0x3F97];
	s0 =	simm.s32 @p0 $0x1  }
0x13: {  	[smem:$0x3FB2] =	sst s0;
	s0 =	simm.s32 @!p1 $0x0  }
0x14: {  	s2 =	sld [smem:$0x3F96];
	s0 =	simm.s32 @p1 $0x1  }
0x15: {  	[smem:$0x3FB3] =	sst s0;
	s0 =	simm.s32 @!p2 $0x0  }
0x16: {  	s3 =	sld [smem:$0x3FDB];
	s0 =	simm.s32 @p2 $0x1  }
0x17: {  	s4 =	simm.s32 $0x1BF5;
	[smem:$0x3FB5] =	sst s0  }
0x18: {  	s0 =	sld [smem:$0x3F98];
	_ =	swait.ge [sflag:s4], $0x0  }
0x19: {  	s7 =	sld [smem:$0x3F99]  }
0x1a: {  	s8 =	sadd.s32 $0xFFFFE003, lr  }
0x1b: {  	s9 =	sadd.s32 $0xFFFFFEF7, lr;
	s5 =	simm.s32 $0xFFFFFFFF;
	p2 =	slt.u32 s8, $0xFFFFF086  }
0x1c: {  	p1 =	slt.u32 s9, $0xF7A;
	s5 =	simm.s32 @!p2 $0x0  }
0x1d: {  	s5 =	simm.s32 @p1 $0x1;
	p0 =	seq.s32 s7, s2  }
0x1e: {  	s7 =	smul.u32 @!p0 $0xF7A, s2;
	p2 =	seq.s32 @!p0 s5, $0x0  }
0x1f: {  	s9 =	smul.u32 $0xF7A, s1;
	s8 =	simm.s32 @!p0 $0x1BF5;
	p2 =	por !p2, p0  }
0x20: {  	[sflag:s8] =	ssyncset.s32 @!p0 $0xFFFFF086;
	s6 =	sadd.s32 @!p0 s3, s7;
	s7 =	simm.s32 @!p0 $0x108  }
0x21: {  	s3 =	sadd.s32 s3, s9;
	s6 =	sadd.s32 @!p0 $0x88, s6;
	s7 =	simm.s32 @p2 $0x1082  }
0x22: {  	[simem:s7], [sflag:s8] =	dma.local @!p0 [hbm:s6], $0xF7A  }
0x23: {  	s9 =	sor.u32 $0xD0000000, s2;
	s6 =	simm.s32 $0x108;
	_ =	swait.ge @!p0 [sflag:s8], $0x0  }
0x24: {  	s3 =	sadd.s32 $0x88, s3;
	s6 =	simm.s32 @!p1 $0x1082;
	[sflag:s4] =	ssyncset.s32 $0xFFFFF086  }
0x25: {  	[simem:s6], [sflag:s4] =	dma.local [hbm:s3], $0xF7A  }
0x26: {  	[smem:$0x3F99] =	sst s1;
	(tag) =	ssettag s2;
	_ =	strace s9  }
0x27: {  	s1 =	sld [smem:$0x3FA9]  }
0x28: {  	s2 =	sld [smem:$0x3FAA]  }
0x29: {  	s4 =	sld [smem:$0x3FAC]  }
0x2a: {  	p0 =	seq.s32 s5, $0x0;
	s5 =	sld [smem:$0x3FAD]  }
0x2b: {  	s6 =	sld [smem:$0x3FAE]  }
0x2c: {  	s7 =	sld [smem:$0x3FAF]  }
0x2d: {  	s3 =	simm.s32 $0x108;
	s8 =	sld [smem:$0x3FB0]  }
0x2e: {  	s3 =	simm.s32 @!p0 $0x1082;
	s9 =	sld [smem:$0x3FB1]  }
0x2f: {  	lr =	sadd.s32 s0, s3;
	s0 =	sld [smem:$0x3FA8]  }
0x30: {  	s3 =	sld [smem:$0x3FAB]  }
0x31: {  	[smem:$0x3FB4] =	sst s10  }
0x32: {  	s10 =	sld [smem:$0x3FB2];
	_ =	sdelay $0x3  }
0x33: {  	p0 =	seq.s32 s10, $0x1;
	s10 =	sld [smem:$0x3FB4];
	_ =	sdelay $0x3  }
0x34: {  	[smem:$0x3FB4] =	sst s10  }
0x35: {  	s10 =	sld [smem:$0x3FB3];
	_ =	sdelay $0x3  }
0x36: {  	p1 =	seq.s32 s10, $0x1;
	s10 =	sld [smem:$0x3FB4];
	_ =	sdelay $0x3  }
0x37: {  	[smem:$0x3FB4] =	sst s10  }
0x38: {  	s10 =	sld [smem:$0x3FB5]  }
0x39: {  	_ = 	snop;
	(pc) =	sbr.ind lr, $3  }
0x3a: {  	_ = 	snop  }
0x3b: {  	_ = 	snop  }
0x3c: {  	p2 =	seq.s32 s10, $0x1;
	s10 =	sld [smem:$0x3FB4]  }
0x3d: {  	_ =	shalt  }
0x3e: {  	_ =	shalt  }
0x3f: {  	_ =	shalt  }
0x40: {  	_ =	shalt  }
0x41: {  	_ =	shalt  }
0x42: {  	_ =	shalt  }
0x43: {  	_ =	shalt  }
0x44: {  	_ =	shalt  }
0x45: {  	_ =	shalt  }
0x46: {  	_ =	shalt  }
0x47: {  	_ =	shalt  }
0x48: {  	_ =	shalt  }
0x49: {  	_ =	shalt  }
0x4a: {  	_ =	shalt  }
0x4b: {  	_ =	shalt  }
0x4c: {  	_ =	shalt  }
0x4d: {  	_ =	shalt  }
0x4e: {  	_ =	shalt  }
0x4f: {  	_ =	shalt  }
0x50: {  	_ =	shalt  }
0x51: {  	_ =	shalt  }
0x52: {  	_ =	shalt  }
0x53: {  	_ =	shalt  }
0x54: {  	_ =	shalt  }
0x55: {  	_ =	shalt  }
0x56: {  	_ =	shalt  }
0x57: {  	_ =	shalt  }
0x58: {  	_ =	shalt  }
0x59: {  	_ =	shalt  }
0x5a: {  	_ =	shalt  }
0x5b: {  	_ =	shalt  }
0x5c: {  	_ =	shalt  }
0x5d: {  	_ =	shalt  }
0x5e: {  	_ =	shalt  }
0x5f: {  	_ =	shalt  }
0x60: {  	_ =	shalt  }
0x61: {  	_ =	shalt  }
0x62: {  	_ =	shalt  }
0x63: {  	_ =	shalt  }
0x64: {  	_ =	shalt  }
0x65: {  	_ =	shalt  }
0x66: {  	_ =	shalt  }
0x67: {  	_ =	shalt  }
0x68: {  	_ =	shalt  }
0x69: {  	_ =	shalt  }
0x6a: {  	_ =	shalt  }
0x6b: {  	_ =	shalt  }
0x6c: {  	_ =	shalt  }
0x6d: {  	_ =	shalt  }
0x6e: {  	_ =	shalt  }
0x6f: {  	_ =	shalt  }
0x70: {  	_ =	shalt  }
0x71: {  	_ =	shalt  }
0x72: {  	_ =	shalt  }
0x73: {  	_ =	shalt  }
0x74: {  	_ =	shalt  }
0x75: {  	_ =	shalt  }
0x76: {  	_ =	shalt  }
0x77: {  	_ =	shalt  }
0x78: {  	_ =	shalt  }
0x79: {  	_ =	shalt  }
0x7a: {  	_ =	shalt  }
0x7b: {  	_ =	shalt  }
0x7c: {  	_ =	shalt  }
0x7d: {  	_ =	shalt  }
0x7e: {  	_ =	shalt  }
0x7f: {  	_ =	shalt  }
0x80: {  	_ =	shalt  }
0x81: {  	_ =	shalt  }
0x82: {  	_ =	shalt  }
0x83: {  	_ =	shalt  }
0x84: {  	_ =	shalt  }
0x85: {  	_ =	shalt  }
0x86: {  	_ =	shalt  }
0x87: {  	_ =	shalt  }
.Lfunc_end0:
.L_simem_size_0:
called_computation.2_lowered:
.L_overlay_start_0:
0x88: {  	s2 =	sld [smem:$0x3FD9]  }
0x89: {  	s3 =	sld [smem:$0x3FFE];
	_ =	sdelay $0x1  }
0x8a: {  	s1 =	srdreg.scid  }
0x8b: {  	s0 =	sand.u32 $0x1, s1  }
0x8c: {  	s17 =	sshll.u32 s0, $0xA;
	s2 =	sadd.s32 s3, s2  }
0x8d: {  	s2 =	sadd.s32 s2, s17  }
0x8e: {  	[smem:$0x3FC0] =	sst s2  }
0x8f: {  	_ = 	snop  }
0x90: {  	s2 =	sld [smem:$0x3FD0];
	(tm) =	ssettm $0x1  }
0x91: {  	s18 =	sld [smem:$0x3FFB];
	_ =	sdelay $0x3  }
0x92: {  	_ =	strace s18  }
0x93: {  	s3 =	sld [smem:$0x3FFC];
	_ =	sdelay $0x3  }
0x94: {  	_ =	strace s3  }
0x95: {  	s3 =	sld [smem:$0x3FFD];
	_ =	sdelay $0x3  }
0x96: {  	_ =	strace s3  }
0x97: {  	_ =	strace $0x8FFFFFFF  }
0x98: {  	s19 =	sld [smem:$0x3FDB];
	_ =	sdelay $0x1  }
0x99: {  	s4 =	simm.s32 $_scs_section_size  }
0x9a: {  	s5 =	simm.s32 $_size__tile_overlayer_lowered;
	s6 =	simm.s32 $_tile_overlayer_lowered  }
0x9b: {  	s22 =	simm.s32 $0x1BFF;
	s21 =	sshll.u32 s6, $0x1;
	s3 =	sadd.s32 s4, s19  }
0x9c: {  	s7 =	simm.s32 $0x0;
	s20 =	sshll.u32 s5, $0x1;
	s5 =	sadd.s32 s21, s3  }
0x9d: {  	[timem:s7], [sflag:s22] =	dma.local [hbm:s5], s20  }
0x9e: {  	_ =	swait.ge [sflag:s22], s20  }
0x9f: {  	s4 =	ssub.s32 $0x0, s20;
	[sflag:s22] =	ssyncset.done $0x0  }
0xa0: {  	[sflag:s22] =	ssyncadd.s32 s4;
	_ =	sdelay $0x1  }
0xa1: {  	s23 =	simm.s32 $0x1B8B  }
0xa2: {  	_ =	swait.ge [sflag:s23], $0x1  }
0xa3: {  	[sflag:s23] =	ssyncset.done $0x0  }
0xa4: {  	s25 =	simm.s32 $0x1B8E;
	s24 =	sld [smem:$0x3FFE];
	[sflag:s23] =	ssyncadd.s32 $0xFFFFFFFF  }
0xa5: {  	s26 =	simm.s32 $execute0_lowered;
	[smem:$0x3FD2] =	sst s25  }
0xa6: {  	s5 =	sshll.u32 s26, $0x1;
	_ =	strace $0x8000004C;
	[dreg:$0x1] =	wrdreg $0xFFFFFFFF  }
0xa7: {  	s28 =	simm.s32 $_size_execute0_lowered;
	s3 =	sadd.s32 s3, s5;
	[dreg:$0x0] =	wrdreg $0x0  }
0xa8: {  	s5 =	sshll.u32 s28, $0x1;
	[dreg:$0x2] =	wrdreg s3  }
0xa9: {  	[dreg:$0x3] =	wrdreg s5  }
0xaa: {  	[dreg:$0x4] =	wrdreg $0xC0  }
0xab: {  	_ =	task [dreg:s7], $0x5FFFF  }
0xac: {  	[dreg:$0x1] =	wrdreg $0xFFFFFFFF  }
0xad: {  	[dreg:$0x0] =	wrdreg $0x60  }
0xae: {  	[dreg:$0x2] =	wrdreg s2  }
0xaf: {  	[dreg:$0x3] =	wrdreg s24  }
0xb0: {  	[dreg:$0x4] =	wrdreg $0xA0000  }
0xb1: {  	[dreg:$0x5] =	wrdreg $0x9  }
0xb2: {  	_ =	task.clear_ibuf [dreg:s7], $0x6FFFF;
	_ =	strace $0x9000004C  }
0xb3: {  	s29 =	simm.s32 $0x9;
	_ =	strace $0x8000004E  }
0xb4: {  	_ =	swait.ge [sflag:s29], $0x1  }
0xb5: {  	[sflag:s29] =	ssyncadd.s32 $0xFFFFFFFF  }
0xb6: {  	_ =	strace $0x9000004E  }
0xb7: {  	_ =	sfence  }
0xb8: {  	s30 =	sld [smem:$0x0];
	_ =	sdelay $0x2  }
0xb9: {  	s31 =	sshll.u32 s1, $0xD;
	s1 =	sshrl.u32 s1, $0x2  }
0xba: {  	s3 =	sand.u32 $0x4000, s31;
	s1 =	sadd.s32 s1, s30  }
0xbb: {  	s0 =	sor.u32 s3, s0;
	s1 =	sshll.u32 s1, $0x11  }
0xbc: {  	s0 =	sor.u32 s1, s0  }
0xbd: {  	s0 =	sadd.s32 $0x8F2B, s0  }
0xbe: {  	[sflag:s0] =	ssyncadd.remote.s32 $0x1  }
0xbf: {  	_ =	sfence.sel $0xFFFF  }
0xc0: {  	[dreg:$0x0] =	wrdreg $0xFFFFFFFF;
	(pc) =	sbr.abs _section_cstart, $3  }
0xc1: {  	[dreg:$0x1] =	wrdreg $0xFFFFFFFF  }
0xc2: {  	_ =	task.clear_ibuf [dreg:s7], $0x2FFFF;
	_ =	strace $0x9FFFFFFF  }
0xc3: {  	(tm) =	ssettm $0x7FFFFFFF  }
tec
execute0_lowered:
.L_overlay_start_1:
0x0: {  	(tag) =	ssettag $0x1  }
0x1: {  	s1 =	rddreg [dreg:$0x0]  }
0x2: {  	s8 =	rddreg [dreg:$0x1]  }
0x3: {  	s2 =	rddreg [dreg:$0x2]  }
0x4: {  	s3 =	srdreg.scid;
	s4 =	simm.s32 $0x0;
	s0 =	stileid.u32  }
0x5: {  	s18 =	simm.s32 $0x2000;
	s19 =	simm.s32 $0x7;
	s10 =	smul.u32 $0x14000, s0  }
0x6: {  	s21 =	simm.s32 $0x5;
	s22 =	simm.s32 $0x80;
	s31 =	smul.u32 $0x50000, s0  }
0x7: {  	s23 =	simm.s32 $0x4;
	s7 =	sand.u32 $0x1, s3;
	s15 =	smul.u32 $0xA00, s0  }
0x8: {  	s24 =	simm.s32 $0x0;
	[smem:$0x7FF] =	sst s4;
	s9 =	smul.u32 $0x140000, s7  }
0x9: {  	s5 =	sadd.s32 $0x2000, s8;
	s6 =	sadd.s32 $0xC000, s8;
	s12 =	smul.u32 $0xA00, s7  }
0xa: {  	_ =	strace $0x8000004D;
	s11 =	ssub.s32 $0x2, s7;
	s7 =	smul.u32 $0xA0, s0  }
0xb: {  	s13 =	sshrl.u32 s11, $0x1;
	s15 =	sadd.s32 s5, s15;
	s9 =	sadd.s32 s10, s9  }
.Ltmp0:
0xc: {  	s10 =	sshrl.u32 s31, $0x2;
	s9 =	sshrl.u32 s9, $0x3;
	(pc) =	sbr.rel .LBB2_1-.Ltmp0, $4  }
0xd: {  	s17 =	ssub.s32 s11, s13;
	s16 =	sadd.s32 s9, s8;
	s8 =	sadd.s32 s10, s2  }
0xe: {  	s17 =	smax.u32 s17, $0x1;
	s10 =	sadd.s32 s7, s12;
	s9 =	sadd.s32 $0x4000, s8  }
0xf: {  	s11 =	sadd.s32 $0x8000, s8;
	s12 =	sadd.s32 $0xC000, s8;
	s14 =	sshll.u32 s10, $0x4  }
0x10: {  	v0 =	vimm.f32 $0.0e+00;
	s13 =	sadd.s32 $0x10000, s8;
	s16 =	sadd.s32 $0xAC000, s16;
	s14 =	sadd.s32 s1, s14  }
.LBB2_12:
0x11: {  	_ =	swait.ge [sflag:s23], $0x4000;
	s0 =	stileid.u32  }
0x12: {  	s3 =	sshrl.u32 s8, $0x3;
	s24 =	sadd.s32 $0x1, s24;
	[sflag:s23] =	ssyncset.done $0x0  }
0x13: {  	s0 =	sshll.u32 s0, $0x6;
	p0 =	sne.s32 s24, s17;
	[sflag:s23] =	ssyncadd.s32 $0xFFFFC000  }
.Ltmp1:
0x14: {  	s0 =	sor.u32 $0x1C07, s0;
	[bflag:$0x0] =	sbarrier.arrive $0xFFFF;
	(pc) =	sbr.rel @!p0 .LBB2_13-.Ltmp1, $4  }
0x15: {  	[hbm:s16], [sflag:s0] =	dma.local [spmem:s3], $0x2800  }
0x16: {  	_ =	swait.ge [sflag:s19], $0x2800  }
0x17: {  	[sflag:s19] =	ssyncset.done $0x0  }
0x18: {  	[sflag:s19] =	ssyncadd.s32 $0xFFFFD800  }
.LBB2_1:
0x19: {  	s25 =	simm.s32 $0x0;
	s26 =	simm.s32 $0x200  }
.LBB2_2:
0x1a: {  	p0 =	sne.s32 s26, $0xFE00;
	[tilespmem:s25+$0x2070] =	vst v0  }
0x1b: {  	[tilespmem:s25+$0x2000] =	vst v0  }
0x1c: {  	[tilespmem:s25+$0x2010] =	vst v0  }
.Ltmp2:
0x1d: {  	[tilespmem:s25+$0x2020] =	vst v0;
	(pc) =	sbr.rel @p0 .LBB2_2-.Ltmp2, $4  }
0x1e: {  	[tilespmem:s25+$0x2030] =	vst v0  }
0x1f: {  	[tilespmem:s25+$0x2040] =	vst v0  }
0x20: {  	[tilespmem:s25+$0x2050] =	vst v0  }
0x21: {  	[tilespmem:s25+$0x2060] =	vst v0;
	s25 =	sshra.s32 s26, $0x2;
	s26 =	sadd.s32 $0x200, s26  }
0x22: {  	[tilespmem:s25+$0x2070] =	vst v0  }
0x23: {  	[tilespmem:s25+$0x2000] =	vst v0  }
0x24: {  	[tilespmem:s25+$0x2010] =	vst v0  }
0x25: {  	[tilespmem:s25+$0x2020] =	vst v0  }
0x26: {  	[tilespmem:s25+$0x2030] =	vst v0  }
0x27: {  	[tilespmem:s25+$0x2040] =	vst v0  }
0x28: {  	[tilespmem:s25+$0x2050] =	vst v0  }
0x29: {  	[tilespmem:s25+$0x2060] =	vst v0  }
0x2a: {  	[spmem:s8] =	stream.linear.scatter [tilespmem:s18], [sflag:$0x7], $0x4000, $0x38;
	[tilespmem:$0x1E000] =	vst v63  }
0x2b: {  	_ =	swait.ge [sflag:s19], $0x4000  }
0x2c: {  	[sflag:s19] =	ssyncset.done $0x0  }
0x2d: {  	[sflag:s19] =	ssyncadd.s32 $0xFFFFC000  }
0x2e: {  	[spmem:s9] =	stream.linear.scatter [tilespmem:s18], [sflag:$0x7], $0x4000, $0x38;
	[tilespmem:$0x1E000] =	vst v63  }
0x2f: {  	_ =	swait.ge [sflag:s19], $0x4000  }
0x30: {  	[sflag:s19] =	ssyncset.done $0x0  }
0x31: {  	[sflag:s19] =	ssyncadd.s32 $0xFFFFC000  }
0x32: {  	[spmem:s11] =	stream.linear.scatter [tilespmem:s18], [sflag:$0x7], $0x4000, $0x38;
	[tilespmem:$0x1E000] =	vst v63  }
0x33: {  	_ =	swait.ge [sflag:s19], $0x4000  }
0x34: {  	[sflag:s19] =	ssyncset.done $0x0  }
0x35: {  	[sflag:s19] =	ssyncadd.s32 $0xFFFFC000  }
0x36: {  	[spmem:s12] =	stream.linear.scatter [tilespmem:s18], [sflag:$0x7], $0x4000, $0x38;
	[tilespmem:$0x1E000] =	vst v63  }
0x37: {  	_ =	swait.ge [sflag:s19], $0x4000  }
0x38: {  	[sflag:s19] =	ssyncset.done $0x0  }
0x39: {  	[sflag:s19] =	ssyncadd.s32 $0xFFFFC000  }
0x3a: {  	[spmem:s13] =	stream.linear.scatter [tilespmem:s18], [sflag:$0x7], $0x4000, $0x38;
	[tilespmem:$0x1E000] =	vst v63  }
0x3b: {  	_ =	swait.ge [sflag:s19], $0x4000  }
0x3c: {  	[sflag:s19] =	ssyncset.done $0x0  }
0x3d: {  	[sflag:s19] =	ssyncadd.s32 $0xFFFFC000  }
0x3e: {  	s29 =	simm.s32 $0x0;
	[bflag:$0x0] =	sbarrier.arrive $0xFFFF  }
0x3f: {  	[tilespmem:s29], [sflag:$0x5] =	stream.linear.gather [hbm4b:s14+s29], $0x800, $0x38;
	[tilespmem:$0x1E000] =	vst v63  }
0x40: {  	s0 =	simm.s32 $0x1000  }
0x41: {  	[tilespmem:s0], [sflag:$0x5] =	stream.linear.gather [hbm4b:s15+s29], $0x800, $0x38;
	[tilespmem:$0x1E000] =	vst v63  }
0x42: {  	_ =	swait.ge [sflag:s21], $0x800  }
0x43: {  	[sflag:s21] =	ssyncset.done $0x0  }
.Ltmp3:
0x44: {  	[sflag:s21] =	ssyncadd.s32 $0xFFFFF800;
	(pc) =	sbr.rel .LBB2_4-.Ltmp3, $4  }
0x45: {  	_ =	swait.ge [sflag:s21], $0x800  }
0x46: {  	[sflag:s21] =	ssyncset.done $0x0  }
0x47: {  	[sflag:s21] =	ssyncadd.s32 $0xFFFFF800  }
0x48: {  	[tilespmem:s18], [sflag:$0x1] =	stream.indirect.gather [hbm4b:s6+s22], $0x80, s29, s22, $0xb8;
	[tilespmem:$0x1E000] =	vst v63  }
.LBB2_9:
0x49: {  	s29 =	simm.s32 $0x1;
	s30 =	simm.s32 $0x1  }
.LBB2_10:
0x4a: {  	s0 =	sand.u32 $0x1, s30;
	s3 =	sshll.u32 s30, $0x7  }
0x4b: {  	s29 =	sshll.u32 s29, $0x7;
	s20 =	sshll.u32 s0, $0xE;
	s3 =	sand.u32 $0x800, s3  }
0x4c: {  	s0 =	sadd.s32 $0x1, s0;
	s20 =	sor.u32 $0x2000, s20;
	s3 =	sor.u32 s29, s3  }
0x4d: {  	[tilespmem:s20], [sflag:s0] =	stream.indirect.gather [hbm4b:s6+s22], $0x80, s3, s22, $0xb8;
	[tilespmem:$0x1E000] =	vst v63  }
.LBB2_11:
0x4e: {  	s0 =	sshll.u32 s25, $0xE;
	s3 =	sadd.s32 $0x1, s25;
	p0 =	slt.u32 s30, $0xA0  }
.Ltmp4:
0x4f: {  	s20 =	sshll.u32 s28, $0xB;
	s26 =	sshll.u32 s26, $0x7;
	(pc) =	sbr.rel @!p0 .LBB2_12-.Ltmp4, $4  }
0x50: {  	s31 =	sadd.s32 $0x3, s25;
	_ =	swait.ge [sflag:s3], $0x4000;
	s20 =	sand.u32 $0x800, s20  }
0x51: {  	s29 =	smov.u32 s30;
	[sflag:s3] =	ssyncset.done $0x0;
	s20 =	sor.u32 s26, s20  }
0x52: {  	s0 =	sor.u32 $0x2000, s0;
	[sflag:s3] =	ssyncadd.s32 $0xFFFFC000;
	s28 =	sor.u32 $0x1000, s20  }
0x53: {  	[spmem:s2] =	stream.indirect.scatter.add.f32 [tilespmem:s0], [sflag:s31], $0x80, s28, s22, $0xb8;
	[tilespmem:$0x1E000] =	vst v63  }
.LBB2_4:
0x54: {  	s26 =	sand.u32 $0xF, s29;
	p0 =	sgt.u32 s29, $0x8F  }
0x55: {  	p1 =	sne.s32 @!p0 s26, $0x1  }
0x56: {  	p0 =	por p0, p1  }
.Ltmp5:
0x57: {  	_ = 	snop;
	(pc) =	sbr.rel @p0 .LBB2_8-.Ltmp5, $3  }
0x58: {  	_ =	sdelay $0x1  }
0x59: {  	s28 =	sshrl.u32 s29, $0x4  }
0x5a: {  	s25 =	sand.u32 $0x1, s29;
	s31 =	sadd.s32 $0x1, s28  }
0x5b: {  	s30 =	sshll.u32 s31, $0x4  }
0x5c: {  	s3 =	sand.u32 $0x1, s31;
	s0 =	sadd.s32 s10, s30  }
0x5d: {  	s20 =	sadd.s32 $0x5, s3;
	s3 =	sshll.u32 s3, $0xB;
	s0 =	sshll.u32 s0, $0x4  }
.Ltmp6:
0x5e: {  	s30 =	sadd.s32 s7, s30;
	s0 =	sadd.s32 s1, s0;
	(pc) =	sbr.rel .LBB2_6-.Ltmp6, $4  }
0x5f: {  	[tilespmem:s3], [sflag:s20] =	stream.linear.gather [hbm4b:s0+s4], $0x800, $0x38;
	[tilespmem:$0x1E000] =	vst v63  }
0x60: {  	s0 =	sshll.u32 s30, $0x4  }
0x61: {  	s3 =	sor.u32 $0x1000, s3;
	s0 =	sadd.s32 s5, s0  }
0x62: {  	[tilespmem:s3], [sflag:s20] =	stream.linear.gather [hbm4b:s0+s4], $0x800, $0x38;
	[tilespmem:$0x1E000] =	vst v63  }
.LBB2_8:
0x63: {  	p0 =	seq.s32 s29, $0x0  }
.Ltmp7:
0x64: {  	_ = 	snop;
	(pc) =	sbr.rel @p0 .LBB2_9-.Ltmp7, $1  }
0x65: {  	_ =	sdelay $0x3  }
.LBB2_6:
0x66: {  	p0 =	seq.s32 s29, $0x9F  }
.Ltmp8:
0x67: {  	s0 =	sxor.u32 $0x1, s25;
	(pc) =	sbr.rel @p0 .LBB2_11-.Ltmp8, $4  }
0x68: {  	s0 =	sadd.s32 $0x3, s0  }
0x69: {  	_ =	swait.ge [sflag:s0], $0x4000  }
0x6a: {  	[sflag:s0] =	ssyncset.done $0x0  }
0x6b: {  	s30 =	simm.s32 $0xA0;
	[sflag:s0] =	ssyncadd.s32 $0xFFFFC000  }
0x6c: {  	s30 =	sadd.s32 $0x1, s29  }
0x6d: {  	s29 =	sand.u32 $0xF, s30  }
0x6e: {  	p0 =	sne.s32 s29, $0x0  }
0x6f: {  	s0 =	sand.u32 @!p0 $0x1, s31  }
0x70: {  	s0 =	sadd.s32 @!p0 $0x5, s0  }
0x71: {  	_ =	swait.ge @!p0 [sflag:s0], $0x800  }
.Ltmp9:
0x72: {  	[sflag:s0] =	ssyncset.done @!p0 $0x0;
	(pc) =	sbr.rel .LBB2_10-.Ltmp9, $4  }
0x73: {  	[sflag:s0] =	ssyncadd.s32 @!p0 $0xFFFFF800  }
0x74: {  	_ =	swait.ge @!p0 [sflag:s0], $0x800  }
0x75: {  	[sflag:s0] =	ssyncset.done @!p0 $0x0  }
0x76: {  	s29 =	simm.s32 @!p0 $0x0;
	[sflag:s0] =	ssyncadd.s32 @!p0 $0xFFFFF800  }
.LBB2_13:
0x77: {  	_ =	sfence.sel $0x180000  }
0x78: {  	[bflag:$0x0] =	sbarrier.arrive $0xFFFF  }
0x79: {  	_ =	strace $0x9000004D  }
0x7a: {  	s0 =	stileid.u32;
	[bflag:$0x2] =	sbarrier.arrive $0xFFFF  }
0x7b: {  	p0 =	sne.s32 s0, $0x0;
	s0 =	rddreg [dreg:$0x3]  }
0x7c: {  	s0 =	sadd.s32 @!p0 $0x100000, s0  }
0x7d: {  	[sflag:s0] =	ssyncadd.tile.s32 @!p0 $0x1;
	_ =	shalt  }
.Lfunc_end2:
_tile_overlayer_lowered:
.L_overlay_start_2:
0x7e: {  	(tag) =	ssettag $0x2  }
0x7f: {  	s0 =	rddreg [dreg:$0x0];
	s2 =	stileid.u32  }
0x80: {  	s1 =	rddreg [dreg:$0x1];
	p0 =	sne.s32 s2, $0x0  }
0x81: {  	s3 =	rddreg [dreg:$0x2];
	[bflag:$0x3] =	sbarrier.arrive $0xFFFF;
	s2 =	simm.s32 @!p0 $0x1C07  }
0x82: {  	[timem:s3], [sflag:s2] =	dma.local @!p0 [hbm:s0], s1  }
0x83: {  	s0 =	simm.s32 @!p0 $0x7  }
0x84: {  	_ =	swait.ge @!p0 [sflag:s0], s1  }
0x85: {  	s1 =	ssub.s32 @!p0 $0x0, s1;
	[sflag:s0] =	ssyncset.done @!p0 $0x0  }
0x86: {  	[sflag:s0] =	ssyncadd.s32 @!p0 s1  }
0x87: {  	[bflag:$0x3] =	sbarrier.arrive $0xFFFF  }
0x88: {  	_ =	shalt  }

// kernel: kernel.19.cloned.1.call-start
scs
__scs_entry_jumppad:
0x0: {  	(pc) =	sbr.rel $0x88, $3  }
0x1: {  	(tag) =	ssettag $0x0;
	lr =	simm.s32 $0x1  }
0x2: {  	[smem:$0x3F99] =	sst lr;
	_ =	strace $0xD0000000  }
0x3: {  	_ = 	snop  }
0x4: {  	_ = 	snop  }
0x5: {  	_ = 	snop  }
0x6: {  	_ = 	snop  }
0x7: {  	_ = 	snop  }
__scs_overlays_trampoline_lowered:
0x8: {  	[smem:$0x3FA8] =	sst s0  }
0x9: {  	[smem:$0x3FA9] =	sst s1  }
0xa: {  	[smem:$0x3FAA] =	sst s2  }
0xb: {  	[smem:$0x3FAB] =	sst s3  }
0xc: {  	[smem:$0x3FAC] =	sst s4  }
0xd: {  	[smem:$0x3FAD] =	sst s5  }
0xe: {  	[smem:$0x3FAE] =	sst s6  }
0xf: {  	[smem:$0x3FAF] =	sst s7  }
0x10: {  	[smem:$0x3FB0] =	sst s8  }
0x11: {  	[smem:$0x3FB1] =	sst s9;
	s0 =	simm.s32 @!p0 $0x0  }
0x12: {  	s1 =	sld [smem:$0x3F97];
	s0 =	simm.s32 @p0 $0x1  }
0x13: {  	[smem:$0x3FB2] =	sst s0;
	s0 =	simm.s32 @!p1 $0x0  }
0x14: {  	s2 =	sld [smem:$0x3F96];
	s0 =	simm.s32 @p1 $0x1  }
0x15: {  	[smem:$0x3FB3] =	sst s0;
	s0 =	simm.s32 @!p2 $0x0  }
0x16: {  	s3 =	sld [smem:$0x3FDB];
	s0 =	simm.s32 @p2 $0x1  }
0x17: {  	s4 =	simm.s32 $0x1BF5;
	[smem:$0x3FB5] =	sst s0  }
0x18: {  	s0 =	sld [smem:$0x3F98];
	_ =	swait.ge [sflag:s4], $0x0  }
0x19: {  	s7 =	sld [smem:$0x3F99]  }
0x1a: {  	s8 =	sadd.s32 $0xFFFFE003, lr  }
0x1b: {  	s9 =	sadd.s32 $0xFFFFFEF7, lr;
	s5 =	simm.s32 $0xFFFFFFFF;
	p2 =	slt.u32 s8, $0xFFFFF086  }
0x1c: {  	p1 =	slt.u32 s9, $0xF7A;
	s5 =	simm.s32 @!p2 $0x0  }
0x1d: {  	s5 =	simm.s32 @p1 $0x1;
	p0 =	seq.s32 s7, s2  }
0x1e: {  	s7 =	smul.u32 @!p0 $0xF7A, s2;
	p2 =	seq.s32 @!p0 s5, $0x0  }
0x1f: {  	s9 =	smul.u32 $0xF7A, s1;
	s8 =	simm.s32 @!p0 $0x1BF5;
	p2 =	por !p2, p0  }
0x20: {  	[sflag:s8] =	ssyncset.s32 @!p0 $0xFFFFF086;
	s6 =	sadd.s32 @!p0 s3, s7;
	s7 =	simm.s32 @!p0 $0x108  }
0x21: {  	s3 =	sadd.s32 s3, s9;
	s6 =	sadd.s32 @!p0 $0x88, s6;
	s7 =	simm.s32 @p2 $0x1082  }
0x22: {  	[simem:s7], [sflag:s8] =	dma.local @!p0 [hbm:s6], $0xF7A  }
0x23: {  	s9 =	sor.u32 $0xD0000000, s2;
	s6 =	simm.s32 $0x108;
	_ =	swait.ge @!p0 [sflag:s8], $0x0  }
0x24: {  	s3 =	sadd.s32 $0x88, s3;
	s6 =	simm.s32 @!p1 $0x1082;
	[sflag:s4] =	ssyncset.s32 $0xFFFFF086  }
0x25: {  	[simem:s6], [sflag:s4] =	dma.local [hbm:s3], $0xF7A  }
0x26: {  	[smem:$0x3F99] =	sst s1;
	(tag) =	ssettag s2;
	_ =	strace s9  }
0x27: {  	s1 =	sld [smem:$0x3FA9]  }
0x28: {  	s2 =	sld [smem:$0x3FAA]  }
0x29: {  	s4 =	sld [smem:$0x3FAC]  }
0x2a: {  	p0 =	seq.s32 s5, $0x0;
	s5 =	sld [smem:$0x3FAD]  }
0x2b: {  	s6 =	sld [smem:$0x3FAE]  }
0x2c: {  	s7 =	sld [smem:$0x3FAF]  }
0x2d: {  	s3 =	simm.s32 $0x108;
	s8 =	sld [smem:$0x3FB0]  }
0x2e: {  	s3 =	simm.s32 @!p0 $0x1082;
	s9 =	sld [smem:$0x3FB1]  }
0x2f: {  	lr =	sadd.s32 s0, s3;
	s0 =	sld [smem:$0x3FA8]  }
0x30: {  	s3 =	sld [smem:$0x3FAB]  }
0x31: {  	[smem:$0x3FB4] =	sst s10  }
0x32: {  	s10 =	sld [smem:$0x3FB2];
	_ =	sdelay $0x3  }
0x33: {  	p0 =	seq.s32 s10, $0x1;
	s10 =	sld [smem:$0x3FB4];
	_ =	sdelay $0x3  }
0x34: {  	[smem:$0x3FB4] =	sst s10  }
0x35: {  	s10 =	sld [smem:$0x3FB3];
	_ =	sdelay $0x3  }
0x36: {  	p1 =	seq.s32 s10, $0x1;
	s10 =	sld [smem:$0x3FB4];
	_ =	sdelay $0x3  }
0x37: {  	[smem:$0x3FB4] =	sst s10  }
0x38: {  	s10 =	sld [smem:$0x3FB5]  }
0x39: {  	_ = 	snop;
	(pc) =	sbr.ind lr, $3  }
0x3a: {  	_ = 	snop  }
0x3b: {  	_ = 	snop  }
0x3c: {  	p2 =	seq.s32 s10, $0x1;
	s10 =	sld [smem:$0x3FB4]  }
0x3d: {  	_ =	shalt  }
0x3e: {  	_ =	shalt  }
0x3f: {  	_ =	shalt  }
0x40: {  	_ =	shalt  }
0x41: {  	_ =	shalt  }
0x42: {  	_ =	shalt  }
0x43: {  	_ =	shalt  }
0x44: {  	_ =	shalt  }
0x45: {  	_ =	shalt  }
0x46: {  	_ =	shalt  }
0x47: {  	_ =	shalt  }
0x48: {  	_ =	shalt  }
0x49: {  	_ =	shalt  }
0x4a: {  	_ =	shalt  }
0x4b: {  	_ =	shalt  }
0x4c: {  	_ =	shalt  }
0x4d: {  	_ =	shalt  }
0x4e: {  	_ =	shalt  }
0x4f: {  	_ =	shalt  }
0x50: {  	_ =	shalt  }
0x51: {  	_ =	shalt  }
0x52: {  	_ =	shalt  }
0x53: {  	_ =	shalt  }
0x54: {  	_ =	shalt  }
0x55: {  	_ =	shalt  }
0x56: {  	_ =	shalt  }
0x57: {  	_ =	shalt  }
0x58: {  	_ =	shalt  }
0x59: {  	_ =	shalt  }
0x5a: {  	_ =	shalt  }
0x5b: {  	_ =	shalt  }
0x5c: {  	_ =	shalt  }
0x5d: {  	_ =	shalt  }
0x5e: {  	_ =	shalt  }
0x5f: {  	_ =	shalt  }
0x60: {  	_ =	shalt  }
0x61: {  	_ =	shalt  }
0x62: {  	_ =	shalt  }
0x63: {  	_ =	shalt  }
0x64: {  	_ =	shalt  }
0x65: {  	_ =	shalt  }
0x66: {  	_ =	shalt  }
0x67: {  	_ =	shalt  }
0x68: {  	_ =	shalt  }
0x69: {  	_ =	shalt  }
0x6a: {  	_ =	shalt  }
0x6b: {  	_ =	shalt  }
0x6c: {  	_ =	shalt  }
0x6d: {  	_ =	shalt  }
0x6e: {  	_ =	shalt  }
0x6f: {  	_ =	shalt  }
0x70: {  	_ =	shalt  }
0x71: {  	_ =	shalt  }
0x72: {  	_ =	shalt  }
0x73: {  	_ =	shalt  }
0x74: {  	_ =	shalt  }
0x75: {  	_ =	shalt  }
0x76: {  	_ =	shalt  }
0x77: {  	_ =	shalt  }
0x78: {  	_ =	shalt  }
0x79: {  	_ =	shalt  }
0x7a: {  	_ =	shalt  }
0x7b: {  	_ =	shalt  }
0x7c: {  	_ =	shalt  }
0x7d: {  	_ =	shalt  }
0x7e: {  	_ =	shalt  }
0x7f: {  	_ =	shalt  }
0x80: {  	_ =	shalt  }
0x81: {  	_ =	shalt  }
0x82: {  	_ =	shalt  }
0x83: {  	_ =	shalt  }
0x84: {  	_ =	shalt  }
0x85: {  	_ =	shalt  }
0x86: {  	_ =	shalt  }
0x87: {  	_ =	shalt  }
.Lfunc_end0:
.L_simem_size_0:
called_computation.3_lowered:
.L_overlay_start_0:
0x88: {  	s2 =	sld [smem:$0x3FD9]  }
0x89: {  	s3 =	sld [smem:$0x3FFE];
	_ =	sdelay $0x1  }
0x8a: {  	s1 =	srdreg.scid  }
0x8b: {  	s0 =	sand.u32 $0x1, s1  }
0x8c: {  	s17 =	sshll.u32 s0, $0xA;
	s2 =	sadd.s32 s3, s2  }
0x8d: {  	s2 =	sadd.s32 s2, s17  }
0x8e: {  	[smem:$0x3FC0] =	sst s2  }
0x8f: {  	_ = 	snop  }
0x90: {  	s2 =	sld [smem:$0x3FD0];
	(tm) =	ssettm $0x1  }
0x91: {  	s18 =	sld [smem:$0x3FFB];
	_ =	sdelay $0x3  }
0x92: {  	_ =	strace s18  }
0x93: {  	s3 =	sld [smem:$0x3FFC];
	_ =	sdelay $0x3  }
0x94: {  	_ =	strace s3  }
0x95: {  	s3 =	sld [smem:$0x3FFD];
	_ =	sdelay $0x3  }
0x96: {  	_ =	strace s3  }
0x97: {  	_ =	strace $0x8FFFFFFF  }
0x98: {  	s19 =	sld [smem:$0x3FDB];
	_ =	sdelay $0x1  }
0x99: {  	s4 =	simm.s32 $_scs_section_size  }
0x9a: {  	s5 =	simm.s32 $_size__tile_overlayer_lowered;
	s6 =	simm.s32 $_tile_overlayer_lowered  }
0x9b: {  	s22 =	simm.s32 $0x1BFF;
	s21 =	sshll.u32 s6, $0x1;
	s3 =	sadd.s32 s4, s19  }
0x9c: {  	s7 =	simm.s32 $0x0;
	s20 =	sshll.u32 s5, $0x1;
	s5 =	sadd.s32 s21, s3  }
0x9d: {  	[timem:s7], [sflag:s22] =	dma.local [hbm:s5], s20  }
0x9e: {  	_ =	swait.ge [sflag:s22], s20  }
0x9f: {  	s4 =	ssub.s32 $0x0, s20;
	[sflag:s22] =	ssyncset.done $0x0  }
0xa0: {  	[sflag:s22] =	ssyncadd.s32 s4;
	_ =	sdelay $0x1  }
0xa1: {  	s23 =	simm.s32 $0x1B8B  }
0xa2: {  	_ =	swait.ge [sflag:s23], $0x1  }
0xa3: {  	[sflag:s23] =	ssyncset.done $0x0  }
0xa4: {  	s25 =	simm.s32 $0x1B8E;
	s24 =	sld [smem:$0x3FFE];
	[sflag:s23] =	ssyncadd.s32 $0xFFFFFFFF  }
0xa5: {  	s26 =	simm.s32 $execute0_lowered;
	[smem:$0x3FD2] =	sst s25  }
0xa6: {  	s5 =	sshll.u32 s26, $0x1;
	_ =	strace $0x8000004F;
	[dreg:$0x1] =	wrdreg $0xFFFFFFFF  }
0xa7: {  	s28 =	simm.s32 $_size_execute0_lowered;
	s3 =	sadd.s32 s3, s5;
	[dreg:$0x0] =	wrdreg $0x0  }
0xa8: {  	s5 =	sshll.u32 s28, $0x1;
	[dreg:$0x2] =	wrdreg s3  }
0xa9: {  	[dreg:$0x3] =	wrdreg s5  }
0xaa: {  	[dreg:$0x4] =	wrdreg $0xC0  }
0xab: {  	_ =	task [dreg:s7], $0x5FFFF  }
0xac: {  	[dreg:$0x1] =	wrdreg $0xFFFFFFFF  }
0xad: {  	[dreg:$0x0] =	wrdreg $0x60  }
0xae: {  	[dreg:$0x2] =	wrdreg s2  }
0xaf: {  	[dreg:$0x3] =	wrdreg s24  }
0xb0: {  	[dreg:$0x4] =	wrdreg $0xA0000  }
0xb1: {  	[dreg:$0x5] =	wrdreg $0x9  }
0xb2: {  	_ =	task.clear_ibuf [dreg:s7], $0x6FFFF;
	_ =	strace $0x9000004F  }
0xb3: {  	s29 =	simm.s32 $0x9;
	_ =	strace $0x80000051  }
0xb4: {  	_ =	swait.ge [sflag:s29], $0x1  }
0xb5: {  	[sflag:s29] =	ssyncadd.s32 $0xFFFFFFFF  }
0xb6: {  	_ =	strace $0x90000051  }
0xb7: {  	_ =	sfence  }
0xb8: {  	s30 =	sld [smem:$0x0];
	_ =	sdelay $0x2  }
0xb9: {  	s31 =	sshll.u32 s1, $0xD;
	s1 =	sshrl.u32 s1, $0x2  }
0xba: {  	s3 =	sand.u32 $0x4000, s31;
	s1 =	sadd.s32 s1, s30  }
0xbb: {  	s0 =	sor.u32 s3, s0;
	s1 =	sshll.u32 s1, $0x11  }
0xbc: {  	s0 =	sor.u32 s1, s0  }
0xbd: {  	s0 =	sadd.s32 $0x8F2B, s0  }
0xbe: {  	[sflag:s0] =	ssyncadd.remote.s32 $0x1  }
0xbf: {  	_ =	sfence.sel $0xFFFF  }
0xc0: {  	[dreg:$0x0] =	wrdreg $0xFFFFFFFF;
	(pc) =	sbr.abs _section_cstart, $3  }
0xc1: {  	[dreg:$0x1] =	wrdreg $0xFFFFFFFF  }
0xc2: {  	_ =	task.clear_ibuf [dreg:s7], $0x2FFFF;
	_ =	strace $0x9FFFFFFF  }
0xc3: {  	(tm) =	ssettm $0x7FFFFFFF  }
tec
execute0_lowered:
.L_overlay_start_1:
0x0: {  	(tag) =	ssettag $0x1  }
0x1: {  	s1 =	rddreg [dreg:$0x0]  }
0x2: {  	s7 =	rddreg [dreg:$0x1]  }
0x3: {  	s2 =	rddreg [dreg:$0x2]  }
0x4: {  	s3 =	srdreg.scid;
	s4 =	simm.s32 $0x0;
	s17 =	simm.s32 $0x2000  }
0x5: {  	s18 =	simm.s32 $0x7;
	s19 =	simm.s32 $0x1000;
	s8 =	sand.u32 $0x1, s3  }
0x6: {  	s20 =	simm.s32 $0x5;
	s3 =	stileid.u32;
	s6 =	smul.u32 $0x140000, s8  }
0x7: {  	s21 =	simm.s32 $0x80;
	s22 =	simm.s32 $0x4;
	s9 =	smul.u32 $0x14000, s3  }
0x8: {  	s23 =	simm.s32 $0x0;
	[smem:$0x7FF] =	sst s4;
	s10 =	smul.u32 $0x50000, s3  }
0x9: {  	s5 =	sadd.s32 $0x2000, s7;
	s11 =	smul.u32 $0x500, s8;
	s8 =	ssub.s32 $0x2, s8  }
0xa: {  	_ =	strace $0x80000050;
	s12 =	smul.u32 $0x50, s3;
	s31 =	sshrl.u32 s8, $0x1  }
0xb: {  	s9 =	sadd.s32 s9, s6;
	s6 =	sadd.s32 $0xC000, s7;
	s10 =	sshrl.u32 s10, $0x2  }
.Ltmp0:
0xc: {  	s16 =	ssub.s32 s8, s31;
	s11 =	sadd.s32 s12, s11;
	(pc) =	sbr.rel .LBB2_1-.Ltmp0, $4  }
0xd: {  	s9 =	sshrl.u32 s9, $0x3;
	s11 =	sshll.u32 s11, $0x4;
	s16 =	smax.u32 s16, $0x1  }
0xe: {  	s15 =	sadd.s32 s9, s7;
	s7 =	sadd.s32 s10, s2;
	s13 =	sadd.s32 s1, s11  }
0xf: {  	s14 =	sadd.s32 s5, s11;
	s8 =	sadd.s32 $0x4000, s7;
	s9 =	sadd.s32 $0x8000, s7  }
0x10: {  	v0 =	vimm.f32 $0.0e+00;
	s10 =	sadd.s32 $0xC000, s7;
	s12 =	sadd.s32 $0x10000, s7;
	s15 =	sadd.s32 $0x34000, s15  }
.LBB2_12:
0x11: {  	_ =	swait.ge [sflag:s22], $0x4000  }
0x12: {  	s0 =	sshll.u32 s3, $0x6;
	s23 =	sadd.s32 $0x1, s23;
	[sflag:s22] =	ssyncset.done $0x0  }
0x13: {  	s24 =	sshrl.u32 s7, $0x3;
	p0 =	sne.s32 s23, s16;
	[sflag:s22] =	ssyncadd.s32 $0xFFFFC000  }
.Ltmp1:
0x14: {  	s0 =	sor.u32 $0x1C07, s0;
	[bflag:$0x0] =	sbarrier.arrive $0xFFFF;
	(pc) =	sbr.rel @!p0 .LBB2_13-.Ltmp1, $4  }
0x15: {  	[hbm:s15], [sflag:s0] =	dma.local [spmem:s24], $0x2800  }
0x16: {  	_ =	swait.ge [sflag:s18], $0x2800  }
0x17: {  	[sflag:s18] =	ssyncset.done $0x0  }
0x18: {  	[sflag:s18] =	ssyncadd.s32 $0xFFFFD800  }
.LBB2_1:
0x19: {  	s24 =	simm.s32 $0x0;
	s25 =	simm.s32 $0x200  }
.LBB2_2:
0x1a: {  	p0 =	sne.s32 s25, $0xFE00;
	[tilespmem:s24+$0x2070] =	vst v0  }
0x1b: {  	[tilespmem:s24+$0x2000] =	vst v0  }
0x1c: {  	[tilespmem:s24+$0x2010] =	vst v0  }
.Ltmp2:
0x1d: {  	[tilespmem:s24+$0x2020] =	vst v0;
	(pc) =	sbr.rel @p0 .LBB2_2-.Ltmp2, $4  }
0x1e: {  	[tilespmem:s24+$0x2030] =	vst v0  }
0x1f: {  	[tilespmem:s24+$0x2040] =	vst v0  }
0x20: {  	[tilespmem:s24+$0x2050] =	vst v0  }
0x21: {  	[tilespmem:s24+$0x2060] =	vst v0;
	s24 =	sshra.s32 s25, $0x2;
	s25 =	sadd.s32 $0x200, s25  }
0x22: {  	[tilespmem:s24+$0x2070] =	vst v0  }
0x23: {  	[tilespmem:s24+$0x2000] =	vst v0  }
0x24: {  	[tilespmem:s24+$0x2010] =	vst v0  }
0x25: {  	[tilespmem:s24+$0x2020] =	vst v0  }
0x26: {  	[tilespmem:s24+$0x2030] =	vst v0  }
0x27: {  	[tilespmem:s24+$0x2040] =	vst v0  }
0x28: {  	[tilespmem:s24+$0x2050] =	vst v0  }
0x29: {  	[tilespmem:s24+$0x2060] =	vst v0  }
0x2a: {  	[spmem:s7] =	stream.linear.scatter [tilespmem:s17], [sflag:$0x7], $0x4000, $0x38;
	[tilespmem:$0x1E000] =	vst v63  }
0x2b: {  	_ =	swait.ge [sflag:s18], $0x4000  }
0x2c: {  	[sflag:s18] =	ssyncset.done $0x0  }
0x2d: {  	[sflag:s18] =	ssyncadd.s32 $0xFFFFC000  }
0x2e: {  	[spmem:s8] =	stream.linear.scatter [tilespmem:s17], [sflag:$0x7], $0x4000, $0x38;
	[tilespmem:$0x1E000] =	vst v63  }
0x2f: {  	_ =	swait.ge [sflag:s18], $0x4000  }
0x30: {  	[sflag:s18] =	ssyncset.done $0x0  }
0x31: {  	[sflag:s18] =	ssyncadd.s32 $0xFFFFC000  }
0x32: {  	[spmem:s9] =	stream.linear.scatter [tilespmem:s17], [sflag:$0x7], $0x4000, $0x38;
	[tilespmem:$0x1E000] =	vst v63  }
0x33: {  	_ =	swait.ge [sflag:s18], $0x4000  }
0x34: {  	[sflag:s18] =	ssyncset.done $0x0  }
0x35: {  	[sflag:s18] =	ssyncadd.s32 $0xFFFFC000  }
0x36: {  	[spmem:s10] =	stream.linear.scatter [tilespmem:s17], [sflag:$0x7], $0x4000, $0x38;
	[tilespmem:$0x1E000] =	vst v63  }
0x37: {  	_ =	swait.ge [sflag:s18], $0x4000  }
0x38: {  	[sflag:s18] =	ssyncset.done $0x0  }
0x39: {  	[sflag:s18] =	ssyncadd.s32 $0xFFFFC000  }
0x3a: {  	[spmem:s12] =	stream.linear.scatter [tilespmem:s17], [sflag:$0x7], $0x4000, $0x38;
	[tilespmem:$0x1E000] =	vst v63  }
0x3b: {  	_ =	swait.ge [sflag:s18], $0x4000  }
0x3c: {  	[sflag:s18] =	ssyncset.done $0x0  }
0x3d: {  	[sflag:s18] =	ssyncadd.s32 $0xFFFFC000  }
0x3e: {  	s24 =	simm.s32 $0x0;
	[bflag:$0x0] =	sbarrier.arrive $0xFFFF  }
0x3f: {  	[tilespmem:s24], [sflag:$0x5] =	stream.linear.gather [hbm4b:s13+s24], $0x800, $0x38;
	[tilespmem:$0x1E000] =	vst v63  }
0x40: {  	_ = 	snop  }
0x41: {  	[tilespmem:s19], [sflag:$0x5] =	stream.linear.gather [hbm4b:s14+s24], $0x800, $0x38;
	[tilespmem:$0x1E000] =	vst v63  }
0x42: {  	_ =	swait.ge [sflag:s20], $0x800  }
0x43: {  	[sflag:s20] =	ssyncset.done $0x0  }
.Ltmp3:
0x44: {  	[sflag:s20] =	ssyncadd.s32 $0xFFFFF800;
	(pc) =	sbr.rel .LBB2_4-.Ltmp3, $4  }
0x45: {  	_ =	swait.ge [sflag:s20], $0x800  }
0x46: {  	[sflag:s20] =	ssyncset.done $0x0  }
0x47: {  	[sflag:s20] =	ssyncadd.s32 $0xFFFFF800  }
0x48: {  	[tilespmem:s17], [sflag:$0x1] =	stream.indirect.gather [hbm4b:s6+s21], $0x80, s24, s21, $0xb8;
	[tilespmem:$0x1E000] =	vst v63  }
.LBB2_9:
0x49: {  	s30 =	simm.s32 $0x1;
	s28 =	simm.s32 $0x1  }
.LBB2_10:
0x4a: {  	s0 =	sand.u32 $0x1, s28;
	s29 =	sshll.u32 s28, $0x7  }
0x4b: {  	s30 =	sshll.u32 s30, $0x7;
	s31 =	sshll.u32 s0, $0xE;
	s29 =	sand.u32 $0x800, s29  }
0x4c: {  	s0 =	sadd.s32 $0x1, s0;
	s31 =	sor.u32 $0x2000, s31;
	s29 =	sor.u32 s30, s29  }
0x4d: {  	[tilespmem:s31], [sflag:s0] =	stream.indirect.gather [hbm4b:s6+s21], $0x80, s29, s21, $0xb8;
	[tilespmem:$0x1E000] =	vst v63  }
.LBB2_11:
0x4e: {  	s0 =	sshll.u32 s25, $0xE;
	s29 =	sadd.s32 $0x1, s25;
	s26 =	sshll.u32 s26, $0xB  }
0x4f: {  	s24 =	sshll.u32 s24, $0x7;
	p0 =	slt.u32 s28, $0x50;
	_ =	swait.ge [sflag:s29], $0x4000  }
.Ltmp4:
0x50: {  	s26 =	sand.u32 $0x800, s26;
	s24 =	sand.u32 $0x780, s24;
	(pc) =	sbr.rel @!p0 .LBB2_12-.Ltmp4, $4  }
0x51: {  	s31 =	sadd.s32 $0x3, s25;
	[sflag:s29] =	ssyncset.done $0x0;
	s24 =	sor.u32 s24, s26  }
0x52: {  	s0 =	sor.u32 $0x2000, s0;
	[sflag:s29] =	ssyncadd.s32 $0xFFFFC000;
	s24 =	sor.u32 $0x1000, s24  }
0x53: {  	[spmem:s2] =	stream.indirect.scatter.add.f32 [tilespmem:s0], [sflag:s31], $0x80, s24, s21, $0xb8;
	[tilespmem:$0x1E000] =	vst v63  }
0x54: {  	s24 =	smov.u32 s28  }
.LBB2_4:
0x55: {  	s25 =	sand.u32 $0x4F, s24  }
0x56: {  	p0 =	sne.s32 s25, $0x1  }
.Ltmp5:
0x57: {  	_ = 	snop;
	(pc) =	sbr.rel @p0 .LBB2_8-.Ltmp5, $3  }
0x58: {  	_ =	sdelay $0x1  }
0x59: {  	s26 =	sshrl.u32 s24, $0x4  }
0x5a: {  	s25 =	sand.u32 $0x1, s24;
	s29 =	sadd.s32 $0x1, s26  }
0x5b: {  	s28 =	sshll.u32 s29, $0x8  }
.Ltmp6:
0x5c: {  	s30 =	sand.u32 $0x1, s29;
	s28 =	sadd.s32 s11, s28;
	(pc) =	sbr.rel .LBB2_6-.Ltmp6, $4  }
0x5d: {  	s31 =	sadd.s32 $0x5, s30;
	s30 =	sshll.u32 s30, $0xB;
	s0 =	sadd.s32 s1, s28  }
0x5e: {  	[tilespmem:s30], [sflag:s31] =	stream.linear.gather [hbm4b:s0+s4], $0x800, $0x38;
	[tilespmem:$0x1E000] =	vst v63  }
0x5f: {  	s28 =	sadd.s32 s5, s28;
	s30 =	sor.u32 $0x1000, s30  }
0x60: {  	[tilespmem:s30], [sflag:s31] =	stream.linear.gather [hbm4b:s28+s4], $0x800, $0x38;
	[tilespmem:$0x1E000] =	vst v63  }
.LBB2_8:
0x61: {  	p0 =	seq.s32 s24, $0x0  }
.Ltmp7:
0x62: {  	_ = 	snop;
	(pc) =	sbr.rel @p0 .LBB2_9-.Ltmp7, $1  }
0x63: {  	_ =	sdelay $0x3  }
.LBB2_6:
0x64: {  	p0 =	seq.s32 s24, $0x4F  }
.Ltmp8:
0x65: {  	s0 =	sxor.u32 $0x1, s25;
	(pc) =	sbr.rel @p0 .LBB2_11-.Ltmp8, $4  }
0x66: {  	s0 =	sadd.s32 $0x3, s0  }
0x67: {  	_ =	swait.ge [sflag:s0], $0x4000  }
0x68: {  	[sflag:s0] =	ssyncset.done $0x0  }
0x69: {  	s28 =	simm.s32 $0x50;
	[sflag:s0] =	ssyncadd.s32 $0xFFFFC000  }
0x6a: {  	s28 =	sadd.s32 $0x1, s24  }
0x6b: {  	s30 =	sand.u32 $0xF, s28  }
0x6c: {  	p0 =	sne.s32 s30, $0x0  }
0x6d: {  	s0 =	sand.u32 @!p0 $0x1, s29  }
0x6e: {  	s0 =	sadd.s32 @!p0 $0x5, s0  }
0x6f: {  	_ =	swait.ge @!p0 [sflag:s0], $0x800  }
.Ltmp9:
0x70: {  	[sflag:s0] =	ssyncset.done @!p0 $0x0;
	(pc) =	sbr.rel .LBB2_10-.Ltmp9, $4  }
0x71: {  	[sflag:s0] =	ssyncadd.s32 @!p0 $0xFFFFF800  }
0x72: {  	_ =	swait.ge @!p0 [sflag:s0], $0x800  }
0x73: {  	[sflag:s0] =	ssyncset.done @!p0 $0x0  }
0x74: {  	s30 =	simm.s32 @!p0 $0x0;
	[sflag:s0] =	ssyncadd.s32 @!p0 $0xFFFFF800  }
.LBB2_13:
0x75: {  	_ =	sfence.sel $0x180000  }
0x76: {  	[bflag:$0x0] =	sbarrier.arrive $0xFFFF  }
0x77: {  	_ =	strace $0x90000050  }
0x78: {  	[bflag:$0x2] =	sbarrier.arrive $0xFFFF  }
0x79: {  	p0 =	sne.s32 s3, $0x0;
	s0 =	rddreg [dreg:$0x3]  }
0x7a: {  	s0 =	sadd.s32 @!p0 $0x100000, s0  }
0x7b: {  	[sflag:s0] =	ssyncadd.tile.s32 @!p0 $0x1;
	_ =	shalt  }
.Lfunc_end2:
_tile_overlayer_lowered:
.L_overlay_start_2:
0x7c: {  	(tag) =	ssettag $0x2  }
0x7d: {  	s0 =	rddreg [dreg:$0x0];
	s2 =	stileid.u32  }
0x7e: {  	s1 =	rddreg [dreg:$0x1];
	p0 =	sne.s32 s2, $0x0  }
0x7f: {  	s3 =	rddreg [dreg:$0x2];
	[bflag:$0x3] =	sbarrier.arrive $0xFFFF;
	s2 =	simm.s32 @!p0 $0x1C07  }
0x80: {  	[timem:s3], [sflag:s2] =	dma.local @!p0 [hbm:s0], s1  }
0x81: {  	s0 =	simm.s32 @!p0 $0x7  }
0x82: {  	_ =	swait.ge @!p0 [sflag:s0], s1  }
0x83: {  	s1 =	ssub.s32 @!p0 $0x0, s1;
	[sflag:s0] =	ssyncset.done @!p0 $0x0  }
0x84: {  	[sflag:s0] =	ssyncadd.s32 @!p0 s1  }
0x85: {  	[bflag:$0x3] =	sbarrier.arrive $0xFFFF  }
0x86: {  	_ =	shalt  }

</sc_bundles>
